<compile_context>
chip_gen: v7x
topology: tpu7x:2x2x1
jax: 0.10.2.dev20260603
libtpu: 0.0.44.dev20260713+nightly
codegen_flags: <defaults>
</compile_context>

<pallas_src>
import functools

import jax
import jax.numpy as jnp
from jax import lax
from jax.experimental import pallas as pl
from jax.experimental.pallas import tpu as pltpu
from jax.experimental.pallas import tpu_sc as plsc

_N = 10000
_E = 320000
_C = 128
_R = 10

_NC = 2
_NS = 16
_NW = _NC * _NS
_EPW = _E // _NW
_B = 112
_NCHUNK = -(-_EPW // _B)
_EPAD = _NCHUNK * _B - _EPW
_RPS = 624
_RTAIL = _N - _RPS * _NS

_mesh = plsc.VectorSubcoreMesh(core_axis_name="c", subcore_axis_name="s")


@functools.partial(
    pl.kernel,
    out_type=jax.ShapeDtypeStruct((_NC * _N, _C), jnp.float32),
    mesh=_mesh,
    scratch_types=[
        pltpu.VMEM((3, _B), jnp.int32),
        pltpu.VMEM((3, _B), jnp.int32),
        pltpu.VMEM((3, _B), jnp.int32),
        pltpu.VMEM((_B,), jnp.int32),
        pltpu.VMEM((_B,), jnp.int32),
        pltpu.VMEM((_B,), jnp.int32),
        pltpu.VMEM((_B,), jnp.int32),
        pltpu.VMEM((_B,), jnp.int32),
        pltpu.VMEM((_B,), jnp.int32),
        pltpu.VMEM((_B, _C), jnp.float32),
        pltpu.VMEM((_B, _C), jnp.float32),
        pltpu.VMEM((_B, _C), jnp.float32),
        pltpu.VMEM_SHARED((_N + 8, _C), jnp.float32),
        pltpu.SemaphoreType.DMA,
        pltpu.SemaphoreType.DMA,
        pltpu.SemaphoreType.DMA,
        pltpu.SemaphoreType.DMA,
        pltpu.SemaphoreType.DMA,
        pltpu.SemaphoreType.DMA,
        pltpu.SemaphoreType.DMA,
        pltpu.SemaphoreType.DMA,
        pltpu.SemaphoreType.DMA,
    ],
)
def _sc_aggregate(scaled_hbm, te_hbm, out_hbm,
                  te0, te1, te2, ci0, ci1, ci2, hb0, hb1, hb2,
                  rw0, rw1, rw2, acc_sh,
                  ts0, ts1, ts2, gs0, gs1, gs2, ss0, ss1, ss2):
    core = lax.axis_index("c")
    sid = lax.axis_index("s")
    wid = sid * _NC + core

    te = (te0, te1, te2)
    ci = (ci0, ci1, ci2)
    hb = (hb0, hb1, hb2)
    rw = (rw0, rw1, rw2)
    ts = (ts0, ts1, ts2)
    gs = (gs0, gs1, gs2)
    ss = (ss0, ss1, ss2)

    def issue_te(jx, q):
        pltpu.async_copy(te_hbm.at[wid, jx], te[q], ts[q])

    def wait_te(jx, q):
        pltpu.make_async_copy(te_hbm.at[wid, jx], te[q], ts[q]).wait()

    def prep_idx(q):
        for g in range(_B // 16):
            sl = pl.ds(g * 16, 16)
            ci[q][sl] = te[q][1, sl] * _N + te[q][0, sl]
            hb[q][sl] = te[q][2, sl]

    def issue_gather(q):
        pltpu.async_copy(scaled_hbm.at[ci[q]], rw[q], gs[q])

    def wait_gather(q):
        pltpu.make_async_copy(scaled_hbm.at[ci[q]], rw[q], gs[q]).wait()

    def issue_scatter(q):
        pltpu.async_copy(rw[q], acc_sh.at[hb[q]], ss[q], add=True)

    def wait_scatter(q):
        pltpu.make_async_copy(rw[q], acc_sh.at[hb[q]], ss[q]).wait()

    def slot(j, p, q, scat_wait=True, do_gather=True, do_te=True):
        wait_gather(p)
        issue_scatter(p)
        if do_gather:
            wait_te(j + 2, q)
        if scat_wait:
            wait_scatter(q)
        if do_gather:
            prep_idx(q)
            issue_gather(q)
        if do_te:
            issue_te(j + 4, (p + 1) % 3)

    pltpu.sync_copy(te_hbm.at[wid, 0], te0)
    pltpu.sync_copy(te_hbm.at[wid, 1], te1)
    prep_idx(0)
    prep_idx(1)
    issue_gather(0)
    issue_gather(1)
    issue_te(2, 2)
    issue_te(3, 0)

    def zero_body(i, carry):
        for c in range(_C // 16):
            rw2[i, pl.ds(c * 16, 16)] = jnp.zeros((16,), jnp.float32)
        return carry

    lax.fori_loop(0, _B, zero_body, 0)
    full, rem = _RPS // _B, _RPS % _B
    for k in range(full):
        pltpu.sync_copy(rw2, acc_sh.at[pl.ds(sid * _RPS + k * _B, _B)])
    if rem:
        pltpu.sync_copy(rw2.at[pl.ds(0, rem)],
                        acc_sh.at[pl.ds(sid * _RPS + full * _B, rem)])

    @pl.when(sid == _NS - 1)
    def _zero_tail():
        pltpu.sync_copy(rw2.at[pl.ds(0, _RTAIL)],
                        acc_sh.at[pl.ds(_RPS * _NS, _RTAIL)])

    plsc.subcore_barrier()

    slot(0, 0, 2, scat_wait=False)
    slot(1, 1, 0)
    slot(2, 2, 1)

    def body(k, carry):
        j = 3 * k
        slot(j, 0, 2)
        slot(j + 1, 1, 0)
        slot(j + 2, 2, 1)
        return carry

    lax.fori_loop(1, (_NCHUNK - 6) // 3, body, 0)

    slot(84, 0, 2)
    slot(85, 1, 0)
    slot(86, 2, 1, do_te=False)
    slot(87, 0, 2, do_te=False)
    slot(88, 1, 0, do_gather=False, do_te=False)
    slot(89, 2, 1, do_gather=False, do_te=False)
    wait_scatter(2)

    plsc.subcore_barrier()

    start = sid * _RPS
    pltpu.sync_copy(acc_sh.at[pl.ds(start, _RPS)],
                    out_hbm.at[pl.ds(core * _N + start, _RPS)])

    @pl.when(sid == _NS - 1)
    def _write_tail():
        pltpu.sync_copy(acc_sh.at[pl.ds(_RPS * _NS, _RTAIL)],
                        out_hbm.at[pl.ds(core * _N + _RPS * _NS, _RTAIL)])


_BLK = 1000


def _scale_body(emb_ref, w_ref, o_ref):
    o_ref[...] = emb_ref[...][None, :, :] * w_ref[...][:, None, :]


def _scale(emb, w):
    return pl.pallas_call(
        _scale_body,
        grid=(_N // _BLK,),
        in_specs=[
            pl.BlockSpec((_BLK, _C), lambda i: (i, 0)),
            pl.BlockSpec((_R, _C), lambda i: (0, 0)),
        ],
        out_specs=pl.BlockSpec((_R, _BLK, _C), lambda i: (0, i, 0)),
        out_shape=jax.ShapeDtypeStruct((_R, _N, _C), jnp.float32),
    )(emb, w)


def _combine_body(a_ref, b_ref, o_ref):
    o_ref[...] = a_ref[...] + b_ref[...]


_CBLK = 2000


def _combine(partial):
    return pl.pallas_call(
        _combine_body,
        grid=(_N // _CBLK,),
        in_specs=[
            pl.BlockSpec((_CBLK, _C), lambda i: (i, 0)),
            pl.BlockSpec((_CBLK, _C), lambda i: (i + _N // _CBLK, 0)),
        ],
        out_specs=pl.BlockSpec((_CBLK, _C), lambda i: (i, 0)),
        out_shape=jax.ShapeDtypeStruct((_N, _C), jnp.float32),
    )(partial, partial)


def _pad_per_worker(x, fill):
    return jnp.pad(x.reshape(_NW, _EPW), ((0, 0), (0, _EPAD)),
                   constant_values=fill)


def kernel(all_emb, edge_index, edge_type, weight):
    scaled = _scale(all_emb, weight).reshape(_R * _N, _C)
    tail2 = _pad_per_worker(edge_index[1], 0).reshape(_NW, _NCHUNK, 1, _B)
    et2 = _pad_per_worker(edge_type, 0).reshape(_NW, _NCHUNK, 1, _B)
    head2 = _pad_per_worker(edge_index[0], _N).reshape(_NW, _NCHUNK, 1, _B)
    te = jnp.concatenate([tail2, et2, head2], axis=2)
    partial = _sc_aggregate(scaled, te)
    return _combine(partial)

# --- scband reference (transcript-rebuilt; emitter-appended) ---
"""Pipeline reference for scband-recommender-48971217109581 (READ-ONLY COPY).

The authoritative reference and input builder live on the scoring server;
editing this copy changes nothing except your own understanding.
"""

import jax, jax.numpy as jnp
import numpy as np

N_NODES = 10000
N_EDGES = 320000
CHANNEL = 128
N_REL_W = 10  # n_relations - 1


def setup_inputs(seed: int = 0) -> dict:
    key = jax.random.key(seed)
    k1, k2, k3, k4 = jax.random.split(key, 4)
    all_emb = jax.random.normal(k1, (N_NODES, CHANNEL), dtype=jnp.float32)
    edge_index = jax.random.randint(k2, (2, N_EDGES), 0, N_NODES, dtype=jnp.int32)
    edge_type = jax.random.randint(k3, (N_EDGES,), 0, N_REL_W, dtype=jnp.int32)
    # learned relation weight matrix (GraphConv.weight: [n_relations-1, channel], xavier-like)
    weight = jax.random.normal(k4, (N_REL_W, CHANNEL), dtype=jnp.float32) * 0.1
    return {"all_emb": all_emb, "edge_index": edge_index, "edge_type": edge_type, "weight": weight}


def reference(all_emb, edge_index, edge_type, weight):
    """Faithful JAX port of Aggregator.forward (aug_edge_weight=None, div=False)."""
    dim = all_emb.shape[0]
    head = edge_index[0]
    tail = edge_index[1]
    # edge_relation_emb = weight[edge_type]
    edge_relation_emb = jnp.take(weight, edge_type, axis=0)
    # neigh_relation_emb = all_emb[tail] * edge_relation_emb
    neigh_relation_emb = jnp.take(all_emb, tail, axis=0) * edge_relation_emb
    # res_emb = scatter_sum(src=neigh_relation_emb, index=head, dim_size=dim, dim=0)
    res_emb = jax.ops.segment_sum(neigh_relation_emb, head, num_segments=dim)
    return res_emb

if __name__ == "__main__":
    import jax
    _d = setup_inputs()
    print(jax.jit(kernel)(*tuple(_d.values())))

</pallas_src>

<mosaic_0001>
#map = affine_map<(d0, d1) -> (0, 0)>
#map1 = affine_map<(d0, d1) -> (0, 0, 0, 0)>
module attributes {stable_mosaic.version = 14 : i64} {
  func.func @_sc_aggregate(%arg0: i32, %arg1: i32, %arg2: memref<100000x128xf32, #tpu.memory_space<hbm>>, %arg3: memref<32x90x3x112xi32, #tpu.memory_space<hbm>>, %arg4: memref<20000x128xf32, #tpu.memory_space<hbm>>, %arg5: memref<3x112xi32, #tpu.memory_space<vmem>>, %arg6: memref<3x112xi32, #tpu.memory_space<vmem>>, %arg7: memref<3x112xi32, #tpu.memory_space<vmem>>, %arg8: memref<112xi32, #tpu.memory_space<vmem>>, %arg9: memref<112xi32, #tpu.memory_space<vmem>>, %arg10: memref<112xi32, #tpu.memory_space<vmem>>, %arg11: memref<112xi32, #tpu.memory_space<vmem>>, %arg12: memref<112xi32, #tpu.memory_space<vmem>>, %arg13: memref<112xi32, #tpu.memory_space<vmem>>, %arg14: memref<112x128xf32, #tpu.memory_space<vmem>>, %arg15: memref<112x128xf32, #tpu.memory_space<vmem>>, %arg16: memref<112x128xf32, #tpu.memory_space<vmem>>, %arg17: memref<10008x128xf32, #tpu.memory_space<vmem_shared>>, %arg18: memref<!tpu.dma_semaphore, #tpu.memory_space<semaphore_mem>>, %arg19: memref<!tpu.dma_semaphore, #tpu.memory_space<semaphore_mem>>, %arg20: memref<!tpu.dma_semaphore, #tpu.memory_space<semaphore_mem>>, %arg21: memref<!tpu.dma_semaphore, #tpu.memory_space<semaphore_mem>>, %arg22: memref<!tpu.dma_semaphore, #tpu.memory_space<semaphore_mem>>, %arg23: memref<!tpu.dma_semaphore, #tpu.memory_space<semaphore_mem>>, %arg24: memref<!tpu.dma_semaphore, #tpu.memory_space<semaphore_mem>>, %arg25: memref<!tpu.dma_semaphore, #tpu.memory_space<semaphore_mem>>, %arg26: memref<!tpu.dma_semaphore, #tpu.memory_space<semaphore_mem>>) attributes {dimension_semantics = [#tpu.dimension_semantics<core_parallel>, #tpu.dimension_semantics<subcore_parallel>], iteration_bounds = array<i64: 2, 16>, scalar_prefetch = 0 : i64, scratch_operands = 22 : i64, tpu.core_type = #tpu.core_type<sc_vector_subcore>, window_params = [{transform_indices = #map}, {transform_indices = #map1}, {transform_indices = #map}]} {
    %mul3A = arith.constant 2 : i32
    %mul3A_0 = arith.muli %arg1, %mul3A : i32
    %add3A = arith.addi %mul3A_0, %arg0 : i32
    %run_scoped3A = arith.constant 0 : i32
    "tpu.region"() ({
      %run_scoped3A_1981 = tpu.sem_alloc : memref<!tpu.dma_semaphore, #tpu.memory_space<semaphore_mem>>
      %dma_start3A_1982 = arith.constant 0 : i32
      %dma_start3A_1983 = arith.constant 0 : i32
      %dma_start3A_1984 = tpu.memref_slice %arg3[%add3A, %run_scoped3A, %dma_start3A_1982, %dma_start3A_1983] : memref<32x90x3x112xi32, #tpu.memory_space<hbm>> -> memref<1x1x3x112xi32, #tpu.memory_space<hbm>>
      %dma_start3A_1985 = tpu.memref_squeeze %dma_start3A_1984 : memref<1x1x3x112xi32, #tpu.memory_space<hbm>> -> memref<3x112xi32, #tpu.memory_space<hbm>>
      %dma_start3A_1986 = arith.constant 0 : i32
      %dma_start3A_1987 = arith.constant 0 : i32
      %dma_start3A_1988 = tpu.memref_slice %arg3[%add3A, %run_scoped3A, %dma_start3A_1986, %dma_start3A_1987] : memref<32x90x3x112xi32, #tpu.memory_space<hbm>> -> memref<1x1x3x112xi32, #tpu.memory_space<hbm>>
      %dma_start3A_1989 = tpu.memref_squeeze %dma_start3A_1988 : memref<1x1x3x112xi32, #tpu.memory_space<hbm>> -> memref<3x112xi32, #tpu.memory_space<hbm>>
      tpu.enqueue_dma source(%dma_start3A_1989 : memref<3x112xi32, #tpu.memory_space<hbm>>) target(%arg5 : memref<3x112xi32, #tpu.memory_space<vmem>>) target_semaphore(%run_scoped3A_1981 : memref<!tpu.dma_semaphore, #tpu.memory_space<semaphore_mem>>)
      %dma_wait3A_1990 = arith.constant 0 : i32
      %dma_wait3A_1991 = arith.constant 0 : i32
      %dma_wait3A_1992 = tpu.memref_slice %arg3[%add3A, %run_scoped3A, %dma_wait3A_1990, %dma_wait3A_1991] : memref<32x90x3x112xi32, #tpu.memory_space<hbm>> -> memref<1x1x3x112xi32, #tpu.memory_space<hbm>>
      %dma_wait3A_1993 = tpu.memref_squeeze %dma_wait3A_1992 : memref<1x1x3x112xi32, #tpu.memory_space<hbm>> -> memref<3x112xi32, #tpu.memory_space<hbm>>
      %dma_wait3A_1994 = arith.constant 0 : i32
      %dma_wait3A_1995 = arith.constant 0 : i32
      %dma_wait3A_1996 = tpu.memref_slice %arg3[%add3A, %run_scoped3A, %dma_wait3A_1994, %dma_wait3A_1995] : memref<32x90x3x112xi32, #tpu.memory_space<hbm>> -> memref<1x1x3x112xi32, #tpu.memory_space<hbm>>
      %dma_wait3A_1997 = tpu.memref_squeeze %dma_wait3A_1996 : memref<1x1x3x112xi32, #tpu.memory_space<hbm>> -> memref<3x112xi32, #tpu.memory_space<hbm>>
      tpu.wait_dma2 semaphore(%run_scoped3A_1981 : memref<!tpu.dma_semaphore, #tpu.memory_space<semaphore_mem>>) src(%dma_wait3A_1997 : memref<3x112xi32, #tpu.memory_space<hbm>>) dst(%arg5 : memref<3x112xi32, #tpu.memory_space<vmem>>)
      tpu.yield
    }) : () -> ()
    %run_scoped3A_1 = arith.constant 1 : i32
    "tpu.region"() ({
      %run_scoped3A_1981 = tpu.sem_alloc : memref<!tpu.dma_semaphore, #tpu.memory_space<semaphore_mem>>
      %dma_start3A_1982 = arith.constant 0 : i32
      %dma_start3A_1983 = arith.constant 0 : i32
      %dma_start3A_1984 = tpu.memref_slice %arg3[%add3A, %run_scoped3A_1, %dma_start3A_1982, %dma_start3A_1983] : memref<32x90x3x112xi32, #tpu.memory_space<hbm>> -> memref<1x1x3x112xi32, #tpu.memory_space<hbm>>
      %dma_start3A_1985 = tpu.memref_squeeze %dma_start3A_1984 : memref<1x1x3x112xi32, #tpu.memory_space<hbm>> -> memref<3x112xi32, #tpu.memory_space<hbm>>
      %dma_start3A_1986 = arith.constant 0 : i32
      %dma_start3A_1987 = arith.constant 0 : i32
      %dma_start3A_1988 = tpu.memref_slice %arg3[%add3A, %run_scoped3A_1, %dma_start3A_1986, %dma_start3A_1987] : memref<32x90x3x112xi32, #tpu.memory_space<hbm>> -> memref<1x1x3x112xi32, #tpu.memory_space<hbm>>
      %dma_start3A_1989 = tpu.memref_squeeze %dma_start3A_1988 : memref<1x1x3x112xi32, #tpu.memory_space<hbm>> -> memref<3x112xi32, #tpu.memory_space<hbm>>
      tpu.enqueue_dma source(%dma_start3A_1989 : memref<3x112xi32, #tpu.memory_space<hbm>>) target(%arg6 : memref<3x112xi32, #tpu.memory_space<vmem>>) target_semaphore(%run_scoped3A_1981 : memref<!tpu.dma_semaphore, #tpu.memory_space<semaphore_mem>>)
      %dma_wait3A_1990 = arith.constant 0 : i32
      %dma_wait3A_1991 = arith.constant 0 : i32
      %dma_wait3A_1992 = tpu.memref_slice %arg3[%add3A, %run_scoped3A_1, %dma_wait3A_1990, %dma_wait3A_1991] : memref<32x90x3x112xi32, #tpu.memory_space<hbm>> -> memref<1x1x3x112xi32, #tpu.memory_space<hbm>>
      %dma_wait3A_1993 = tpu.memref_squeeze %dma_wait3A_1992 : memref<1x1x3x112xi32, #tpu.memory_space<hbm>> -> memref<3x112xi32, #tpu.memory_space<hbm>>
      %dma_wait3A_1994 = arith.constant 0 : i32
      %dma_wait3A_1995 = arith.constant 0 : i32
      %dma_wait3A_1996 = tpu.memref_slice %arg3[%add3A, %run_scoped3A_1, %dma_wait3A_1994, %dma_wait3A_1995] : memref<32x90x3x112xi32, #tpu.memory_space<hbm>> -> memref<1x1x3x112xi32, #tpu.memory_space<hbm>>
      %dma_wait3A_1997 = tpu.memref_squeeze %dma_wait3A_1996 : memref<1x1x3x112xi32, #tpu.memory_space<hbm>> -> memref<3x112xi32, #tpu.memory_space<hbm>>
      tpu.wait_dma2 semaphore(%run_scoped3A_1981 : memref<!tpu.dma_semaphore, #tpu.memory_space<semaphore_mem>>) src(%dma_wait3A_1997 : memref<3x112xi32, #tpu.memory_space<hbm>>) dst(%arg6 : memref<3x112xi32, #tpu.memory_space<vmem>>)
      tpu.yield
    }) : () -> ()
    %get3A = arith.constant 1 : i32
    %get3A_2 = arith.index_cast %get3A : i32 to index
    %get3A_3 = arith.constant 0 : index
    %get3A_4 = tpu.vector_load %arg5[%get3A_2, %get3A_3] {strides = array<i32>} : memref<3x112xi32, #tpu.memory_space<vmem>>, vector<1x16xi32>,
    %get3A_5 = vector.shape_cast %get3A_4 : vector<1x16xi32> to vector<16xi32>
    %mul3A_6 = arith.constant 10000 : i32
    %mul3A_7 = vector.broadcast %mul3A_6 : i32 to vector<16xi32>
    %mul3A_8 = arith.muli %get3A_5, %mul3A_7 : vector<16xi32>
    %get3A_9 = arith.constant 0 : i32
    %get3A_10 = arith.index_cast %get3A_9 : i32 to index
    %get3A_11 = arith.constant 0 : index
    %get3A_12 = tpu.vector_load %arg5[%get3A_10, %get3A_11] {strides = array<i32>} : memref<3x112xi32, #tpu.memory_space<vmem>>, vector<1x16xi32>,
    %get3A_13 = vector.shape_cast %get3A_12 : vector<1x16xi32> to vector<16xi32>
    %add3A_14 = arith.addi %mul3A_8, %get3A_13 : vector<16xi32>
    %swap3A = arith.constant 0 : index
    %swap3A_15 = tpu.vector_load %arg8[%swap3A] {strides = array<i32>} : memref<112xi32, #tpu.memory_space<vmem>>, vector<16xi32>,
    %swap3A_16 = vector.shape_cast %swap3A_15 : vector<16xi32> to vector<16xi32>
    %swap3A_17 = vector.shape_cast %add3A_14 : vector<16xi32> to vector<16xi32>
    tpu.vector_store %arg8[%swap3A], %swap3A_17 {strides = array<i32>} : memref<112xi32, #tpu.memory_space<vmem>>, vector<16xi32>,
    %get3A_18 = arith.constant 2 : i32
    %get3A_19 = arith.index_cast %get3A_18 : i32 to index
    %get3A_20 = arith.constant 0 : index
    %get3A_21 = tpu.vector_load %arg5[%get3A_19, %get3A_20] {strides = array<i32>} : memref<3x112xi32, #tpu.memory_space<vmem>>, vector<1x16xi32>,
    %get3A_22 = vector.shape_cast %get3A_21 : vector<1x16xi32> to vector<16xi32>
    %swap3A_23 = arith.constant 0 : index
    %swap3A_24 = tpu.vector_load %arg11[%swap3A_23] {strides = array<i32>} : memref<112xi32, #tpu.memory_space<vmem>>, vector<16xi32>,
    %swap3A_25 = vector.shape_cast %swap3A_24 : vector<16xi32> to vector<16xi32>
    %swap3A_26 = vector.shape_cast %get3A_22 : vector<16xi32> to vector<16xi32>
    tpu.vector_store %arg11[%swap3A_23], %swap3A_26 {strides = array<i32>} : memref<112xi32, #tpu.memory_space<vmem>>, vector<16xi32>,
    %get3A_27 = arith.constant 1 : i32
    %get3A_28 = arith.index_cast %get3A_27 : i32 to index
    %get3A_29 = arith.constant 16 : index
    %get3A_30 = tpu.vector_load %arg5[%get3A_28, %get3A_29] {strides = array<i32>} : memref<3x112xi32, #tpu.memory_space<vmem>>, vector<1x16xi32>,
    %get3A_31 = vector.shape_cast %get3A_30 : vector<1x16xi32> to vector<16xi32>
    %mul3A_32 = arith.constant 10000 : i32
    %mul3A_33 = vector.broadcast %mul3A_32 : i32 to vector<16xi32>
    %mul3A_34 = arith.muli %get3A_31, %mul3A_33 : vector<16xi32>
    %get3A_35 = arith.constant 0 : i32
    %get3A_36 = arith.index_cast %get3A_35 : i32 to index
    %get3A_37 = arith.constant 16 : index
    %get3A_38 = tpu.vector_load %arg5[%get3A_36, %get3A_37] {strides = array<i32>} : memref<3x112xi32, #tpu.memory_space<vmem>>, vector<1x16xi32>,
    %get3A_39 = vector.shape_cast %get3A_38 : vector<1x16xi32> to vector<16xi32>
    %add3A_40 = arith.addi %mul3A_34, %get3A_39 : vector<16xi32>
    %swap3A_41 = arith.constant 16 : index
    %swap3A_42 = tpu.vector_load %arg8[%swap3A_41] {strides = array<i32>} : memref<112xi32, #tpu.memory_space<vmem>>, vector<16xi32>,
    %swap3A_43 = vector.shape_cast %swap3A_42 : vector<16xi32> to vector<16xi32>
    %swap3A_44 = vector.shape_cast %add3A_40 : vector<16xi32> to vector<16xi32>
    tpu.vector_store %arg8[%swap3A_41], %swap3A_44 {strides = array<i32>} : memref<112xi32, #tpu.memory_space<vmem>>, vector<16xi32>,
    %get3A_45 = arith.constant 2 : i32
    %get3A_46 = arith.index_cast %get3A_45 : i32 to index
    %get3A_47 = arith.constant 16 : index
    %get3A_48 = tpu.vector_load %arg5[%get3A_46, %get3A_47] {strides = array<i32>} : memref<3x112xi32, #tpu.memory_space<vmem>>, vector<1x16xi32>,
    %get3A_49 = vector.shape_cast %get3A_48 : vector<1x16xi32> to vector<16xi32>
    %swap3A_50 = arith.constant 16 : index
    %swap3A_51 = tpu.vector_load %arg11[%swap3A_50] {strides = array<i32>} : memref<112xi32, #tpu.memory_space<vmem>>, vector<16xi32>,
    %swap3A_52 = vector.shape_cast %swap3A_51 : vector<16xi32> to vector<16xi32>
    %swap3A_53 = vector.shape_cast %get3A_49 : vector<16xi32> to vector<16xi32>
    tpu.vector_store %arg11[%swap3A_50], %swap3A_53 {strides = array<i32>} : memref<112xi32, #tpu.memory_space<vmem>>, vector<16xi32>,
    %get3A_54 = arith.constant 1 : i32
    %get3A_55 = arith.index_cast %get3A_54 : i32 to index
    %get3A_56 = arith.constant 32 : index
    %get3A_57 = tpu.vector_load %arg5[%get3A_55, %get3A_56] {strides = array<i32>} : memref<3x112xi32, #tpu.memory_space<vmem>>, vector<1x16xi32>,
    %get3A_58 = vector.shape_cast %get3A_57 : vector<1x16xi32> to vector<16xi32>
    %mul3A_59 = arith.constant 10000 : i32
    %mul3A_60 = vector.broadcast %mul3A_59 : i32 to vector<16xi32>
    %mul3A_61 = arith.muli %get3A_58, %mul3A_60 : vector<16xi32>
    %get3A_62 = arith.constant 0 : i32
    %get3A_63 = arith.index_cast %get3A_62 : i32 to index
    %get3A_64 = arith.constant 32 : index
    %get3A_65 = tpu.vector_load %arg5[%get3A_63, %get3A_64] {strides = array<i32>} : memref<3x112xi32, #tpu.memory_space<vmem>>, vector<1x16xi32>,
    %get3A_66 = vector.shape_cast %get3A_65 : vector<1x16xi32> to vector<16xi32>
    %add3A_67 = arith.addi %mul3A_61, %get3A_66 : vector<16xi32>
    %swap3A_68 = arith.constant 32 : index
    %swap3A_69 = tpu.vector_load %arg8[%swap3A_68] {strides = array<i32>} : memref<112xi32, #tpu.memory_space<vmem>>, vector<16xi32>,
    %swap3A_70 = vector.shape_cast %swap3A_69 : vector<16xi32> to vector<16xi32>
    %swap3A_71 = vector.shape_cast %add3A_67 : vector<16xi32> to vector<16xi32>
    tpu.vector_store %arg8[%swap3A_68], %swap3A_71 {strides = array<i32>} : memref<112xi32, #tpu.memory_space<vmem>>, vector<16xi32>,
    %get3A_72 = arith.constant 2 : i32
    %get3A_73 = arith.index_cast %get3A_72 : i32 to index
    %get3A_74 = arith.constant 32 : index
    %get3A_75 = tpu.vector_load %arg5[%get3A_73, %get3A_74] {strides = array<i32>} : memref<3x112xi32, #tpu.memory_space<vmem>>, vector<1x16xi32>,
    %get3A_76 = vector.shape_cast %get3A_75 : vector<1x16xi32> to vector<16xi32>
    %swap3A_77 = arith.constant 32 : index
    %swap3A_78 = tpu.vector_load %arg11[%swap3A_77] {strides = array<i32>} : memref<112xi32, #tpu.memory_space<vmem>>, vector<16xi32>,
    %swap3A_79 = vector.shape_cast %swap3A_78 : vector<16xi32> to vector<16xi32>
    %swap3A_80 = vector.shape_cast %get3A_76 : vector<16xi32> to vector<16xi32>
    tpu.vector_store %arg11[%swap3A_77], %swap3A_80 {strides = array<i32>} : memref<112xi32, #tpu.memory_space<vmem>>, vector<16xi32>,
    %get3A_81 = arith.constant 1 : i32
    %get3A_82 = arith.index_cast %get3A_81 : i32 to index
    %get3A_83 = arith.constant 48 : index
    %get3A_84 = tpu.vector_load %arg5[%get3A_82, %get3A_83] {strides = array<i32>} : memref<3x112xi32, #tpu.memory_space<vmem>>, vector<1x16xi32>,
    %get3A_85 = vector.shape_cast %get3A_84 : vector<1x16xi32> to vector<16xi32>
    %mul3A_86 = arith.constant 10000 : i32
    %mul3A_87 = vector.broadcast %mul3A_86 : i32 to vector<16xi32>
    %mul3A_88 = arith.muli %get3A_85, %mul3A_87 : vector<16xi32>
    %get3A_89 = arith.constant 0 : i32
    %get3A_90 = arith.index_cast %get3A_89 : i32 to index
    %get3A_91 = arith.constant 48 : index
    %get3A_92 = tpu.vector_load %arg5[%get3A_90, %get3A_91] {strides = array<i32>} : memref<3x112xi32, #tpu.memory_space<vmem>>, vector<1x16xi32>,
    %get3A_93 = vector.shape_cast %get3A_92 : vector<1x16xi32> to vector<16xi32>
    %add3A_94 = arith.addi %mul3A_88, %get3A_93 : vector<16xi32>
    %swap3A_95 = arith.constant 48 : index
    %swap3A_96 = tpu.vector_load %arg8[%swap3A_95] {strides = array<i32>} : memref<112xi32, #tpu.memory_space<vmem>>, vector<16xi32>,
    %swap3A_97 = vector.shape_cast %swap3A_96 : vector<16xi32> to vector<16xi32>
    %swap3A_98 = vector.shape_cast %add3A_94 : vector<16xi32> to vector<16xi32>
    tpu.vector_store %arg8[%swap3A_95], %swap3A_98 {strides = array<i32>} : memref<112xi32, #tpu.memory_space<vmem>>, vector<16xi32>,
    %get3A_99 = arith.constant 2 : i32
    %get3A_100 = arith.index_cast %get3A_99 : i32 to index
    %get3A_101 = arith.constant 48 : index
    %get3A_102 = tpu.vector_load %arg5[%get3A_100, %get3A_101] {strides = array<i32>} : memref<3x112xi32, #tpu.memory_space<vmem>>, vector<1x16xi32>,
    %get3A_103 = vector.shape_cast %get3A_102 : vector<1x16xi32> to vector<16xi32>
    %swap3A_104 = arith.constant 48 : index
    %swap3A_105 = tpu.vector_load %arg11[%swap3A_104] {strides = array<i32>} : memref<112xi32, #tpu.memory_space<vmem>>, vector<16xi32>,
    %swap3A_106 = vector.shape_cast %swap3A_105 : vector<16xi32> to vector<16xi32>
    %swap3A_107 = vector.shape_cast %get3A_103 : vector<16xi32> to vector<16xi32>
    tpu.vector_store %arg11[%swap3A_104], %swap3A_107 {strides = array<i32>} : memref<112xi32, #tpu.memory_space<vmem>>, vector<16xi32>,
    %get3A_108 = arith.constant 1 : i32
    %get3A_109 = arith.index_cast %get3A_108 : i32 to index
    %get3A_110 = arith.constant 64 : index
    %get3A_111 = tpu.vector_load %arg5[%get3A_109, %get3A_110] {strides = array<i32>} : memref<3x112xi32, #tpu.memory_space<vmem>>, vector<1x16xi32>,
    %get3A_112 = vector.shape_cast %get3A_111 : vector<1x16xi32> to vector<16xi32>
    %mul3A_113 = arith.constant 10000 : i32
    %mul3A_114 = vector.broadcast %mul3A_113 : i32 to vector<16xi32>
    %mul3A_115 = arith.muli %get3A_112, %mul3A_114 : vector<16xi32>
    %get3A_116 = arith.constant 0 : i32
    %get3A_117 = arith.index_cast %get3A_116 : i32 to index
    %get3A_118 = arith.constant 64 : index
    %get3A_119 = tpu.vector_load %arg5[%get3A_117, %get3A_118] {strides = array<i32>} : memref<3x112xi32, #tpu.memory_space<vmem>>, vector<1x16xi32>,
    %get3A_120 = vector.shape_cast %get3A_119 : vector<1x16xi32> to vector<16xi32>
    %add3A_121 = arith.addi %mul3A_115, %get3A_120 : vector<16xi32>
    %swap3A_122 = arith.constant 64 : index
    %swap3A_123 = tpu.vector_load %arg8[%swap3A_122] {strides = array<i32>} : memref<112xi32, #tpu.memory_space<vmem>>, vector<16xi32>,
    %swap3A_124 = vector.shape_cast %swap3A_123 : vector<16xi32> to vector<16xi32>
    %swap3A_125 = vector.shape_cast %add3A_121 : vector<16xi32> to vector<16xi32>
    tpu.vector_store %arg8[%swap3A_122], %swap3A_125 {strides = array<i32>} : memref<112xi32, #tpu.memory_space<vmem>>, vector<16xi32>,
    %get3A_126 = arith.constant 2 : i32
    %get3A_127 = arith.index_cast %get3A_126 : i32 to index
    %get3A_128 = arith.constant 64 : index
    %get3A_129 = tpu.vector_load %arg5[%get3A_127, %get3A_128] {strides = array<i32>} : memref<3x112xi32, #tpu.memory_space<vmem>>, vector<1x16xi32>,
    %get3A_130 = vector.shape_cast %get3A_129 : vector<1x16xi32> to vector<16xi32>
    %swap3A_131 = arith.constant 64 : index
    %swap3A_132 = tpu.vector_load %arg11[%swap3A_131] {strides = array<i32>} : memref<112xi32, #tpu.memory_space<vmem>>, vector<16xi32>,
    %swap3A_133 = vector.shape_cast %swap3A_132 : vector<16xi32> to vector<16xi32>
    %swap3A_134 = vector.shape_cast %get3A_130 : vector<16xi32> to vector<16xi32>
    tpu.vector_store %arg11[%swap3A_131], %swap3A_134 {strides = array<i32>} : memref<112xi32, #tpu.memory_space<vmem>>, vector<16xi32>,
    %get3A_135 = arith.constant 1 : i32
    %get3A_136 = arith.index_cast %get3A_135 : i32 to index
    %get3A_137 = arith.constant 80 : index
    %get3A_138 = tpu.vector_load %arg5[%get3A_136, %get3A_137] {strides = array<i32>} : memref<3x112xi32, #tpu.memory_space<vmem>>, vector<1x16xi32>,
    %get3A_139 = vector.shape_cast %get3A_138 : vector<1x16xi32> to vector<16xi32>
    %mul3A_140 = arith.constant 10000 : i32
    %mul3A_141 = vector.broadcast %mul3A_140 : i32 to vector<16xi32>
    %mul3A_142 = arith.muli %get3A_139, %mul3A_141 : vector<16xi32>
    %get3A_143 = arith.constant 0 : i32
    %get3A_144 = arith.index_cast %get3A_143 : i32 to index
    %get3A_145 = arith.constant 80 : index
    %get3A_146 = tpu.vector_load %arg5[%get3A_144, %get3A_145] {strides = array<i32>} : memref<3x112xi32, #tpu.memory_space<vmem>>, vector<1x16xi32>,
    %get3A_147 = vector.shape_cast %get3A_146 : vector<1x16xi32> to vector<16xi32>
    %add3A_148 = arith.addi %mul3A_142, %get3A_147 : vector<16xi32>
    %swap3A_149 = arith.constant 80 : index
    %swap3A_150 = tpu.vector_load %arg8[%swap3A_149] {strides = array<i32>} : memref<112xi32, #tpu.memory_space<vmem>>, vector<16xi32>,
    %swap3A_151 = vector.shape_cast %swap3A_150 : vector<16xi32> to vector<16xi32>
    %swap3A_152 = vector.shape_cast %add3A_148 : vector<16xi32> to vector<16xi32>
    tpu.vector_store %arg8[%swap3A_149], %swap3A_152 {strides = array<i32>} : memref<112xi32, #tpu.memory_space<vmem>>, vector<16xi32>,
    %get3A_153 = arith.constant 2 : i32
    %get3A_154 = arith.index_cast %get3A_153 : i32 to index
    %get3A_155 = arith.constant 80 : index
    %get3A_156 = tpu.vector_load %arg5[%get3A_154, %get3A_155] {strides = array<i32>} : memref<3x112xi32, #tpu.memory_space<vmem>>, vector<1x16xi32>,
    %get3A_157 = vector.shape_cast %get3A_156 : vector<1x16xi32> to vector<16xi32>
    %swap3A_158 = arith.constant 80 : index
    %swap3A_159 = tpu.vector_load %arg11[%swap3A_158] {strides = array<i32>} : memref<112xi32, #tpu.memory_space<vmem>>, vector<16xi32>,
    %swap3A_160 = vector.shape_cast %swap3A_159 : vector<16xi32> to vector<16xi32>
    %swap3A_161 = vector.shape_cast %get3A_157 : vector<16xi32> to vector<16xi32>
    tpu.vector_store %arg11[%swap3A_158], %swap3A_161 {strides = array<i32>} : memref<112xi32, #tpu.memory_space<vmem>>, vector<16xi32>,
    %get3A_162 = arith.constant 1 : i32
    %get3A_163 = arith.index_cast %get3A_162 : i32 to index
    %get3A_164 = arith.constant 96 : index
    %get3A_165 = tpu.vector_load %arg5[%get3A_163, %get3A_164] {strides = array<i32>} : memref<3x112xi32, #tpu.memory_space<vmem>>, vector<1x16xi32>,
    %get3A_166 = vector.shape_cast %get3A_165 : vector<1x16xi32> to vector<16xi32>
    %mul3A_167 = arith.constant 10000 : i32
    %mul3A_168 = vector.broadcast %mul3A_167 : i32 to vector<16xi32>
    %mul3A_169 = arith.muli %get3A_166, %mul3A_168 : vector<16xi32>
    %get3A_170 = arith.constant 0 : i32
    %get3A_171 = arith.index_cast %get3A_170 : i32 to index
    %get3A_172 = arith.constant 96 : index
    %get3A_173 = tpu.vector_load %arg5[%get3A_171, %get3A_172] {strides = array<i32>} : memref<3x112xi32, #tpu.memory_space<vmem>>, vector<1x16xi32>,
    %get3A_174 = vector.shape_cast %get3A_173 : vector<1x16xi32> to vector<16xi32>
    %add3A_175 = arith.addi %mul3A_169, %get3A_174 : vector<16xi32>
    %swap3A_176 = arith.constant 96 : index
    %swap3A_177 = tpu.vector_load %arg8[%swap3A_176] {strides = array<i32>} : memref<112xi32, #tpu.memory_space<vmem>>, vector<16xi32>,
    %swap3A_178 = vector.shape_cast %swap3A_177 : vector<16xi32> to vector<16xi32>
    %swap3A_179 = vector.shape_cast %add3A_175 : vector<16xi32> to vector<16xi32>
    tpu.vector_store %arg8[%swap3A_176], %swap3A_179 {strides = array<i32>} : memref<112xi32, #tpu.memory_space<vmem>>, vector<16xi32>,
    %get3A_180 = arith.constant 2 : i32
    %get3A_181 = arith.index_cast %get3A_180 : i32 to index
    %get3A_182 = arith.constant 96 : index
    %get3A_183 = tpu.vector_load %arg5[%get3A_181, %get3A_182] {strides = array<i32>} : memref<3x112xi32, #tpu.memory_space<vmem>>, vector<1x16xi32>,
    %get3A_184 = vector.shape_cast %get3A_183 : vector<1x16xi32> to vector<16xi32>
    %swap3A_185 = arith.constant 96 : index
    %swap3A_186 = tpu.vector_load %arg11[%swap3A_185] {strides = array<i32>} : memref<112xi32, #tpu.memory_space<vmem>>, vector<16xi32>,
    %swap3A_187 = vector.shape_cast %swap3A_186 : vector<16xi32> to vector<16xi32>
    %swap3A_188 = vector.shape_cast %get3A_184 : vector<16xi32> to vector<16xi32>
    tpu.vector_store %arg11[%swap3A_185], %swap3A_188 {strides = array<i32>} : memref<112xi32, #tpu.memory_space<vmem>>, vector<16xi32>,
    %get3A_189 = arith.constant 1 : i32
    %get3A_190 = arith.index_cast %get3A_189 : i32 to index
    %get3A_191 = arith.constant 0 : index
    %get3A_192 = tpu.vector_load %arg6[%get3A_190, %get3A_191] {strides = array<i32>} : memref<3x112xi32, #tpu.memory_space<vmem>>, vector<1x16xi32>,
    %get3A_193 = vector.shape_cast %get3A_192 : vector<1x16xi32> to vector<16xi32>
    %mul3A_194 = arith.constant 10000 : i32
    %mul3A_195 = vector.broadcast %mul3A_194 : i32 to vector<16xi32>
    %mul3A_196 = arith.muli %get3A_193, %mul3A_195 : vector<16xi32>
    %get3A_197 = arith.constant 0 : i32
    %get3A_198 = arith.index_cast %get3A_197 : i32 to index
    %get3A_199 = arith.constant 0 : index
    %get3A_200 = tpu.vector_load %arg6[%get3A_198, %get3A_199] {strides = array<i32>} : memref<3x112xi32, #tpu.memory_space<vmem>>, vector<1x16xi32>,
    %get3A_201 = vector.shape_cast %get3A_200 : vector<1x16xi32> to vector<16xi32>
    %add3A_202 = arith.addi %mul3A_196, %get3A_201 : vector<16xi32>
    %swap3A_203 = arith.constant 0 : index
    %swap3A_204 = tpu.vector_load %arg9[%swap3A_203] {strides = array<i32>} : memref<112xi32, #tpu.memory_space<vmem>>, vector<16xi32>,
    %swap3A_205 = vector.shape_cast %swap3A_204 : vector<16xi32> to vector<16xi32>
    %swap3A_206 = vector.shape_cast %add3A_202 : vector<16xi32> to vector<16xi32>
    tpu.vector_store %arg9[%swap3A_203], %swap3A_206 {strides = array<i32>} : memref<112xi32, #tpu.memory_space<vmem>>, vector<16xi32>,
    %get3A_207 = arith.constant 2 : i32
    %get3A_208 = arith.index_cast %get3A_207 : i32 to index
    %get3A_209 = arith.constant 0 : index
    %get3A_210 = tpu.vector_load %arg6[%get3A_208, %get3A_209] {strides = array<i32>} : memref<3x112xi32, #tpu.memory_space<vmem>>, vector<1x16xi32>,
    %get3A_211 = vector.shape_cast %get3A_210 : vector<1x16xi32> to vector<16xi32>
    %swap3A_212 = arith.constant 0 : index
    %swap3A_213 = tpu.vector_load %arg12[%swap3A_212] {strides = array<i32>} : memref<112xi32, #tpu.memory_space<vmem>>, vector<16xi32>,
    %swap3A_214 = vector.shape_cast %swap3A_213 : vector<16xi32> to vector<16xi32>
    %swap3A_215 = vector.shape_cast %get3A_211 : vector<16xi32> to vector<16xi32>
    tpu.vector_store %arg12[%swap3A_212], %swap3A_215 {strides = array<i32>} : memref<112xi32, #tpu.memory_space<vmem>>, vector<16xi32>,
    %get3A_216 = arith.constant 1 : i32
    %get3A_217 = arith.index_cast %get3A_216 : i32 to index
    %get3A_218 = arith.constant 16 : index
    %get3A_219 = tpu.vector_load %arg6[%get3A_217, %get3A_218] {strides = array<i32>} : memref<3x112xi32, #tpu.memory_space<vmem>>, vector<1x16xi32>,
    %get3A_220 = vector.shape_cast %get3A_219 : vector<1x16xi32> to vector<16xi32>
    %mul3A_221 = arith.constant 10000 : i32
    %mul3A_222 = vector.broadcast %mul3A_221 : i32 to vector<16xi32>
    %mul3A_223 = arith.muli %get3A_220, %mul3A_222 : vector<16xi32>
    %get3A_224 = arith.constant 0 : i32
    %get3A_225 = arith.index_cast %get3A_224 : i32 to index
    %get3A_226 = arith.constant 16 : index
    %get3A_227 = tpu.vector_load %arg6[%get3A_225, %get3A_226] {strides = array<i32>} : memref<3x112xi32, #tpu.memory_space<vmem>>, vector<1x16xi32>,
    %get3A_228 = vector.shape_cast %get3A_227 : vector<1x16xi32> to vector<16xi32>
    %add3A_229 = arith.addi %mul3A_223, %get3A_228 : vector<16xi32>
    %swap3A_230 = arith.constant 16 : index
    %swap3A_231 = tpu.vector_load %arg9[%swap3A_230] {strides = array<i32>} : memref<112xi32, #tpu.memory_space<vmem>>, vector<16xi32>,
    %swap3A_232 = vector.shape_cast %swap3A_231 : vector<16xi32> to vector<16xi32>
    %swap3A_233 = vector.shape_cast %add3A_229 : vector<16xi32> to vector<16xi32>
    tpu.vector_store %arg9[%swap3A_230], %swap3A_233 {strides = array<i32>} : memref<112xi32, #tpu.memory_space<vmem>>, vector<16xi32>,
    %get3A_234 = arith.constant 2 : i32
    %get3A_235 = arith.index_cast %get3A_234 : i32 to index
    %get3A_236 = arith.constant 16 : index
    %get3A_237 = tpu.vector_load %arg6[%get3A_235, %get3A_236] {strides = array<i32>} : memref<3x112xi32, #tpu.memory_space<vmem>>, vector<1x16xi32>,
    %get3A_238 = vector.shape_cast %get3A_237 : vector<1x16xi32> to vector<16xi32>
    %swap3A_239 = arith.constant 16 : index
    %swap3A_240 = tpu.vector_load %arg12[%swap3A_239] {strides = array<i32>} : memref<112xi32, #tpu.memory_space<vmem>>, vector<16xi32>,
    %swap3A_241 = vector.shape_cast %swap3A_240 : vector<16xi32> to vector<16xi32>
    %swap3A_242 = vector.shape_cast %get3A_238 : vector<16xi32> to vector<16xi32>
    tpu.vector_store %arg12[%swap3A_239], %swap3A_242 {strides = array<i32>} : memref<112xi32, #tpu.memory_space<vmem>>, vector<16xi32>,
    %get3A_243 = arith.constant 1 : i32
    %get3A_244 = arith.index_cast %get3A_243 : i32 to index
    %get3A_245 = arith.constant 32 : index
    %get3A_246 = tpu.vector_load %arg6[%get3A_244, %get3A_245] {strides = array<i32>} : memref<3x112xi32, #tpu.memory_space<vmem>>, vector<1x16xi32>,
    %get3A_247 = vector.shape_cast %get3A_246 : vector<1x16xi32> to vector<16xi32>
    %mul3A_248 = arith.constant 10000 : i32
    %mul3A_249 = vector.broadcast %mul3A_248 : i32 to vector<16xi32>
    %mul3A_250 = arith.muli %get3A_247, %mul3A_249 : vector<16xi32>
    %get3A_251 = arith.constant 0 : i32
    %get3A_252 = arith.index_cast %get3A_251 : i32 to index
    %get3A_253 = arith.constant 32 : index
    %get3A_254 = tpu.vector_load %arg6[%get3A_252, %get3A_253] {strides = array<i32>} : memref<3x112xi32, #tpu.memory_space<vmem>>, vector<1x16xi32>,
    %get3A_255 = vector.shape_cast %get3A_254 : vector<1x16xi32> to vector<16xi32>
    %add3A_256 = arith.addi %mul3A_250, %get3A_255 : vector<16xi32>
    %swap3A_257 = arith.constant 32 : index
    %swap3A_258 = tpu.vector_load %arg9[%swap3A_257] {strides = array<i32>} : memref<112xi32, #tpu.memory_space<vmem>>, vector<16xi32>,
    %swap3A_259 = vector.shape_cast %swap3A_258 : vector<16xi32> to vector<16xi32>
    %swap3A_260 = vector.shape_cast %add3A_256 : vector<16xi32> to vector<16xi32>
    tpu.vector_store %arg9[%swap3A_257], %swap3A_260 {strides = array<i32>} : memref<112xi32, #tpu.memory_space<vmem>>, vector<16xi32>,
    %get3A_261 = arith.constant 2 : i32
    %get3A_262 = arith.index_cast %get3A_261 : i32 to index
    %get3A_263 = arith.constant 32 : index
    %get3A_264 = tpu.vector_load %arg6[%get3A_262, %get3A_263] {strides = array<i32>} : memref<3x112xi32, #tpu.memory_space<vmem>>, vector<1x16xi32>,
    %get3A_265 = vector.shape_cast %get3A_264 : vector<1x16xi32> to vector<16xi32>
    %swap3A_266 = arith.constant 32 : index
    %swap3A_267 = tpu.vector_load %arg12[%swap3A_266] {strides = array<i32>} : memref<112xi32, #tpu.memory_space<vmem>>, vector<16xi32>,
    %swap3A_268 = vector.shape_cast %swap3A_267 : vector<16xi32> to vector<16xi32>
    %swap3A_269 = vector.shape_cast %get3A_265 : vector<16xi32> to vector<16xi32>
    tpu.vector_store %arg12[%swap3A_266], %swap3A_269 {strides = array<i32>} : memref<112xi32, #tpu.memory_space<vmem>>, vector<16xi32>,
    %get3A_270 = arith.constant 1 : i32
    %get3A_271 = arith.index_cast %get3A_270 : i32 to index
    %get3A_272 = arith.constant 48 : index
    %get3A_273 = tpu.vector_load %arg6[%get3A_271, %get3A_272] {strides = array<i32>} : memref<3x112xi32, #tpu.memory_space<vmem>>, vector<1x16xi32>,
    %get3A_274 = vector.shape_cast %get3A_273 : vector<1x16xi32> to vector<16xi32>
    %mul3A_275 = arith.constant 10000 : i32
    %mul3A_276 = vector.broadcast %mul3A_275 : i32 to vector<16xi32>
    %mul3A_277 = arith.muli %get3A_274, %mul3A_276 : vector<16xi32>
    %get3A_278 = arith.constant 0 : i32
    %get3A_279 = arith.index_cast %get3A_278 : i32 to index
    %get3A_280 = arith.constant 48 : index
    %get3A_281 = tpu.vector_load %arg6[%get3A_279, %get3A_280] {strides = array<i32>} : memref<3x112xi32, #tpu.memory_space<vmem>>, vector<1x16xi32>,
    %get3A_282 = vector.shape_cast %get3A_281 : vector<1x16xi32> to vector<16xi32>
    %add3A_283 = arith.addi %mul3A_277, %get3A_282 : vector<16xi32>
    %swap3A_284 = arith.constant 48 : index
    %swap3A_285 = tpu.vector_load %arg9[%swap3A_284] {strides = array<i32>} : memref<112xi32, #tpu.memory_space<vmem>>, vector<16xi32>,
    %swap3A_286 = vector.shape_cast %swap3A_285 : vector<16xi32> to vector<16xi32>
    %swap3A_287 = vector.shape_cast %add3A_283 : vector<16xi32> to vector<16xi32>
    tpu.vector_store %arg9[%swap3A_284], %swap3A_287 {strides = array<i32>} : memref<112xi32, #tpu.memory_space<vmem>>, vector<16xi32>,
    %get3A_288 = arith.constant 2 : i32
    %get3A_289 = arith.index_cast %get3A_288 : i32 to index
    %get3A_290 = arith.constant 48 : index
    %get3A_291 = tpu.vector_load %arg6[%get3A_289, %get3A_290] {strides = array<i32>} : memref<3x112xi32, #tpu.memory_space<vmem>>, vector<1x16xi32>,
    %get3A_292 = vector.shape_cast %get3A_291 : vector<1x16xi32> to vector<16xi32>
    %swap3A_293 = arith.constant 48 : index
    %swap3A_294 = tpu.vector_load %arg12[%swap3A_293] {strides = array<i32>} : memref<112xi32, #tpu.memory_space<vmem>>, vector<16xi32>,
    %swap3A_295 = vector.shape_cast %swap3A_294 : vector<16xi32> to vector<16xi32>
    %swap3A_296 = vector.shape_cast %get3A_292 : vector<16xi32> to vector<16xi32>
    tpu.vector_store %arg12[%swap3A_293], %swap3A_296 {strides = array<i32>} : memref<112xi32, #tpu.memory_space<vmem>>, vector<16xi32>,
    %get3A_297 = arith.constant 1 : i32
    %get3A_298 = arith.index_cast %get3A_297 : i32 to index
    %get3A_299 = arith.constant 64 : index
    %get3A_300 = tpu.vector_load %arg6[%get3A_298, %get3A_299] {strides = array<i32>} : memref<3x112xi32, #tpu.memory_space<vmem>>, vector<1x16xi32>,
    %get3A_301 = vector.shape_cast %get3A_300 : vector<1x16xi32> to vector<16xi32>
    %mul3A_302 = arith.constant 10000 : i32
    %mul3A_303 = vector.broadcast %mul3A_302 : i32 to vector<16xi32>
    %mul3A_304 = arith.muli %get3A_301, %mul3A_303 : vector<16xi32>
    %get3A_305 = arith.constant 0 : i32
    %get3A_306 = arith.index_cast %get3A_305 : i32 to index
    %get3A_307 = arith.constant 64 : index
    %get3A_308 = tpu.vector_load %arg6[%get3A_306, %get3A_307] {strides = array<i32>} : memref<3x112xi32, #tpu.memory_space<vmem>>, vector<1x16xi32>,
    %get3A_309 = vector.shape_cast %get3A_308 : vector<1x16xi32> to vector<16xi32>
    %add3A_310 = arith.addi %mul3A_304, %get3A_309 : vector<16xi32>
    %swap3A_311 = arith.constant 64 : index
    %swap3A_312 = tpu.vector_load %arg9[%swap3A_311] {strides = array<i32>} : memref<112xi32, #tpu.memory_space<vmem>>, vector<16xi32>,
    %swap3A_313 = vector.shape_cast %swap3A_312 : vector<16xi32> to vector<16xi32>
    %swap3A_314 = vector.shape_cast %add3A_310 : vector<16xi32> to vector<16xi32>
    tpu.vector_store %arg9[%swap3A_311], %swap3A_314 {strides = array<i32>} : memref<112xi32, #tpu.memory_space<vmem>>, vector<16xi32>,
    %get3A_315 = arith.constant 2 : i32
    %get3A_316 = arith.index_cast %get3A_315 : i32 to index
    %get3A_317 = arith.constant 64 : index
    %get3A_318 = tpu.vector_load %arg6[%get3A_316, %get3A_317] {strides = array<i32>} : memref<3x112xi32, #tpu.memory_space<vmem>>, vector<1x16xi32>,
    %get3A_319 = vector.shape_cast %get3A_318 : vector<1x16xi32> to vector<16xi32>
    %swap3A_320 = arith.constant 64 : index
    %swap3A_321 = tpu.vector_load %arg12[%swap3A_320] {strides = array<i32>} : memref<112xi32, #tpu.memory_space<vmem>>, vector<16xi32>,
    %swap3A_322 = vector.shape_cast %swap3A_321 : vector<16xi32> to vector<16xi32>
    %swap3A_323 = vector.shape_cast %get3A_319 : vector<16xi32> to vector<16xi32>
    tpu.vector_store %arg12[%swap3A_320], %swap3A_323 {strides = array<i32>} : memref<112xi32, #tpu.memory_space<vmem>>, vector<16xi32>,
    %get3A_324 = arith.constant 1 : i32
    %get3A_325 = arith.index_cast %get3A_324 : i32 to index
    %get3A_326 = arith.constant 80 : index
    %get3A_327 = tpu.vector_load %arg6[%get3A_325, %get3A_326] {strides = array<i32>} : memref<3x112xi32, #tpu.memory_space<vmem>>, vector<1x16xi32>,
    %get3A_328 = vector.shape_cast %get3A_327 : vector<1x16xi32> to vector<16xi32>
    %mul3A_329 = arith.constant 10000 : i32
    %mul3A_330 = vector.broadcast %mul3A_329 : i32 to vector<16xi32>
    %mul3A_331 = arith.muli %get3A_328, %mul3A_330 : vector<16xi32>
    %get3A_332 = arith.constant 0 : i32
    %get3A_333 = arith.index_cast %get3A_332 : i32 to index
    %get3A_334 = arith.constant 80 : index
    %get3A_335 = tpu.vector_load %arg6[%get3A_333, %get3A_334] {strides = array<i32>} : memref<3x112xi32, #tpu.memory_space<vmem>>, vector<1x16xi32>,
    %get3A_336 = vector.shape_cast %get3A_335 : vector<1x16xi32> to vector<16xi32>
    %add3A_337 = arith.addi %mul3A_331, %get3A_336 : vector<16xi32>
    %swap3A_338 = arith.constant 80 : index
    %swap3A_339 = tpu.vector_load %arg9[%swap3A_338] {strides = array<i32>} : memref<112xi32, #tpu.memory_space<vmem>>, vector<16xi32>,
    %swap3A_340 = vector.shape_cast %swap3A_339 : vector<16xi32> to vector<16xi32>
    %swap3A_341 = vector.shape_cast %add3A_337 : vector<16xi32> to vector<16xi32>
    tpu.vector_store %arg9[%swap3A_338], %swap3A_341 {strides = array<i32>} : memref<112xi32, #tpu.memory_space<vmem>>, vector<16xi32>,
    %get3A_342 = arith.constant 2 : i32
    %get3A_343 = arith.index_cast %get3A_342 : i32 to index
    %get3A_344 = arith.constant 80 : index
    %get3A_345 = tpu.vector_load %arg6[%get3A_343, %get3A_344] {strides = array<i32>} : memref<3x112xi32, #tpu.memory_space<vmem>>, vector<1x16xi32>,
    %get3A_346 = vector.shape_cast %get3A_345 : vector<1x16xi32> to vector<16xi32>
    %swap3A_347 = arith.constant 80 : index
    %swap3A_348 = tpu.vector_load %arg12[%swap3A_347] {strides = array<i32>} : memref<112xi32, #tpu.memory_space<vmem>>, vector<16xi32>,
    %swap3A_349 = vector.shape_cast %swap3A_348 : vector<16xi32> to vector<16xi32>
    %swap3A_350 = vector.shape_cast %get3A_346 : vector<16xi32> to vector<16xi32>
    tpu.vector_store %arg12[%swap3A_347], %swap3A_350 {strides = array<i32>} : memref<112xi32, #tpu.memory_space<vmem>>, vector<16xi32>,
    %get3A_351 = arith.constant 1 : i32
    %get3A_352 = arith.index_cast %get3A_351 : i32 to index
    %get3A_353 = arith.constant 96 : index
    %get3A_354 = tpu.vector_load %arg6[%get3A_352, %get3A_353] {strides = array<i32>} : memref<3x112xi32, #tpu.memory_space<vmem>>, vector<1x16xi32>,
    %get3A_355 = vector.shape_cast %get3A_354 : vector<1x16xi32> to vector<16xi32>
    %mul3A_356 = arith.constant 10000 : i32
    %mul3A_357 = vector.broadcast %mul3A_356 : i32 to vector<16xi32>
    %mul3A_358 = arith.muli %get3A_355, %mul3A_357 : vector<16xi32>
    %get3A_359 = arith.constant 0 : i32
    %get3A_360 = arith.index_cast %get3A_359 : i32 to index
    %get3A_361 = arith.constant 96 : index
    %get3A_362 = tpu.vector_load %arg6[%get3A_360, %get3A_361] {strides = array<i32>} : memref<3x112xi32, #tpu.memory_space<vmem>>, vector<1x16xi32>,
    %get3A_363 = vector.shape_cast %get3A_362 : vector<1x16xi32> to vector<16xi32>
    %add3A_364 = arith.addi %mul3A_358, %get3A_363 : vector<16xi32>
    %swap3A_365 = arith.constant 96 : index
    %swap3A_366 = tpu.vector_load %arg9[%swap3A_365] {strides = array<i32>} : memref<112xi32, #tpu.memory_space<vmem>>, vector<16xi32>,
    %swap3A_367 = vector.shape_cast %swap3A_366 : vector<16xi32> to vector<16xi32>
    %swap3A_368 = vector.shape_cast %add3A_364 : vector<16xi32> to vector<16xi32>
    tpu.vector_store %arg9[%swap3A_365], %swap3A_368 {strides = array<i32>} : memref<112xi32, #tpu.memory_space<vmem>>, vector<16xi32>,
    %get3A_369 = arith.constant 2 : i32
    %get3A_370 = arith.index_cast %get3A_369 : i32 to index
    %get3A_371 = arith.constant 96 : index
    %get3A_372 = tpu.vector_load %arg6[%get3A_370, %get3A_371] {strides = array<i32>} : memref<3x112xi32, #tpu.memory_space<vmem>>, vector<1x16xi32>,
    %get3A_373 = vector.shape_cast %get3A_372 : vector<1x16xi32> to vector<16xi32>
    %swap3A_374 = arith.constant 96 : index
    %swap3A_375 = tpu.vector_load %arg12[%swap3A_374] {strides = array<i32>} : memref<112xi32, #tpu.memory_space<vmem>>, vector<16xi32>,
    %swap3A_376 = vector.shape_cast %swap3A_375 : vector<16xi32> to vector<16xi32>
    %swap3A_377 = vector.shape_cast %get3A_373 : vector<16xi32> to vector<16xi32>
    tpu.vector_store %arg12[%swap3A_374], %swap3A_377 {strides = array<i32>} : memref<112xi32, #tpu.memory_space<vmem>>, vector<16xi32>,
    %dma_start3A = arith.constant 0 : i32
    %dma_start3A_378 = arith.constant 0 : i32
    %dma_start3A_379 = tpu.memref_slice %arg2[%dma_start3A, %dma_start3A_378] : memref<100000x128xf32, #tpu.memory_space<hbm>> -> memref<100000x128xf32, #tpu.memory_space<hbm>>
    tpu.enqueue_indirect_dma source(%dma_start3A_379 : memref<100000x128xf32, #tpu.memory_space<hbm>>) target(%arg14 : memref<112x128xf32, #tpu.memory_space<vmem>>) offsets(%arg8 : memref<112xi32, #tpu.memory_space<vmem>>) semaphore(%arg21 : memref<!tpu.dma_semaphore, #tpu.memory_space<semaphore_mem>>)
    %dma_start3A_380 = arith.constant 0 : i32
    %dma_start3A_381 = arith.constant 0 : i32
    %dma_start3A_382 = tpu.memref_slice %arg2[%dma_start3A_380, %dma_start3A_381] : memref<100000x128xf32, #tpu.memory_space<hbm>> -> memref<100000x128xf32, #tpu.memory_space<hbm>>
    tpu.enqueue_indirect_dma source(%dma_start3A_382 : memref<100000x128xf32, #tpu.memory_space<hbm>>) target(%arg15 : memref<112x128xf32, #tpu.memory_space<vmem>>) offsets(%arg9 : memref<112xi32, #tpu.memory_space<vmem>>) semaphore(%arg22 : memref<!tpu.dma_semaphore, #tpu.memory_space<semaphore_mem>>)
    %dma_start3A_383 = arith.constant 2 : i32
    %dma_start3A_384 = arith.constant 0 : i32
    %dma_start3A_385 = arith.constant 0 : i32
    %dma_start3A_386 = tpu.memref_slice %arg3[%add3A, %dma_start3A_383, %dma_start3A_384, %dma_start3A_385] : memref<32x90x3x112xi32, #tpu.memory_space<hbm>> -> memref<1x1x3x112xi32, #tpu.memory_space<hbm>>
    %dma_start3A_387 = tpu.memref_squeeze %dma_start3A_386 : memref<1x1x3x112xi32, #tpu.memory_space<hbm>> -> memref<3x112xi32, #tpu.memory_space<hbm>>
    %dma_start3A_388 = arith.constant 0 : i32
    %dma_start3A_389 = arith.constant 0 : i32
    %dma_start3A_390 = tpu.memref_slice %arg3[%add3A, %dma_start3A_383, %dma_start3A_388, %dma_start3A_389] : memref<32x90x3x112xi32, #tpu.memory_space<hbm>> -> memref<1x1x3x112xi32, #tpu.memory_space<hbm>>
    %dma_start3A_391 = tpu.memref_squeeze %dma_start3A_390 : memref<1x1x3x112xi32, #tpu.memory_space<hbm>> -> memref<3x112xi32, #tpu.memory_space<hbm>>
    tpu.enqueue_dma source(%dma_start3A_391 : memref<3x112xi32, #tpu.memory_space<hbm>>) target(%arg7 : memref<3x112xi32, #tpu.memory_space<vmem>>) target_semaphore(%arg20 : memref<!tpu.dma_semaphore, #tpu.memory_space<semaphore_mem>>)
    %dma_start3A_392 = arith.constant 3 : i32
    %dma_start3A_393 = arith.constant 0 : i32
    %dma_start3A_394 = arith.constant 0 : i32
    %dma_start3A_395 = tpu.memref_slice %arg3[%add3A, %dma_start3A_392, %dma_start3A_393, %dma_start3A_394] : memref<32x90x3x112xi32, #tpu.memory_space<hbm>> -> memref<1x1x3x112xi32, #tpu.memory_space<hbm>>
    %dma_start3A_396 = tpu.memref_squeeze %dma_start3A_395 : memref<1x1x3x112xi32, #tpu.memory_space<hbm>> -> memref<3x112xi32, #tpu.memory_space<hbm>>
    %dma_start3A_397 = arith.constant 0 : i32
    %dma_start3A_398 = arith.constant 0 : i32
    %dma_start3A_399 = tpu.memref_slice %arg3[%add3A, %dma_start3A_392, %dma_start3A_397, %dma_start3A_398] : memref<32x90x3x112xi32, #tpu.memory_space<hbm>> -> memref<1x1x3x112xi32, #tpu.memory_space<hbm>>
    %dma_start3A_400 = tpu.memref_squeeze %dma_start3A_399 : memref<1x1x3x112xi32, #tpu.memory_space<hbm>> -> memref<3x112xi32, #tpu.memory_space<hbm>>
    tpu.enqueue_dma source(%dma_start3A_400 : memref<3x112xi32, #tpu.memory_space<hbm>>) target(%arg5 : memref<3x112xi32, #tpu.memory_space<vmem>>) target_semaphore(%arg18 : memref<!tpu.dma_semaphore, #tpu.memory_space<semaphore_mem>>)
    %scan3A = arith.constant 0 : i32
    %scan3A_401 = arith.constant 0 : i32
    %scan3A_402 = arith.constant 112 : i32
    %scan3A_403 = arith.addi %scan3A_401, %scan3A_402 : i32
    %scan3A_404 = arith.constant 1 : i32
    scf.for %scan3A_1981 = %scan3A_401 to %scan3A_403 step %scan3A_404  : i32 {
      %broadcast_in_dim3A = arith.constant 0.000000e+00 : f32
      %broadcast_in_dim3A_1982 = vector.broadcast %broadcast_in_dim3A : f32 to vector<16xf32>
      %swap3A_1983 = arith.index_cast %scan3A_1981 : i32 to index
      %swap3A_1984 = arith.constant 0 : index
      %swap3A_1985 = tpu.vector_load %arg16[%swap3A_1983, %swap3A_1984] {strides = array<i32>} : memref<112x128xf32, #tpu.memory_space<vmem>>, vector<1x16xf32>,
      %swap3A_1986 = vector.shape_cast %swap3A_1985 : vector<1x16xf32> to vector<16xf32>
      %swap3A_1987 = vector.shape_cast %broadcast_in_dim3A_1982 : vector<16xf32> to vector<1x16xf32>
      tpu.vector_store %arg16[%swap3A_1983, %swap3A_1984], %swap3A_1987 {strides = array<i32>} : memref<112x128xf32, #tpu.memory_space<vmem>>, vector<1x16xf32>,
      %broadcast_in_dim3A_1988 = arith.constant 0.000000e+00 : f32
      %broadcast_in_dim3A_1989 = vector.broadcast %broadcast_in_dim3A_1988 : f32 to vector<16xf32>
      %swap3A_1990 = arith.index_cast %scan3A_1981 : i32 to index
      %swap3A_1991 = arith.constant 16 : index
      %swap3A_1992 = tpu.vector_load %arg16[%swap3A_1990, %swap3A_1991] {strides = array<i32>} : memref<112x128xf32, #tpu.memory_space<vmem>>, vector<1x16xf32>,
      %swap3A_1993 = vector.shape_cast %swap3A_1992 : vector<1x16xf32> to vector<16xf32>
      %swap3A_1994 = vector.shape_cast %broadcast_in_dim3A_1989 : vector<16xf32> to vector<1x16xf32>
      tpu.vector_store %arg16[%swap3A_1990, %swap3A_1991], %swap3A_1994 {strides = array<i32>} : memref<112x128xf32, #tpu.memory_space<vmem>>, vector<1x16xf32>,
      %broadcast_in_dim3A_1995 = arith.constant 0.000000e+00 : f32
      %broadcast_in_dim3A_1996 = vector.broadcast %broadcast_in_dim3A_1995 : f32 to vector<16xf32>
      %swap3A_1997 = arith.index_cast %scan3A_1981 : i32 to index
      %swap3A_1998 = arith.constant 32 : index
      %swap3A_1999 = tpu.vector_load %arg16[%swap3A_1997, %swap3A_1998] {strides = array<i32>} : memref<112x128xf32, #tpu.memory_space<vmem>>, vector<1x16xf32>,
      %swap3A_2000 = vector.shape_cast %swap3A_1999 : vector<1x16xf32> to vector<16xf32>
      %swap3A_2001 = vector.shape_cast %broadcast_in_dim3A_1996 : vector<16xf32> to vector<1x16xf32>
      tpu.vector_store %arg16[%swap3A_1997, %swap3A_1998], %swap3A_2001 {strides = array<i32>} : memref<112x128xf32, #tpu.memory_space<vmem>>, vector<1x16xf32>,
      %broadcast_in_dim3A_2002 = arith.constant 0.000000e+00 : f32
      %broadcast_in_dim3A_2003 = vector.broadcast %broadcast_in_dim3A_2002 : f32 to vector<16xf32>
      %swap3A_2004 = arith.index_cast %scan3A_1981 : i32 to index
      %swap3A_2005 = arith.constant 48 : index
      %swap3A_2006 = tpu.vector_load %arg16[%swap3A_2004, %swap3A_2005] {strides = array<i32>} : memref<112x128xf32, #tpu.memory_space<vmem>>, vector<1x16xf32>,
      %swap3A_2007 = vector.shape_cast %swap3A_2006 : vector<1x16xf32> to vector<16xf32>
      %swap3A_2008 = vector.shape_cast %broadcast_in_dim3A_2003 : vector<16xf32> to vector<1x16xf32>
      tpu.vector_store %arg16[%swap3A_2004, %swap3A_2005], %swap3A_2008 {strides = array<i32>} : memref<112x128xf32, #tpu.memory_space<vmem>>, vector<1x16xf32>,
      %broadcast_in_dim3A_2009 = arith.constant 0.000000e+00 : f32
      %broadcast_in_dim3A_2010 = vector.broadcast %broadcast_in_dim3A_2009 : f32 to vector<16xf32>
      %swap3A_2011 = arith.index_cast %scan3A_1981 : i32 to index
      %swap3A_2012 = arith.constant 64 : index
      %swap3A_2013 = tpu.vector_load %arg16[%swap3A_2011, %swap3A_2012] {strides = array<i32>} : memref<112x128xf32, #tpu.memory_space<vmem>>, vector<1x16xf32>,
      %swap3A_2014 = vector.shape_cast %swap3A_2013 : vector<1x16xf32> to vector<16xf32>
      %swap3A_2015 = vector.shape_cast %broadcast_in_dim3A_2010 : vector<16xf32> to vector<1x16xf32>
      tpu.vector_store %arg16[%swap3A_2011, %swap3A_2012], %swap3A_2015 {strides = array<i32>} : memref<112x128xf32, #tpu.memory_space<vmem>>, vector<1x16xf32>,
      %broadcast_in_dim3A_2016 = arith.constant 0.000000e+00 : f32
      %broadcast_in_dim3A_2017 = vector.broadcast %broadcast_in_dim3A_2016 : f32 to vector<16xf32>
      %swap3A_2018 = arith.index_cast %scan3A_1981 : i32 to index
      %swap3A_2019 = arith.constant 80 : index
      %swap3A_2020 = tpu.vector_load %arg16[%swap3A_2018, %swap3A_2019] {strides = array<i32>} : memref<112x128xf32, #tpu.memory_space<vmem>>, vector<1x16xf32>,
      %swap3A_2021 = vector.shape_cast %swap3A_2020 : vector<1x16xf32> to vector<16xf32>
      %swap3A_2022 = vector.shape_cast %broadcast_in_dim3A_2017 : vector<16xf32> to vector<1x16xf32>
      tpu.vector_store %arg16[%swap3A_2018, %swap3A_2019], %swap3A_2022 {strides = array<i32>} : memref<112x128xf32, #tpu.memory_space<vmem>>, vector<1x16xf32>,
      %broadcast_in_dim3A_2023 = arith.constant 0.000000e+00 : f32
      %broadcast_in_dim3A_2024 = vector.broadcast %broadcast_in_dim3A_2023 : f32 to vector<16xf32>
      %swap3A_2025 = arith.index_cast %scan3A_1981 : i32 to index
      %swap3A_2026 = arith.constant 96 : index
      %swap3A_2027 = tpu.vector_load %arg16[%swap3A_2025, %swap3A_2026] {strides = array<i32>} : memref<112x128xf32, #tpu.memory_space<vmem>>, vector<1x16xf32>,
      %swap3A_2028 = vector.shape_cast %swap3A_2027 : vector<1x16xf32> to vector<16xf32>
      %swap3A_2029 = vector.shape_cast %broadcast_in_dim3A_2024 : vector<16xf32> to vector<1x16xf32>
      tpu.vector_store %arg16[%swap3A_2025, %swap3A_2026], %swap3A_2029 {strides = array<i32>} : memref<112x128xf32, #tpu.memory_space<vmem>>, vector<1x16xf32>,
      %broadcast_in_dim3A_2030 = arith.constant 0.000000e+00 : f32
      %broadcast_in_dim3A_2031 = vector.broadcast %broadcast_in_dim3A_2030 : f32 to vector<16xf32>
      %swap3A_2032 = arith.index_cast %scan3A_1981 : i32 to index
      %swap3A_2033 = arith.constant 112 : index
      %swap3A_2034 = tpu.vector_load %arg16[%swap3A_2032, %swap3A_2033] {strides = array<i32>} : memref<112x128xf32, #tpu.memory_space<vmem>>, vector<1x16xf32>,
      %swap3A_2035 = vector.shape_cast %swap3A_2034 : vector<1x16xf32> to vector<16xf32>
      %swap3A_2036 = vector.shape_cast %broadcast_in_dim3A_2031 : vector<16xf32> to vector<1x16xf32>
      tpu.vector_store %arg16[%swap3A_2032, %swap3A_2033], %swap3A_2036 {strides = array<i32>} : memref<112x128xf32, #tpu.memory_space<vmem>>, vector<1x16xf32>,
    }
    %scan3A_405 = arith.constant 112 : i32
    %mul3A_406 = arith.constant 624 : i32
    %mul3A_407 = arith.muli %arg1, %mul3A_406 : i32
    %add3A_408 = arith.constant 0 : i32
    %add3A_409 = arith.addi %mul3A_407, %add3A_408 : i32
    "tpu.region"() ({
      %run_scoped3A_1981 = tpu.sem_alloc : memref<!tpu.dma_semaphore, #tpu.memory_space<semaphore_mem>>
      %dma_start3A_1982 = arith.constant 0 : i32
      %dma_start3A_1983 = tpu.memref_slice %arg17[%add3A_409, %dma_start3A_1982] : memref<10008x128xf32, #tpu.memory_space<vmem_shared>> -> memref<112x128xf32, #tpu.memory_space<vmem_shared>>
      %dma_start3A_1984 = arith.constant 0 : i32
      %dma_start3A_1985 = tpu.memref_slice %arg17[%add3A_409, %dma_start3A_1984] : memref<10008x128xf32, #tpu.memory_space<vmem_shared>> -> memref<112x128xf32, #tpu.memory_space<vmem_shared>>
      tpu.enqueue_dma source(%arg16 : memref<112x128xf32, #tpu.memory_space<vmem>>) target(%dma_start3A_1985 : memref<112x128xf32, #tpu.memory_space<vmem_shared>>) target_semaphore(%run_scoped3A_1981 : memref<!tpu.dma_semaphore, #tpu.memory_space<semaphore_mem>>)
      %dma_wait3A_1986 = arith.constant 0 : i32
      %dma_wait3A_1987 = tpu.memref_slice %arg17[%add3A_409, %dma_wait3A_1986] : memref<10008x128xf32, #tpu.memory_space<vmem_shared>> -> memref<112x128xf32, #tpu.memory_space<vmem_shared>>
      %dma_wait3A_1988 = arith.constant 0 : i32
      %dma_wait3A_1989 = tpu.memref_slice %arg17[%add3A_409, %dma_wait3A_1988] : memref<10008x128xf32, #tpu.memory_space<vmem_shared>> -> memref<112x128xf32, #tpu.memory_space<vmem_shared>>
      tpu.wait_dma2 semaphore(%run_scoped3A_1981 : memref<!tpu.dma_semaphore, #tpu.memory_space<semaphore_mem>>) src(%arg16 : memref<112x128xf32, #tpu.memory_space<vmem>>) dst(%dma_wait3A_1989 : memref<112x128xf32, #tpu.memory_space<vmem_shared>>)
      tpu.yield
    }) : () -> ()
    %mul3A_410 = arith.constant 624 : i32
    %mul3A_411 = arith.muli %arg1, %mul3A_410 : i32
    %add3A_412 = arith.constant 112 : i32
    %add3A_413 = arith.addi %mul3A_411, %add3A_412 : i32
    "tpu.region"() ({
      %run_scoped3A_1981 = tpu.sem_alloc : memref<!tpu.dma_semaphore, #tpu.memory_space<semaphore_mem>>
      %dma_start3A_1982 = arith.constant 0 : i32
      %dma_start3A_1983 = tpu.memref_slice %arg17[%add3A_413, %dma_start3A_1982] : memref<10008x128xf32, #tpu.memory_space<vmem_shared>> -> memref<112x128xf32, #tpu.memory_space<vmem_shared>>
      %dma_start3A_1984 = arith.constant 0 : i32
      %dma_start3A_1985 = tpu.memref_slice %arg17[%add3A_413, %dma_start3A_1984] : memref<10008x128xf32, #tpu.memory_space<vmem_shared>> -> memref<112x128xf32, #tpu.memory_space<vmem_shared>>
      tpu.enqueue_dma source(%arg16 : memref<112x128xf32, #tpu.memory_space<vmem>>) target(%dma_start3A_1985 : memref<112x128xf32, #tpu.memory_space<vmem_shared>>) target_semaphore(%run_scoped3A_1981 : memref<!tpu.dma_semaphore, #tpu.memory_space<semaphore_mem>>)
      %dma_wait3A_1986 = arith.constant 0 : i32
      %dma_wait3A_1987 = tpu.memref_slice %arg17[%add3A_413, %dma_wait3A_1986] : memref<10008x128xf32, #tpu.memory_space<vmem_shared>> -> memref<112x128xf32, #tpu.memory_space<vmem_shared>>
      %dma_wait3A_1988 = arith.constant 0 : i32
      %dma_wait3A_1989 = tpu.memref_slice %arg17[%add3A_413, %dma_wait3A_1988] : memref<10008x128xf32, #tpu.memory_space<vmem_shared>> -> memref<112x128xf32, #tpu.memory_space<vmem_shared>>
      tpu.wait_dma2 semaphore(%run_scoped3A_1981 : memref<!tpu.dma_semaphore, #tpu.memory_space<semaphore_mem>>) src(%arg16 : memref<112x128xf32, #tpu.memory_space<vmem>>) dst(%dma_wait3A_1989 : memref<112x128xf32, #tpu.memory_space<vmem_shared>>)
      tpu.yield
    }) : () -> ()
    %mul3A_414 = arith.constant 624 : i32
    %mul3A_415 = arith.muli %arg1, %mul3A_414 : i32
    %add3A_416 = arith.constant 224 : i32
    %add3A_417 = arith.addi %mul3A_415, %add3A_416 : i32
    "tpu.region"() ({
      %run_scoped3A_1981 = tpu.sem_alloc : memref<!tpu.dma_semaphore, #tpu.memory_space<semaphore_mem>>
      %dma_start3A_1982 = arith.constant 0 : i32
      %dma_start3A_1983 = tpu.memref_slice %arg17[%add3A_417, %dma_start3A_1982] : memref<10008x128xf32, #tpu.memory_space<vmem_shared>> -> memref<112x128xf32, #tpu.memory_space<vmem_shared>>
      %dma_start3A_1984 = arith.constant 0 : i32
      %dma_start3A_1985 = tpu.memref_slice %arg17[%add3A_417, %dma_start3A_1984] : memref<10008x128xf32, #tpu.memory_space<vmem_shared>> -> memref<112x128xf32, #tpu.memory_space<vmem_shared>>
      tpu.enqueue_dma source(%arg16 : memref<112x128xf32, #tpu.memory_space<vmem>>) target(%dma_start3A_1985 : memref<112x128xf32, #tpu.memory_space<vmem_shared>>) target_semaphore(%run_scoped3A_1981 : memref<!tpu.dma_semaphore, #tpu.memory_space<semaphore_mem>>)
      %dma_wait3A_1986 = arith.constant 0 : i32
      %dma_wait3A_1987 = tpu.memref_slice %arg17[%add3A_417, %dma_wait3A_1986] : memref<10008x128xf32, #tpu.memory_space<vmem_shared>> -> memref<112x128xf32, #tpu.memory_space<vmem_shared>>
      %dma_wait3A_1988 = arith.constant 0 : i32
      %dma_wait3A_1989 = tpu.memref_slice %arg17[%add3A_417, %dma_wait3A_1988] : memref<10008x128xf32, #tpu.memory_space<vmem_shared>> -> memref<112x128xf32, #tpu.memory_space<vmem_shared>>
      tpu.wait_dma2 semaphore(%run_scoped3A_1981 : memref<!tpu.dma_semaphore, #tpu.memory_space<semaphore_mem>>) src(%arg16 : memref<112x128xf32, #tpu.memory_space<vmem>>) dst(%dma_wait3A_1989 : memref<112x128xf32, #tpu.memory_space<vmem_shared>>)
      tpu.yield
    }) : () -> ()
    %mul3A_418 = arith.constant 624 : i32
    %mul3A_419 = arith.muli %arg1, %mul3A_418 : i32
    %add3A_420 = arith.constant 336 : i32
    %add3A_421 = arith.addi %mul3A_419, %add3A_420 : i32
    "tpu.region"() ({
      %run_scoped3A_1981 = tpu.sem_alloc : memref<!tpu.dma_semaphore, #tpu.memory_space<semaphore_mem>>
      %dma_start3A_1982 = arith.constant 0 : i32
      %dma_start3A_1983 = tpu.memref_slice %arg17[%add3A_421, %dma_start3A_1982] : memref<10008x128xf32, #tpu.memory_space<vmem_shared>> -> memref<112x128xf32, #tpu.memory_space<vmem_shared>>
      %dma_start3A_1984 = arith.constant 0 : i32
      %dma_start3A_1985 = tpu.memref_slice %arg17[%add3A_421, %dma_start3A_1984] : memref<10008x128xf32, #tpu.memory_space<vmem_shared>> -> memref<112x128xf32, #tpu.memory_space<vmem_shared>>
      tpu.enqueue_dma source(%arg16 : memref<112x128xf32, #tpu.memory_space<vmem>>) target(%dma_start3A_1985 : memref<112x128xf32, #tpu.memory_space<vmem_shared>>) target_semaphore(%run_scoped3A_1981 : memref<!tpu.dma_semaphore, #tpu.memory_space<semaphore_mem>>)
      %dma_wait3A_1986 = arith.constant 0 : i32
      %dma_wait3A_1987 = tpu.memref_slice %arg17[%add3A_421, %dma_wait3A_1986] : memref<10008x128xf32, #tpu.memory_space<vmem_shared>> -> memref<112x128xf32, #tpu.memory_space<vmem_shared>>
      %dma_wait3A_1988 = arith.constant 0 : i32
      %dma_wait3A_1989 = tpu.memref_slice %arg17[%add3A_421, %dma_wait3A_1988] : memref<10008x128xf32, #tpu.memory_space<vmem_shared>> -> memref<112x128xf32, #tpu.memory_space<vmem_shared>>
      tpu.wait_dma2 semaphore(%run_scoped3A_1981 : memref<!tpu.dma_semaphore, #tpu.memory_space<semaphore_mem>>) src(%arg16 : memref<112x128xf32, #tpu.memory_space<vmem>>) dst(%dma_wait3A_1989 : memref<112x128xf32, #tpu.memory_space<vmem_shared>>)
      tpu.yield
    }) : () -> ()
    %mul3A_422 = arith.constant 624 : i32
    %mul3A_423 = arith.muli %arg1, %mul3A_422 : i32
    %add3A_424 = arith.constant 448 : i32
    %add3A_425 = arith.addi %mul3A_423, %add3A_424 : i32
    "tpu.region"() ({
      %run_scoped3A_1981 = tpu.sem_alloc : memref<!tpu.dma_semaphore, #tpu.memory_space<semaphore_mem>>
      %dma_start3A_1982 = arith.constant 0 : i32
      %dma_start3A_1983 = tpu.memref_slice %arg17[%add3A_425, %dma_start3A_1982] : memref<10008x128xf32, #tpu.memory_space<vmem_shared>> -> memref<112x128xf32, #tpu.memory_space<vmem_shared>>
      %dma_start3A_1984 = arith.constant 0 : i32
      %dma_start3A_1985 = tpu.memref_slice %arg17[%add3A_425, %dma_start3A_1984] : memref<10008x128xf32, #tpu.memory_space<vmem_shared>> -> memref<112x128xf32, #tpu.memory_space<vmem_shared>>
      tpu.enqueue_dma source(%arg16 : memref<112x128xf32, #tpu.memory_space<vmem>>) target(%dma_start3A_1985 : memref<112x128xf32, #tpu.memory_space<vmem_shared>>) target_semaphore(%run_scoped3A_1981 : memref<!tpu.dma_semaphore, #tpu.memory_space<semaphore_mem>>)
      %dma_wait3A_1986 = arith.constant 0 : i32
      %dma_wait3A_1987 = tpu.memref_slice %arg17[%add3A_425, %dma_wait3A_1986] : memref<10008x128xf32, #tpu.memory_space<vmem_shared>> -> memref<112x128xf32, #tpu.memory_space<vmem_shared>>
      %dma_wait3A_1988 = arith.constant 0 : i32
      %dma_wait3A_1989 = tpu.memref_slice %arg17[%add3A_425, %dma_wait3A_1988] : memref<10008x128xf32, #tpu.memory_space<vmem_shared>> -> memref<112x128xf32, #tpu.memory_space<vmem_shared>>
      tpu.wait_dma2 semaphore(%run_scoped3A_1981 : memref<!tpu.dma_semaphore, #tpu.memory_space<semaphore_mem>>) src(%arg16 : memref<112x128xf32, #tpu.memory_space<vmem>>) dst(%dma_wait3A_1989 : memref<112x128xf32, #tpu.memory_space<vmem_shared>>)
      tpu.yield
    }) : () -> ()
    %mul3A_426 = arith.constant 624 : i32
    %mul3A_427 = arith.muli %arg1, %mul3A_426 : i32
    %add3A_428 = arith.constant 560 : i32
    %add3A_429 = arith.addi %mul3A_427, %add3A_428 : i32
    "tpu.region"() ({
      %run_scoped3A_1981 = tpu.sem_alloc : memref<!tpu.dma_semaphore, #tpu.memory_space<semaphore_mem>>
      %dma_start3A_1982 = arith.constant 0 : i32
      %dma_start3A_1983 = arith.constant 0 : i32
      %dma_start3A_1984 = tpu.memref_slice %arg16[%dma_start3A_1982, %dma_start3A_1983] : memref<112x128xf32, #tpu.memory_space<vmem>> -> memref<64x128xf32, #tpu.memory_space<vmem>>
      %dma_start3A_1985 = arith.constant 0 : i32
      %dma_start3A_1986 = tpu.memref_slice %arg17[%add3A_429, %dma_start3A_1985] : memref<10008x128xf32, #tpu.memory_space<vmem_shared>> -> memref<64x128xf32, #tpu.memory_space<vmem_shared>>
      %dma_start3A_1987 = arith.constant 0 : i32
      %dma_start3A_1988 = tpu.memref_slice %arg17[%add3A_429, %dma_start3A_1987] : memref<10008x128xf32, #tpu.memory_space<vmem_shared>> -> memref<64x128xf32, #tpu.memory_space<vmem_shared>>
      %dma_start3A_1989 = arith.constant 0 : i32
      %dma_start3A_1990 = arith.constant 0 : i32
      %dma_start3A_1991 = tpu.memref_slice %arg16[%dma_start3A_1989, %dma_start3A_1990] : memref<112x128xf32, #tpu.memory_space<vmem>> -> memref<64x128xf32, #tpu.memory_space<vmem>>
      tpu.enqueue_dma source(%dma_start3A_1991 : memref<64x128xf32, #tpu.memory_space<vmem>>) target(%dma_start3A_1988 : memref<64x128xf32, #tpu.memory_space<vmem_shared>>) target_semaphore(%run_scoped3A_1981 : memref<!tpu.dma_semaphore, #tpu.memory_space<semaphore_mem>>)
      %dma_wait3A_1992 = arith.constant 0 : i32
      %dma_wait3A_1993 = arith.constant 0 : i32
      %dma_wait3A_1994 = tpu.memref_slice %arg16[%dma_wait3A_1992, %dma_wait3A_1993] : memref<112x128xf32, #tpu.memory_space<vmem>> -> memref<64x128xf32, #tpu.memory_space<vmem>>
      %dma_wait3A_1995 = arith.constant 0 : i32
      %dma_wait3A_1996 = tpu.memref_slice %arg17[%add3A_429, %dma_wait3A_1995] : memref<10008x128xf32, #tpu.memory_space<vmem_shared>> -> memref<64x128xf32, #tpu.memory_space<vmem_shared>>
      %dma_wait3A_1997 = arith.constant 0 : i32
      %dma_wait3A_1998 = tpu.memref_slice %arg17[%add3A_429, %dma_wait3A_1997] : memref<10008x128xf32, #tpu.memory_space<vmem_shared>> -> memref<64x128xf32, #tpu.memory_space<vmem_shared>>
      %dma_wait3A_1999 = arith.constant 0 : i32
      %dma_wait3A_2000 = arith.constant 0 : i32
      %dma_wait3A_2001 = tpu.memref_slice %arg16[%dma_wait3A_1999, %dma_wait3A_2000] : memref<112x128xf32, #tpu.memory_space<vmem>> -> memref<64x128xf32, #tpu.memory_space<vmem>>
      tpu.wait_dma2 semaphore(%run_scoped3A_1981 : memref<!tpu.dma_semaphore, #tpu.memory_space<semaphore_mem>>) src(%dma_wait3A_2001 : memref<64x128xf32, #tpu.memory_space<vmem>>) dst(%dma_wait3A_1998 : memref<64x128xf32, #tpu.memory_space<vmem_shared>>)
      tpu.yield
    }) : () -> ()
    %eq3A = arith.constant 15 : i32
    %eq3A_430 = arith.cmpi eq, %arg1, %eq3A : i32
    %convert_element_type3A = arith.extui %eq3A_430 : i1 to i32
    %cond3A = arith.constant 0 : i32
    %cond3A_431 = arith.cmpi ne, %convert_element_type3A, %cond3A : i32
    scf.if %cond3A_431 {
      "tpu.region"() ({
        %run_scoped3A_1981 = tpu.sem_alloc : memref<!tpu.dma_semaphore, #tpu.memory_space<semaphore_mem>>
        %dma_start3A_1982 = arith.constant 0 : i32
        %dma_start3A_1983 = arith.constant 0 : i32
        %dma_start3A_1984 = tpu.memref_slice %arg16[%dma_start3A_1982, %dma_start3A_1983] : memref<112x128xf32, #tpu.memory_space<vmem>> -> memref<16x128xf32, #tpu.memory_space<vmem>>
        %dma_start3A_1985 = arith.constant 9984 : i32
        %dma_start3A_1986 = arith.constant 0 : i32
        %dma_start3A_1987 = tpu.memref_slice %arg17[%dma_start3A_1985, %dma_start3A_1986] : memref<10008x128xf32, #tpu.memory_space<vmem_shared>> -> memref<16x128xf32, #tpu.memory_space<vmem_shared>>
        %dma_start3A_1988 = arith.constant 9984 : i32
        %dma_start3A_1989 = arith.constant 0 : i32
        %dma_start3A_1990 = tpu.memref_slice %arg17[%dma_start3A_1988, %dma_start3A_1989] : memref<10008x128xf32, #tpu.memory_space<vmem_shared>> -> memref<16x128xf32, #tpu.memory_space<vmem_shared>>
        %dma_start3A_1991 = arith.constant 0 : i32
        %dma_start3A_1992 = arith.constant 0 : i32
        %dma_start3A_1993 = tpu.memref_slice %arg16[%dma_start3A_1991, %dma_start3A_1992] : memref<112x128xf32, #tpu.memory_space<vmem>> -> memref<16x128xf32, #tpu.memory_space<vmem>>
        tpu.enqueue_dma source(%dma_start3A_1993 : memref<16x128xf32, #tpu.memory_space<vmem>>) target(%dma_start3A_1990 : memref<16x128xf32, #tpu.memory_space<vmem_shared>>) target_semaphore(%run_scoped3A_1981 : memref<!tpu.dma_semaphore, #tpu.memory_space<semaphore_mem>>)
        %dma_wait3A_1994 = arith.constant 0 : i32
        %dma_wait3A_1995 = arith.constant 0 : i32
        %dma_wait3A_1996 = tpu.memref_slice %arg16[%dma_wait3A_1994, %dma_wait3A_1995] : memref<112x128xf32, #tpu.memory_space<vmem>> -> memref<16x128xf32, #tpu.memory_space<vmem>>
        %dma_wait3A_1997 = arith.constant 9984 : i32
        %dma_wait3A_1998 = arith.constant 0 : i32
        %dma_wait3A_1999 = tpu.memref_slice %arg17[%dma_wait3A_1997, %dma_wait3A_1998] : memref<10008x128xf32, #tpu.memory_space<vmem_shared>> -> memref<16x128xf32, #tpu.memory_space<vmem_shared>>
        %dma_wait3A_2000 = arith.constant 9984 : i32
        %dma_wait3A_2001 = arith.constant 0 : i32
        %dma_wait3A_2002 = tpu.memref_slice %arg17[%dma_wait3A_2000, %dma_wait3A_2001] : memref<10008x128xf32, #tpu.memory_space<vmem_shared>> -> memref<16x128xf32, #tpu.memory_space<vmem_shared>>
        %dma_wait3A_2003 = arith.constant 0 : i32
        %dma_wait3A_2004 = arith.constant 0 : i32
        %dma_wait3A_2005 = tpu.memref_slice %arg16[%dma_wait3A_2003, %dma_wait3A_2004] : memref<112x128xf32, #tpu.memory_space<vmem>> -> memref<16x128xf32, #tpu.memory_space<vmem>>
        tpu.wait_dma2 semaphore(%run_scoped3A_1981 : memref<!tpu.dma_semaphore, #tpu.memory_space<semaphore_mem>>) src(%dma_wait3A_2005 : memref<16x128xf32, #tpu.memory_space<vmem>>) dst(%dma_wait3A_2002 : memref<16x128xf32, #tpu.memory_space<vmem_shared>>)
        tpu.yield
      }) : () -> ()
    } else {
    }
    %barrier3A = arith.constant 0 : index
    tpu.barrier barrier_id(%barrier3A)
    %dma_wait3A = arith.constant 0 : i32
    %dma_wait3A_432 = arith.constant 0 : i32
    %dma_wait3A_433 = tpu.memref_slice %arg2[%dma_wait3A, %dma_wait3A_432] : memref<100000x128xf32, #tpu.memory_space<hbm>> -> memref<100000x128xf32, #tpu.memory_space<hbm>>
    tpu.wait_indirect_dma semaphore(%arg21 : memref<!tpu.dma_semaphore, #tpu.memory_space<semaphore_mem>>) src(%dma_wait3A_433 : memref<100000x128xf32, #tpu.memory_space<hbm>>) dst(%arg14 : memref<112x128xf32, #tpu.memory_space<vmem>>)
    %dma_start3A_434 = arith.constant 0 : i32
    %dma_start3A_435 = arith.constant 0 : i32
    %dma_start3A_436 = tpu.memref_slice %arg17[%dma_start3A_434, %dma_start3A_435] : memref<10008x128xf32, #tpu.memory_space<vmem_shared>> -> memref<10008x128xf32, #tpu.memory_space<vmem_shared>>
    tpu.enqueue_indirect_dma source(%arg14 : memref<112x128xf32, #tpu.memory_space<vmem>>) target(%dma_start3A_436 : memref<10008x128xf32, #tpu.memory_space<vmem_shared>>) offsets(%arg11 : memref<112xi32, #tpu.memory_space<vmem>>) semaphore(%arg24 : memref<!tpu.dma_semaphore, #tpu.memory_space<semaphore_mem>>) {add = true}
    %dma_wait3A_437 = arith.constant 2 : i32
    %dma_wait3A_438 = arith.constant 0 : i32
    %dma_wait3A_439 = arith.constant 0 : i32
    %dma_wait3A_440 = tpu.memref_slice %arg3[%add3A, %dma_wait3A_437, %dma_wait3A_438, %dma_wait3A_439] : memref<32x90x3x112xi32, #tpu.memory_space<hbm>> -> memref<1x1x3x112xi32, #tpu.memory_space<hbm>>
    %dma_wait3A_441 = tpu.memref_squeeze %dma_wait3A_440 : memref<1x1x3x112xi32, #tpu.memory_space<hbm>> -> memref<3x112xi32, #tpu.memory_space<hbm>>
    %dma_wait3A_442 = arith.constant 0 : i32
    %dma_wait3A_443 = arith.constant 0 : i32
    %dma_wait3A_444 = tpu.memref_slice %arg3[%add3A, %dma_wait3A_437, %dma_wait3A_442, %dma_wait3A_443] : memref<32x90x3x112xi32, #tpu.memory_space<hbm>> -> memref<1x1x3x112xi32, #tpu.memory_space<hbm>>
    %dma_wait3A_445 = tpu.memref_squeeze %dma_wait3A_444 : memref<1x1x3x112xi32, #tpu.memory_space<hbm>> -> memref<3x112xi32, #tpu.memory_space<hbm>>
    tpu.wait_dma2 semaphore(%arg20 : memref<!tpu.dma_semaphore, #tpu.memory_space<semaphore_mem>>) src(%dma_wait3A_445 : memref<3x112xi32, #tpu.memory_space<hbm>>) dst(%arg7 : memref<3x112xi32, #tpu.memory_space<vmem>>)
    %get3A_446 = arith.constant 1 : i32
    %get3A_447 = arith.index_cast %get3A_446 : i32 to index
    %get3A_448 = arith.constant 0 : index
    %get3A_449 = tpu.vector_load %arg7[%get3A_447, %get3A_448] {strides = array<i32>} : memref<3x112xi32, #tpu.memory_space<vmem>>, vector<1x16xi32>,
    %get3A_450 = vector.shape_cast %get3A_449 : vector<1x16xi32> to vector<16xi32>
    %mul3A_451 = arith.constant 10000 : i32
    %mul3A_452 = vector.broadcast %mul3A_451 : i32 to vector<16xi32>
    %mul3A_453 = arith.muli %get3A_450, %mul3A_452 : vector<16xi32>
    %get3A_454 = arith.constant 0 : i32
    %get3A_455 = arith.index_cast %get3A_454 : i32 to index
    %get3A_456 = arith.constant 0 : index
    %get3A_457 = tpu.vector_load %arg7[%get3A_455, %get3A_456] {strides = array<i32>} : memref<3x112xi32, #tpu.memory_space<vmem>>, vector<1x16xi32>,
    %get3A_458 = vector.shape_cast %get3A_457 : vector<1x16xi32> to vector<16xi32>
    %add3A_459 = arith.addi %mul3A_453, %get3A_458 : vector<16xi32>
    %swap3A_460 = arith.constant 0 : index
    %swap3A_461 = tpu.vector_load %arg10[%swap3A_460] {strides = array<i32>} : memref<112xi32, #tpu.memory_space<vmem>>, vector<16xi32>,
    %swap3A_462 = vector.shape_cast %swap3A_461 : vector<16xi32> to vector<16xi32>
    %swap3A_463 = vector.shape_cast %add3A_459 : vector<16xi32> to vector<16xi32>
    tpu.vector_store %arg10[%swap3A_460], %swap3A_463 {strides = array<i32>} : memref<112xi32, #tpu.memory_space<vmem>>, vector<16xi32>,
    %get3A_464 = arith.constant 2 : i32
    %get3A_465 = arith.index_cast %get3A_464 : i32 to index
    %get3A_466 = arith.constant 0 : index
    %get3A_467 = tpu.vector_load %arg7[%get3A_465, %get3A_466] {strides = array<i32>} : memref<3x112xi32, #tpu.memory_space<vmem>>, vector<1x16xi32>,
    %get3A_468 = vector.shape_cast %get3A_467 : vector<1x16xi32> to vector<16xi32>
    %swap3A_469 = arith.constant 0 : index
    %swap3A_470 = tpu.vector_load %arg13[%swap3A_469] {strides = array<i32>} : memref<112xi32, #tpu.memory_space<vmem>>, vector<16xi32>,
    %swap3A_471 = vector.shape_cast %swap3A_470 : vector<16xi32> to vector<16xi32>
    %swap3A_472 = vector.shape_cast %get3A_468 : vector<16xi32> to vector<16xi32>
    tpu.vector_store %arg13[%swap3A_469], %swap3A_472 {strides = array<i32>} : memref<112xi32, #tpu.memory_space<vmem>>, vector<16xi32>,
    %get3A_473 = arith.constant 1 : i32
    %get3A_474 = arith.index_cast %get3A_473 : i32 to index
    %get3A_475 = arith.constant 16 : index
    %get3A_476 = tpu.vector_load %arg7[%get3A_474, %get3A_475] {strides = array<i32>} : memref<3x112xi32, #tpu.memory_space<vmem>>, vector<1x16xi32>,
    %get3A_477 = vector.shape_cast %get3A_476 : vector<1x16xi32> to vector<16xi32>
    %mul3A_478 = arith.constant 10000 : i32
    %mul3A_479 = vector.broadcast %mul3A_478 : i32 to vector<16xi32>
    %mul3A_480 = arith.muli %get3A_477, %mul3A_479 : vector<16xi32>
    %get3A_481 = arith.constant 0 : i32
    %get3A_482 = arith.index_cast %get3A_481 : i32 to index
    %get3A_483 = arith.constant 16 : index
    %get3A_484 = tpu.vector_load %arg7[%get3A_482, %get3A_483] {strides = array<i32>} : memref<3x112xi32, #tpu.memory_space<vmem>>, vector<1x16xi32>,
    %get3A_485 = vector.shape_cast %get3A_484 : vector<1x16xi32> to vector<16xi32>
    %add3A_486 = arith.addi %mul3A_480, %get3A_485 : vector<16xi32>
    %swap3A_487 = arith.constant 16 : index
    %swap3A_488 = tpu.vector_load %arg10[%swap3A_487] {strides = array<i32>} : memref<112xi32, #tpu.memory_space<vmem>>, vector<16xi32>,
    %swap3A_489 = vector.shape_cast %swap3A_488 : vector<16xi32> to vector<16xi32>
    %swap3A_490 = vector.shape_cast %add3A_486 : vector<16xi32> to vector<16xi32>
    tpu.vector_store %arg10[%swap3A_487], %swap3A_490 {strides = array<i32>} : memref<112xi32, #tpu.memory_space<vmem>>, vector<16xi32>,
    %get3A_491 = arith.constant 2 : i32
    %get3A_492 = arith.index_cast %get3A_491 : i32 to index
    %get3A_493 = arith.constant 16 : index
    %get3A_494 = tpu.vector_load %arg7[%get3A_492, %get3A_493] {strides = array<i32>} : memref<3x112xi32, #tpu.memory_space<vmem>>, vector<1x16xi32>,
    %get3A_495 = vector.shape_cast %get3A_494 : vector<1x16xi32> to vector<16xi32>
    %swap3A_496 = arith.constant 16 : index
    %swap3A_497 = tpu.vector_load %arg13[%swap3A_496] {strides = array<i32>} : memref<112xi32, #tpu.memory_space<vmem>>, vector<16xi32>,
    %swap3A_498 = vector.shape_cast %swap3A_497 : vector<16xi32> to vector<16xi32>
    %swap3A_499 = vector.shape_cast %get3A_495 : vector<16xi32> to vector<16xi32>
    tpu.vector_store %arg13[%swap3A_496], %swap3A_499 {strides = array<i32>} : memref<112xi32, #tpu.memory_space<vmem>>, vector<16xi32>,
    %get3A_500 = arith.constant 1 : i32
    %get3A_501 = arith.index_cast %get3A_500 : i32 to index
    %get3A_502 = arith.constant 32 : index
    %get3A_503 = tpu.vector_load %arg7[%get3A_501, %get3A_502] {strides = array<i32>} : memref<3x112xi32, #tpu.memory_space<vmem>>, vector<1x16xi32>,
    %get3A_504 = vector.shape_cast %get3A_503 : vector<1x16xi32> to vector<16xi32>
    %mul3A_505 = arith.constant 10000 : i32
    %mul3A_506 = vector.broadcast %mul3A_505 : i32 to vector<16xi32>
    %mul3A_507 = arith.muli %get3A_504, %mul3A_506 : vector<16xi32>
    %get3A_508 = arith.constant 0 : i32
    %get3A_509 = arith.index_cast %get3A_508 : i32 to index
    %get3A_510 = arith.constant 32 : index
    %get3A_511 = tpu.vector_load %arg7[%get3A_509, %get3A_510] {strides = array<i32>} : memref<3x112xi32, #tpu.memory_space<vmem>>, vector<1x16xi32>,
    %get3A_512 = vector.shape_cast %get3A_511 : vector<1x16xi32> to vector<16xi32>
    %add3A_513 = arith.addi %mul3A_507, %get3A_512 : vector<16xi32>
    %swap3A_514 = arith.constant 32 : index
    %swap3A_515 = tpu.vector_load %arg10[%swap3A_514] {strides = array<i32>} : memref<112xi32, #tpu.memory_space<vmem>>, vector<16xi32>,
    %swap3A_516 = vector.shape_cast %swap3A_515 : vector<16xi32> to vector<16xi32>
    %swap3A_517 = vector.shape_cast %add3A_513 : vector<16xi32> to vector<16xi32>
    tpu.vector_store %arg10[%swap3A_514], %swap3A_517 {strides = array<i32>} : memref<112xi32, #tpu.memory_space<vmem>>, vector<16xi32>,
    %get3A_518 = arith.constant 2 : i32
    %get3A_519 = arith.index_cast %get3A_518 : i32 to index
    %get3A_520 = arith.constant 32 : index
    %get3A_521 = tpu.vector_load %arg7[%get3A_519, %get3A_520] {strides = array<i32>} : memref<3x112xi32, #tpu.memory_space<vmem>>, vector<1x16xi32>,
    %get3A_522 = vector.shape_cast %get3A_521 : vector<1x16xi32> to vector<16xi32>
    %swap3A_523 = arith.constant 32 : index
    %swap3A_524 = tpu.vector_load %arg13[%swap3A_523] {strides = array<i32>} : memref<112xi32, #tpu.memory_space<vmem>>, vector<16xi32>,
    %swap3A_525 = vector.shape_cast %swap3A_524 : vector<16xi32> to vector<16xi32>
    %swap3A_526 = vector.shape_cast %get3A_522 : vector<16xi32> to vector<16xi32>
    tpu.vector_store %arg13[%swap3A_523], %swap3A_526 {strides = array<i32>} : memref<112xi32, #tpu.memory_space<vmem>>, vector<16xi32>,
    %get3A_527 = arith.constant 1 : i32
    %get3A_528 = arith.index_cast %get3A_527 : i32 to index
    %get3A_529 = arith.constant 48 : index
    %get3A_530 = tpu.vector_load %arg7[%get3A_528, %get3A_529] {strides = array<i32>} : memref<3x112xi32, #tpu.memory_space<vmem>>, vector<1x16xi32>,
    %get3A_531 = vector.shape_cast %get3A_530 : vector<1x16xi32> to vector<16xi32>
    %mul3A_532 = arith.constant 10000 : i32
    %mul3A_533 = vector.broadcast %mul3A_532 : i32 to vector<16xi32>
    %mul3A_534 = arith.muli %get3A_531, %mul3A_533 : vector<16xi32>
    %get3A_535 = arith.constant 0 : i32
    %get3A_536 = arith.index_cast %get3A_535 : i32 to index
    %get3A_537 = arith.constant 48 : index
    %get3A_538 = tpu.vector_load %arg7[%get3A_536, %get3A_537] {strides = array<i32>} : memref<3x112xi32, #tpu.memory_space<vmem>>, vector<1x16xi32>,
    %get3A_539 = vector.shape_cast %get3A_538 : vector<1x16xi32> to vector<16xi32>
    %add3A_540 = arith.addi %mul3A_534, %get3A_539 : vector<16xi32>
    %swap3A_541 = arith.constant 48 : index
    %swap3A_542 = tpu.vector_load %arg10[%swap3A_541] {strides = array<i32>} : memref<112xi32, #tpu.memory_space<vmem>>, vector<16xi32>,
    %swap3A_543 = vector.shape_cast %swap3A_542 : vector<16xi32> to vector<16xi32>
    %swap3A_544 = vector.shape_cast %add3A_540 : vector<16xi32> to vector<16xi32>
    tpu.vector_store %arg10[%swap3A_541], %swap3A_544 {strides = array<i32>} : memref<112xi32, #tpu.memory_space<vmem>>, vector<16xi32>,
    %get3A_545 = arith.constant 2 : i32
    %get3A_546 = arith.index_cast %get3A_545 : i32 to index
    %get3A_547 = arith.constant 48 : index
    %get3A_548 = tpu.vector_load %arg7[%get3A_546, %get3A_547] {strides = array<i32>} : memref<3x112xi32, #tpu.memory_space<vmem>>, vector<1x16xi32>,
    %get3A_549 = vector.shape_cast %get3A_548 : vector<1x16xi32> to vector<16xi32>
    %swap3A_550 = arith.constant 48 : index
    %swap3A_551 = tpu.vector_load %arg13[%swap3A_550] {strides = array<i32>} : memref<112xi32, #tpu.memory_space<vmem>>, vector<16xi32>,
    %swap3A_552 = vector.shape_cast %swap3A_551 : vector<16xi32> to vector<16xi32>
    %swap3A_553 = vector.shape_cast %get3A_549 : vector<16xi32> to vector<16xi32>
    tpu.vector_store %arg13[%swap3A_550], %swap3A_553 {strides = array<i32>} : memref<112xi32, #tpu.memory_space<vmem>>, vector<16xi32>,
    %get3A_554 = arith.constant 1 : i32
    %get3A_555 = arith.index_cast %get3A_554 : i32 to index
    %get3A_556 = arith.constant 64 : index
    %get3A_557 = tpu.vector_load %arg7[%get3A_555, %get3A_556] {strides = array<i32>} : memref<3x112xi32, #tpu.memory_space<vmem>>, vector<1x16xi32>,
    %get3A_558 = vector.shape_cast %get3A_557 : vector<1x16xi32> to vector<16xi32>
    %mul3A_559 = arith.constant 10000 : i32
    %mul3A_560 = vector.broadcast %mul3A_559 : i32 to vector<16xi32>
    %mul3A_561 = arith.muli %get3A_558, %mul3A_560 : vector<16xi32>
    %get3A_562 = arith.constant 0 : i32
    %get3A_563 = arith.index_cast %get3A_562 : i32 to index
    %get3A_564 = arith.constant 64 : index
    %get3A_565 = tpu.vector_load %arg7[%get3A_563, %get3A_564] {strides = array<i32>} : memref<3x112xi32, #tpu.memory_space<vmem>>, vector<1x16xi32>,
    %get3A_566 = vector.shape_cast %get3A_565 : vector<1x16xi32> to vector<16xi32>
    %add3A_567 = arith.addi %mul3A_561, %get3A_566 : vector<16xi32>
    %swap3A_568 = arith.constant 64 : index
    %swap3A_569 = tpu.vector_load %arg10[%swap3A_568] {strides = array<i32>} : memref<112xi32, #tpu.memory_space<vmem>>, vector<16xi32>,
    %swap3A_570 = vector.shape_cast %swap3A_569 : vector<16xi32> to vector<16xi32>
    %swap3A_571 = vector.shape_cast %add3A_567 : vector<16xi32> to vector<16xi32>
    tpu.vector_store %arg10[%swap3A_568], %swap3A_571 {strides = array<i32>} : memref<112xi32, #tpu.memory_space<vmem>>, vector<16xi32>,
    %get3A_572 = arith.constant 2 : i32
    %get3A_573 = arith.index_cast %get3A_572 : i32 to index
    %get3A_574 = arith.constant 64 : index
    %get3A_575 = tpu.vector_load %arg7[%get3A_573, %get3A_574] {strides = array<i32>} : memref<3x112xi32, #tpu.memory_space<vmem>>, vector<1x16xi32>,
    %get3A_576 = vector.shape_cast %get3A_575 : vector<1x16xi32> to vector<16xi32>
    %swap3A_577 = arith.constant 64 : index
    %swap3A_578 = tpu.vector_load %arg13[%swap3A_577] {strides = array<i32>} : memref<112xi32, #tpu.memory_space<vmem>>, vector<16xi32>,
    %swap3A_579 = vector.shape_cast %swap3A_578 : vector<16xi32> to vector<16xi32>
    %swap3A_580 = vector.shape_cast %get3A_576 : vector<16xi32> to vector<16xi32>
    tpu.vector_store %arg13[%swap3A_577], %swap3A_580 {strides = array<i32>} : memref<112xi32, #tpu.memory_space<vmem>>, vector<16xi32>,
    %get3A_581 = arith.constant 1 : i32
    %get3A_582 = arith.index_cast %get3A_581 : i32 to index
    %get3A_583 = arith.constant 80 : index
    %get3A_584 = tpu.vector_load %arg7[%get3A_582, %get3A_583] {strides = array<i32>} : memref<3x112xi32, #tpu.memory_space<vmem>>, vector<1x16xi32>,
    %get3A_585 = vector.shape_cast %get3A_584 : vector<1x16xi32> to vector<16xi32>
    %mul3A_586 = arith.constant 10000 : i32
    %mul3A_587 = vector.broadcast %mul3A_586 : i32 to vector<16xi32>
    %mul3A_588 = arith.muli %get3A_585, %mul3A_587 : vector<16xi32>
    %get3A_589 = arith.constant 0 : i32
    %get3A_590 = arith.index_cast %get3A_589 : i32 to index
    %get3A_591 = arith.constant 80 : index
    %get3A_592 = tpu.vector_load %arg7[%get3A_590, %get3A_591] {strides = array<i32>} : memref<3x112xi32, #tpu.memory_space<vmem>>, vector<1x16xi32>,
    %get3A_593 = vector.shape_cast %get3A_592 : vector<1x16xi32> to vector<16xi32>
    %add3A_594 = arith.addi %mul3A_588, %get3A_593 : vector<16xi32>
    %swap3A_595 = arith.constant 80 : index
    %swap3A_596 = tpu.vector_load %arg10[%swap3A_595] {strides = array<i32>} : memref<112xi32, #tpu.memory_space<vmem>>, vector<16xi32>,
    %swap3A_597 = vector.shape_cast %swap3A_596 : vector<16xi32> to vector<16xi32>
    %swap3A_598 = vector.shape_cast %add3A_594 : vector<16xi32> to vector<16xi32>
    tpu.vector_store %arg10[%swap3A_595], %swap3A_598 {strides = array<i32>} : memref<112xi32, #tpu.memory_space<vmem>>, vector<16xi32>,
    %get3A_599 = arith.constant 2 : i32
    %get3A_600 = arith.index_cast %get3A_599 : i32 to index
    %get3A_601 = arith.constant 80 : index
    %get3A_602 = tpu.vector_load %arg7[%get3A_600, %get3A_601] {strides = array<i32>} : memref<3x112xi32, #tpu.memory_space<vmem>>, vector<1x16xi32>,
    %get3A_603 = vector.shape_cast %get3A_602 : vector<1x16xi32> to vector<16xi32>
    %swap3A_604 = arith.constant 80 : index
    %swap3A_605 = tpu.vector_load %arg13[%swap3A_604] {strides = array<i32>} : memref<112xi32, #tpu.memory_space<vmem>>, vector<16xi32>,
    %swap3A_606 = vector.shape_cast %swap3A_605 : vector<16xi32> to vector<16xi32>
    %swap3A_607 = vector.shape_cast %get3A_603 : vector<16xi32> to vector<16xi32>
    tpu.vector_store %arg13[%swap3A_604], %swap3A_607 {strides = array<i32>} : memref<112xi32, #tpu.memory_space<vmem>>, vector<16xi32>,
    %get3A_608 = arith.constant 1 : i32
    %get3A_609 = arith.index_cast %get3A_608 : i32 to index
    %get3A_610 = arith.constant 96 : index
    %get3A_611 = tpu.vector_load %arg7[%get3A_609, %get3A_610] {strides = array<i32>} : memref<3x112xi32, #tpu.memory_space<vmem>>, vector<1x16xi32>,
    %get3A_612 = vector.shape_cast %get3A_611 : vector<1x16xi32> to vector<16xi32>
    %mul3A_613 = arith.constant 10000 : i32
    %mul3A_614 = vector.broadcast %mul3A_613 : i32 to vector<16xi32>
    %mul3A_615 = arith.muli %get3A_612, %mul3A_614 : vector<16xi32>
    %get3A_616 = arith.constant 0 : i32
    %get3A_617 = arith.index_cast %get3A_616 : i32 to index
    %get3A_618 = arith.constant 96 : index
    %get3A_619 = tpu.vector_load %arg7[%get3A_617, %get3A_618] {strides = array<i32>} : memref<3x112xi32, #tpu.memory_space<vmem>>, vector<1x16xi32>,
    %get3A_620 = vector.shape_cast %get3A_619 : vector<1x16xi32> to vector<16xi32>
    %add3A_621 = arith.addi %mul3A_615, %get3A_620 : vector<16xi32>
    %swap3A_622 = arith.constant 96 : index
    %swap3A_623 = tpu.vector_load %arg10[%swap3A_622] {strides = array<i32>} : memref<112xi32, #tpu.memory_space<vmem>>, vector<16xi32>,
    %swap3A_624 = vector.shape_cast %swap3A_623 : vector<16xi32> to vector<16xi32>
    %swap3A_625 = vector.shape_cast %add3A_621 : vector<16xi32> to vector<16xi32>
    tpu.vector_store %arg10[%swap3A_622], %swap3A_625 {strides = array<i32>} : memref<112xi32, #tpu.memory_space<vmem>>, vector<16xi32>,
    %get3A_626 = arith.constant 2 : i32
    %get3A_627 = arith.index_cast %get3A_626 : i32 to index
    %get3A_628 = arith.constant 96 : index
    %get3A_629 = tpu.vector_load %arg7[%get3A_627, %get3A_628] {strides = array<i32>} : memref<3x112xi32, #tpu.memory_space<vmem>>, vector<1x16xi32>,
    %get3A_630 = vector.shape_cast %get3A_629 : vector<1x16xi32> to vector<16xi32>
    %swap3A_631 = arith.constant 96 : index
    %swap3A_632 = tpu.vector_load %arg13[%swap3A_631] {strides = array<i32>} : memref<112xi32, #tpu.memory_space<vmem>>, vector<16xi32>,
    %swap3A_633 = vector.shape_cast %swap3A_632 : vector<16xi32> to vector<16xi32>
    %swap3A_634 = vector.shape_cast %get3A_630 : vector<16xi32> to vector<16xi32>
    tpu.vector_store %arg13[%swap3A_631], %swap3A_634 {strides = array<i32>} : memref<112xi32, #tpu.memory_space<vmem>>, vector<16xi32>,
    %dma_start3A_635 = arith.constant 0 : i32
    %dma_start3A_636 = arith.constant 0 : i32
    %dma_start3A_637 = tpu.memref_slice %arg2[%dma_start3A_635, %dma_start3A_636] : memref<100000x128xf32, #tpu.memory_space<hbm>> -> memref<100000x128xf32, #tpu.memory_space<hbm>>
    tpu.enqueue_indirect_dma source(%dma_start3A_637 : memref<100000x128xf32, #tpu.memory_space<hbm>>) target(%arg16 : memref<112x128xf32, #tpu.memory_space<vmem>>) offsets(%arg10 : memref<112xi32, #tpu.memory_space<vmem>>) semaphore(%arg23 : memref<!tpu.dma_semaphore, #tpu.memory_space<semaphore_mem>>)
    %dma_start3A_638 = arith.constant 4 : i32
    %dma_start3A_639 = arith.constant 0 : i32
    %dma_start3A_640 = arith.constant 0 : i32
    %dma_start3A_641 = tpu.memref_slice %arg3[%add3A, %dma_start3A_638, %dma_start3A_639, %dma_start3A_640] : memref<32x90x3x112xi32, #tpu.memory_space<hbm>> -> memref<1x1x3x112xi32, #tpu.memory_space<hbm>>
    %dma_start3A_642 = tpu.memref_squeeze %dma_start3A_641 : memref<1x1x3x112xi32, #tpu.memory_space<hbm>> -> memref<3x112xi32, #tpu.memory_space<hbm>>
    %dma_start3A_643 = arith.constant 0 : i32
    %dma_start3A_644 = arith.constant 0 : i32
    %dma_start3A_645 = tpu.memref_slice %arg3[%add3A, %dma_start3A_638, %dma_start3A_643, %dma_start3A_644] : memref<32x90x3x112xi32, #tpu.memory_space<hbm>> -> memref<1x1x3x112xi32, #tpu.memory_space<hbm>>
    %dma_start3A_646 = tpu.memref_squeeze %dma_start3A_645 : memref<1x1x3x112xi32, #tpu.memory_space<hbm>> -> memref<3x112xi32, #tpu.memory_space<hbm>>
    tpu.enqueue_dma source(%dma_start3A_646 : memref<3x112xi32, #tpu.memory_space<hbm>>) target(%arg6 : memref<3x112xi32, #tpu.memory_space<vmem>>) target_semaphore(%arg19 : memref<!tpu.dma_semaphore, #tpu.memory_space<semaphore_mem>>)
    %dma_wait3A_647 = arith.constant 0 : i32
    %dma_wait3A_648 = arith.constant 0 : i32
    %dma_wait3A_649 = tpu.memref_slice %arg2[%dma_wait3A_647, %dma_wait3A_648] : memref<100000x128xf32, #tpu.memory_space<hbm>> -> memref<100000x128xf32, #tpu.memory_space<hbm>>
    tpu.wait_indirect_dma semaphore(%arg22 : memref<!tpu.dma_semaphore, #tpu.memory_space<semaphore_mem>>) src(%dma_wait3A_649 : memref<100000x128xf32, #tpu.memory_space<hbm>>) dst(%arg15 : memref<112x128xf32, #tpu.memory_space<vmem>>)
    %dma_start3A_650 = arith.constant 0 : i32
    %dma_start3A_651 = arith.constant 0 : i32
    %dma_start3A_652 = tpu.memref_slice %arg17[%dma_start3A_650, %dma_start3A_651] : memref<10008x128xf32, #tpu.memory_space<vmem_shared>> -> memref<10008x128xf32, #tpu.memory_space<vmem_shared>>
    tpu.enqueue_indirect_dma source(%arg15 : memref<112x128xf32, #tpu.memory_space<vmem>>) target(%dma_start3A_652 : memref<10008x128xf32, #tpu.memory_space<vmem_shared>>) offsets(%arg12 : memref<112xi32, #tpu.memory_space<vmem>>) semaphore(%arg25 : memref<!tpu.dma_semaphore, #tpu.memory_space<semaphore_mem>>) {add = true}
    %dma_wait3A_653 = arith.constant 3 : i32
    %dma_wait3A_654 = arith.constant 0 : i32
    %dma_wait3A_655 = arith.constant 0 : i32
    %dma_wait3A_656 = tpu.memref_slice %arg3[%add3A, %dma_wait3A_653, %dma_wait3A_654, %dma_wait3A_655] : memref<32x90x3x112xi32, #tpu.memory_space<hbm>> -> memref<1x1x3x112xi32, #tpu.memory_space<hbm>>
    %dma_wait3A_657 = tpu.memref_squeeze %dma_wait3A_656 : memref<1x1x3x112xi32, #tpu.memory_space<hbm>> -> memref<3x112xi32, #tpu.memory_space<hbm>>
    %dma_wait3A_658 = arith.constant 0 : i32
    %dma_wait3A_659 = arith.constant 0 : i32
    %dma_wait3A_660 = tpu.memref_slice %arg3[%add3A, %dma_wait3A_653, %dma_wait3A_658, %dma_wait3A_659] : memref<32x90x3x112xi32, #tpu.memory_space<hbm>> -> memref<1x1x3x112xi32, #tpu.memory_space<hbm>>
    %dma_wait3A_661 = tpu.memref_squeeze %dma_wait3A_660 : memref<1x1x3x112xi32, #tpu.memory_space<hbm>> -> memref<3x112xi32, #tpu.memory_space<hbm>>
    tpu.wait_dma2 semaphore(%arg18 : memref<!tpu.dma_semaphore, #tpu.memory_space<semaphore_mem>>) src(%dma_wait3A_661 : memref<3x112xi32, #tpu.memory_space<hbm>>) dst(%arg5 : memref<3x112xi32, #tpu.memory_space<vmem>>)
    %dma_wait3A_662 = arith.constant 0 : i32
    %dma_wait3A_663 = arith.constant 0 : i32
    %dma_wait3A_664 = tpu.memref_slice %arg17[%dma_wait3A_662, %dma_wait3A_663] : memref<10008x128xf32, #tpu.memory_space<vmem_shared>> -> memref<10008x128xf32, #tpu.memory_space<vmem_shared>>
    tpu.wait_indirect_dma semaphore(%arg24 : memref<!tpu.dma_semaphore, #tpu.memory_space<semaphore_mem>>) src(%arg14 : memref<112x128xf32, #tpu.memory_space<vmem>>) dst(%dma_wait3A_664 : memref<10008x128xf32, #tpu.memory_space<vmem_shared>>)
    %get3A_665 = arith.constant 1 : i32
    %get3A_666 = arith.index_cast %get3A_665 : i32 to index
    %get3A_667 = arith.constant 0 : index
    %get3A_668 = tpu.vector_load %arg5[%get3A_666, %get3A_667] {strides = array<i32>} : memref<3x112xi32, #tpu.memory_space<vmem>>, vector<1x16xi32>,
    %get3A_669 = vector.shape_cast %get3A_668 : vector<1x16xi32> to vector<16xi32>
    %mul3A_670 = arith.constant 10000 : i32
    %mul3A_671 = vector.broadcast %mul3A_670 : i32 to vector<16xi32>
    %mul3A_672 = arith.muli %get3A_669, %mul3A_671 : vector<16xi32>
    %get3A_673 = arith.constant 0 : i32
    %get3A_674 = arith.index_cast %get3A_673 : i32 to index
    %get3A_675 = arith.constant 0 : index
    %get3A_676 = tpu.vector_load %arg5[%get3A_674, %get3A_675] {strides = array<i32>} : memref<3x112xi32, #tpu.memory_space<vmem>>, vector<1x16xi32>,
    %get3A_677 = vector.shape_cast %get3A_676 : vector<1x16xi32> to vector<16xi32>
    %add3A_678 = arith.addi %mul3A_672, %get3A_677 : vector<16xi32>
    %swap3A_679 = arith.constant 0 : index
    %swap3A_680 = tpu.vector_load %arg8[%swap3A_679] {strides = array<i32>} : memref<112xi32, #tpu.memory_space<vmem>>, vector<16xi32>,
    %swap3A_681 = vector.shape_cast %swap3A_680 : vector<16xi32> to vector<16xi32>
    %swap3A_682 = vector.shape_cast %add3A_678 : vector<16xi32> to vector<16xi32>
    tpu.vector_store %arg8[%swap3A_679], %swap3A_682 {strides = array<i32>} : memref<112xi32, #tpu.memory_space<vmem>>, vector<16xi32>,
    %get3A_683 = arith.constant 2 : i32
    %get3A_684 = arith.index_cast %get3A_683 : i32 to index
    %get3A_685 = arith.constant 0 : index
    %get3A_686 = tpu.vector_load %arg5[%get3A_684, %get3A_685] {strides = array<i32>} : memref<3x112xi32, #tpu.memory_space<vmem>>, vector<1x16xi32>,
    %get3A_687 = vector.shape_cast %get3A_686 : vector<1x16xi32> to vector<16xi32>
    %swap3A_688 = arith.constant 0 : index
    %swap3A_689 = tpu.vector_load %arg11[%swap3A_688] {strides = array<i32>} : memref<112xi32, #tpu.memory_space<vmem>>, vector<16xi32>,
    %swap3A_690 = vector.shape_cast %swap3A_689 : vector<16xi32> to vector<16xi32>
    %swap3A_691 = vector.shape_cast %get3A_687 : vector<16xi32> to vector<16xi32>
    tpu.vector_store %arg11[%swap3A_688], %swap3A_691 {strides = array<i32>} : memref<112xi32, #tpu.memory_space<vmem>>, vector<16xi32>,
    %get3A_692 = arith.constant 1 : i32
    %get3A_693 = arith.index_cast %get3A_692 : i32 to index
    %get3A_694 = arith.constant 16 : index
    %get3A_695 = tpu.vector_load %arg5[%get3A_693, %get3A_694] {strides = array<i32>} : memref<3x112xi32, #tpu.memory_space<vmem>>, vector<1x16xi32>,
    %get3A_696 = vector.shape_cast %get3A_695 : vector<1x16xi32> to vector<16xi32>
    %mul3A_697 = arith.constant 10000 : i32
    %mul3A_698 = vector.broadcast %mul3A_697 : i32 to vector<16xi32>
    %mul3A_699 = arith.muli %get3A_696, %mul3A_698 : vector<16xi32>
    %get3A_700 = arith.constant 0 : i32
    %get3A_701 = arith.index_cast %get3A_700 : i32 to index
    %get3A_702 = arith.constant 16 : index
    %get3A_703 = tpu.vector_load %arg5[%get3A_701, %get3A_702] {strides = array<i32>} : memref<3x112xi32, #tpu.memory_space<vmem>>, vector<1x16xi32>,
    %get3A_704 = vector.shape_cast %get3A_703 : vector<1x16xi32> to vector<16xi32>
    %add3A_705 = arith.addi %mul3A_699, %get3A_704 : vector<16xi32>
    %swap3A_706 = arith.constant 16 : index
    %swap3A_707 = tpu.vector_load %arg8[%swap3A_706] {strides = array<i32>} : memref<112xi32, #tpu.memory_space<vmem>>, vector<16xi32>,
    %swap3A_708 = vector.shape_cast %swap3A_707 : vector<16xi32> to vector<16xi32>
    %swap3A_709 = vector.shape_cast %add3A_705 : vector<16xi32> to vector<16xi32>
    tpu.vector_store %arg8[%swap3A_706], %swap3A_709 {strides = array<i32>} : memref<112xi32, #tpu.memory_space<vmem>>, vector<16xi32>,
    %get3A_710 = arith.constant 2 : i32
    %get3A_711 = arith.index_cast %get3A_710 : i32 to index
    %get3A_712 = arith.constant 16 : index
    %get3A_713 = tpu.vector_load %arg5[%get3A_711, %get3A_712] {strides = array<i32>} : memref<3x112xi32, #tpu.memory_space<vmem>>, vector<1x16xi32>,
    %get3A_714 = vector.shape_cast %get3A_713 : vector<1x16xi32> to vector<16xi32>
    %swap3A_715 = arith.constant 16 : index
    %swap3A_716 = tpu.vector_load %arg11[%swap3A_715] {strides = array<i32>} : memref<112xi32, #tpu.memory_space<vmem>>, vector<16xi32>,
    %swap3A_717 = vector.shape_cast %swap3A_716 : vector<16xi32> to vector<16xi32>
    %swap3A_718 = vector.shape_cast %get3A_714 : vector<16xi32> to vector<16xi32>
    tpu.vector_store %arg11[%swap3A_715], %swap3A_718 {strides = array<i32>} : memref<112xi32, #tpu.memory_space<vmem>>, vector<16xi32>,
    %get3A_719 = arith.constant 1 : i32
    %get3A_720 = arith.index_cast %get3A_719 : i32 to index
    %get3A_721 = arith.constant 32 : index
    %get3A_722 = tpu.vector_load %arg5[%get3A_720, %get3A_721] {strides = array<i32>} : memref<3x112xi32, #tpu.memory_space<vmem>>, vector<1x16xi32>,
    %get3A_723 = vector.shape_cast %get3A_722 : vector<1x16xi32> to vector<16xi32>
    %mul3A_724 = arith.constant 10000 : i32
    %mul3A_725 = vector.broadcast %mul3A_724 : i32 to vector<16xi32>
    %mul3A_726 = arith.muli %get3A_723, %mul3A_725 : vector<16xi32>
    %get3A_727 = arith.constant 0 : i32
    %get3A_728 = arith.index_cast %get3A_727 : i32 to index
    %get3A_729 = arith.constant 32 : index
    %get3A_730 = tpu.vector_load %arg5[%get3A_728, %get3A_729] {strides = array<i32>} : memref<3x112xi32, #tpu.memory_space<vmem>>, vector<1x16xi32>,
    %get3A_731 = vector.shape_cast %get3A_730 : vector<1x16xi32> to vector<16xi32>
    %add3A_732 = arith.addi %mul3A_726, %get3A_731 : vector<16xi32>
    %swap3A_733 = arith.constant 32 : index
    %swap3A_734 = tpu.vector_load %arg8[%swap3A_733] {strides = array<i32>} : memref<112xi32, #tpu.memory_space<vmem>>, vector<16xi32>,
    %swap3A_735 = vector.shape_cast %swap3A_734 : vector<16xi32> to vector<16xi32>
    %swap3A_736 = vector.shape_cast %add3A_732 : vector<16xi32> to vector<16xi32>
    tpu.vector_store %arg8[%swap3A_733], %swap3A_736 {strides = array<i32>} : memref<112xi32, #tpu.memory_space<vmem>>, vector<16xi32>,
    %get3A_737 = arith.constant 2 : i32
    %get3A_738 = arith.index_cast %get3A_737 : i32 to index
    %get3A_739 = arith.constant 32 : index
    %get3A_740 = tpu.vector_load %arg5[%get3A_738, %get3A_739] {strides = array<i32>} : memref<3x112xi32, #tpu.memory_space<vmem>>, vector<1x16xi32>,
    %get3A_741 = vector.shape_cast %get3A_740 : vector<1x16xi32> to vector<16xi32>
    %swap3A_742 = arith.constant 32 : index
    %swap3A_743 = tpu.vector_load %arg11[%swap3A_742] {strides = array<i32>} : memref<112xi32, #tpu.memory_space<vmem>>, vector<16xi32>,
    %swap3A_744 = vector.shape_cast %swap3A_743 : vector<16xi32> to vector<16xi32>
    %swap3A_745 = vector.shape_cast %get3A_741 : vector<16xi32> to vector<16xi32>
    tpu.vector_store %arg11[%swap3A_742], %swap3A_745 {strides = array<i32>} : memref<112xi32, #tpu.memory_space<vmem>>, vector<16xi32>,
    %get3A_746 = arith.constant 1 : i32
    %get3A_747 = arith.index_cast %get3A_746 : i32 to index
    %get3A_748 = arith.constant 48 : index
    %get3A_749 = tpu.vector_load %arg5[%get3A_747, %get3A_748] {strides = array<i32>} : memref<3x112xi32, #tpu.memory_space<vmem>>, vector<1x16xi32>,
    %get3A_750 = vector.shape_cast %get3A_749 : vector<1x16xi32> to vector<16xi32>
    %mul3A_751 = arith.constant 10000 : i32
    %mul3A_752 = vector.broadcast %mul3A_751 : i32 to vector<16xi32>
    %mul3A_753 = arith.muli %get3A_750, %mul3A_752 : vector<16xi32>
    %get3A_754 = arith.constant 0 : i32
    %get3A_755 = arith.index_cast %get3A_754 : i32 to index
    %get3A_756 = arith.constant 48 : index
    %get3A_757 = tpu.vector_load %arg5[%get3A_755, %get3A_756] {strides = array<i32>} : memref<3x112xi32, #tpu.memory_space<vmem>>, vector<1x16xi32>,
    %get3A_758 = vector.shape_cast %get3A_757 : vector<1x16xi32> to vector<16xi32>
    %add3A_759 = arith.addi %mul3A_753, %get3A_758 : vector<16xi32>
    %swap3A_760 = arith.constant 48 : index
    %swap3A_761 = tpu.vector_load %arg8[%swap3A_760] {strides = array<i32>} : memref<112xi32, #tpu.memory_space<vmem>>, vector<16xi32>,
    %swap3A_762 = vector.shape_cast %swap3A_761 : vector<16xi32> to vector<16xi32>
    %swap3A_763 = vector.shape_cast %add3A_759 : vector<16xi32> to vector<16xi32>
    tpu.vector_store %arg8[%swap3A_760], %swap3A_763 {strides = array<i32>} : memref<112xi32, #tpu.memory_space<vmem>>, vector<16xi32>,
    %get3A_764 = arith.constant 2 : i32
    %get3A_765 = arith.index_cast %get3A_764 : i32 to index
    %get3A_766 = arith.constant 48 : index
    %get3A_767 = tpu.vector_load %arg5[%get3A_765, %get3A_766] {strides = array<i32>} : memref<3x112xi32, #tpu.memory_space<vmem>>, vector<1x16xi32>,
    %get3A_768 = vector.shape_cast %get3A_767 : vector<1x16xi32> to vector<16xi32>
    %swap3A_769 = arith.constant 48 : index
    %swap3A_770 = tpu.vector_load %arg11[%swap3A_769] {strides = array<i32>} : memref<112xi32, #tpu.memory_space<vmem>>, vector<16xi32>,
    %swap3A_771 = vector.shape_cast %swap3A_770 : vector<16xi32> to vector<16xi32>
    %swap3A_772 = vector.shape_cast %get3A_768 : vector<16xi32> to vector<16xi32>
    tpu.vector_store %arg11[%swap3A_769], %swap3A_772 {strides = array<i32>} : memref<112xi32, #tpu.memory_space<vmem>>, vector<16xi32>,
    %get3A_773 = arith.constant 1 : i32
    %get3A_774 = arith.index_cast %get3A_773 : i32 to index
    %get3A_775 = arith.constant 64 : index
    %get3A_776 = tpu.vector_load %arg5[%get3A_774, %get3A_775] {strides = array<i32>} : memref<3x112xi32, #tpu.memory_space<vmem>>, vector<1x16xi32>,
    %get3A_777 = vector.shape_cast %get3A_776 : vector<1x16xi32> to vector<16xi32>
    %mul3A_778 = arith.constant 10000 : i32
    %mul3A_779 = vector.broadcast %mul3A_778 : i32 to vector<16xi32>
    %mul3A_780 = arith.muli %get3A_777, %mul3A_779 : vector<16xi32>
    %get3A_781 = arith.constant 0 : i32
    %get3A_782 = arith.index_cast %get3A_781 : i32 to index
    %get3A_783 = arith.constant 64 : index
    %get3A_784 = tpu.vector_load %arg5[%get3A_782, %get3A_783] {strides = array<i32>} : memref<3x112xi32, #tpu.memory_space<vmem>>, vector<1x16xi32>,
    %get3A_785 = vector.shape_cast %get3A_784 : vector<1x16xi32> to vector<16xi32>
    %add3A_786 = arith.addi %mul3A_780, %get3A_785 : vector<16xi32>
    %swap3A_787 = arith.constant 64 : index
    %swap3A_788 = tpu.vector_load %arg8[%swap3A_787] {strides = array<i32>} : memref<112xi32, #tpu.memory_space<vmem>>, vector<16xi32>,
    %swap3A_789 = vector.shape_cast %swap3A_788 : vector<16xi32> to vector<16xi32>
    %swap3A_790 = vector.shape_cast %add3A_786 : vector<16xi32> to vector<16xi32>
    tpu.vector_store %arg8[%swap3A_787], %swap3A_790 {strides = array<i32>} : memref<112xi32, #tpu.memory_space<vmem>>, vector<16xi32>,
    %get3A_791 = arith.constant 2 : i32
    %get3A_792 = arith.index_cast %get3A_791 : i32 to index
    %get3A_793 = arith.constant 64 : index
    %get3A_794 = tpu.vector_load %arg5[%get3A_792, %get3A_793] {strides = array<i32>} : memref<3x112xi32, #tpu.memory_space<vmem>>, vector<1x16xi32>,
    %get3A_795 = vector.shape_cast %get3A_794 : vector<1x16xi32> to vector<16xi32>
    %swap3A_796 = arith.constant 64 : index
    %swap3A_797 = tpu.vector_load %arg11[%swap3A_796] {strides = array<i32>} : memref<112xi32, #tpu.memory_space<vmem>>, vector<16xi32>,
    %swap3A_798 = vector.shape_cast %swap3A_797 : vector<16xi32> to vector<16xi32>
    %swap3A_799 = vector.shape_cast %get3A_795 : vector<16xi32> to vector<16xi32>
    tpu.vector_store %arg11[%swap3A_796], %swap3A_799 {strides = array<i32>} : memref<112xi32, #tpu.memory_space<vmem>>, vector<16xi32>,
    %get3A_800 = arith.constant 1 : i32
    %get3A_801 = arith.index_cast %get3A_800 : i32 to index
    %get3A_802 = arith.constant 80 : index
    %get3A_803 = tpu.vector_load %arg5[%get3A_801, %get3A_802] {strides = array<i32>} : memref<3x112xi32, #tpu.memory_space<vmem>>, vector<1x16xi32>,
    %get3A_804 = vector.shape_cast %get3A_803 : vector<1x16xi32> to vector<16xi32>
    %mul3A_805 = arith.constant 10000 : i32
    %mul3A_806 = vector.broadcast %mul3A_805 : i32 to vector<16xi32>
    %mul3A_807 = arith.muli %get3A_804, %mul3A_806 : vector<16xi32>
    %get3A_808 = arith.constant 0 : i32
    %get3A_809 = arith.index_cast %get3A_808 : i32 to index
    %get3A_810 = arith.constant 80 : index
    %get3A_811 = tpu.vector_load %arg5[%get3A_809, %get3A_810] {strides = array<i32>} : memref<3x112xi32, #tpu.memory_space<vmem>>, vector<1x16xi32>,
    %get3A_812 = vector.shape_cast %get3A_811 : vector<1x16xi32> to vector<16xi32>
    %add3A_813 = arith.addi %mul3A_807, %get3A_812 : vector<16xi32>
    %swap3A_814 = arith.constant 80 : index
    %swap3A_815 = tpu.vector_load %arg8[%swap3A_814] {strides = array<i32>} : memref<112xi32, #tpu.memory_space<vmem>>, vector<16xi32>,
    %swap3A_816 = vector.shape_cast %swap3A_815 : vector<16xi32> to vector<16xi32>
    %swap3A_817 = vector.shape_cast %add3A_813 : vector<16xi32> to vector<16xi32>
    tpu.vector_store %arg8[%swap3A_814], %swap3A_817 {strides = array<i32>} : memref<112xi32, #tpu.memory_space<vmem>>, vector<16xi32>,
    %get3A_818 = arith.constant 2 : i32
    %get3A_819 = arith.index_cast %get3A_818 : i32 to index
    %get3A_820 = arith.constant 80 : index
    %get3A_821 = tpu.vector_load %arg5[%get3A_819, %get3A_820] {strides = array<i32>} : memref<3x112xi32, #tpu.memory_space<vmem>>, vector<1x16xi32>,
    %get3A_822 = vector.shape_cast %get3A_821 : vector<1x16xi32> to vector<16xi32>
    %swap3A_823 = arith.constant 80 : index
    %swap3A_824 = tpu.vector_load %arg11[%swap3A_823] {strides = array<i32>} : memref<112xi32, #tpu.memory_space<vmem>>, vector<16xi32>,
    %swap3A_825 = vector.shape_cast %swap3A_824 : vector<16xi32> to vector<16xi32>
    %swap3A_826 = vector.shape_cast %get3A_822 : vector<16xi32> to vector<16xi32>
    tpu.vector_store %arg11[%swap3A_823], %swap3A_826 {strides = array<i32>} : memref<112xi32, #tpu.memory_space<vmem>>, vector<16xi32>,
    %get3A_827 = arith.constant 1 : i32
    %get3A_828 = arith.index_cast %get3A_827 : i32 to index
    %get3A_829 = arith.constant 96 : index
    %get3A_830 = tpu.vector_load %arg5[%get3A_828, %get3A_829] {strides = array<i32>} : memref<3x112xi32, #tpu.memory_space<vmem>>, vector<1x16xi32>,
    %get3A_831 = vector.shape_cast %get3A_830 : vector<1x16xi32> to vector<16xi32>
    %mul3A_832 = arith.constant 10000 : i32
    %mul3A_833 = vector.broadcast %mul3A_832 : i32 to vector<16xi32>
    %mul3A_834 = arith.muli %get3A_831, %mul3A_833 : vector<16xi32>
    %get3A_835 = arith.constant 0 : i32
    %get3A_836 = arith.index_cast %get3A_835 : i32 to index
    %get3A_837 = arith.constant 96 : index
    %get3A_838 = tpu.vector_load %arg5[%get3A_836, %get3A_837] {strides = array<i32>} : memref<3x112xi32, #tpu.memory_space<vmem>>, vector<1x16xi32>,
    %get3A_839 = vector.shape_cast %get3A_838 : vector<1x16xi32> to vector<16xi32>
    %add3A_840 = arith.addi %mul3A_834, %get3A_839 : vector<16xi32>
    %swap3A_841 = arith.constant 96 : index
    %swap3A_842 = tpu.vector_load %arg8[%swap3A_841] {strides = array<i32>} : memref<112xi32, #tpu.memory_space<vmem>>, vector<16xi32>,
    %swap3A_843 = vector.shape_cast %swap3A_842 : vector<16xi32> to vector<16xi32>
    %swap3A_844 = vector.shape_cast %add3A_840 : vector<16xi32> to vector<16xi32>
    tpu.vector_store %arg8[%swap3A_841], %swap3A_844 {strides = array<i32>} : memref<112xi32, #tpu.memory_space<vmem>>, vector<16xi32>,
    %get3A_845 = arith.constant 2 : i32
    %get3A_846 = arith.index_cast %get3A_845 : i32 to index
    %get3A_847 = arith.constant 96 : index
    %get3A_848 = tpu.vector_load %arg5[%get3A_846, %get3A_847] {strides = array<i32>} : memref<3x112xi32, #tpu.memory_space<vmem>>, vector<1x16xi32>,
    %get3A_849 = vector.shape_cast %get3A_848 : vector<1x16xi32> to vector<16xi32>
    %swap3A_850 = arith.constant 96 : index
    %swap3A_851 = tpu.vector_load %arg11[%swap3A_850] {strides = array<i32>} : memref<112xi32, #tpu.memory_space<vmem>>, vector<16xi32>,
    %swap3A_852 = vector.shape_cast %swap3A_851 : vector<16xi32> to vector<16xi32>
    %swap3A_853 = vector.shape_cast %get3A_849 : vector<16xi32> to vector<16xi32>
    tpu.vector_store %arg11[%swap3A_850], %swap3A_853 {strides = array<i32>} : memref<112xi32, #tpu.memory_space<vmem>>, vector<16xi32>,
    %dma_start3A_854 = arith.constant 0 : i32
    %dma_start3A_855 = arith.constant 0 : i32
    %dma_start3A_856 = tpu.memref_slice %arg2[%dma_start3A_854, %dma_start3A_855] : memref<100000x128xf32, #tpu.memory_space<hbm>> -> memref<100000x128xf32, #tpu.memory_space<hbm>>
    tpu.enqueue_indirect_dma source(%dma_start3A_856 : memref<100000x128xf32, #tpu.memory_space<hbm>>) target(%arg14 : memref<112x128xf32, #tpu.memory_space<vmem>>) offsets(%arg8 : memref<112xi32, #tpu.memory_space<vmem>>) semaphore(%arg21 : memref<!tpu.dma_semaphore, #tpu.memory_space<semaphore_mem>>)
    %dma_start3A_857 = arith.constant 5 : i32
    %dma_start3A_858 = arith.constant 0 : i32
    %dma_start3A_859 = arith.constant 0 : i32
    %dma_start3A_860 = tpu.memref_slice %arg3[%add3A, %dma_start3A_857, %dma_start3A_858, %dma_start3A_859] : memref<32x90x3x112xi32, #tpu.memory_space<hbm>> -> memref<1x1x3x112xi32, #tpu.memory_space<hbm>>
    %dma_start3A_861 = tpu.memref_squeeze %dma_start3A_860 : memref<1x1x3x112xi32, #tpu.memory_space<hbm>> -> memref<3x112xi32, #tpu.memory_space<hbm>>
    %dma_start3A_862 = arith.constant 0 : i32
    %dma_start3A_863 = arith.constant 0 : i32
    %dma_start3A_864 = tpu.memref_slice %arg3[%add3A, %dma_start3A_857, %dma_start3A_862, %dma_start3A_863] : memref<32x90x3x112xi32, #tpu.memory_space<hbm>> -> memref<1x1x3x112xi32, #tpu.memory_space<hbm>>
    %dma_start3A_865 = tpu.memref_squeeze %dma_start3A_864 : memref<1x1x3x112xi32, #tpu.memory_space<hbm>> -> memref<3x112xi32, #tpu.memory_space<hbm>>
    tpu.enqueue_dma source(%dma_start3A_865 : memref<3x112xi32, #tpu.memory_space<hbm>>) target(%arg7 : memref<3x112xi32, #tpu.memory_space<vmem>>) target_semaphore(%arg20 : memref<!tpu.dma_semaphore, #tpu.memory_space<semaphore_mem>>)
    %dma_wait3A_866 = arith.constant 0 : i32
    %dma_wait3A_867 = arith.constant 0 : i32
    %dma_wait3A_868 = tpu.memref_slice %arg2[%dma_wait3A_866, %dma_wait3A_867] : memref<100000x128xf32, #tpu.memory_space<hbm>> -> memref<100000x128xf32, #tpu.memory_space<hbm>>
    tpu.wait_indirect_dma semaphore(%arg23 : memref<!tpu.dma_semaphore, #tpu.memory_space<semaphore_mem>>) src(%dma_wait3A_868 : memref<100000x128xf32, #tpu.memory_space<hbm>>) dst(%arg16 : memref<112x128xf32, #tpu.memory_space<vmem>>)
    %dma_start3A_869 = arith.constant 0 : i32
    %dma_start3A_870 = arith.constant 0 : i32
    %dma_start3A_871 = tpu.memref_slice %arg17[%dma_start3A_869, %dma_start3A_870] : memref<10008x128xf32, #tpu.memory_space<vmem_shared>> -> memref<10008x128xf32, #tpu.memory_space<vmem_shared>>
    tpu.enqueue_indirect_dma source(%arg16 : memref<112x128xf32, #tpu.memory_space<vmem>>) target(%dma_start3A_871 : memref<10008x128xf32, #tpu.memory_space<vmem_shared>>) offsets(%arg13 : memref<112xi32, #tpu.memory_space<vmem>>) semaphore(%arg26 : memref<!tpu.dma_semaphore, #tpu.memory_space<semaphore_mem>>) {add = true}
    %dma_wait3A_872 = arith.constant 4 : i32
    %dma_wait3A_873 = arith.constant 0 : i32
    %dma_wait3A_874 = arith.constant 0 : i32
    %dma_wait3A_875 = tpu.memref_slice %arg3[%add3A, %dma_wait3A_872, %dma_wait3A_873, %dma_wait3A_874] : memref<32x90x3x112xi32, #tpu.memory_space<hbm>> -> memref<1x1x3x112xi32, #tpu.memory_space<hbm>>
    %dma_wait3A_876 = tpu.memref_squeeze %dma_wait3A_875 : memref<1x1x3x112xi32, #tpu.memory_space<hbm>> -> memref<3x112xi32, #tpu.memory_space<hbm>>
    %dma_wait3A_877 = arith.constant 0 : i32
    %dma_wait3A_878 = arith.constant 0 : i32
    %dma_wait3A_879 = tpu.memref_slice %arg3[%add3A, %dma_wait3A_872, %dma_wait3A_877, %dma_wait3A_878] : memref<32x90x3x112xi32, #tpu.memory_space<hbm>> -> memref<1x1x3x112xi32, #tpu.memory_space<hbm>>
    %dma_wait3A_880 = tpu.memref_squeeze %dma_wait3A_879 : memref<1x1x3x112xi32, #tpu.memory_space<hbm>> -> memref<3x112xi32, #tpu.memory_space<hbm>>
    tpu.wait_dma2 semaphore(%arg19 : memref<!tpu.dma_semaphore, #tpu.memory_space<semaphore_mem>>) src(%dma_wait3A_880 : memref<3x112xi32, #tpu.memory_space<hbm>>) dst(%arg6 : memref<3x112xi32, #tpu.memory_space<vmem>>)
    %dma_wait3A_881 = arith.constant 0 : i32
    %dma_wait3A_882 = arith.constant 0 : i32
    %dma_wait3A_883 = tpu.memref_slice %arg17[%dma_wait3A_881, %dma_wait3A_882] : memref<10008x128xf32, #tpu.memory_space<vmem_shared>> -> memref<10008x128xf32, #tpu.memory_space<vmem_shared>>
    tpu.wait_indirect_dma semaphore(%arg25 : memref<!tpu.dma_semaphore, #tpu.memory_space<semaphore_mem>>) src(%arg15 : memref<112x128xf32, #tpu.memory_space<vmem>>) dst(%dma_wait3A_883 : memref<10008x128xf32, #tpu.memory_space<vmem_shared>>)
    %get3A_884 = arith.constant 1 : i32
    %get3A_885 = arith.index_cast %get3A_884 : i32 to index
    %get3A_886 = arith.constant 0 : index
    %get3A_887 = tpu.vector_load %arg6[%get3A_885, %get3A_886] {strides = array<i32>} : memref<3x112xi32, #tpu.memory_space<vmem>>, vector<1x16xi32>,
    %get3A_888 = vector.shape_cast %get3A_887 : vector<1x16xi32> to vector<16xi32>
    %mul3A_889 = arith.constant 10000 : i32
    %mul3A_890 = vector.broadcast %mul3A_889 : i32 to vector<16xi32>
    %mul3A_891 = arith.muli %get3A_888, %mul3A_890 : vector<16xi32>
    %get3A_892 = arith.constant 0 : i32
    %get3A_893 = arith.index_cast %get3A_892 : i32 to index
    %get3A_894 = arith.constant 0 : index
    %get3A_895 = tpu.vector_load %arg6[%get3A_893, %get3A_894] {strides = array<i32>} : memref<3x112xi32, #tpu.memory_space<vmem>>, vector<1x16xi32>,
    %get3A_896 = vector.shape_cast %get3A_895 : vector<1x16xi32> to vector<16xi32>
    %add3A_897 = arith.addi %mul3A_891, %get3A_896 : vector<16xi32>
    %swap3A_898 = arith.constant 0 : index
    %swap3A_899 = tpu.vector_load %arg9[%swap3A_898] {strides = array<i32>} : memref<112xi32, #tpu.memory_space<vmem>>, vector<16xi32>,
    %swap3A_900 = vector.shape_cast %swap3A_899 : vector<16xi32> to vector<16xi32>
    %swap3A_901 = vector.shape_cast %add3A_897 : vector<16xi32> to vector<16xi32>
    tpu.vector_store %arg9[%swap3A_898], %swap3A_901 {strides = array<i32>} : memref<112xi32, #tpu.memory_space<vmem>>, vector<16xi32>,
    %get3A_902 = arith.constant 2 : i32
    %get3A_903 = arith.index_cast %get3A_902 : i32 to index
    %get3A_904 = arith.constant 0 : index
    %get3A_905 = tpu.vector_load %arg6[%get3A_903, %get3A_904] {strides = array<i32>} : memref<3x112xi32, #tpu.memory_space<vmem>>, vector<1x16xi32>,
    %get3A_906 = vector.shape_cast %get3A_905 : vector<1x16xi32> to vector<16xi32>
    %swap3A_907 = arith.constant 0 : index
    %swap3A_908 = tpu.vector_load %arg12[%swap3A_907] {strides = array<i32>} : memref<112xi32, #tpu.memory_space<vmem>>, vector<16xi32>,
    %swap3A_909 = vector.shape_cast %swap3A_908 : vector<16xi32> to vector<16xi32>
    %swap3A_910 = vector.shape_cast %get3A_906 : vector<16xi32> to vector<16xi32>
    tpu.vector_store %arg12[%swap3A_907], %swap3A_910 {strides = array<i32>} : memref<112xi32, #tpu.memory_space<vmem>>, vector<16xi32>,
    %get3A_911 = arith.constant 1 : i32
    %get3A_912 = arith.index_cast %get3A_911 : i32 to index
    %get3A_913 = arith.constant 16 : index
    %get3A_914 = tpu.vector_load %arg6[%get3A_912, %get3A_913] {strides = array<i32>} : memref<3x112xi32, #tpu.memory_space<vmem>>, vector<1x16xi32>,
    %get3A_915 = vector.shape_cast %get3A_914 : vector<1x16xi32> to vector<16xi32>
    %mul3A_916 = arith.constant 10000 : i32
    %mul3A_917 = vector.broadcast %mul3A_916 : i32 to vector<16xi32>
    %mul3A_918 = arith.muli %get3A_915, %mul3A_917 : vector<16xi32>
    %get3A_919 = arith.constant 0 : i32
    %get3A_920 = arith.index_cast %get3A_919 : i32 to index
    %get3A_921 = arith.constant 16 : index
    %get3A_922 = tpu.vector_load %arg6[%get3A_920, %get3A_921] {strides = array<i32>} : memref<3x112xi32, #tpu.memory_space<vmem>>, vector<1x16xi32>,
    %get3A_923 = vector.shape_cast %get3A_922 : vector<1x16xi32> to vector<16xi32>
    %add3A_924 = arith.addi %mul3A_918, %get3A_923 : vector<16xi32>
    %swap3A_925 = arith.constant 16 : index
    %swap3A_926 = tpu.vector_load %arg9[%swap3A_925] {strides = array<i32>} : memref<112xi32, #tpu.memory_space<vmem>>, vector<16xi32>,
    %swap3A_927 = vector.shape_cast %swap3A_926 : vector<16xi32> to vector<16xi32>
    %swap3A_928 = vector.shape_cast %add3A_924 : vector<16xi32> to vector<16xi32>
    tpu.vector_store %arg9[%swap3A_925], %swap3A_928 {strides = array<i32>} : memref<112xi32, #tpu.memory_space<vmem>>, vector<16xi32>,
    %get3A_929 = arith.constant 2 : i32
    %get3A_930 = arith.index_cast %get3A_929 : i32 to index
    %get3A_931 = arith.constant 16 : index
    %get3A_932 = tpu.vector_load %arg6[%get3A_930, %get3A_931] {strides = array<i32>} : memref<3x112xi32, #tpu.memory_space<vmem>>, vector<1x16xi32>,
    %get3A_933 = vector.shape_cast %get3A_932 : vector<1x16xi32> to vector<16xi32>
    %swap3A_934 = arith.constant 16 : index
    %swap3A_935 = tpu.vector_load %arg12[%swap3A_934] {strides = array<i32>} : memref<112xi32, #tpu.memory_space<vmem>>, vector<16xi32>,
    %swap3A_936 = vector.shape_cast %swap3A_935 : vector<16xi32> to vector<16xi32>
    %swap3A_937 = vector.shape_cast %get3A_933 : vector<16xi32> to vector<16xi32>
    tpu.vector_store %arg12[%swap3A_934], %swap3A_937 {strides = array<i32>} : memref<112xi32, #tpu.memory_space<vmem>>, vector<16xi32>,
    %get3A_938 = arith.constant 1 : i32
    %get3A_939 = arith.index_cast %get3A_938 : i32 to index
    %get3A_940 = arith.constant 32 : index
    %get3A_941 = tpu.vector_load %arg6[%get3A_939, %get3A_940] {strides = array<i32>} : memref<3x112xi32, #tpu.memory_space<vmem>>, vector<1x16xi32>,
    %get3A_942 = vector.shape_cast %get3A_941 : vector<1x16xi32> to vector<16xi32>
    %mul3A_943 = arith.constant 10000 : i32
    %mul3A_944 = vector.broadcast %mul3A_943 : i32 to vector<16xi32>
    %mul3A_945 = arith.muli %get3A_942, %mul3A_944 : vector<16xi32>
    %get3A_946 = arith.constant 0 : i32
    %get3A_947 = arith.index_cast %get3A_946 : i32 to index
    %get3A_948 = arith.constant 32 : index
    %get3A_949 = tpu.vector_load %arg6[%get3A_947, %get3A_948] {strides = array<i32>} : memref<3x112xi32, #tpu.memory_space<vmem>>, vector<1x16xi32>,
    %get3A_950 = vector.shape_cast %get3A_949 : vector<1x16xi32> to vector<16xi32>
    %add3A_951 = arith.addi %mul3A_945, %get3A_950 : vector<16xi32>
    %swap3A_952 = arith.constant 32 : index
    %swap3A_953 = tpu.vector_load %arg9[%swap3A_952] {strides = array<i32>} : memref<112xi32, #tpu.memory_space<vmem>>, vector<16xi32>,
    %swap3A_954 = vector.shape_cast %swap3A_953 : vector<16xi32> to vector<16xi32>
    %swap3A_955 = vector.shape_cast %add3A_951 : vector<16xi32> to vector<16xi32>
    tpu.vector_store %arg9[%swap3A_952], %swap3A_955 {strides = array<i32>} : memref<112xi32, #tpu.memory_space<vmem>>, vector<16xi32>,
    %get3A_956 = arith.constant 2 : i32
    %get3A_957 = arith.index_cast %get3A_956 : i32 to index
    %get3A_958 = arith.constant 32 : index
    %get3A_959 = tpu.vector_load %arg6[%get3A_957, %get3A_958] {strides = array<i32>} : memref<3x112xi32, #tpu.memory_space<vmem>>, vector<1x16xi32>,
    %get3A_960 = vector.shape_cast %get3A_959 : vector<1x16xi32> to vector<16xi32>
    %swap3A_961 = arith.constant 32 : index
    %swap3A_962 = tpu.vector_load %arg12[%swap3A_961] {strides = array<i32>} : memref<112xi32, #tpu.memory_space<vmem>>, vector<16xi32>,
    %swap3A_963 = vector.shape_cast %swap3A_962 : vector<16xi32> to vector<16xi32>
    %swap3A_964 = vector.shape_cast %get3A_960 : vector<16xi32> to vector<16xi32>
    tpu.vector_store %arg12[%swap3A_961], %swap3A_964 {strides = array<i32>} : memref<112xi32, #tpu.memory_space<vmem>>, vector<16xi32>,
    %get3A_965 = arith.constant 1 : i32
    %get3A_966 = arith.index_cast %get3A_965 : i32 to index
    %get3A_967 = arith.constant 48 : index
    %get3A_968 = tpu.vector_load %arg6[%get3A_966, %get3A_967] {strides = array<i32>} : memref<3x112xi32, #tpu.memory_space<vmem>>, vector<1x16xi32>,
    %get3A_969 = vector.shape_cast %get3A_968 : vector<1x16xi32> to vector<16xi32>
    %mul3A_970 = arith.constant 10000 : i32
    %mul3A_971 = vector.broadcast %mul3A_970 : i32 to vector<16xi32>
    %mul3A_972 = arith.muli %get3A_969, %mul3A_971 : vector<16xi32>
    %get3A_973 = arith.constant 0 : i32
    %get3A_974 = arith.index_cast %get3A_973 : i32 to index
    %get3A_975 = arith.constant 48 : index
    %get3A_976 = tpu.vector_load %arg6[%get3A_974, %get3A_975] {strides = array<i32>} : memref<3x112xi32, #tpu.memory_space<vmem>>, vector<1x16xi32>,
    %get3A_977 = vector.shape_cast %get3A_976 : vector<1x16xi32> to vector<16xi32>
    %add3A_978 = arith.addi %mul3A_972, %get3A_977 : vector<16xi32>
    %swap3A_979 = arith.constant 48 : index
    %swap3A_980 = tpu.vector_load %arg9[%swap3A_979] {strides = array<i32>} : memref<112xi32, #tpu.memory_space<vmem>>, vector<16xi32>,
    %swap3A_981 = vector.shape_cast %swap3A_980 : vector<16xi32> to vector<16xi32>
    %swap3A_982 = vector.shape_cast %add3A_978 : vector<16xi32> to vector<16xi32>
    tpu.vector_store %arg9[%swap3A_979], %swap3A_982 {strides = array<i32>} : memref<112xi32, #tpu.memory_space<vmem>>, vector<16xi32>,
    %get3A_983 = arith.constant 2 : i32
    %get3A_984 = arith.index_cast %get3A_983 : i32 to index
    %get3A_985 = arith.constant 48 : index
    %get3A_986 = tpu.vector_load %arg6[%get3A_984, %get3A_985] {strides = array<i32>} : memref<3x112xi32, #tpu.memory_space<vmem>>, vector<1x16xi32>,
    %get3A_987 = vector.shape_cast %get3A_986 : vector<1x16xi32> to vector<16xi32>
    %swap3A_988 = arith.constant 48 : index
    %swap3A_989 = tpu.vector_load %arg12[%swap3A_988] {strides = array<i32>} : memref<112xi32, #tpu.memory_space<vmem>>, vector<16xi32>,
    %swap3A_990 = vector.shape_cast %swap3A_989 : vector<16xi32> to vector<16xi32>
    %swap3A_991 = vector.shape_cast %get3A_987 : vector<16xi32> to vector<16xi32>
    tpu.vector_store %arg12[%swap3A_988], %swap3A_991 {strides = array<i32>} : memref<112xi32, #tpu.memory_space<vmem>>, vector<16xi32>,
    %get3A_992 = arith.constant 1 : i32
    %get3A_993 = arith.index_cast %get3A_992 : i32 to index
    %get3A_994 = arith.constant 64 : index
    %get3A_995 = tpu.vector_load %arg6[%get3A_993, %get3A_994] {strides = array<i32>} : memref<3x112xi32, #tpu.memory_space<vmem>>, vector<1x16xi32>,
    %get3A_996 = vector.shape_cast %get3A_995 : vector<1x16xi32> to vector<16xi32>
    %mul3A_997 = arith.constant 10000 : i32
    %mul3A_998 = vector.broadcast %mul3A_997 : i32 to vector<16xi32>
    %mul3A_999 = arith.muli %get3A_996, %mul3A_998 : vector<16xi32>
    %get3A_1000 = arith.constant 0 : i32
    %get3A_1001 = arith.index_cast %get3A_1000 : i32 to index
    %get3A_1002 = arith.constant 64 : index
    %get3A_1003 = tpu.vector_load %arg6[%get3A_1001, %get3A_1002] {strides = array<i32>} : memref<3x112xi32, #tpu.memory_space<vmem>>, vector<1x16xi32>,
    %get3A_1004 = vector.shape_cast %get3A_1003 : vector<1x16xi32> to vector<16xi32>
    %add3A_1005 = arith.addi %mul3A_999, %get3A_1004 : vector<16xi32>
    %swap3A_1006 = arith.constant 64 : index
    %swap3A_1007 = tpu.vector_load %arg9[%swap3A_1006] {strides = array<i32>} : memref<112xi32, #tpu.memory_space<vmem>>, vector<16xi32>,
    %swap3A_1008 = vector.shape_cast %swap3A_1007 : vector<16xi32> to vector<16xi32>
    %swap3A_1009 = vector.shape_cast %add3A_1005 : vector<16xi32> to vector<16xi32>
    tpu.vector_store %arg9[%swap3A_1006], %swap3A_1009 {strides = array<i32>} : memref<112xi32, #tpu.memory_space<vmem>>, vector<16xi32>,
    %get3A_1010 = arith.constant 2 : i32
    %get3A_1011 = arith.index_cast %get3A_1010 : i32 to index
    %get3A_1012 = arith.constant 64 : index
    %get3A_1013 = tpu.vector_load %arg6[%get3A_1011, %get3A_1012] {strides = array<i32>} : memref<3x112xi32, #tpu.memory_space<vmem>>, vector<1x16xi32>,
    %get3A_1014 = vector.shape_cast %get3A_1013 : vector<1x16xi32> to vector<16xi32>
    %swap3A_1015 = arith.constant 64 : index
    %swap3A_1016 = tpu.vector_load %arg12[%swap3A_1015] {strides = array<i32>} : memref<112xi32, #tpu.memory_space<vmem>>, vector<16xi32>,
    %swap3A_1017 = vector.shape_cast %swap3A_1016 : vector<16xi32> to vector<16xi32>
    %swap3A_1018 = vector.shape_cast %get3A_1014 : vector<16xi32> to vector<16xi32>
    tpu.vector_store %arg12[%swap3A_1015], %swap3A_1018 {strides = array<i32>} : memref<112xi32, #tpu.memory_space<vmem>>, vector<16xi32>,
    %get3A_1019 = arith.constant 1 : i32
    %get3A_1020 = arith.index_cast %get3A_1019 : i32 to index
    %get3A_1021 = arith.constant 80 : index
    %get3A_1022 = tpu.vector_load %arg6[%get3A_1020, %get3A_1021] {strides = array<i32>} : memref<3x112xi32, #tpu.memory_space<vmem>>, vector<1x16xi32>,
    %get3A_1023 = vector.shape_cast %get3A_1022 : vector<1x16xi32> to vector<16xi32>
    %mul3A_1024 = arith.constant 10000 : i32
    %mul3A_1025 = vector.broadcast %mul3A_1024 : i32 to vector<16xi32>
    %mul3A_1026 = arith.muli %get3A_1023, %mul3A_1025 : vector<16xi32>
    %get3A_1027 = arith.constant 0 : i32
    %get3A_1028 = arith.index_cast %get3A_1027 : i32 to index
    %get3A_1029 = arith.constant 80 : index
    %get3A_1030 = tpu.vector_load %arg6[%get3A_1028, %get3A_1029] {strides = array<i32>} : memref<3x112xi32, #tpu.memory_space<vmem>>, vector<1x16xi32>,
    %get3A_1031 = vector.shape_cast %get3A_1030 : vector<1x16xi32> to vector<16xi32>
    %add3A_1032 = arith.addi %mul3A_1026, %get3A_1031 : vector<16xi32>
    %swap3A_1033 = arith.constant 80 : index
    %swap3A_1034 = tpu.vector_load %arg9[%swap3A_1033] {strides = array<i32>} : memref<112xi32, #tpu.memory_space<vmem>>, vector<16xi32>,
    %swap3A_1035 = vector.shape_cast %swap3A_1034 : vector<16xi32> to vector<16xi32>
    %swap3A_1036 = vector.shape_cast %add3A_1032 : vector<16xi32> to vector<16xi32>
    tpu.vector_store %arg9[%swap3A_1033], %swap3A_1036 {strides = array<i32>} : memref<112xi32, #tpu.memory_space<vmem>>, vector<16xi32>,
    %get3A_1037 = arith.constant 2 : i32
    %get3A_1038 = arith.index_cast %get3A_1037 : i32 to index
    %get3A_1039 = arith.constant 80 : index
    %get3A_1040 = tpu.vector_load %arg6[%get3A_1038, %get3A_1039] {strides = array<i32>} : memref<3x112xi32, #tpu.memory_space<vmem>>, vector<1x16xi32>,
    %get3A_1041 = vector.shape_cast %get3A_1040 : vector<1x16xi32> to vector<16xi32>
    %swap3A_1042 = arith.constant 80 : index
    %swap3A_1043 = tpu.vector_load %arg12[%swap3A_1042] {strides = array<i32>} : memref<112xi32, #tpu.memory_space<vmem>>, vector<16xi32>,
    %swap3A_1044 = vector.shape_cast %swap3A_1043 : vector<16xi32> to vector<16xi32>
    %swap3A_1045 = vector.shape_cast %get3A_1041 : vector<16xi32> to vector<16xi32>
    tpu.vector_store %arg12[%swap3A_1042], %swap3A_1045 {strides = array<i32>} : memref<112xi32, #tpu.memory_space<vmem>>, vector<16xi32>,
    %get3A_1046 = arith.constant 1 : i32
    %get3A_1047 = arith.index_cast %get3A_1046 : i32 to index
    %get3A_1048 = arith.constant 96 : index
    %get3A_1049 = tpu.vector_load %arg6[%get3A_1047, %get3A_1048] {strides = array<i32>} : memref<3x112xi32, #tpu.memory_space<vmem>>, vector<1x16xi32>,
    %get3A_1050 = vector.shape_cast %get3A_1049 : vector<1x16xi32> to vector<16xi32>
    %mul3A_1051 = arith.constant 10000 : i32
    %mul3A_1052 = vector.broadcast %mul3A_1051 : i32 to vector<16xi32>
    %mul3A_1053 = arith.muli %get3A_1050, %mul3A_1052 : vector<16xi32>
    %get3A_1054 = arith.constant 0 : i32
    %get3A_1055 = arith.index_cast %get3A_1054 : i32 to index
    %get3A_1056 = arith.constant 96 : index
    %get3A_1057 = tpu.vector_load %arg6[%get3A_1055, %get3A_1056] {strides = array<i32>} : memref<3x112xi32, #tpu.memory_space<vmem>>, vector<1x16xi32>,
    %get3A_1058 = vector.shape_cast %get3A_1057 : vector<1x16xi32> to vector<16xi32>
    %add3A_1059 = arith.addi %mul3A_1053, %get3A_1058 : vector<16xi32>
    %swap3A_1060 = arith.constant 96 : index
    %swap3A_1061 = tpu.vector_load %arg9[%swap3A_1060] {strides = array<i32>} : memref<112xi32, #tpu.memory_space<vmem>>, vector<16xi32>,
    %swap3A_1062 = vector.shape_cast %swap3A_1061 : vector<16xi32> to vector<16xi32>
    %swap3A_1063 = vector.shape_cast %add3A_1059 : vector<16xi32> to vector<16xi32>
    tpu.vector_store %arg9[%swap3A_1060], %swap3A_1063 {strides = array<i32>} : memref<112xi32, #tpu.memory_space<vmem>>, vector<16xi32>,
    %get3A_1064 = arith.constant 2 : i32
    %get3A_1065 = arith.index_cast %get3A_1064 : i32 to index
    %get3A_1066 = arith.constant 96 : index
    %get3A_1067 = tpu.vector_load %arg6[%get3A_1065, %get3A_1066] {strides = array<i32>} : memref<3x112xi32, #tpu.memory_space<vmem>>, vector<1x16xi32>,
    %get3A_1068 = vector.shape_cast %get3A_1067 : vector<1x16xi32> to vector<16xi32>
    %swap3A_1069 = arith.constant 96 : index
    %swap3A_1070 = tpu.vector_load %arg12[%swap3A_1069] {strides = array<i32>} : memref<112xi32, #tpu.memory_space<vmem>>, vector<16xi32>,
    %swap3A_1071 = vector.shape_cast %swap3A_1070 : vector<16xi32> to vector<16xi32>
    %swap3A_1072 = vector.shape_cast %get3A_1068 : vector<16xi32> to vector<16xi32>
    tpu.vector_store %arg12[%swap3A_1069], %swap3A_1072 {strides = array<i32>} : memref<112xi32, #tpu.memory_space<vmem>>, vector<16xi32>,
    %dma_start3A_1073 = arith.constant 0 : i32
    %dma_start3A_1074 = arith.constant 0 : i32
    %dma_start3A_1075 = tpu.memref_slice %arg2[%dma_start3A_1073, %dma_start3A_1074] : memref<100000x128xf32, #tpu.memory_space<hbm>> -> memref<100000x128xf32, #tpu.memory_space<hbm>>
    tpu.enqueue_indirect_dma source(%dma_start3A_1075 : memref<100000x128xf32, #tpu.memory_space<hbm>>) target(%arg15 : memref<112x128xf32, #tpu.memory_space<vmem>>) offsets(%arg9 : memref<112xi32, #tpu.memory_space<vmem>>) semaphore(%arg22 : memref<!tpu.dma_semaphore, #tpu.memory_space<semaphore_mem>>)
    %dma_start3A_1076 = arith.constant 6 : i32
    %dma_start3A_1077 = arith.constant 0 : i32
    %dma_start3A_1078 = arith.constant 0 : i32
    %dma_start3A_1079 = tpu.memref_slice %arg3[%add3A, %dma_start3A_1076, %dma_start3A_1077, %dma_start3A_1078] : memref<32x90x3x112xi32, #tpu.memory_space<hbm>> -> memref<1x1x3x112xi32, #tpu.memory_space<hbm>>
    %dma_start3A_1080 = tpu.memref_squeeze %dma_start3A_1079 : memref<1x1x3x112xi32, #tpu.memory_space<hbm>> -> memref<3x112xi32, #tpu.memory_space<hbm>>
    %dma_start3A_1081 = arith.constant 0 : i32
    %dma_start3A_1082 = arith.constant 0 : i32
    %dma_start3A_1083 = tpu.memref_slice %arg3[%add3A, %dma_start3A_1076, %dma_start3A_1081, %dma_start3A_1082] : memref<32x90x3x112xi32, #tpu.memory_space<hbm>> -> memref<1x1x3x112xi32, #tpu.memory_space<hbm>>
    %dma_start3A_1084 = tpu.memref_squeeze %dma_start3A_1083 : memref<1x1x3x112xi32, #tpu.memory_space<hbm>> -> memref<3x112xi32, #tpu.memory_space<hbm>>
    tpu.enqueue_dma source(%dma_start3A_1084 : memref<3x112xi32, #tpu.memory_space<hbm>>) target(%arg5 : memref<3x112xi32, #tpu.memory_space<vmem>>) target_semaphore(%arg18 : memref<!tpu.dma_semaphore, #tpu.memory_space<semaphore_mem>>)
    %scan3A_1085 = arith.constant 0 : i32
    %scan3A_1086 = arith.constant 1 : i32
    %scan3A_1087 = arith.constant 27 : i32
    %scan3A_1088 = arith.addi %scan3A_1086, %scan3A_1087 : i32
    %scan3A_1089 = arith.constant 1 : i32
    scf.for %scan3A_1981 = %scan3A_1086 to %scan3A_1088 step %scan3A_1089  : i32 {
      %mul3A_1982 = arith.constant 3 : i32
      %mul3A_1983 = arith.muli %mul3A_1982, %scan3A_1981 : i32
      %dma_wait3A_1984 = arith.constant 0 : i32
      %dma_wait3A_1985 = arith.constant 0 : i32
      %dma_wait3A_1986 = tpu.memref_slice %arg2[%dma_wait3A_1984, %dma_wait3A_1985] : memref<100000x128xf32, #tpu.memory_space<hbm>> -> memref<100000x128xf32, #tpu.memory_space<hbm>>
      tpu.wait_indirect_dma semaphore(%arg21 : memref<!tpu.dma_semaphore, #tpu.memory_space<semaphore_mem>>) src(%dma_wait3A_1986 : memref<100000x128xf32, #tpu.memory_space<hbm>>) dst(%arg14 : memref<112x128xf32, #tpu.memory_space<vmem>>)
      %dma_start3A_1987 = arith.constant 0 : i32
      %dma_start3A_1988 = arith.constant 0 : i32
      %dma_start3A_1989 = tpu.memref_slice %arg17[%dma_start3A_1987, %dma_start3A_1988] : memref<10008x128xf32, #tpu.memory_space<vmem_shared>> -> memref<10008x128xf32, #tpu.memory_space<vmem_shared>>
      tpu.enqueue_indirect_dma source(%arg14 : memref<112x128xf32, #tpu.memory_space<vmem>>) target(%dma_start3A_1989 : memref<10008x128xf32, #tpu.memory_space<vmem_shared>>) offsets(%arg11 : memref<112xi32, #tpu.memory_space<vmem>>) semaphore(%arg24 : memref<!tpu.dma_semaphore, #tpu.memory_space<semaphore_mem>>) {add = true}
      %add3A_1990 = arith.constant 2 : i32
      %add3A_1991 = arith.addi %mul3A_1983, %add3A_1990 : i32
      %dma_wait3A_1992 = arith.constant 0 : i32
      %dma_wait3A_1993 = arith.constant 0 : i32
      %dma_wait3A_1994 = tpu.memref_slice %arg3[%add3A, %add3A_1991, %dma_wait3A_1992, %dma_wait3A_1993] : memref<32x90x3x112xi32, #tpu.memory_space<hbm>> -> memref<1x1x3x112xi32, #tpu.memory_space<hbm>>
      %dma_wait3A_1995 = tpu.memref_squeeze %dma_wait3A_1994 : memref<1x1x3x112xi32, #tpu.memory_space<hbm>> -> memref<3x112xi32, #tpu.memory_space<hbm>>
      %dma_wait3A_1996 = arith.constant 0 : i32
      %dma_wait3A_1997 = arith.constant 0 : i32
      %dma_wait3A_1998 = tpu.memref_slice %arg3[%add3A, %add3A_1991, %dma_wait3A_1996, %dma_wait3A_1997] : memref<32x90x3x112xi32, #tpu.memory_space<hbm>> -> memref<1x1x3x112xi32, #tpu.memory_space<hbm>>
      %dma_wait3A_1999 = tpu.memref_squeeze %dma_wait3A_1998 : memref<1x1x3x112xi32, #tpu.memory_space<hbm>> -> memref<3x112xi32, #tpu.memory_space<hbm>>
      tpu.wait_dma2 semaphore(%arg20 : memref<!tpu.dma_semaphore, #tpu.memory_space<semaphore_mem>>) src(%dma_wait3A_1999 : memref<3x112xi32, #tpu.memory_space<hbm>>) dst(%arg7 : memref<3x112xi32, #tpu.memory_space<vmem>>)
      %dma_wait3A_2000 = arith.constant 0 : i32
      %dma_wait3A_2001 = arith.constant 0 : i32
      %dma_wait3A_2002 = tpu.memref_slice %arg17[%dma_wait3A_2000, %dma_wait3A_2001] : memref<10008x128xf32, #tpu.memory_space<vmem_shared>> -> memref<10008x128xf32, #tpu.memory_space<vmem_shared>>
      tpu.wait_indirect_dma semaphore(%arg26 : memref<!tpu.dma_semaphore, #tpu.memory_space<semaphore_mem>>) src(%arg16 : memref<112x128xf32, #tpu.memory_space<vmem>>) dst(%dma_wait3A_2002 : memref<10008x128xf32, #tpu.memory_space<vmem_shared>>)
      %get3A_2003 = arith.constant 1 : i32
      %get3A_2004 = arith.index_cast %get3A_2003 : i32 to index
      %get3A_2005 = arith.constant 0 : index
      %get3A_2006 = tpu.vector_load %arg7[%get3A_2004, %get3A_2005] {strides = array<i32>} : memref<3x112xi32, #tpu.memory_space<vmem>>, vector<1x16xi32>,
      %get3A_2007 = vector.shape_cast %get3A_2006 : vector<1x16xi32> to vector<16xi32>
      %mul3A_2008 = arith.constant 10000 : i32
      %mul3A_2009 = vector.broadcast %mul3A_2008 : i32 to vector<16xi32>
      %mul3A_2010 = arith.muli %get3A_2007, %mul3A_2009 : vector<16xi32>
      %get3A_2011 = arith.constant 0 : i32
      %get3A_2012 = arith.index_cast %get3A_2011 : i32 to index
      %get3A_2013 = arith.constant 0 : index
      %get3A_2014 = tpu.vector_load %arg7[%get3A_2012, %get3A_2013] {strides = array<i32>} : memref<3x112xi32, #tpu.memory_space<vmem>>, vector<1x16xi32>,
      %get3A_2015 = vector.shape_cast %get3A_2014 : vector<1x16xi32> to vector<16xi32>
      %add3A_2016 = arith.addi %mul3A_2010, %get3A_2015 : vector<16xi32>
      %swap3A_2017 = arith.constant 0 : index
      %swap3A_2018 = tpu.vector_load %arg10[%swap3A_2017] {strides = array<i32>} : memref<112xi32, #tpu.memory_space<vmem>>, vector<16xi32>,
      %swap3A_2019 = vector.shape_cast %swap3A_2018 : vector<16xi32> to vector<16xi32>
      %swap3A_2020 = vector.shape_cast %add3A_2016 : vector<16xi32> to vector<16xi32>
      tpu.vector_store %arg10[%swap3A_2017], %swap3A_2020 {strides = array<i32>} : memref<112xi32, #tpu.memory_space<vmem>>, vector<16xi32>,
      %get3A_2021 = arith.constant 2 : i32
      %get3A_2022 = arith.index_cast %get3A_2021 : i32 to index
      %get3A_2023 = arith.constant 0 : index
      %get3A_2024 = tpu.vector_load %arg7[%get3A_2022, %get3A_2023] {strides = array<i32>} : memref<3x112xi32, #tpu.memory_space<vmem>>, vector<1x16xi32>,
      %get3A_2025 = vector.shape_cast %get3A_2024 : vector<1x16xi32> to vector<16xi32>
      %swap3A_2026 = arith.constant 0 : index
      %swap3A_2027 = tpu.vector_load %arg13[%swap3A_2026] {strides = array<i32>} : memref<112xi32, #tpu.memory_space<vmem>>, vector<16xi32>,
      %swap3A_2028 = vector.shape_cast %swap3A_2027 : vector<16xi32> to vector<16xi32>
      %swap3A_2029 = vector.shape_cast %get3A_2025 : vector<16xi32> to vector<16xi32>
      tpu.vector_store %arg13[%swap3A_2026], %swap3A_2029 {strides = array<i32>} : memref<112xi32, #tpu.memory_space<vmem>>, vector<16xi32>,
      %get3A_2030 = arith.constant 1 : i32
      %get3A_2031 = arith.index_cast %get3A_2030 : i32 to index
      %get3A_2032 = arith.constant 16 : index
      %get3A_2033 = tpu.vector_load %arg7[%get3A_2031, %get3A_2032] {strides = array<i32>} : memref<3x112xi32, #tpu.memory_space<vmem>>, vector<1x16xi32>,
      %get3A_2034 = vector.shape_cast %get3A_2033 : vector<1x16xi32> to vector<16xi32>
      %mul3A_2035 = arith.constant 10000 : i32
      %mul3A_2036 = vector.broadcast %mul3A_2035 : i32 to vector<16xi32>
      %mul3A_2037 = arith.muli %get3A_2034, %mul3A_2036 : vector<16xi32>
      %get3A_2038 = arith.constant 0 : i32
      %get3A_2039 = arith.index_cast %get3A_2038 : i32 to index
      %get3A_2040 = arith.constant 16 : index
      %get3A_2041 = tpu.vector_load %arg7[%get3A_2039, %get3A_2040] {strides = array<i32>} : memref<3x112xi32, #tpu.memory_space<vmem>>, vector<1x16xi32>,
      %get3A_2042 = vector.shape_cast %get3A_2041 : vector<1x16xi32> to vector<16xi32>
      %add3A_2043 = arith.addi %mul3A_2037, %get3A_2042 : vector<16xi32>
      %swap3A_2044 = arith.constant 16 : index
      %swap3A_2045 = tpu.vector_load %arg10[%swap3A_2044] {strides = array<i32>} : memref<112xi32, #tpu.memory_space<vmem>>, vector<16xi32>,
      %swap3A_2046 = vector.shape_cast %swap3A_2045 : vector<16xi32> to vector<16xi32>
      %swap3A_2047 = vector.shape_cast %add3A_2043 : vector<16xi32> to vector<16xi32>
      tpu.vector_store %arg10[%swap3A_2044], %swap3A_2047 {strides = array<i32>} : memref<112xi32, #tpu.memory_space<vmem>>, vector<16xi32>,
      %get3A_2048 = arith.constant 2 : i32
      %get3A_2049 = arith.index_cast %get3A_2048 : i32 to index
      %get3A_2050 = arith.constant 16 : index
      %get3A_2051 = tpu.vector_load %arg7[%get3A_2049, %get3A_2050] {strides = array<i32>} : memref<3x112xi32, #tpu.memory_space<vmem>>, vector<1x16xi32>,
      %get3A_2052 = vector.shape_cast %get3A_2051 : vector<1x16xi32> to vector<16xi32>
      %swap3A_2053 = arith.constant 16 : index
      %swap3A_2054 = tpu.vector_load %arg13[%swap3A_2053] {strides = array<i32>} : memref<112xi32, #tpu.memory_space<vmem>>, vector<16xi32>,
      %swap3A_2055 = vector.shape_cast %swap3A_2054 : vector<16xi32> to vector<16xi32>
      %swap3A_2056 = vector.shape_cast %get3A_2052 : vector<16xi32> to vector<16xi32>
      tpu.vector_store %arg13[%swap3A_2053], %swap3A_2056 {strides = array<i32>} : memref<112xi32, #tpu.memory_space<vmem>>, vector<16xi32>,
      %get3A_2057 = arith.constant 1 : i32
      %get3A_2058 = arith.index_cast %get3A_2057 : i32 to index
      %get3A_2059 = arith.constant 32 : index
      %get3A_2060 = tpu.vector_load %arg7[%get3A_2058, %get3A_2059] {strides = array<i32>} : memref<3x112xi32, #tpu.memory_space<vmem>>, vector<1x16xi32>,
      %get3A_2061 = vector.shape_cast %get3A_2060 : vector<1x16xi32> to vector<16xi32>
      %mul3A_2062 = arith.constant 10000 : i32
      %mul3A_2063 = vector.broadcast %mul3A_2062 : i32 to vector<16xi32>
      %mul3A_2064 = arith.muli %get3A_2061, %mul3A_2063 : vector<16xi32>
      %get3A_2065 = arith.constant 0 : i32
      %get3A_2066 = arith.index_cast %get3A_2065 : i32 to index
      %get3A_2067 = arith.constant 32 : index
      %get3A_2068 = tpu.vector_load %arg7[%get3A_2066, %get3A_2067] {strides = array<i32>} : memref<3x112xi32, #tpu.memory_space<vmem>>, vector<1x16xi32>,
      %get3A_2069 = vector.shape_cast %get3A_2068 : vector<1x16xi32> to vector<16xi32>
      %add3A_2070 = arith.addi %mul3A_2064, %get3A_2069 : vector<16xi32>
      %swap3A_2071 = arith.constant 32 : index
      %swap3A_2072 = tpu.vector_load %arg10[%swap3A_2071] {strides = array<i32>} : memref<112xi32, #tpu.memory_space<vmem>>, vector<16xi32>,
      %swap3A_2073 = vector.shape_cast %swap3A_2072 : vector<16xi32> to vector<16xi32>
      %swap3A_2074 = vector.shape_cast %add3A_2070 : vector<16xi32> to vector<16xi32>
      tpu.vector_store %arg10[%swap3A_2071], %swap3A_2074 {strides = array<i32>} : memref<112xi32, #tpu.memory_space<vmem>>, vector<16xi32>,
      %get3A_2075 = arith.constant 2 : i32
      %get3A_2076 = arith.index_cast %get3A_2075 : i32 to index
      %get3A_2077 = arith.constant 32 : index
      %get3A_2078 = tpu.vector_load %arg7[%get3A_2076, %get3A_2077] {strides = array<i32>} : memref<3x112xi32, #tpu.memory_space<vmem>>, vector<1x16xi32>,
      %get3A_2079 = vector.shape_cast %get3A_2078 : vector<1x16xi32> to vector<16xi32>
      %swap3A_2080 = arith.constant 32 : index
      %swap3A_2081 = tpu.vector_load %arg13[%swap3A_2080] {strides = array<i32>} : memref<112xi32, #tpu.memory_space<vmem>>, vector<16xi32>,
      %swap3A_2082 = vector.shape_cast %swap3A_2081 : vector<16xi32> to vector<16xi32>
      %swap3A_2083 = vector.shape_cast %get3A_2079 : vector<16xi32> to vector<16xi32>
      tpu.vector_store %arg13[%swap3A_2080], %swap3A_2083 {strides = array<i32>} : memref<112xi32, #tpu.memory_space<vmem>>, vector<16xi32>,
      %get3A_2084 = arith.constant 1 : i32
      %get3A_2085 = arith.index_cast %get3A_2084 : i32 to index
      %get3A_2086 = arith.constant 48 : index
      %get3A_2087 = tpu.vector_load %arg7[%get3A_2085, %get3A_2086] {strides = array<i32>} : memref<3x112xi32, #tpu.memory_space<vmem>>, vector<1x16xi32>,
      %get3A_2088 = vector.shape_cast %get3A_2087 : vector<1x16xi32> to vector<16xi32>
      %mul3A_2089 = arith.constant 10000 : i32
      %mul3A_2090 = vector.broadcast %mul3A_2089 : i32 to vector<16xi32>
      %mul3A_2091 = arith.muli %get3A_2088, %mul3A_2090 : vector<16xi32>
      %get3A_2092 = arith.constant 0 : i32
      %get3A_2093 = arith.index_cast %get3A_2092 : i32 to index
      %get3A_2094 = arith.constant 48 : index
      %get3A_2095 = tpu.vector_load %arg7[%get3A_2093, %get3A_2094] {strides = array<i32>} : memref<3x112xi32, #tpu.memory_space<vmem>>, vector<1x16xi32>,
      %get3A_2096 = vector.shape_cast %get3A_2095 : vector<1x16xi32> to vector<16xi32>
      %add3A_2097 = arith.addi %mul3A_2091, %get3A_2096 : vector<16xi32>
      %swap3A_2098 = arith.constant 48 : index
      %swap3A_2099 = tpu.vector_load %arg10[%swap3A_2098] {strides = array<i32>} : memref<112xi32, #tpu.memory_space<vmem>>, vector<16xi32>,
      %swap3A_2100 = vector.shape_cast %swap3A_2099 : vector<16xi32> to vector<16xi32>
      %swap3A_2101 = vector.shape_cast %add3A_2097 : vector<16xi32> to vector<16xi32>
      tpu.vector_store %arg10[%swap3A_2098], %swap3A_2101 {strides = array<i32>} : memref<112xi32, #tpu.memory_space<vmem>>, vector<16xi32>,
      %get3A_2102 = arith.constant 2 : i32
      %get3A_2103 = arith.index_cast %get3A_2102 : i32 to index
      %get3A_2104 = arith.constant 48 : index
      %get3A_2105 = tpu.vector_load %arg7[%get3A_2103, %get3A_2104] {strides = array<i32>} : memref<3x112xi32, #tpu.memory_space<vmem>>, vector<1x16xi32>,
      %get3A_2106 = vector.shape_cast %get3A_2105 : vector<1x16xi32> to vector<16xi32>
      %swap3A_2107 = arith.constant 48 : index
      %swap3A_2108 = tpu.vector_load %arg13[%swap3A_2107] {strides = array<i32>} : memref<112xi32, #tpu.memory_space<vmem>>, vector<16xi32>,
      %swap3A_2109 = vector.shape_cast %swap3A_2108 : vector<16xi32> to vector<16xi32>
      %swap3A_2110 = vector.shape_cast %get3A_2106 : vector<16xi32> to vector<16xi32>
      tpu.vector_store %arg13[%swap3A_2107], %swap3A_2110 {strides = array<i32>} : memref<112xi32, #tpu.memory_space<vmem>>, vector<16xi32>,
      %get3A_2111 = arith.constant 1 : i32
      %get3A_2112 = arith.index_cast %get3A_2111 : i32 to index
      %get3A_2113 = arith.constant 64 : index
      %get3A_2114 = tpu.vector_load %arg7[%get3A_2112, %get3A_2113] {strides = array<i32>} : memref<3x112xi32, #tpu.memory_space<vmem>>, vector<1x16xi32>,
      %get3A_2115 = vector.shape_cast %get3A_2114 : vector<1x16xi32> to vector<16xi32>
      %mul3A_2116 = arith.constant 10000 : i32
      %mul3A_2117 = vector.broadcast %mul3A_2116 : i32 to vector<16xi32>
      %mul3A_2118 = arith.muli %get3A_2115, %mul3A_2117 : vector<16xi32>
      %get3A_2119 = arith.constant 0 : i32
      %get3A_2120 = arith.index_cast %get3A_2119 : i32 to index
      %get3A_2121 = arith.constant 64 : index
      %get3A_2122 = tpu.vector_load %arg7[%get3A_2120, %get3A_2121] {strides = array<i32>} : memref<3x112xi32, #tpu.memory_space<vmem>>, vector<1x16xi32>,
      %get3A_2123 = vector.shape_cast %get3A_2122 : vector<1x16xi32> to vector<16xi32>
      %add3A_2124 = arith.addi %mul3A_2118, %get3A_2123 : vector<16xi32>
      %swap3A_2125 = arith.constant 64 : index
      %swap3A_2126 = tpu.vector_load %arg10[%swap3A_2125] {strides = array<i32>} : memref<112xi32, #tpu.memory_space<vmem>>, vector<16xi32>,
      %swap3A_2127 = vector.shape_cast %swap3A_2126 : vector<16xi32> to vector<16xi32>
      %swap3A_2128 = vector.shape_cast %add3A_2124 : vector<16xi32> to vector<16xi32>
      tpu.vector_store %arg10[%swap3A_2125], %swap3A_2128 {strides = array<i32>} : memref<112xi32, #tpu.memory_space<vmem>>, vector<16xi32>,
      %get3A_2129 = arith.constant 2 : i32
      %get3A_2130 = arith.index_cast %get3A_2129 : i32 to index
      %get3A_2131 = arith.constant 64 : index
      %get3A_2132 = tpu.vector_load %arg7[%get3A_2130, %get3A_2131] {strides = array<i32>} : memref<3x112xi32, #tpu.memory_space<vmem>>, vector<1x16xi32>,
      %get3A_2133 = vector.shape_cast %get3A_2132 : vector<1x16xi32> to vector<16xi32>
      %swap3A_2134 = arith.constant 64 : index
      %swap3A_2135 = tpu.vector_load %arg13[%swap3A_2134] {strides = array<i32>} : memref<112xi32, #tpu.memory_space<vmem>>, vector<16xi32>,
      %swap3A_2136 = vector.shape_cast %swap3A_2135 : vector<16xi32> to vector<16xi32>
      %swap3A_2137 = vector.shape_cast %get3A_2133 : vector<16xi32> to vector<16xi32>
      tpu.vector_store %arg13[%swap3A_2134], %swap3A_2137 {strides = array<i32>} : memref<112xi32, #tpu.memory_space<vmem>>, vector<16xi32>,
      %get3A_2138 = arith.constant 1 : i32
      %get3A_2139 = arith.index_cast %get3A_2138 : i32 to index
      %get3A_2140 = arith.constant 80 : index
      %get3A_2141 = tpu.vector_load %arg7[%get3A_2139, %get3A_2140] {strides = array<i32>} : memref<3x112xi32, #tpu.memory_space<vmem>>, vector<1x16xi32>,
      %get3A_2142 = vector.shape_cast %get3A_2141 : vector<1x16xi32> to vector<16xi32>
      %mul3A_2143 = arith.constant 10000 : i32
      %mul3A_2144 = vector.broadcast %mul3A_2143 : i32 to vector<16xi32>
      %mul3A_2145 = arith.muli %get3A_2142, %mul3A_2144 : vector<16xi32>
      %get3A_2146 = arith.constant 0 : i32
      %get3A_2147 = arith.index_cast %get3A_2146 : i32 to index
      %get3A_2148 = arith.constant 80 : index
      %get3A_2149 = tpu.vector_load %arg7[%get3A_2147, %get3A_2148] {strides = array<i32>} : memref<3x112xi32, #tpu.memory_space<vmem>>, vector<1x16xi32>,
      %get3A_2150 = vector.shape_cast %get3A_2149 : vector<1x16xi32> to vector<16xi32>
      %add3A_2151 = arith.addi %mul3A_2145, %get3A_2150 : vector<16xi32>
      %swap3A_2152 = arith.constant 80 : index
      %swap3A_2153 = tpu.vector_load %arg10[%swap3A_2152] {strides = array<i32>} : memref<112xi32, #tpu.memory_space<vmem>>, vector<16xi32>,
      %swap3A_2154 = vector.shape_cast %swap3A_2153 : vector<16xi32> to vector<16xi32>
      %swap3A_2155 = vector.shape_cast %add3A_2151 : vector<16xi32> to vector<16xi32>
      tpu.vector_store %arg10[%swap3A_2152], %swap3A_2155 {strides = array<i32>} : memref<112xi32, #tpu.memory_space<vmem>>, vector<16xi32>,
      %get3A_2156 = arith.constant 2 : i32
      %get3A_2157 = arith.index_cast %get3A_2156 : i32 to index
      %get3A_2158 = arith.constant 80 : index
      %get3A_2159 = tpu.vector_load %arg7[%get3A_2157, %get3A_2158] {strides = array<i32>} : memref<3x112xi32, #tpu.memory_space<vmem>>, vector<1x16xi32>,
      %get3A_2160 = vector.shape_cast %get3A_2159 : vector<1x16xi32> to vector<16xi32>
      %swap3A_2161 = arith.constant 80 : index
      %swap3A_2162 = tpu.vector_load %arg13[%swap3A_2161] {strides = array<i32>} : memref<112xi32, #tpu.memory_space<vmem>>, vector<16xi32>,
      %swap3A_2163 = vector.shape_cast %swap3A_2162 : vector<16xi32> to vector<16xi32>
      %swap3A_2164 = vector.shape_cast %get3A_2160 : vector<16xi32> to vector<16xi32>
      tpu.vector_store %arg13[%swap3A_2161], %swap3A_2164 {strides = array<i32>} : memref<112xi32, #tpu.memory_space<vmem>>, vector<16xi32>,
      %get3A_2165 = arith.constant 1 : i32
      %get3A_2166 = arith.index_cast %get3A_2165 : i32 to index
      %get3A_2167 = arith.constant 96 : index
      %get3A_2168 = tpu.vector_load %arg7[%get3A_2166, %get3A_2167] {strides = array<i32>} : memref<3x112xi32, #tpu.memory_space<vmem>>, vector<1x16xi32>,
      %get3A_2169 = vector.shape_cast %get3A_2168 : vector<1x16xi32> to vector<16xi32>
      %mul3A_2170 = arith.constant 10000 : i32
      %mul3A_2171 = vector.broadcast %mul3A_2170 : i32 to vector<16xi32>
      %mul3A_2172 = arith.muli %get3A_2169, %mul3A_2171 : vector<16xi32>
      %get3A_2173 = arith.constant 0 : i32
      %get3A_2174 = arith.index_cast %get3A_2173 : i32 to index
      %get3A_2175 = arith.constant 96 : index
      %get3A_2176 = tpu.vector_load %arg7[%get3A_2174, %get3A_2175] {strides = array<i32>} : memref<3x112xi32, #tpu.memory_space<vmem>>, vector<1x16xi32>,
      %get3A_2177 = vector.shape_cast %get3A_2176 : vector<1x16xi32> to vector<16xi32>
      %add3A_2178 = arith.addi %mul3A_2172, %get3A_2177 : vector<16xi32>
      %swap3A_2179 = arith.constant 96 : index
      %swap3A_2180 = tpu.vector_load %arg10[%swap3A_2179] {strides = array<i32>} : memref<112xi32, #tpu.memory_space<vmem>>, vector<16xi32>,
      %swap3A_2181 = vector.shape_cast %swap3A_2180 : vector<16xi32> to vector<16xi32>
      %swap3A_2182 = vector.shape_cast %add3A_2178 : vector<16xi32> to vector<16xi32>
      tpu.vector_store %arg10[%swap3A_2179], %swap3A_2182 {strides = array<i32>} : memref<112xi32, #tpu.memory_space<vmem>>, vector<16xi32>,
      %get3A_2183 = arith.constant 2 : i32
      %get3A_2184 = arith.index_cast %get3A_2183 : i32 to index
      %get3A_2185 = arith.constant 96 : index
      %get3A_2186 = tpu.vector_load %arg7[%get3A_2184, %get3A_2185] {strides = array<i32>} : memref<3x112xi32, #tpu.memory_space<vmem>>, vector<1x16xi32>,
      %get3A_2187 = vector.shape_cast %get3A_2186 : vector<1x16xi32> to vector<16xi32>
      %swap3A_2188 = arith.constant 96 : index
      %swap3A_2189 = tpu.vector_load %arg13[%swap3A_2188] {strides = array<i32>} : memref<112xi32, #tpu.memory_space<vmem>>, vector<16xi32>,
      %swap3A_2190 = vector.shape_cast %swap3A_2189 : vector<16xi32> to vector<16xi32>
      %swap3A_2191 = vector.shape_cast %get3A_2187 : vector<16xi32> to vector<16xi32>
      tpu.vector_store %arg13[%swap3A_2188], %swap3A_2191 {strides = array<i32>} : memref<112xi32, #tpu.memory_space<vmem>>, vector<16xi32>,
      %dma_start3A_2192 = arith.constant 0 : i32
      %dma_start3A_2193 = arith.constant 0 : i32
      %dma_start3A_2194 = tpu.memref_slice %arg2[%dma_start3A_2192, %dma_start3A_2193] : memref<100000x128xf32, #tpu.memory_space<hbm>> -> memref<100000x128xf32, #tpu.memory_space<hbm>>
      tpu.enqueue_indirect_dma source(%dma_start3A_2194 : memref<100000x128xf32, #tpu.memory_space<hbm>>) target(%arg16 : memref<112x128xf32, #tpu.memory_space<vmem>>) offsets(%arg10 : memref<112xi32, #tpu.memory_space<vmem>>) semaphore(%arg23 : memref<!tpu.dma_semaphore, #tpu.memory_space<semaphore_mem>>)
      %add3A_2195 = arith.constant 4 : i32
      %add3A_2196 = arith.addi %mul3A_1983, %add3A_2195 : i32
      %dma_start3A_2197 = arith.constant 0 : i32
      %dma_start3A_2198 = arith.constant 0 : i32
      %dma_start3A_2199 = tpu.memref_slice %arg3[%add3A, %add3A_2196, %dma_start3A_2197, %dma_start3A_2198] : memref<32x90x3x112xi32, #tpu.memory_space<hbm>> -> memref<1x1x3x112xi32, #tpu.memory_space<hbm>>
      %dma_start3A_2200 = tpu.memref_squeeze %dma_start3A_2199 : memref<1x1x3x112xi32, #tpu.memory_space<hbm>> -> memref<3x112xi32, #tpu.memory_space<hbm>>
      %dma_start3A_2201 = arith.constant 0 : i32
      %dma_start3A_2202 = arith.constant 0 : i32
      %dma_start3A_2203 = tpu.memref_slice %arg3[%add3A, %add3A_2196, %dma_start3A_2201, %dma_start3A_2202] : memref<32x90x3x112xi32, #tpu.memory_space<hbm>> -> memref<1x1x3x112xi32, #tpu.memory_space<hbm>>
      %dma_start3A_2204 = tpu.memref_squeeze %dma_start3A_2203 : memref<1x1x3x112xi32, #tpu.memory_space<hbm>> -> memref<3x112xi32, #tpu.memory_space<hbm>>
      tpu.enqueue_dma source(%dma_start3A_2204 : memref<3x112xi32, #tpu.memory_space<hbm>>) target(%arg6 : memref<3x112xi32, #tpu.memory_space<vmem>>) target_semaphore(%arg19 : memref<!tpu.dma_semaphore, #tpu.memory_space<semaphore_mem>>)
      %add3A_2205 = arith.constant 1 : i32
      %add3A_2206 = arith.addi %mul3A_1983, %add3A_2205 : i32
      %dma_wait3A_2207 = arith.constant 0 : i32
      %dma_wait3A_2208 = arith.constant 0 : i32
      %dma_wait3A_2209 = tpu.memref_slice %arg2[%dma_wait3A_2207, %dma_wait3A_2208] : memref<100000x128xf32, #tpu.memory_space<hbm>> -> memref<100000x128xf32, #tpu.memory_space<hbm>>
      tpu.wait_indirect_dma semaphore(%arg22 : memref<!tpu.dma_semaphore, #tpu.memory_space<semaphore_mem>>) src(%dma_wait3A_2209 : memref<100000x128xf32, #tpu.memory_space<hbm>>) dst(%arg15 : memref<112x128xf32, #tpu.memory_space<vmem>>)
      %dma_start3A_2210 = arith.constant 0 : i32
      %dma_start3A_2211 = arith.constant 0 : i32
      %dma_start3A_2212 = tpu.memref_slice %arg17[%dma_start3A_2210, %dma_start3A_2211] : memref<10008x128xf32, #tpu.memory_space<vmem_shared>> -> memref<10008x128xf32, #tpu.memory_space<vmem_shared>>
      tpu.enqueue_indirect_dma source(%arg15 : memref<112x128xf32, #tpu.memory_space<vmem>>) target(%dma_start3A_2212 : memref<10008x128xf32, #tpu.memory_space<vmem_shared>>) offsets(%arg12 : memref<112xi32, #tpu.memory_space<vmem>>) semaphore(%arg25 : memref<!tpu.dma_semaphore, #tpu.memory_space<semaphore_mem>>) {add = true}
      %add3A_2213 = arith.constant 2 : i32
      %add3A_2214 = arith.addi %add3A_2206, %add3A_2213 : i32
      %dma_wait3A_2215 = arith.constant 0 : i32
      %dma_wait3A_2216 = arith.constant 0 : i32
      %dma_wait3A_2217 = tpu.memref_slice %arg3[%add3A, %add3A_2214, %dma_wait3A_2215, %dma_wait3A_2216] : memref<32x90x3x112xi32, #tpu.memory_space<hbm>> -> memref<1x1x3x112xi32, #tpu.memory_space<hbm>>
      %dma_wait3A_2218 = tpu.memref_squeeze %dma_wait3A_2217 : memref<1x1x3x112xi32, #tpu.memory_space<hbm>> -> memref<3x112xi32, #tpu.memory_space<hbm>>
      %dma_wait3A_2219 = arith.constant 0 : i32
      %dma_wait3A_2220 = arith.constant 0 : i32
      %dma_wait3A_2221 = tpu.memref_slice %arg3[%add3A, %add3A_2214, %dma_wait3A_2219, %dma_wait3A_2220] : memref<32x90x3x112xi32, #tpu.memory_space<hbm>> -> memref<1x1x3x112xi32, #tpu.memory_space<hbm>>
      %dma_wait3A_2222 = tpu.memref_squeeze %dma_wait3A_2221 : memref<1x1x3x112xi32, #tpu.memory_space<hbm>> -> memref<3x112xi32, #tpu.memory_space<hbm>>
      tpu.wait_dma2 semaphore(%arg18 : memref<!tpu.dma_semaphore, #tpu.memory_space<semaphore_mem>>) src(%dma_wait3A_2222 : memref<3x112xi32, #tpu.memory_space<hbm>>) dst(%arg5 : memref<3x112xi32, #tpu.memory_space<vmem>>)
      %dma_wait3A_2223 = arith.constant 0 : i32
      %dma_wait3A_2224 = arith.constant 0 : i32
      %dma_wait3A_2225 = tpu.memref_slice %arg17[%dma_wait3A_2223, %dma_wait3A_2224] : memref<10008x128xf32, #tpu.memory_space<vmem_shared>> -> memref<10008x128xf32, #tpu.memory_space<vmem_shared>>
      tpu.wait_indirect_dma semaphore(%arg24 : memref<!tpu.dma_semaphore, #tpu.memory_space<semaphore_mem>>) src(%arg14 : memref<112x128xf32, #tpu.memory_space<vmem>>) dst(%dma_wait3A_2225 : memref<10008x128xf32, #tpu.memory_space<vmem_shared>>)
      %get3A_2226 = arith.constant 1 : i32
      %get3A_2227 = arith.index_cast %get3A_2226 : i32 to index
      %get3A_2228 = arith.constant 0 : index
      %get3A_2229 = tpu.vector_load %arg5[%get3A_2227, %get3A_2228] {strides = array<i32>} : memref<3x112xi32, #tpu.memory_space<vmem>>, vector<1x16xi32>,
      %get3A_2230 = vector.shape_cast %get3A_2229 : vector<1x16xi32> to vector<16xi32>
      %mul3A_2231 = arith.constant 10000 : i32
      %mul3A_2232 = vector.broadcast %mul3A_2231 : i32 to vector<16xi32>
      %mul3A_2233 = arith.muli %get3A_2230, %mul3A_2232 : vector<16xi32>
      %get3A_2234 = arith.constant 0 : i32
      %get3A_2235 = arith.index_cast %get3A_2234 : i32 to index
      %get3A_2236 = arith.constant 0 : index
      %get3A_2237 = tpu.vector_load %arg5[%get3A_2235, %get3A_2236] {strides = array<i32>} : memref<3x112xi32, #tpu.memory_space<vmem>>, vector<1x16xi32>,
      %get3A_2238 = vector.shape_cast %get3A_2237 : vector<1x16xi32> to vector<16xi32>
      %add3A_2239 = arith.addi %mul3A_2233, %get3A_2238 : vector<16xi32>
      %swap3A_2240 = arith.constant 0 : index
      %swap3A_2241 = tpu.vector_load %arg8[%swap3A_2240] {strides = array<i32>} : memref<112xi32, #tpu.memory_space<vmem>>, vector<16xi32>,
      %swap3A_2242 = vector.shape_cast %swap3A_2241 : vector<16xi32> to vector<16xi32>
      %swap3A_2243 = vector.shape_cast %add3A_2239 : vector<16xi32> to vector<16xi32>
      tpu.vector_store %arg8[%swap3A_2240], %swap3A_2243 {strides = array<i32>} : memref<112xi32, #tpu.memory_space<vmem>>, vector<16xi32>,
      %get3A_2244 = arith.constant 2 : i32
      %get3A_2245 = arith.index_cast %get3A_2244 : i32 to index
      %get3A_2246 = arith.constant 0 : index
      %get3A_2247 = tpu.vector_load %arg5[%get3A_2245, %get3A_2246] {strides = array<i32>} : memref<3x112xi32, #tpu.memory_space<vmem>>, vector<1x16xi32>,
      %get3A_2248 = vector.shape_cast %get3A_2247 : vector<1x16xi32> to vector<16xi32>
      %swap3A_2249 = arith.constant 0 : index
      %swap3A_2250 = tpu.vector_load %arg11[%swap3A_2249] {strides = array<i32>} : memref<112xi32, #tpu.memory_space<vmem>>, vector<16xi32>,
      %swap3A_2251 = vector.shape_cast %swap3A_2250 : vector<16xi32> to vector<16xi32>
      %swap3A_2252 = vector.shape_cast %get3A_2248 : vector<16xi32> to vector<16xi32>
      tpu.vector_store %arg11[%swap3A_2249], %swap3A_2252 {strides = array<i32>} : memref<112xi32, #tpu.memory_space<vmem>>, vector<16xi32>,
      %get3A_2253 = arith.constant 1 : i32
      %get3A_2254 = arith.index_cast %get3A_2253 : i32 to index
      %get3A_2255 = arith.constant 16 : index
      %get3A_2256 = tpu.vector_load %arg5[%get3A_2254, %get3A_2255] {strides = array<i32>} : memref<3x112xi32, #tpu.memory_space<vmem>>, vector<1x16xi32>,
      %get3A_2257 = vector.shape_cast %get3A_2256 : vector<1x16xi32> to vector<16xi32>
      %mul3A_2258 = arith.constant 10000 : i32
      %mul3A_2259 = vector.broadcast %mul3A_2258 : i32 to vector<16xi32>
      %mul3A_2260 = arith.muli %get3A_2257, %mul3A_2259 : vector<16xi32>
      %get3A_2261 = arith.constant 0 : i32
      %get3A_2262 = arith.index_cast %get3A_2261 : i32 to index
      %get3A_2263 = arith.constant 16 : index
      %get3A_2264 = tpu.vector_load %arg5[%get3A_2262, %get3A_2263] {strides = array<i32>} : memref<3x112xi32, #tpu.memory_space<vmem>>, vector<1x16xi32>,
      %get3A_2265 = vector.shape_cast %get3A_2264 : vector<1x16xi32> to vector<16xi32>
      %add3A_2266 = arith.addi %mul3A_2260, %get3A_2265 : vector<16xi32>
      %swap3A_2267 = arith.constant 16 : index
      %swap3A_2268 = tpu.vector_load %arg8[%swap3A_2267] {strides = array<i32>} : memref<112xi32, #tpu.memory_space<vmem>>, vector<16xi32>,
      %swap3A_2269 = vector.shape_cast %swap3A_2268 : vector<16xi32> to vector<16xi32>
      %swap3A_2270 = vector.shape_cast %add3A_2266 : vector<16xi32> to vector<16xi32>
      tpu.vector_store %arg8[%swap3A_2267], %swap3A_2270 {strides = array<i32>} : memref<112xi32, #tpu.memory_space<vmem>>, vector<16xi32>,
      %get3A_2271 = arith.constant 2 : i32
      %get3A_2272 = arith.index_cast %get3A_2271 : i32 to index
      %get3A_2273 = arith.constant 16 : index
      %get3A_2274 = tpu.vector_load %arg5[%get3A_2272, %get3A_2273] {strides = array<i32>} : memref<3x112xi32, #tpu.memory_space<vmem>>, vector<1x16xi32>,
      %get3A_2275 = vector.shape_cast %get3A_2274 : vector<1x16xi32> to vector<16xi32>
      %swap3A_2276 = arith.constant 16 : index
      %swap3A_2277 = tpu.vector_load %arg11[%swap3A_2276] {strides = array<i32>} : memref<112xi32, #tpu.memory_space<vmem>>, vector<16xi32>,
      %swap3A_2278 = vector.shape_cast %swap3A_2277 : vector<16xi32> to vector<16xi32>
      %swap3A_2279 = vector.shape_cast %get3A_2275 : vector<16xi32> to vector<16xi32>
      tpu.vector_store %arg11[%swap3A_2276], %swap3A_2279 {strides = array<i32>} : memref<112xi32, #tpu.memory_space<vmem>>, vector<16xi32>,
      %get3A_2280 = arith.constant 1 : i32
      %get3A_2281 = arith.index_cast %get3A_2280 : i32 to index
      %get3A_2282 = arith.constant 32 : index
      %get3A_2283 = tpu.vector_load %arg5[%get3A_2281, %get3A_2282] {strides = array<i32>} : memref<3x112xi32, #tpu.memory_space<vmem>>, vector<1x16xi32>,
      %get3A_2284 = vector.shape_cast %get3A_2283 : vector<1x16xi32> to vector<16xi32>
      %mul3A_2285 = arith.constant 10000 : i32
      %mul3A_2286 = vector.broadcast %mul3A_2285 : i32 to vector<16xi32>
      %mul3A_2287 = arith.muli %get3A_2284, %mul3A_2286 : vector<16xi32>
      %get3A_2288 = arith.constant 0 : i32
      %get3A_2289 = arith.index_cast %get3A_2288 : i32 to index
      %get3A_2290 = arith.constant 32 : index
      %get3A_2291 = tpu.vector_load %arg5[%get3A_2289, %get3A_2290] {strides = array<i32>} : memref<3x112xi32, #tpu.memory_space<vmem>>, vector<1x16xi32>,
      %get3A_2292 = vector.shape_cast %get3A_2291 : vector<1x16xi32> to vector<16xi32>
      %add3A_2293 = arith.addi %mul3A_2287, %get3A_2292 : vector<16xi32>
      %swap3A_2294 = arith.constant 32 : index
      %swap3A_2295 = tpu.vector_load %arg8[%swap3A_2294] {strides = array<i32>} : memref<112xi32, #tpu.memory_space<vmem>>, vector<16xi32>,
      %swap3A_2296 = vector.shape_cast %swap3A_2295 : vector<16xi32> to vector<16xi32>
      %swap3A_2297 = vector.shape_cast %add3A_2293 : vector<16xi32> to vector<16xi32>
      tpu.vector_store %arg8[%swap3A_2294], %swap3A_2297 {strides = array<i32>} : memref<112xi32, #tpu.memory_space<vmem>>, vector<16xi32>,
      %get3A_2298 = arith.constant 2 : i32
      %get3A_2299 = arith.index_cast %get3A_2298 : i32 to index
      %get3A_2300 = arith.constant 32 : index
      %get3A_2301 = tpu.vector_load %arg5[%get3A_2299, %get3A_2300] {strides = array<i32>} : memref<3x112xi32, #tpu.memory_space<vmem>>, vector<1x16xi32>,
      %get3A_2302 = vector.shape_cast %get3A_2301 : vector<1x16xi32> to vector<16xi32>
      %swap3A_2303 = arith.constant 32 : index
      %swap3A_2304 = tpu.vector_load %arg11[%swap3A_2303] {strides = array<i32>} : memref<112xi32, #tpu.memory_space<vmem>>, vector<16xi32>,
      %swap3A_2305 = vector.shape_cast %swap3A_2304 : vector<16xi32> to vector<16xi32>
      %swap3A_2306 = vector.shape_cast %get3A_2302 : vector<16xi32> to vector<16xi32>
      tpu.vector_store %arg11[%swap3A_2303], %swap3A_2306 {strides = array<i32>} : memref<112xi32, #tpu.memory_space<vmem>>, vector<16xi32>,
      %get3A_2307 = arith.constant 1 : i32
      %get3A_2308 = arith.index_cast %get3A_2307 : i32 to index
      %get3A_2309 = arith.constant 48 : index
      %get3A_2310 = tpu.vector_load %arg5[%get3A_2308, %get3A_2309] {strides = array<i32>} : memref<3x112xi32, #tpu.memory_space<vmem>>, vector<1x16xi32>,
      %get3A_2311 = vector.shape_cast %get3A_2310 : vector<1x16xi32> to vector<16xi32>
      %mul3A_2312 = arith.constant 10000 : i32
      %mul3A_2313 = vector.broadcast %mul3A_2312 : i32 to vector<16xi32>
      %mul3A_2314 = arith.muli %get3A_2311, %mul3A_2313 : vector<16xi32>
      %get3A_2315 = arith.constant 0 : i32
      %get3A_2316 = arith.index_cast %get3A_2315 : i32 to index
      %get3A_2317 = arith.constant 48 : index
      %get3A_2318 = tpu.vector_load %arg5[%get3A_2316, %get3A_2317] {strides = array<i32>} : memref<3x112xi32, #tpu.memory_space<vmem>>, vector<1x16xi32>,
      %get3A_2319 = vector.shape_cast %get3A_2318 : vector<1x16xi32> to vector<16xi32>
      %add3A_2320 = arith.addi %mul3A_2314, %get3A_2319 : vector<16xi32>
      %swap3A_2321 = arith.constant 48 : index
      %swap3A_2322 = tpu.vector_load %arg8[%swap3A_2321] {strides = array<i32>} : memref<112xi32, #tpu.memory_space<vmem>>, vector<16xi32>,
      %swap3A_2323 = vector.shape_cast %swap3A_2322 : vector<16xi32> to vector<16xi32>
      %swap3A_2324 = vector.shape_cast %add3A_2320 : vector<16xi32> to vector<16xi32>
      tpu.vector_store %arg8[%swap3A_2321], %swap3A_2324 {strides = array<i32>} : memref<112xi32, #tpu.memory_space<vmem>>, vector<16xi32>,
      %get3A_2325 = arith.constant 2 : i32
      %get3A_2326 = arith.index_cast %get3A_2325 : i32 to index
      %get3A_2327 = arith.constant 48 : index
      %get3A_2328 = tpu.vector_load %arg5[%get3A_2326, %get3A_2327] {strides = array<i32>} : memref<3x112xi32, #tpu.memory_space<vmem>>, vector<1x16xi32>,
      %get3A_2329 = vector.shape_cast %get3A_2328 : vector<1x16xi32> to vector<16xi32>
      %swap3A_2330 = arith.constant 48 : index
      %swap3A_2331 = tpu.vector_load %arg11[%swap3A_2330] {strides = array<i32>} : memref<112xi32, #tpu.memory_space<vmem>>, vector<16xi32>,
      %swap3A_2332 = vector.shape_cast %swap3A_2331 : vector<16xi32> to vector<16xi32>
      %swap3A_2333 = vector.shape_cast %get3A_2329 : vector<16xi32> to vector<16xi32>
      tpu.vector_store %arg11[%swap3A_2330], %swap3A_2333 {strides = array<i32>} : memref<112xi32, #tpu.memory_space<vmem>>, vector<16xi32>,
      %get3A_2334 = arith.constant 1 : i32
      %get3A_2335 = arith.index_cast %get3A_2334 : i32 to index
      %get3A_2336 = arith.constant 64 : index
      %get3A_2337 = tpu.vector_load %arg5[%get3A_2335, %get3A_2336] {strides = array<i32>} : memref<3x112xi32, #tpu.memory_space<vmem>>, vector<1x16xi32>,
      %get3A_2338 = vector.shape_cast %get3A_2337 : vector<1x16xi32> to vector<16xi32>
      %mul3A_2339 = arith.constant 10000 : i32
      %mul3A_2340 = vector.broadcast %mul3A_2339 : i32 to vector<16xi32>
      %mul3A_2341 = arith.muli %get3A_2338, %mul3A_2340 : vector<16xi32>
      %get3A_2342 = arith.constant 0 : i32
      %get3A_2343 = arith.index_cast %get3A_2342 : i32 to index
      %get3A_2344 = arith.constant 64 : index
      %get3A_2345 = tpu.vector_load %arg5[%get3A_2343, %get3A_2344] {strides = array<i32>} : memref<3x112xi32, #tpu.memory_space<vmem>>, vector<1x16xi32>,
      %get3A_2346 = vector.shape_cast %get3A_2345 : vector<1x16xi32> to vector<16xi32>
      %add3A_2347 = arith.addi %mul3A_2341, %get3A_2346 : vector<16xi32>
      %swap3A_2348 = arith.constant 64 : index
      %swap3A_2349 = tpu.vector_load %arg8[%swap3A_2348] {strides = array<i32>} : memref<112xi32, #tpu.memory_space<vmem>>, vector<16xi32>,
      %swap3A_2350 = vector.shape_cast %swap3A_2349 : vector<16xi32> to vector<16xi32>
      %swap3A_2351 = vector.shape_cast %add3A_2347 : vector<16xi32> to vector<16xi32>
      tpu.vector_store %arg8[%swap3A_2348], %swap3A_2351 {strides = array<i32>} : memref<112xi32, #tpu.memory_space<vmem>>, vector<16xi32>,
      %get3A_2352 = arith.constant 2 : i32
      %get3A_2353 = arith.index_cast %get3A_2352 : i32 to index
      %get3A_2354 = arith.constant 64 : index
      %get3A_2355 = tpu.vector_load %arg5[%get3A_2353, %get3A_2354] {strides = array<i32>} : memref<3x112xi32, #tpu.memory_space<vmem>>, vector<1x16xi32>,
      %get3A_2356 = vector.shape_cast %get3A_2355 : vector<1x16xi32> to vector<16xi32>
      %swap3A_2357 = arith.constant 64 : index
      %swap3A_2358 = tpu.vector_load %arg11[%swap3A_2357] {strides = array<i32>} : memref<112xi32, #tpu.memory_space<vmem>>, vector<16xi32>,
      %swap3A_2359 = vector.shape_cast %swap3A_2358 : vector<16xi32> to vector<16xi32>
      %swap3A_2360 = vector.shape_cast %get3A_2356 : vector<16xi32> to vector<16xi32>
      tpu.vector_store %arg11[%swap3A_2357], %swap3A_2360 {strides = array<i32>} : memref<112xi32, #tpu.memory_space<vmem>>, vector<16xi32>,
      %get3A_2361 = arith.constant 1 : i32
      %get3A_2362 = arith.index_cast %get3A_2361 : i32 to index
      %get3A_2363 = arith.constant 80 : index
      %get3A_2364 = tpu.vector_load %arg5[%get3A_2362, %get3A_2363] {strides = array<i32>} : memref<3x112xi32, #tpu.memory_space<vmem>>, vector<1x16xi32>,
      %get3A_2365 = vector.shape_cast %get3A_2364 : vector<1x16xi32> to vector<16xi32>
      %mul3A_2366 = arith.constant 10000 : i32
      %mul3A_2367 = vector.broadcast %mul3A_2366 : i32 to vector<16xi32>
      %mul3A_2368 = arith.muli %get3A_2365, %mul3A_2367 : vector<16xi32>
      %get3A_2369 = arith.constant 0 : i32
      %get3A_2370 = arith.index_cast %get3A_2369 : i32 to index
      %get3A_2371 = arith.constant 80 : index
      %get3A_2372 = tpu.vector_load %arg5[%get3A_2370, %get3A_2371] {strides = array<i32>} : memref<3x112xi32, #tpu.memory_space<vmem>>, vector<1x16xi32>,
      %get3A_2373 = vector.shape_cast %get3A_2372 : vector<1x16xi32> to vector<16xi32>
      %add3A_2374 = arith.addi %mul3A_2368, %get3A_2373 : vector<16xi32>
      %swap3A_2375 = arith.constant 80 : index
      %swap3A_2376 = tpu.vector_load %arg8[%swap3A_2375] {strides = array<i32>} : memref<112xi32, #tpu.memory_space<vmem>>, vector<16xi32>,
      %swap3A_2377 = vector.shape_cast %swap3A_2376 : vector<16xi32> to vector<16xi32>
      %swap3A_2378 = vector.shape_cast %add3A_2374 : vector<16xi32> to vector<16xi32>
      tpu.vector_store %arg8[%swap3A_2375], %swap3A_2378 {strides = array<i32>} : memref<112xi32, #tpu.memory_space<vmem>>, vector<16xi32>,
      %get3A_2379 = arith.constant 2 : i32
      %get3A_2380 = arith.index_cast %get3A_2379 : i32 to index
      %get3A_2381 = arith.constant 80 : index
      %get3A_2382 = tpu.vector_load %arg5[%get3A_2380, %get3A_2381] {strides = array<i32>} : memref<3x112xi32, #tpu.memory_space<vmem>>, vector<1x16xi32>,
      %get3A_2383 = vector.shape_cast %get3A_2382 : vector<1x16xi32> to vector<16xi32>
      %swap3A_2384 = arith.constant 80 : index
      %swap3A_2385 = tpu.vector_load %arg11[%swap3A_2384] {strides = array<i32>} : memref<112xi32, #tpu.memory_space<vmem>>, vector<16xi32>,
      %swap3A_2386 = vector.shape_cast %swap3A_2385 : vector<16xi32> to vector<16xi32>
      %swap3A_2387 = vector.shape_cast %get3A_2383 : vector<16xi32> to vector<16xi32>
      tpu.vector_store %arg11[%swap3A_2384], %swap3A_2387 {strides = array<i32>} : memref<112xi32, #tpu.memory_space<vmem>>, vector<16xi32>,
      %get3A_2388 = arith.constant 1 : i32
      %get3A_2389 = arith.index_cast %get3A_2388 : i32 to index
      %get3A_2390 = arith.constant 96 : index
      %get3A_2391 = tpu.vector_load %arg5[%get3A_2389, %get3A_2390] {strides = array<i32>} : memref<3x112xi32, #tpu.memory_space<vmem>>, vector<1x16xi32>,
      %get3A_2392 = vector.shape_cast %get3A_2391 : vector<1x16xi32> to vector<16xi32>
      %mul3A_2393 = arith.constant 10000 : i32
      %mul3A_2394 = vector.broadcast %mul3A_2393 : i32 to vector<16xi32>
      %mul3A_2395 = arith.muli %get3A_2392, %mul3A_2394 : vector<16xi32>
      %get3A_2396 = arith.constant 0 : i32
      %get3A_2397 = arith.index_cast %get3A_2396 : i32 to index
      %get3A_2398 = arith.constant 96 : index
      %get3A_2399 = tpu.vector_load %arg5[%get3A_2397, %get3A_2398] {strides = array<i32>} : memref<3x112xi32, #tpu.memory_space<vmem>>, vector<1x16xi32>,
      %get3A_2400 = vector.shape_cast %get3A_2399 : vector<1x16xi32> to vector<16xi32>
      %add3A_2401 = arith.addi %mul3A_2395, %get3A_2400 : vector<16xi32>
      %swap3A_2402 = arith.constant 96 : index
      %swap3A_2403 = tpu.vector_load %arg8[%swap3A_2402] {strides = array<i32>} : memref<112xi32, #tpu.memory_space<vmem>>, vector<16xi32>,
      %swap3A_2404 = vector.shape_cast %swap3A_2403 : vector<16xi32> to vector<16xi32>
      %swap3A_2405 = vector.shape_cast %add3A_2401 : vector<16xi32> to vector<16xi32>
      tpu.vector_store %arg8[%swap3A_2402], %swap3A_2405 {strides = array<i32>} : memref<112xi32, #tpu.memory_space<vmem>>, vector<16xi32>,
      %get3A_2406 = arith.constant 2 : i32
      %get3A_2407 = arith.index_cast %get3A_2406 : i32 to index
      %get3A_2408 = arith.constant 96 : index
      %get3A_2409 = tpu.vector_load %arg5[%get3A_2407, %get3A_2408] {strides = array<i32>} : memref<3x112xi32, #tpu.memory_space<vmem>>, vector<1x16xi32>,
      %get3A_2410 = vector.shape_cast %get3A_2409 : vector<1x16xi32> to vector<16xi32>
      %swap3A_2411 = arith.constant 96 : index
      %swap3A_2412 = tpu.vector_load %arg11[%swap3A_2411] {strides = array<i32>} : memref<112xi32, #tpu.memory_space<vmem>>, vector<16xi32>,
      %swap3A_2413 = vector.shape_cast %swap3A_2412 : vector<16xi32> to vector<16xi32>
      %swap3A_2414 = vector.shape_cast %get3A_2410 : vector<16xi32> to vector<16xi32>
      tpu.vector_store %arg11[%swap3A_2411], %swap3A_2414 {strides = array<i32>} : memref<112xi32, #tpu.memory_space<vmem>>, vector<16xi32>,
      %dma_start3A_2415 = arith.constant 0 : i32
      %dma_start3A_2416 = arith.constant 0 : i32
      %dma_start3A_2417 = tpu.memref_slice %arg2[%dma_start3A_2415, %dma_start3A_2416] : memref<100000x128xf32, #tpu.memory_space<hbm>> -> memref<100000x128xf32, #tpu.memory_space<hbm>>
      tpu.enqueue_indirect_dma source(%dma_start3A_2417 : memref<100000x128xf32, #tpu.memory_space<hbm>>) target(%arg14 : memref<112x128xf32, #tpu.memory_space<vmem>>) offsets(%arg8 : memref<112xi32, #tpu.memory_space<vmem>>) semaphore(%arg21 : memref<!tpu.dma_semaphore, #tpu.memory_space<semaphore_mem>>)
      %add3A_2418 = arith.constant 4 : i32
      %add3A_2419 = arith.addi %add3A_2206, %add3A_2418 : i32
      %dma_start3A_2420 = arith.constant 0 : i32
      %dma_start3A_2421 = arith.constant 0 : i32
      %dma_start3A_2422 = tpu.memref_slice %arg3[%add3A, %add3A_2419, %dma_start3A_2420, %dma_start3A_2421] : memref<32x90x3x112xi32, #tpu.memory_space<hbm>> -> memref<1x1x3x112xi32, #tpu.memory_space<hbm>>
      %dma_start3A_2423 = tpu.memref_squeeze %dma_start3A_2422 : memref<1x1x3x112xi32, #tpu.memory_space<hbm>> -> memref<3x112xi32, #tpu.memory_space<hbm>>
      %dma_start3A_2424 = arith.constant 0 : i32
      %dma_start3A_2425 = arith.constant 0 : i32
      %dma_start3A_2426 = tpu.memref_slice %arg3[%add3A, %add3A_2419, %dma_start3A_2424, %dma_start3A_2425] : memref<32x90x3x112xi32, #tpu.memory_space<hbm>> -> memref<1x1x3x112xi32, #tpu.memory_space<hbm>>
      %dma_start3A_2427 = tpu.memref_squeeze %dma_start3A_2426 : memref<1x1x3x112xi32, #tpu.memory_space<hbm>> -> memref<3x112xi32, #tpu.memory_space<hbm>>
      tpu.enqueue_dma source(%dma_start3A_2427 : memref<3x112xi32, #tpu.memory_space<hbm>>) target(%arg7 : memref<3x112xi32, #tpu.memory_space<vmem>>) target_semaphore(%arg20 : memref<!tpu.dma_semaphore, #tpu.memory_space<semaphore_mem>>)
      %add3A_2428 = arith.constant 2 : i32
      %add3A_2429 = arith.addi %mul3A_1983, %add3A_2428 : i32
      %dma_wait3A_2430 = arith.constant 0 : i32
      %dma_wait3A_2431 = arith.constant 0 : i32
      %dma_wait3A_2432 = tpu.memref_slice %arg2[%dma_wait3A_2430, %dma_wait3A_2431] : memref<100000x128xf32, #tpu.memory_space<hbm>> -> memref<100000x128xf32, #tpu.memory_space<hbm>>
      tpu.wait_indirect_dma semaphore(%arg23 : memref<!tpu.dma_semaphore, #tpu.memory_space<semaphore_mem>>) src(%dma_wait3A_2432 : memref<100000x128xf32, #tpu.memory_space<hbm>>) dst(%arg16 : memref<112x128xf32, #tpu.memory_space<vmem>>)
      %dma_start3A_2433 = arith.constant 0 : i32
      %dma_start3A_2434 = arith.constant 0 : i32
      %dma_start3A_2435 = tpu.memref_slice %arg17[%dma_start3A_2433, %dma_start3A_2434] : memref<10008x128xf32, #tpu.memory_space<vmem_shared>> -> memref<10008x128xf32, #tpu.memory_space<vmem_shared>>
      tpu.enqueue_indirect_dma source(%arg16 : memref<112x128xf32, #tpu.memory_space<vmem>>) target(%dma_start3A_2435 : memref<10008x128xf32, #tpu.memory_space<vmem_shared>>) offsets(%arg13 : memref<112xi32, #tpu.memory_space<vmem>>) semaphore(%arg26 : memref<!tpu.dma_semaphore, #tpu.memory_space<semaphore_mem>>) {add = true}
      %add3A_2436 = arith.constant 2 : i32
      %add3A_2437 = arith.addi %add3A_2429, %add3A_2436 : i32
      %dma_wait3A_2438 = arith.constant 0 : i32
      %dma_wait3A_2439 = arith.constant 0 : i32
      %dma_wait3A_2440 = tpu.memref_slice %arg3[%add3A, %add3A_2437, %dma_wait3A_2438, %dma_wait3A_2439] : memref<32x90x3x112xi32, #tpu.memory_space<hbm>> -> memref<1x1x3x112xi32, #tpu.memory_space<hbm>>
      %dma_wait3A_2441 = tpu.memref_squeeze %dma_wait3A_2440 : memref<1x1x3x112xi32, #tpu.memory_space<hbm>> -> memref<3x112xi32, #tpu.memory_space<hbm>>
      %dma_wait3A_2442 = arith.constant 0 : i32
      %dma_wait3A_2443 = arith.constant 0 : i32
      %dma_wait3A_2444 = tpu.memref_slice %arg3[%add3A, %add3A_2437, %dma_wait3A_2442, %dma_wait3A_2443] : memref<32x90x3x112xi32, #tpu.memory_space<hbm>> -> memref<1x1x3x112xi32, #tpu.memory_space<hbm>>
      %dma_wait3A_2445 = tpu.memref_squeeze %dma_wait3A_2444 : memref<1x1x3x112xi32, #tpu.memory_space<hbm>> -> memref<3x112xi32, #tpu.memory_space<hbm>>
      tpu.wait_dma2 semaphore(%arg19 : memref<!tpu.dma_semaphore, #tpu.memory_space<semaphore_mem>>) src(%dma_wait3A_2445 : memref<3x112xi32, #tpu.memory_space<hbm>>) dst(%arg6 : memref<3x112xi32, #tpu.memory_space<vmem>>)
      %dma_wait3A_2446 = arith.constant 0 : i32
      %dma_wait3A_2447 = arith.constant 0 : i32
      %dma_wait3A_2448 = tpu.memref_slice %arg17[%dma_wait3A_2446, %dma_wait3A_2447] : memref<10008x128xf32, #tpu.memory_space<vmem_shared>> -> memref<10008x128xf32, #tpu.memory_space<vmem_shared>>
      tpu.wait_indirect_dma semaphore(%arg25 : memref<!tpu.dma_semaphore, #tpu.memory_space<semaphore_mem>>) src(%arg15 : memref<112x128xf32, #tpu.memory_space<vmem>>) dst(%dma_wait3A_2448 : memref<10008x128xf32, #tpu.memory_space<vmem_shared>>)
      %get3A_2449 = arith.constant 1 : i32
      %get3A_2450 = arith.index_cast %get3A_2449 : i32 to index
      %get3A_2451 = arith.constant 0 : index
      %get3A_2452 = tpu.vector_load %arg6[%get3A_2450, %get3A_2451] {strides = array<i32>} : memref<3x112xi32, #tpu.memory_space<vmem>>, vector<1x16xi32>,
      %get3A_2453 = vector.shape_cast %get3A_2452 : vector<1x16xi32> to vector<16xi32>
      %mul3A_2454 = arith.constant 10000 : i32
      %mul3A_2455 = vector.broadcast %mul3A_2454 : i32 to vector<16xi32>
      %mul3A_2456 = arith.muli %get3A_2453, %mul3A_2455 : vector<16xi32>
      %get3A_2457 = arith.constant 0 : i32
      %get3A_2458 = arith.index_cast %get3A_2457 : i32 to index
      %get3A_2459 = arith.constant 0 : index
      %get3A_2460 = tpu.vector_load %arg6[%get3A_2458, %get3A_2459] {strides = array<i32>} : memref<3x112xi32, #tpu.memory_space<vmem>>, vector<1x16xi32>,
      %get3A_2461 = vector.shape_cast %get3A_2460 : vector<1x16xi32> to vector<16xi32>
      %add3A_2462 = arith.addi %mul3A_2456, %get3A_2461 : vector<16xi32>
      %swap3A_2463 = arith.constant 0 : index
      %swap3A_2464 = tpu.vector_load %arg9[%swap3A_2463] {strides = array<i32>} : memref<112xi32, #tpu.memory_space<vmem>>, vector<16xi32>,
      %swap3A_2465 = vector.shape_cast %swap3A_2464 : vector<16xi32> to vector<16xi32>
      %swap3A_2466 = vector.shape_cast %add3A_2462 : vector<16xi32> to vector<16xi32>
      tpu.vector_store %arg9[%swap3A_2463], %swap3A_2466 {strides = array<i32>} : memref<112xi32, #tpu.memory_space<vmem>>, vector<16xi32>,
      %get3A_2467 = arith.constant 2 : i32
      %get3A_2468 = arith.index_cast %get3A_2467 : i32 to index
      %get3A_2469 = arith.constant 0 : index
      %get3A_2470 = tpu.vector_load %arg6[%get3A_2468, %get3A_2469] {strides = array<i32>} : memref<3x112xi32, #tpu.memory_space<vmem>>, vector<1x16xi32>,
      %get3A_2471 = vector.shape_cast %get3A_2470 : vector<1x16xi32> to vector<16xi32>
      %swap3A_2472 = arith.constant 0 : index
      %swap3A_2473 = tpu.vector_load %arg12[%swap3A_2472] {strides = array<i32>} : memref<112xi32, #tpu.memory_space<vmem>>, vector<16xi32>,
      %swap3A_2474 = vector.shape_cast %swap3A_2473 : vector<16xi32> to vector<16xi32>
      %swap3A_2475 = vector.shape_cast %get3A_2471 : vector<16xi32> to vector<16xi32>
      tpu.vector_store %arg12[%swap3A_2472], %swap3A_2475 {strides = array<i32>} : memref<112xi32, #tpu.memory_space<vmem>>, vector<16xi32>,
      %get3A_2476 = arith.constant 1 : i32
      %get3A_2477 = arith.index_cast %get3A_2476 : i32 to index
      %get3A_2478 = arith.constant 16 : index
      %get3A_2479 = tpu.vector_load %arg6[%get3A_2477, %get3A_2478] {strides = array<i32>} : memref<3x112xi32, #tpu.memory_space<vmem>>, vector<1x16xi32>,
      %get3A_2480 = vector.shape_cast %get3A_2479 : vector<1x16xi32> to vector<16xi32>
      %mul3A_2481 = arith.constant 10000 : i32
      %mul3A_2482 = vector.broadcast %mul3A_2481 : i32 to vector<16xi32>
      %mul3A_2483 = arith.muli %get3A_2480, %mul3A_2482 : vector<16xi32>
      %get3A_2484 = arith.constant 0 : i32
      %get3A_2485 = arith.index_cast %get3A_2484 : i32 to index
      %get3A_2486 = arith.constant 16 : index
      %get3A_2487 = tpu.vector_load %arg6[%get3A_2485, %get3A_2486] {strides = array<i32>} : memref<3x112xi32, #tpu.memory_space<vmem>>, vector<1x16xi32>,
      %get3A_2488 = vector.shape_cast %get3A_2487 : vector<1x16xi32> to vector<16xi32>
      %add3A_2489 = arith.addi %mul3A_2483, %get3A_2488 : vector<16xi32>
      %swap3A_2490 = arith.constant 16 : index
      %swap3A_2491 = tpu.vector_load %arg9[%swap3A_2490] {strides = array<i32>} : memref<112xi32, #tpu.memory_space<vmem>>, vector<16xi32>,
      %swap3A_2492 = vector.shape_cast %swap3A_2491 : vector<16xi32> to vector<16xi32>
      %swap3A_2493 = vector.shape_cast %add3A_2489 : vector<16xi32> to vector<16xi32>
      tpu.vector_store %arg9[%swap3A_2490], %swap3A_2493 {strides = array<i32>} : memref<112xi32, #tpu.memory_space<vmem>>, vector<16xi32>,
      %get3A_2494 = arith.constant 2 : i32
      %get3A_2495 = arith.index_cast %get3A_2494 : i32 to index
      %get3A_2496 = arith.constant 16 : index
      %get3A_2497 = tpu.vector_load %arg6[%get3A_2495, %get3A_2496] {strides = array<i32>} : memref<3x112xi32, #tpu.memory_space<vmem>>, vector<1x16xi32>,
      %get3A_2498 = vector.shape_cast %get3A_2497 : vector<1x16xi32> to vector<16xi32>
      %swap3A_2499 = arith.constant 16 : index
      %swap3A_2500 = tpu.vector_load %arg12[%swap3A_2499] {strides = array<i32>} : memref<112xi32, #tpu.memory_space<vmem>>, vector<16xi32>,
      %swap3A_2501 = vector.shape_cast %swap3A_2500 : vector<16xi32> to vector<16xi32>
      %swap3A_2502 = vector.shape_cast %get3A_2498 : vector<16xi32> to vector<16xi32>
      tpu.vector_store %arg12[%swap3A_2499], %swap3A_2502 {strides = array<i32>} : memref<112xi32, #tpu.memory_space<vmem>>, vector<16xi32>,
      %get3A_2503 = arith.constant 1 : i32
      %get3A_2504 = arith.index_cast %get3A_2503 : i32 to index
      %get3A_2505 = arith.constant 32 : index
      %get3A_2506 = tpu.vector_load %arg6[%get3A_2504, %get3A_2505] {strides = array<i32>} : memref<3x112xi32, #tpu.memory_space<vmem>>, vector<1x16xi32>,
      %get3A_2507 = vector.shape_cast %get3A_2506 : vector<1x16xi32> to vector<16xi32>
      %mul3A_2508 = arith.constant 10000 : i32
      %mul3A_2509 = vector.broadcast %mul3A_2508 : i32 to vector<16xi32>
      %mul3A_2510 = arith.muli %get3A_2507, %mul3A_2509 : vector<16xi32>
      %get3A_2511 = arith.constant 0 : i32
      %get3A_2512 = arith.index_cast %get3A_2511 : i32 to index
      %get3A_2513 = arith.constant 32 : index
      %get3A_2514 = tpu.vector_load %arg6[%get3A_2512, %get3A_2513] {strides = array<i32>} : memref<3x112xi32, #tpu.memory_space<vmem>>, vector<1x16xi32>,
      %get3A_2515 = vector.shape_cast %get3A_2514 : vector<1x16xi32> to vector<16xi32>
      %add3A_2516 = arith.addi %mul3A_2510, %get3A_2515 : vector<16xi32>
      %swap3A_2517 = arith.constant 32 : index
      %swap3A_2518 = tpu.vector_load %arg9[%swap3A_2517] {strides = array<i32>} : memref<112xi32, #tpu.memory_space<vmem>>, vector<16xi32>,
      %swap3A_2519 = vector.shape_cast %swap3A_2518 : vector<16xi32> to vector<16xi32>
      %swap3A_2520 = vector.shape_cast %add3A_2516 : vector<16xi32> to vector<16xi32>
      tpu.vector_store %arg9[%swap3A_2517], %swap3A_2520 {strides = array<i32>} : memref<112xi32, #tpu.memory_space<vmem>>, vector<16xi32>,
      %get3A_2521 = arith.constant 2 : i32
      %get3A_2522 = arith.index_cast %get3A_2521 : i32 to index
      %get3A_2523 = arith.constant 32 : index
      %get3A_2524 = tpu.vector_load %arg6[%get3A_2522, %get3A_2523] {strides = array<i32>} : memref<3x112xi32, #tpu.memory_space<vmem>>, vector<1x16xi32>,
      %get3A_2525 = vector.shape_cast %get3A_2524 : vector<1x16xi32> to vector<16xi32>
      %swap3A_2526 = arith.constant 32 : index
      %swap3A_2527 = tpu.vector_load %arg12[%swap3A_2526] {strides = array<i32>} : memref<112xi32, #tpu.memory_space<vmem>>, vector<16xi32>,
      %swap3A_2528 = vector.shape_cast %swap3A_2527 : vector<16xi32> to vector<16xi32>
      %swap3A_2529 = vector.shape_cast %get3A_2525 : vector<16xi32> to vector<16xi32>
      tpu.vector_store %arg12[%swap3A_2526], %swap3A_2529 {strides = array<i32>} : memref<112xi32, #tpu.memory_space<vmem>>, vector<16xi32>,
      %get3A_2530 = arith.constant 1 : i32
      %get3A_2531 = arith.index_cast %get3A_2530 : i32 to index
      %get3A_2532 = arith.constant 48 : index
      %get3A_2533 = tpu.vector_load %arg6[%get3A_2531, %get3A_2532] {strides = array<i32>} : memref<3x112xi32, #tpu.memory_space<vmem>>, vector<1x16xi32>,
      %get3A_2534 = vector.shape_cast %get3A_2533 : vector<1x16xi32> to vector<16xi32>
      %mul3A_2535 = arith.constant 10000 : i32
      %mul3A_2536 = vector.broadcast %mul3A_2535 : i32 to vector<16xi32>
      %mul3A_2537 = arith.muli %get3A_2534, %mul3A_2536 : vector<16xi32>
      %get3A_2538 = arith.constant 0 : i32
      %get3A_2539 = arith.index_cast %get3A_2538 : i32 to index
      %get3A_2540 = arith.constant 48 : index
      %get3A_2541 = tpu.vector_load %arg6[%get3A_2539, %get3A_2540] {strides = array<i32>} : memref<3x112xi32, #tpu.memory_space<vmem>>, vector<1x16xi32>,
      %get3A_2542 = vector.shape_cast %get3A_2541 : vector<1x16xi32> to vector<16xi32>
      %add3A_2543 = arith.addi %mul3A_2537, %get3A_2542 : vector<16xi32>
      %swap3A_2544 = arith.constant 48 : index
      %swap3A_2545 = tpu.vector_load %arg9[%swap3A_2544] {strides = array<i32>} : memref<112xi32, #tpu.memory_space<vmem>>, vector<16xi32>,
      %swap3A_2546 = vector.shape_cast %swap3A_2545 : vector<16xi32> to vector<16xi32>
      %swap3A_2547 = vector.shape_cast %add3A_2543 : vector<16xi32> to vector<16xi32>
      tpu.vector_store %arg9[%swap3A_2544], %swap3A_2547 {strides = array<i32>} : memref<112xi32, #tpu.memory_space<vmem>>, vector<16xi32>,
      %get3A_2548 = arith.constant 2 : i32
      %get3A_2549 = arith.index_cast %get3A_2548 : i32 to index
      %get3A_2550 = arith.constant 48 : index
      %get3A_2551 = tpu.vector_load %arg6[%get3A_2549, %get3A_2550] {strides = array<i32>} : memref<3x112xi32, #tpu.memory_space<vmem>>, vector<1x16xi32>,
      %get3A_2552 = vector.shape_cast %get3A_2551 : vector<1x16xi32> to vector<16xi32>
      %swap3A_2553 = arith.constant 48 : index
      %swap3A_2554 = tpu.vector_load %arg12[%swap3A_2553] {strides = array<i32>} : memref<112xi32, #tpu.memory_space<vmem>>, vector<16xi32>,
      %swap3A_2555 = vector.shape_cast %swap3A_2554 : vector<16xi32> to vector<16xi32>
      %swap3A_2556 = vector.shape_cast %get3A_2552 : vector<16xi32> to vector<16xi32>
      tpu.vector_store %arg12[%swap3A_2553], %swap3A_2556 {strides = array<i32>} : memref<112xi32, #tpu.memory_space<vmem>>, vector<16xi32>,
      %get3A_2557 = arith.constant 1 : i32
      %get3A_2558 = arith.index_cast %get3A_2557 : i32 to index
      %get3A_2559 = arith.constant 64 : index
      %get3A_2560 = tpu.vector_load %arg6[%get3A_2558, %get3A_2559] {strides = array<i32>} : memref<3x112xi32, #tpu.memory_space<vmem>>, vector<1x16xi32>,
      %get3A_2561 = vector.shape_cast %get3A_2560 : vector<1x16xi32> to vector<16xi32>
      %mul3A_2562 = arith.constant 10000 : i32
      %mul3A_2563 = vector.broadcast %mul3A_2562 : i32 to vector<16xi32>
      %mul3A_2564 = arith.muli %get3A_2561, %mul3A_2563 : vector<16xi32>
      %get3A_2565 = arith.constant 0 : i32
      %get3A_2566 = arith.index_cast %get3A_2565 : i32 to index
      %get3A_2567 = arith.constant 64 : index
      %get3A_2568 = tpu.vector_load %arg6[%get3A_2566, %get3A_2567] {strides = array<i32>} : memref<3x112xi32, #tpu.memory_space<vmem>>, vector<1x16xi32>,
      %get3A_2569 = vector.shape_cast %get3A_2568 : vector<1x16xi32> to vector<16xi32>
      %add3A_2570 = arith.addi %mul3A_2564, %get3A_2569 : vector<16xi32>
      %swap3A_2571 = arith.constant 64 : index
      %swap3A_2572 = tpu.vector_load %arg9[%swap3A_2571] {strides = array<i32>} : memref<112xi32, #tpu.memory_space<vmem>>, vector<16xi32>,
      %swap3A_2573 = vector.shape_cast %swap3A_2572 : vector<16xi32> to vector<16xi32>
      %swap3A_2574 = vector.shape_cast %add3A_2570 : vector<16xi32> to vector<16xi32>
      tpu.vector_store %arg9[%swap3A_2571], %swap3A_2574 {strides = array<i32>} : memref<112xi32, #tpu.memory_space<vmem>>, vector<16xi32>,
      %get3A_2575 = arith.constant 2 : i32
      %get3A_2576 = arith.index_cast %get3A_2575 : i32 to index
      %get3A_2577 = arith.constant 64 : index
      %get3A_2578 = tpu.vector_load %arg6[%get3A_2576, %get3A_2577] {strides = array<i32>} : memref<3x112xi32, #tpu.memory_space<vmem>>, vector<1x16xi32>,
      %get3A_2579 = vector.shape_cast %get3A_2578 : vector<1x16xi32> to vector<16xi32>
      %swap3A_2580 = arith.constant 64 : index
      %swap3A_2581 = tpu.vector_load %arg12[%swap3A_2580] {strides = array<i32>} : memref<112xi32, #tpu.memory_space<vmem>>, vector<16xi32>,
      %swap3A_2582 = vector.shape_cast %swap3A_2581 : vector<16xi32> to vector<16xi32>
      %swap3A_2583 = vector.shape_cast %get3A_2579 : vector<16xi32> to vector<16xi32>
      tpu.vector_store %arg12[%swap3A_2580], %swap3A_2583 {strides = array<i32>} : memref<112xi32, #tpu.memory_space<vmem>>, vector<16xi32>,
      %get3A_2584 = arith.constant 1 : i32
      %get3A_2585 = arith.index_cast %get3A_2584 : i32 to index
      %get3A_2586 = arith.constant 80 : index
      %get3A_2587 = tpu.vector_load %arg6[%get3A_2585, %get3A_2586] {strides = array<i32>} : memref<3x112xi32, #tpu.memory_space<vmem>>, vector<1x16xi32>,
      %get3A_2588 = vector.shape_cast %get3A_2587 : vector<1x16xi32> to vector<16xi32>
      %mul3A_2589 = arith.constant 10000 : i32
      %mul3A_2590 = vector.broadcast %mul3A_2589 : i32 to vector<16xi32>
      %mul3A_2591 = arith.muli %get3A_2588, %mul3A_2590 : vector<16xi32>
      %get3A_2592 = arith.constant 0 : i32
      %get3A_2593 = arith.index_cast %get3A_2592 : i32 to index
      %get3A_2594 = arith.constant 80 : index
      %get3A_2595 = tpu.vector_load %arg6[%get3A_2593, %get3A_2594] {strides = array<i32>} : memref<3x112xi32, #tpu.memory_space<vmem>>, vector<1x16xi32>,
      %get3A_2596 = vector.shape_cast %get3A_2595 : vector<1x16xi32> to vector<16xi32>
      %add3A_2597 = arith.addi %mul3A_2591, %get3A_2596 : vector<16xi32>
      %swap3A_2598 = arith.constant 80 : index
      %swap3A_2599 = tpu.vector_load %arg9[%swap3A_2598] {strides = array<i32>} : memref<112xi32, #tpu.memory_space<vmem>>, vector<16xi32>,
      %swap3A_2600 = vector.shape_cast %swap3A_2599 : vector<16xi32> to vector<16xi32>
      %swap3A_2601 = vector.shape_cast %add3A_2597 : vector<16xi32> to vector<16xi32>
      tpu.vector_store %arg9[%swap3A_2598], %swap3A_2601 {strides = array<i32>} : memref<112xi32, #tpu.memory_space<vmem>>, vector<16xi32>,
      %get3A_2602 = arith.constant 2 : i32
      %get3A_2603 = arith.index_cast %get3A_2602 : i32 to index
      %get3A_2604 = arith.constant 80 : index
      %get3A_2605 = tpu.vector_load %arg6[%get3A_2603, %get3A_2604] {strides = array<i32>} : memref<3x112xi32, #tpu.memory_space<vmem>>, vector<1x16xi32>,
      %get3A_2606 = vector.shape_cast %get3A_2605 : vector<1x16xi32> to vector<16xi32>
      %swap3A_2607 = arith.constant 80 : index
      %swap3A_2608 = tpu.vector_load %arg12[%swap3A_2607] {strides = array<i32>} : memref<112xi32, #tpu.memory_space<vmem>>, vector<16xi32>,
      %swap3A_2609 = vector.shape_cast %swap3A_2608 : vector<16xi32> to vector<16xi32>
      %swap3A_2610 = vector.shape_cast %get3A_2606 : vector<16xi32> to vector<16xi32>
      tpu.vector_store %arg12[%swap3A_2607], %swap3A_2610 {strides = array<i32>} : memref<112xi32, #tpu.memory_space<vmem>>, vector<16xi32>,
      %get3A_2611 = arith.constant 1 : i32
      %get3A_2612 = arith.index_cast %get3A_2611 : i32 to index
      %get3A_2613 = arith.constant 96 : index
      %get3A_2614 = tpu.vector_load %arg6[%get3A_2612, %get3A_2613] {strides = array<i32>} : memref<3x112xi32, #tpu.memory_space<vmem>>, vector<1x16xi32>,
      %get3A_2615 = vector.shape_cast %get3A_2614 : vector<1x16xi32> to vector<16xi32>
      %mul3A_2616 = arith.constant 10000 : i32
      %mul3A_2617 = vector.broadcast %mul3A_2616 : i32 to vector<16xi32>
      %mul3A_2618 = arith.muli %get3A_2615, %mul3A_2617 : vector<16xi32>
      %get3A_2619 = arith.constant 0 : i32
      %get3A_2620 = arith.index_cast %get3A_2619 : i32 to index
      %get3A_2621 = arith.constant 96 : index
      %get3A_2622 = tpu.vector_load %arg6[%get3A_2620, %get3A_2621] {strides = array<i32>} : memref<3x112xi32, #tpu.memory_space<vmem>>, vector<1x16xi32>,
      %get3A_2623 = vector.shape_cast %get3A_2622 : vector<1x16xi32> to vector<16xi32>
      %add3A_2624 = arith.addi %mul3A_2618, %get3A_2623 : vector<16xi32>
      %swap3A_2625 = arith.constant 96 : index
      %swap3A_2626 = tpu.vector_load %arg9[%swap3A_2625] {strides = array<i32>} : memref<112xi32, #tpu.memory_space<vmem>>, vector<16xi32>,
      %swap3A_2627 = vector.shape_cast %swap3A_2626 : vector<16xi32> to vector<16xi32>
      %swap3A_2628 = vector.shape_cast %add3A_2624 : vector<16xi32> to vector<16xi32>
      tpu.vector_store %arg9[%swap3A_2625], %swap3A_2628 {strides = array<i32>} : memref<112xi32, #tpu.memory_space<vmem>>, vector<16xi32>,
      %get3A_2629 = arith.constant 2 : i32
      %get3A_2630 = arith.index_cast %get3A_2629 : i32 to index
      %get3A_2631 = arith.constant 96 : index
      %get3A_2632 = tpu.vector_load %arg6[%get3A_2630, %get3A_2631] {strides = array<i32>} : memref<3x112xi32, #tpu.memory_space<vmem>>, vector<1x16xi32>,
      %get3A_2633 = vector.shape_cast %get3A_2632 : vector<1x16xi32> to vector<16xi32>
      %swap3A_2634 = arith.constant 96 : index
      %swap3A_2635 = tpu.vector_load %arg12[%swap3A_2634] {strides = array<i32>} : memref<112xi32, #tpu.memory_space<vmem>>, vector<16xi32>,
      %swap3A_2636 = vector.shape_cast %swap3A_2635 : vector<16xi32> to vector<16xi32>
      %swap3A_2637 = vector.shape_cast %get3A_2633 : vector<16xi32> to vector<16xi32>
      tpu.vector_store %arg12[%swap3A_2634], %swap3A_2637 {strides = array<i32>} : memref<112xi32, #tpu.memory_space<vmem>>, vector<16xi32>,
      %dma_start3A_2638 = arith.constant 0 : i32
      %dma_start3A_2639 = arith.constant 0 : i32
      %dma_start3A_2640 = tpu.memref_slice %arg2[%dma_start3A_2638, %dma_start3A_2639] : memref<100000x128xf32, #tpu.memory_space<hbm>> -> memref<100000x128xf32, #tpu.memory_space<hbm>>
      tpu.enqueue_indirect_dma source(%dma_start3A_2640 : memref<100000x128xf32, #tpu.memory_space<hbm>>) target(%arg15 : memref<112x128xf32, #tpu.memory_space<vmem>>) offsets(%arg9 : memref<112xi32, #tpu.memory_space<vmem>>) semaphore(%arg22 : memref<!tpu.dma_semaphore, #tpu.memory_space<semaphore_mem>>)
      %add3A_2641 = arith.constant 4 : i32
      %add3A_2642 = arith.addi %add3A_2429, %add3A_2641 : i32
      %dma_start3A_2643 = arith.constant 0 : i32
      %dma_start3A_2644 = arith.constant 0 : i32
      %dma_start3A_2645 = tpu.memref_slice %arg3[%add3A, %add3A_2642, %dma_start3A_2643, %dma_start3A_2644] : memref<32x90x3x112xi32, #tpu.memory_space<hbm>> -> memref<1x1x3x112xi32, #tpu.memory_space<hbm>>
      %dma_start3A_2646 = tpu.memref_squeeze %dma_start3A_2645 : memref<1x1x3x112xi32, #tpu.memory_space<hbm>> -> memref<3x112xi32, #tpu.memory_space<hbm>>
      %dma_start3A_2647 = arith.constant 0 : i32
      %dma_start3A_2648 = arith.constant 0 : i32
      %dma_start3A_2649 = tpu.memref_slice %arg3[%add3A, %add3A_2642, %dma_start3A_2647, %dma_start3A_2648] : memref<32x90x3x112xi32, #tpu.memory_space<hbm>> -> memref<1x1x3x112xi32, #tpu.memory_space<hbm>>
      %dma_start3A_2650 = tpu.memref_squeeze %dma_start3A_2649 : memref<1x1x3x112xi32, #tpu.memory_space<hbm>> -> memref<3x112xi32, #tpu.memory_space<hbm>>
      tpu.enqueue_dma source(%dma_start3A_2650 : memref<3x112xi32, #tpu.memory_space<hbm>>) target(%arg5 : memref<3x112xi32, #tpu.memory_space<vmem>>) target_semaphore(%arg18 : memref<!tpu.dma_semaphore, #tpu.memory_space<semaphore_mem>>)
    }
    %scan3A_1090 = arith.constant 27 : i32
    %dma_wait3A_1091 = arith.constant 0 : i32
    %dma_wait3A_1092 = arith.constant 0 : i32
    %dma_wait3A_1093 = tpu.memref_slice %arg2[%dma_wait3A_1091, %dma_wait3A_1092] : memref<100000x128xf32, #tpu.memory_space<hbm>> -> memref<100000x128xf32, #tpu.memory_space<hbm>>
    tpu.wait_indirect_dma semaphore(%arg21 : memref<!tpu.dma_semaphore, #tpu.memory_space<semaphore_mem>>) src(%dma_wait3A_1093 : memref<100000x128xf32, #tpu.memory_space<hbm>>) dst(%arg14 : memref<112x128xf32, #tpu.memory_space<vmem>>)
    %dma_start3A_1094 = arith.constant 0 : i32
    %dma_start3A_1095 = arith.constant 0 : i32
    %dma_start3A_1096 = tpu.memref_slice %arg17[%dma_start3A_1094, %dma_start3A_1095] : memref<10008x128xf32, #tpu.memory_space<vmem_shared>> -> memref<10008x128xf32, #tpu.memory_space<vmem_shared>>
    tpu.enqueue_indirect_dma source(%arg14 : memref<112x128xf32, #tpu.memory_space<vmem>>) target(%dma_start3A_1096 : memref<10008x128xf32, #tpu.memory_space<vmem_shared>>) offsets(%arg11 : memref<112xi32, #tpu.memory_space<vmem>>) semaphore(%arg24 : memref<!tpu.dma_semaphore, #tpu.memory_space<semaphore_mem>>) {add = true}
    %dma_wait3A_1097 = arith.constant 86 : i32
    %dma_wait3A_1098 = arith.constant 0 : i32
    %dma_wait3A_1099 = arith.constant 0 : i32
    %dma_wait3A_1100 = tpu.memref_slice %arg3[%add3A, %dma_wait3A_1097, %dma_wait3A_1098, %dma_wait3A_1099] : memref<32x90x3x112xi32, #tpu.memory_space<hbm>> -> memref<1x1x3x112xi32, #tpu.memory_space<hbm>>
    %dma_wait3A_1101 = tpu.memref_squeeze %dma_wait3A_1100 : memref<1x1x3x112xi32, #tpu.memory_space<hbm>> -> memref<3x112xi32, #tpu.memory_space<hbm>>
    %dma_wait3A_1102 = arith.constant 0 : i32
    %dma_wait3A_1103 = arith.constant 0 : i32
    %dma_wait3A_1104 = tpu.memref_slice %arg3[%add3A, %dma_wait3A_1097, %dma_wait3A_1102, %dma_wait3A_1103] : memref<32x90x3x112xi32, #tpu.memory_space<hbm>> -> memref<1x1x3x112xi32, #tpu.memory_space<hbm>>
    %dma_wait3A_1105 = tpu.memref_squeeze %dma_wait3A_1104 : memref<1x1x3x112xi32, #tpu.memory_space<hbm>> -> memref<3x112xi32, #tpu.memory_space<hbm>>
    tpu.wait_dma2 semaphore(%arg20 : memref<!tpu.dma_semaphore, #tpu.memory_space<semaphore_mem>>) src(%dma_wait3A_1105 : memref<3x112xi32, #tpu.memory_space<hbm>>) dst(%arg7 : memref<3x112xi32, #tpu.memory_space<vmem>>)
    %dma_wait3A_1106 = arith.constant 0 : i32
    %dma_wait3A_1107 = arith.constant 0 : i32
    %dma_wait3A_1108 = tpu.memref_slice %arg17[%dma_wait3A_1106, %dma_wait3A_1107] : memref<10008x128xf32, #tpu.memory_space<vmem_shared>> -> memref<10008x128xf32, #tpu.memory_space<vmem_shared>>
    tpu.wait_indirect_dma semaphore(%arg26 : memref<!tpu.dma_semaphore, #tpu.memory_space<semaphore_mem>>) src(%arg16 : memref<112x128xf32, #tpu.memory_space<vmem>>) dst(%dma_wait3A_1108 : memref<10008x128xf32, #tpu.memory_space<vmem_shared>>)
    %get3A_1109 = arith.constant 1 : i32
    %get3A_1110 = arith.index_cast %get3A_1109 : i32 to index
    %get3A_1111 = arith.constant 0 : index
    %get3A_1112 = tpu.vector_load %arg7[%get3A_1110, %get3A_1111] {strides = array<i32>} : memref<3x112xi32, #tpu.memory_space<vmem>>, vector<1x16xi32>,
    %get3A_1113 = vector.shape_cast %get3A_1112 : vector<1x16xi32> to vector<16xi32>
    %mul3A_1114 = arith.constant 10000 : i32
    %mul3A_1115 = vector.broadcast %mul3A_1114 : i32 to vector<16xi32>
    %mul3A_1116 = arith.muli %get3A_1113, %mul3A_1115 : vector<16xi32>
    %get3A_1117 = arith.constant 0 : i32
    %get3A_1118 = arith.index_cast %get3A_1117 : i32 to index
    %get3A_1119 = arith.constant 0 : index
    %get3A_1120 = tpu.vector_load %arg7[%get3A_1118, %get3A_1119] {strides = array<i32>} : memref<3x112xi32, #tpu.memory_space<vmem>>, vector<1x16xi32>,
    %get3A_1121 = vector.shape_cast %get3A_1120 : vector<1x16xi32> to vector<16xi32>
    %add3A_1122 = arith.addi %mul3A_1116, %get3A_1121 : vector<16xi32>
    %swap3A_1123 = arith.constant 0 : index
    %swap3A_1124 = tpu.vector_load %arg10[%swap3A_1123] {strides = array<i32>} : memref<112xi32, #tpu.memory_space<vmem>>, vector<16xi32>,
    %swap3A_1125 = vector.shape_cast %swap3A_1124 : vector<16xi32> to vector<16xi32>
    %swap3A_1126 = vector.shape_cast %add3A_1122 : vector<16xi32> to vector<16xi32>
    tpu.vector_store %arg10[%swap3A_1123], %swap3A_1126 {strides = array<i32>} : memref<112xi32, #tpu.memory_space<vmem>>, vector<16xi32>,
    %get3A_1127 = arith.constant 2 : i32
    %get3A_1128 = arith.index_cast %get3A_1127 : i32 to index
    %get3A_1129 = arith.constant 0 : index
    %get3A_1130 = tpu.vector_load %arg7[%get3A_1128, %get3A_1129] {strides = array<i32>} : memref<3x112xi32, #tpu.memory_space<vmem>>, vector<1x16xi32>,
    %get3A_1131 = vector.shape_cast %get3A_1130 : vector<1x16xi32> to vector<16xi32>
    %swap3A_1132 = arith.constant 0 : index
    %swap3A_1133 = tpu.vector_load %arg13[%swap3A_1132] {strides = array<i32>} : memref<112xi32, #tpu.memory_space<vmem>>, vector<16xi32>,
    %swap3A_1134 = vector.shape_cast %swap3A_1133 : vector<16xi32> to vector<16xi32>
    %swap3A_1135 = vector.shape_cast %get3A_1131 : vector<16xi32> to vector<16xi32>
    tpu.vector_store %arg13[%swap3A_1132], %swap3A_1135 {strides = array<i32>} : memref<112xi32, #tpu.memory_space<vmem>>, vector<16xi32>,
    %get3A_1136 = arith.constant 1 : i32
    %get3A_1137 = arith.index_cast %get3A_1136 : i32 to index
    %get3A_1138 = arith.constant 16 : index
    %get3A_1139 = tpu.vector_load %arg7[%get3A_1137, %get3A_1138] {strides = array<i32>} : memref<3x112xi32, #tpu.memory_space<vmem>>, vector<1x16xi32>,
    %get3A_1140 = vector.shape_cast %get3A_1139 : vector<1x16xi32> to vector<16xi32>
    %mul3A_1141 = arith.constant 10000 : i32
    %mul3A_1142 = vector.broadcast %mul3A_1141 : i32 to vector<16xi32>
    %mul3A_1143 = arith.muli %get3A_1140, %mul3A_1142 : vector<16xi32>
    %get3A_1144 = arith.constant 0 : i32
    %get3A_1145 = arith.index_cast %get3A_1144 : i32 to index
    %get3A_1146 = arith.constant 16 : index
    %get3A_1147 = tpu.vector_load %arg7[%get3A_1145, %get3A_1146] {strides = array<i32>} : memref<3x112xi32, #tpu.memory_space<vmem>>, vector<1x16xi32>,
    %get3A_1148 = vector.shape_cast %get3A_1147 : vector<1x16xi32> to vector<16xi32>
    %add3A_1149 = arith.addi %mul3A_1143, %get3A_1148 : vector<16xi32>
    %swap3A_1150 = arith.constant 16 : index
    %swap3A_1151 = tpu.vector_load %arg10[%swap3A_1150] {strides = array<i32>} : memref<112xi32, #tpu.memory_space<vmem>>, vector<16xi32>,
    %swap3A_1152 = vector.shape_cast %swap3A_1151 : vector<16xi32> to vector<16xi32>
    %swap3A_1153 = vector.shape_cast %add3A_1149 : vector<16xi32> to vector<16xi32>
    tpu.vector_store %arg10[%swap3A_1150], %swap3A_1153 {strides = array<i32>} : memref<112xi32, #tpu.memory_space<vmem>>, vector<16xi32>,
    %get3A_1154 = arith.constant 2 : i32
    %get3A_1155 = arith.index_cast %get3A_1154 : i32 to index
    %get3A_1156 = arith.constant 16 : index
    %get3A_1157 = tpu.vector_load %arg7[%get3A_1155, %get3A_1156] {strides = array<i32>} : memref<3x112xi32, #tpu.memory_space<vmem>>, vector<1x16xi32>,
    %get3A_1158 = vector.shape_cast %get3A_1157 : vector<1x16xi32> to vector<16xi32>
    %swap3A_1159 = arith.constant 16 : index
    %swap3A_1160 = tpu.vector_load %arg13[%swap3A_1159] {strides = array<i32>} : memref<112xi32, #tpu.memory_space<vmem>>, vector<16xi32>,
    %swap3A_1161 = vector.shape_cast %swap3A_1160 : vector<16xi32> to vector<16xi32>
    %swap3A_1162 = vector.shape_cast %get3A_1158 : vector<16xi32> to vector<16xi32>
    tpu.vector_store %arg13[%swap3A_1159], %swap3A_1162 {strides = array<i32>} : memref<112xi32, #tpu.memory_space<vmem>>, vector<16xi32>,
    %get3A_1163 = arith.constant 1 : i32
    %get3A_1164 = arith.index_cast %get3A_1163 : i32 to index
    %get3A_1165 = arith.constant 32 : index
    %get3A_1166 = tpu.vector_load %arg7[%get3A_1164, %get3A_1165] {strides = array<i32>} : memref<3x112xi32, #tpu.memory_space<vmem>>, vector<1x16xi32>,
    %get3A_1167 = vector.shape_cast %get3A_1166 : vector<1x16xi32> to vector<16xi32>
    %mul3A_1168 = arith.constant 10000 : i32
    %mul3A_1169 = vector.broadcast %mul3A_1168 : i32 to vector<16xi32>
    %mul3A_1170 = arith.muli %get3A_1167, %mul3A_1169 : vector<16xi32>
    %get3A_1171 = arith.constant 0 : i32
    %get3A_1172 = arith.index_cast %get3A_1171 : i32 to index
    %get3A_1173 = arith.constant 32 : index
    %get3A_1174 = tpu.vector_load %arg7[%get3A_1172, %get3A_1173] {strides = array<i32>} : memref<3x112xi32, #tpu.memory_space<vmem>>, vector<1x16xi32>,
    %get3A_1175 = vector.shape_cast %get3A_1174 : vector<1x16xi32> to vector<16xi32>
    %add3A_1176 = arith.addi %mul3A_1170, %get3A_1175 : vector<16xi32>
    %swap3A_1177 = arith.constant 32 : index
    %swap3A_1178 = tpu.vector_load %arg10[%swap3A_1177] {strides = array<i32>} : memref<112xi32, #tpu.memory_space<vmem>>, vector<16xi32>,
    %swap3A_1179 = vector.shape_cast %swap3A_1178 : vector<16xi32> to vector<16xi32>
    %swap3A_1180 = vector.shape_cast %add3A_1176 : vector<16xi32> to vector<16xi32>
    tpu.vector_store %arg10[%swap3A_1177], %swap3A_1180 {strides = array<i32>} : memref<112xi32, #tpu.memory_space<vmem>>, vector<16xi32>,
    %get3A_1181 = arith.constant 2 : i32
    %get3A_1182 = arith.index_cast %get3A_1181 : i32 to index
    %get3A_1183 = arith.constant 32 : index
    %get3A_1184 = tpu.vector_load %arg7[%get3A_1182, %get3A_1183] {strides = array<i32>} : memref<3x112xi32, #tpu.memory_space<vmem>>, vector<1x16xi32>,
    %get3A_1185 = vector.shape_cast %get3A_1184 : vector<1x16xi32> to vector<16xi32>
    %swap3A_1186 = arith.constant 32 : index
    %swap3A_1187 = tpu.vector_load %arg13[%swap3A_1186] {strides = array<i32>} : memref<112xi32, #tpu.memory_space<vmem>>, vector<16xi32>,
    %swap3A_1188 = vector.shape_cast %swap3A_1187 : vector<16xi32> to vector<16xi32>
    %swap3A_1189 = vector.shape_cast %get3A_1185 : vector<16xi32> to vector<16xi32>
    tpu.vector_store %arg13[%swap3A_1186], %swap3A_1189 {strides = array<i32>} : memref<112xi32, #tpu.memory_space<vmem>>, vector<16xi32>,
    %get3A_1190 = arith.constant 1 : i32
    %get3A_1191 = arith.index_cast %get3A_1190 : i32 to index
    %get3A_1192 = arith.constant 48 : index
    %get3A_1193 = tpu.vector_load %arg7[%get3A_1191, %get3A_1192] {strides = array<i32>} : memref<3x112xi32, #tpu.memory_space<vmem>>, vector<1x16xi32>,
    %get3A_1194 = vector.shape_cast %get3A_1193 : vector<1x16xi32> to vector<16xi32>
    %mul3A_1195 = arith.constant 10000 : i32
    %mul3A_1196 = vector.broadcast %mul3A_1195 : i32 to vector<16xi32>
    %mul3A_1197 = arith.muli %get3A_1194, %mul3A_1196 : vector<16xi32>
    %get3A_1198 = arith.constant 0 : i32
    %get3A_1199 = arith.index_cast %get3A_1198 : i32 to index
    %get3A_1200 = arith.constant 48 : index
    %get3A_1201 = tpu.vector_load %arg7[%get3A_1199, %get3A_1200] {strides = array<i32>} : memref<3x112xi32, #tpu.memory_space<vmem>>, vector<1x16xi32>,
    %get3A_1202 = vector.shape_cast %get3A_1201 : vector<1x16xi32> to vector<16xi32>
    %add3A_1203 = arith.addi %mul3A_1197, %get3A_1202 : vector<16xi32>
    %swap3A_1204 = arith.constant 48 : index
    %swap3A_1205 = tpu.vector_load %arg10[%swap3A_1204] {strides = array<i32>} : memref<112xi32, #tpu.memory_space<vmem>>, vector<16xi32>,
    %swap3A_1206 = vector.shape_cast %swap3A_1205 : vector<16xi32> to vector<16xi32>
    %swap3A_1207 = vector.shape_cast %add3A_1203 : vector<16xi32> to vector<16xi32>
    tpu.vector_store %arg10[%swap3A_1204], %swap3A_1207 {strides = array<i32>} : memref<112xi32, #tpu.memory_space<vmem>>, vector<16xi32>,
    %get3A_1208 = arith.constant 2 : i32
    %get3A_1209 = arith.index_cast %get3A_1208 : i32 to index
    %get3A_1210 = arith.constant 48 : index
    %get3A_1211 = tpu.vector_load %arg7[%get3A_1209, %get3A_1210] {strides = array<i32>} : memref<3x112xi32, #tpu.memory_space<vmem>>, vector<1x16xi32>,
    %get3A_1212 = vector.shape_cast %get3A_1211 : vector<1x16xi32> to vector<16xi32>
    %swap3A_1213 = arith.constant 48 : index
    %swap3A_1214 = tpu.vector_load %arg13[%swap3A_1213] {strides = array<i32>} : memref<112xi32, #tpu.memory_space<vmem>>, vector<16xi32>,
    %swap3A_1215 = vector.shape_cast %swap3A_1214 : vector<16xi32> to vector<16xi32>
    %swap3A_1216 = vector.shape_cast %get3A_1212 : vector<16xi32> to vector<16xi32>
    tpu.vector_store %arg13[%swap3A_1213], %swap3A_1216 {strides = array<i32>} : memref<112xi32, #tpu.memory_space<vmem>>, vector<16xi32>,
    %get3A_1217 = arith.constant 1 : i32
    %get3A_1218 = arith.index_cast %get3A_1217 : i32 to index
    %get3A_1219 = arith.constant 64 : index
    %get3A_1220 = tpu.vector_load %arg7[%get3A_1218, %get3A_1219] {strides = array<i32>} : memref<3x112xi32, #tpu.memory_space<vmem>>, vector<1x16xi32>,
    %get3A_1221 = vector.shape_cast %get3A_1220 : vector<1x16xi32> to vector<16xi32>
    %mul3A_1222 = arith.constant 10000 : i32
    %mul3A_1223 = vector.broadcast %mul3A_1222 : i32 to vector<16xi32>
    %mul3A_1224 = arith.muli %get3A_1221, %mul3A_1223 : vector<16xi32>
    %get3A_1225 = arith.constant 0 : i32
    %get3A_1226 = arith.index_cast %get3A_1225 : i32 to index
    %get3A_1227 = arith.constant 64 : index
    %get3A_1228 = tpu.vector_load %arg7[%get3A_1226, %get3A_1227] {strides = array<i32>} : memref<3x112xi32, #tpu.memory_space<vmem>>, vector<1x16xi32>,
    %get3A_1229 = vector.shape_cast %get3A_1228 : vector<1x16xi32> to vector<16xi32>
    %add3A_1230 = arith.addi %mul3A_1224, %get3A_1229 : vector<16xi32>
    %swap3A_1231 = arith.constant 64 : index
    %swap3A_1232 = tpu.vector_load %arg10[%swap3A_1231] {strides = array<i32>} : memref<112xi32, #tpu.memory_space<vmem>>, vector<16xi32>,
    %swap3A_1233 = vector.shape_cast %swap3A_1232 : vector<16xi32> to vector<16xi32>
    %swap3A_1234 = vector.shape_cast %add3A_1230 : vector<16xi32> to vector<16xi32>
    tpu.vector_store %arg10[%swap3A_1231], %swap3A_1234 {strides = array<i32>} : memref<112xi32, #tpu.memory_space<vmem>>, vector<16xi32>,
    %get3A_1235 = arith.constant 2 : i32
    %get3A_1236 = arith.index_cast %get3A_1235 : i32 to index
    %get3A_1237 = arith.constant 64 : index
    %get3A_1238 = tpu.vector_load %arg7[%get3A_1236, %get3A_1237] {strides = array<i32>} : memref<3x112xi32, #tpu.memory_space<vmem>>, vector<1x16xi32>,
    %get3A_1239 = vector.shape_cast %get3A_1238 : vector<1x16xi32> to vector<16xi32>
    %swap3A_1240 = arith.constant 64 : index
    %swap3A_1241 = tpu.vector_load %arg13[%swap3A_1240] {strides = array<i32>} : memref<112xi32, #tpu.memory_space<vmem>>, vector<16xi32>,
    %swap3A_1242 = vector.shape_cast %swap3A_1241 : vector<16xi32> to vector<16xi32>
    %swap3A_1243 = vector.shape_cast %get3A_1239 : vector<16xi32> to vector<16xi32>
    tpu.vector_store %arg13[%swap3A_1240], %swap3A_1243 {strides = array<i32>} : memref<112xi32, #tpu.memory_space<vmem>>, vector<16xi32>,
    %get3A_1244 = arith.constant 1 : i32
    %get3A_1245 = arith.index_cast %get3A_1244 : i32 to index
    %get3A_1246 = arith.constant 80 : index
    %get3A_1247 = tpu.vector_load %arg7[%get3A_1245, %get3A_1246] {strides = array<i32>} : memref<3x112xi32, #tpu.memory_space<vmem>>, vector<1x16xi32>,
    %get3A_1248 = vector.shape_cast %get3A_1247 : vector<1x16xi32> to vector<16xi32>
    %mul3A_1249 = arith.constant 10000 : i32
    %mul3A_1250 = vector.broadcast %mul3A_1249 : i32 to vector<16xi32>
    %mul3A_1251 = arith.muli %get3A_1248, %mul3A_1250 : vector<16xi32>
    %get3A_1252 = arith.constant 0 : i32
    %get3A_1253 = arith.index_cast %get3A_1252 : i32 to index
    %get3A_1254 = arith.constant 80 : index
    %get3A_1255 = tpu.vector_load %arg7[%get3A_1253, %get3A_1254] {strides = array<i32>} : memref<3x112xi32, #tpu.memory_space<vmem>>, vector<1x16xi32>,
    %get3A_1256 = vector.shape_cast %get3A_1255 : vector<1x16xi32> to vector<16xi32>
    %add3A_1257 = arith.addi %mul3A_1251, %get3A_1256 : vector<16xi32>
    %swap3A_1258 = arith.constant 80 : index
    %swap3A_1259 = tpu.vector_load %arg10[%swap3A_1258] {strides = array<i32>} : memref<112xi32, #tpu.memory_space<vmem>>, vector<16xi32>,
    %swap3A_1260 = vector.shape_cast %swap3A_1259 : vector<16xi32> to vector<16xi32>
    %swap3A_1261 = vector.shape_cast %add3A_1257 : vector<16xi32> to vector<16xi32>
    tpu.vector_store %arg10[%swap3A_1258], %swap3A_1261 {strides = array<i32>} : memref<112xi32, #tpu.memory_space<vmem>>, vector<16xi32>,
    %get3A_1262 = arith.constant 2 : i32
    %get3A_1263 = arith.index_cast %get3A_1262 : i32 to index
    %get3A_1264 = arith.constant 80 : index
    %get3A_1265 = tpu.vector_load %arg7[%get3A_1263, %get3A_1264] {strides = array<i32>} : memref<3x112xi32, #tpu.memory_space<vmem>>, vector<1x16xi32>,
    %get3A_1266 = vector.shape_cast %get3A_1265 : vector<1x16xi32> to vector<16xi32>
    %swap3A_1267 = arith.constant 80 : index
    %swap3A_1268 = tpu.vector_load %arg13[%swap3A_1267] {strides = array<i32>} : memref<112xi32, #tpu.memory_space<vmem>>, vector<16xi32>,
    %swap3A_1269 = vector.shape_cast %swap3A_1268 : vector<16xi32> to vector<16xi32>
    %swap3A_1270 = vector.shape_cast %get3A_1266 : vector<16xi32> to vector<16xi32>
    tpu.vector_store %arg13[%swap3A_1267], %swap3A_1270 {strides = array<i32>} : memref<112xi32, #tpu.memory_space<vmem>>, vector<16xi32>,
    %get3A_1271 = arith.constant 1 : i32
    %get3A_1272 = arith.index_cast %get3A_1271 : i32 to index
    %get3A_1273 = arith.constant 96 : index
    %get3A_1274 = tpu.vector_load %arg7[%get3A_1272, %get3A_1273] {strides = array<i32>} : memref<3x112xi32, #tpu.memory_space<vmem>>, vector<1x16xi32>,
    %get3A_1275 = vector.shape_cast %get3A_1274 : vector<1x16xi32> to vector<16xi32>
    %mul3A_1276 = arith.constant 10000 : i32
    %mul3A_1277 = vector.broadcast %mul3A_1276 : i32 to vector<16xi32>
    %mul3A_1278 = arith.muli %get3A_1275, %mul3A_1277 : vector<16xi32>
    %get3A_1279 = arith.constant 0 : i32
    %get3A_1280 = arith.index_cast %get3A_1279 : i32 to index
    %get3A_1281 = arith.constant 96 : index
    %get3A_1282 = tpu.vector_load %arg7[%get3A_1280, %get3A_1281] {strides = array<i32>} : memref<3x112xi32, #tpu.memory_space<vmem>>, vector<1x16xi32>,
    %get3A_1283 = vector.shape_cast %get3A_1282 : vector<1x16xi32> to vector<16xi32>
    %add3A_1284 = arith.addi %mul3A_1278, %get3A_1283 : vector<16xi32>
    %swap3A_1285 = arith.constant 96 : index
    %swap3A_1286 = tpu.vector_load %arg10[%swap3A_1285] {strides = array<i32>} : memref<112xi32, #tpu.memory_space<vmem>>, vector<16xi32>,
    %swap3A_1287 = vector.shape_cast %swap3A_1286 : vector<16xi32> to vector<16xi32>
    %swap3A_1288 = vector.shape_cast %add3A_1284 : vector<16xi32> to vector<16xi32>
    tpu.vector_store %arg10[%swap3A_1285], %swap3A_1288 {strides = array<i32>} : memref<112xi32, #tpu.memory_space<vmem>>, vector<16xi32>,
    %get3A_1289 = arith.constant 2 : i32
    %get3A_1290 = arith.index_cast %get3A_1289 : i32 to index
    %get3A_1291 = arith.constant 96 : index
    %get3A_1292 = tpu.vector_load %arg7[%get3A_1290, %get3A_1291] {strides = array<i32>} : memref<3x112xi32, #tpu.memory_space<vmem>>, vector<1x16xi32>,
    %get3A_1293 = vector.shape_cast %get3A_1292 : vector<1x16xi32> to vector<16xi32>
    %swap3A_1294 = arith.constant 96 : index
    %swap3A_1295 = tpu.vector_load %arg13[%swap3A_1294] {strides = array<i32>} : memref<112xi32, #tpu.memory_space<vmem>>, vector<16xi32>,
    %swap3A_1296 = vector.shape_cast %swap3A_1295 : vector<16xi32> to vector<16xi32>
    %swap3A_1297 = vector.shape_cast %get3A_1293 : vector<16xi32> to vector<16xi32>
    tpu.vector_store %arg13[%swap3A_1294], %swap3A_1297 {strides = array<i32>} : memref<112xi32, #tpu.memory_space<vmem>>, vector<16xi32>,
    %dma_start3A_1298 = arith.constant 0 : i32
    %dma_start3A_1299 = arith.constant 0 : i32
    %dma_start3A_1300 = tpu.memref_slice %arg2[%dma_start3A_1298, %dma_start3A_1299] : memref<100000x128xf32, #tpu.memory_space<hbm>> -> memref<100000x128xf32, #tpu.memory_space<hbm>>
    tpu.enqueue_indirect_dma source(%dma_start3A_1300 : memref<100000x128xf32, #tpu.memory_space<hbm>>) target(%arg16 : memref<112x128xf32, #tpu.memory_space<vmem>>) offsets(%arg10 : memref<112xi32, #tpu.memory_space<vmem>>) semaphore(%arg23 : memref<!tpu.dma_semaphore, #tpu.memory_space<semaphore_mem>>)
    %dma_start3A_1301 = arith.constant 88 : i32
    %dma_start3A_1302 = arith.constant 0 : i32
    %dma_start3A_1303 = arith.constant 0 : i32
    %dma_start3A_1304 = tpu.memref_slice %arg3[%add3A, %dma_start3A_1301, %dma_start3A_1302, %dma_start3A_1303] : memref<32x90x3x112xi32, #tpu.memory_space<hbm>> -> memref<1x1x3x112xi32, #tpu.memory_space<hbm>>
    %dma_start3A_1305 = tpu.memref_squeeze %dma_start3A_1304 : memref<1x1x3x112xi32, #tpu.memory_space<hbm>> -> memref<3x112xi32, #tpu.memory_space<hbm>>
    %dma_start3A_1306 = arith.constant 0 : i32
    %dma_start3A_1307 = arith.constant 0 : i32
    %dma_start3A_1308 = tpu.memref_slice %arg3[%add3A, %dma_start3A_1301, %dma_start3A_1306, %dma_start3A_1307] : memref<32x90x3x112xi32, #tpu.memory_space<hbm>> -> memref<1x1x3x112xi32, #tpu.memory_space<hbm>>
    %dma_start3A_1309 = tpu.memref_squeeze %dma_start3A_1308 : memref<1x1x3x112xi32, #tpu.memory_space<hbm>> -> memref<3x112xi32, #tpu.memory_space<hbm>>
    tpu.enqueue_dma source(%dma_start3A_1309 : memref<3x112xi32, #tpu.memory_space<hbm>>) target(%arg6 : memref<3x112xi32, #tpu.memory_space<vmem>>) target_semaphore(%arg19 : memref<!tpu.dma_semaphore, #tpu.memory_space<semaphore_mem>>)
    %dma_wait3A_1310 = arith.constant 0 : i32
    %dma_wait3A_1311 = arith.constant 0 : i32
    %dma_wait3A_1312 = tpu.memref_slice %arg2[%dma_wait3A_1310, %dma_wait3A_1311] : memref<100000x128xf32, #tpu.memory_space<hbm>> -> memref<100000x128xf32, #tpu.memory_space<hbm>>
    tpu.wait_indirect_dma semaphore(%arg22 : memref<!tpu.dma_semaphore, #tpu.memory_space<semaphore_mem>>) src(%dma_wait3A_1312 : memref<100000x128xf32, #tpu.memory_space<hbm>>) dst(%arg15 : memref<112x128xf32, #tpu.memory_space<vmem>>)
    %dma_start3A_1313 = arith.constant 0 : i32
    %dma_start3A_1314 = arith.constant 0 : i32
    %dma_start3A_1315 = tpu.memref_slice %arg17[%dma_start3A_1313, %dma_start3A_1314] : memref<10008x128xf32, #tpu.memory_space<vmem_shared>> -> memref<10008x128xf32, #tpu.memory_space<vmem_shared>>
    tpu.enqueue_indirect_dma source(%arg15 : memref<112x128xf32, #tpu.memory_space<vmem>>) target(%dma_start3A_1315 : memref<10008x128xf32, #tpu.memory_space<vmem_shared>>) offsets(%arg12 : memref<112xi32, #tpu.memory_space<vmem>>) semaphore(%arg25 : memref<!tpu.dma_semaphore, #tpu.memory_space<semaphore_mem>>) {add = true}
    %dma_wait3A_1316 = arith.constant 87 : i32
    %dma_wait3A_1317 = arith.constant 0 : i32
    %dma_wait3A_1318 = arith.constant 0 : i32
    %dma_wait3A_1319 = tpu.memref_slice %arg3[%add3A, %dma_wait3A_1316, %dma_wait3A_1317, %dma_wait3A_1318] : memref<32x90x3x112xi32, #tpu.memory_space<hbm>> -> memref<1x1x3x112xi32, #tpu.memory_space<hbm>>
    %dma_wait3A_1320 = tpu.memref_squeeze %dma_wait3A_1319 : memref<1x1x3x112xi32, #tpu.memory_space<hbm>> -> memref<3x112xi32, #tpu.memory_space<hbm>>
    %dma_wait3A_1321 = arith.constant 0 : i32
    %dma_wait3A_1322 = arith.constant 0 : i32
    %dma_wait3A_1323 = tpu.memref_slice %arg3[%add3A, %dma_wait3A_1316, %dma_wait3A_1321, %dma_wait3A_1322] : memref<32x90x3x112xi32, #tpu.memory_space<hbm>> -> memref<1x1x3x112xi32, #tpu.memory_space<hbm>>
    %dma_wait3A_1324 = tpu.memref_squeeze %dma_wait3A_1323 : memref<1x1x3x112xi32, #tpu.memory_space<hbm>> -> memref<3x112xi32, #tpu.memory_space<hbm>>
    tpu.wait_dma2 semaphore(%arg18 : memref<!tpu.dma_semaphore, #tpu.memory_space<semaphore_mem>>) src(%dma_wait3A_1324 : memref<3x112xi32, #tpu.memory_space<hbm>>) dst(%arg5 : memref<3x112xi32, #tpu.memory_space<vmem>>)
    %dma_wait3A_1325 = arith.constant 0 : i32
    %dma_wait3A_1326 = arith.constant 0 : i32
    %dma_wait3A_1327 = tpu.memref_slice %arg17[%dma_wait3A_1325, %dma_wait3A_1326] : memref<10008x128xf32, #tpu.memory_space<vmem_shared>> -> memref<10008x128xf32, #tpu.memory_space<vmem_shared>>
    tpu.wait_indirect_dma semaphore(%arg24 : memref<!tpu.dma_semaphore, #tpu.memory_space<semaphore_mem>>) src(%arg14 : memref<112x128xf32, #tpu.memory_space<vmem>>) dst(%dma_wait3A_1327 : memref<10008x128xf32, #tpu.memory_space<vmem_shared>>)
    %get3A_1328 = arith.constant 1 : i32
    %get3A_1329 = arith.index_cast %get3A_1328 : i32 to index
    %get3A_1330 = arith.constant 0 : index
    %get3A_1331 = tpu.vector_load %arg5[%get3A_1329, %get3A_1330] {strides = array<i32>} : memref<3x112xi32, #tpu.memory_space<vmem>>, vector<1x16xi32>,
    %get3A_1332 = vector.shape_cast %get3A_1331 : vector<1x16xi32> to vector<16xi32>
    %mul3A_1333 = arith.constant 10000 : i32
    %mul3A_1334 = vector.broadcast %mul3A_1333 : i32 to vector<16xi32>
    %mul3A_1335 = arith.muli %get3A_1332, %mul3A_1334 : vector<16xi32>
    %get3A_1336 = arith.constant 0 : i32
    %get3A_1337 = arith.index_cast %get3A_1336 : i32 to index
    %get3A_1338 = arith.constant 0 : index
    %get3A_1339 = tpu.vector_load %arg5[%get3A_1337, %get3A_1338] {strides = array<i32>} : memref<3x112xi32, #tpu.memory_space<vmem>>, vector<1x16xi32>,
    %get3A_1340 = vector.shape_cast %get3A_1339 : vector<1x16xi32> to vector<16xi32>
    %add3A_1341 = arith.addi %mul3A_1335, %get3A_1340 : vector<16xi32>
    %swap3A_1342 = arith.constant 0 : index
    %swap3A_1343 = tpu.vector_load %arg8[%swap3A_1342] {strides = array<i32>} : memref<112xi32, #tpu.memory_space<vmem>>, vector<16xi32>,
    %swap3A_1344 = vector.shape_cast %swap3A_1343 : vector<16xi32> to vector<16xi32>
    %swap3A_1345 = vector.shape_cast %add3A_1341 : vector<16xi32> to vector<16xi32>
    tpu.vector_store %arg8[%swap3A_1342], %swap3A_1345 {strides = array<i32>} : memref<112xi32, #tpu.memory_space<vmem>>, vector<16xi32>,
    %get3A_1346 = arith.constant 2 : i32
    %get3A_1347 = arith.index_cast %get3A_1346 : i32 to index
    %get3A_1348 = arith.constant 0 : index
    %get3A_1349 = tpu.vector_load %arg5[%get3A_1347, %get3A_1348] {strides = array<i32>} : memref<3x112xi32, #tpu.memory_space<vmem>>, vector<1x16xi32>,
    %get3A_1350 = vector.shape_cast %get3A_1349 : vector<1x16xi32> to vector<16xi32>
    %swap3A_1351 = arith.constant 0 : index
    %swap3A_1352 = tpu.vector_load %arg11[%swap3A_1351] {strides = array<i32>} : memref<112xi32, #tpu.memory_space<vmem>>, vector<16xi32>,
    %swap3A_1353 = vector.shape_cast %swap3A_1352 : vector<16xi32> to vector<16xi32>
    %swap3A_1354 = vector.shape_cast %get3A_1350 : vector<16xi32> to vector<16xi32>
    tpu.vector_store %arg11[%swap3A_1351], %swap3A_1354 {strides = array<i32>} : memref<112xi32, #tpu.memory_space<vmem>>, vector<16xi32>,
    %get3A_1355 = arith.constant 1 : i32
    %get3A_1356 = arith.index_cast %get3A_1355 : i32 to index
    %get3A_1357 = arith.constant 16 : index
    %get3A_1358 = tpu.vector_load %arg5[%get3A_1356, %get3A_1357] {strides = array<i32>} : memref<3x112xi32, #tpu.memory_space<vmem>>, vector<1x16xi32>,
    %get3A_1359 = vector.shape_cast %get3A_1358 : vector<1x16xi32> to vector<16xi32>
    %mul3A_1360 = arith.constant 10000 : i32
    %mul3A_1361 = vector.broadcast %mul3A_1360 : i32 to vector<16xi32>
    %mul3A_1362 = arith.muli %get3A_1359, %mul3A_1361 : vector<16xi32>
    %get3A_1363 = arith.constant 0 : i32
    %get3A_1364 = arith.index_cast %get3A_1363 : i32 to index
    %get3A_1365 = arith.constant 16 : index
    %get3A_1366 = tpu.vector_load %arg5[%get3A_1364, %get3A_1365] {strides = array<i32>} : memref<3x112xi32, #tpu.memory_space<vmem>>, vector<1x16xi32>,
    %get3A_1367 = vector.shape_cast %get3A_1366 : vector<1x16xi32> to vector<16xi32>
    %add3A_1368 = arith.addi %mul3A_1362, %get3A_1367 : vector<16xi32>
    %swap3A_1369 = arith.constant 16 : index
    %swap3A_1370 = tpu.vector_load %arg8[%swap3A_1369] {strides = array<i32>} : memref<112xi32, #tpu.memory_space<vmem>>, vector<16xi32>,
    %swap3A_1371 = vector.shape_cast %swap3A_1370 : vector<16xi32> to vector<16xi32>
    %swap3A_1372 = vector.shape_cast %add3A_1368 : vector<16xi32> to vector<16xi32>
    tpu.vector_store %arg8[%swap3A_1369], %swap3A_1372 {strides = array<i32>} : memref<112xi32, #tpu.memory_space<vmem>>, vector<16xi32>,
    %get3A_1373 = arith.constant 2 : i32
    %get3A_1374 = arith.index_cast %get3A_1373 : i32 to index
    %get3A_1375 = arith.constant 16 : index
    %get3A_1376 = tpu.vector_load %arg5[%get3A_1374, %get3A_1375] {strides = array<i32>} : memref<3x112xi32, #tpu.memory_space<vmem>>, vector<1x16xi32>,
    %get3A_1377 = vector.shape_cast %get3A_1376 : vector<1x16xi32> to vector<16xi32>
    %swap3A_1378 = arith.constant 16 : index
    %swap3A_1379 = tpu.vector_load %arg11[%swap3A_1378] {strides = array<i32>} : memref<112xi32, #tpu.memory_space<vmem>>, vector<16xi32>,
    %swap3A_1380 = vector.shape_cast %swap3A_1379 : vector<16xi32> to vector<16xi32>
    %swap3A_1381 = vector.shape_cast %get3A_1377 : vector<16xi32> to vector<16xi32>
    tpu.vector_store %arg11[%swap3A_1378], %swap3A_1381 {strides = array<i32>} : memref<112xi32, #tpu.memory_space<vmem>>, vector<16xi32>,
    %get3A_1382 = arith.constant 1 : i32
    %get3A_1383 = arith.index_cast %get3A_1382 : i32 to index
    %get3A_1384 = arith.constant 32 : index
    %get3A_1385 = tpu.vector_load %arg5[%get3A_1383, %get3A_1384] {strides = array<i32>} : memref<3x112xi32, #tpu.memory_space<vmem>>, vector<1x16xi32>,
    %get3A_1386 = vector.shape_cast %get3A_1385 : vector<1x16xi32> to vector<16xi32>
    %mul3A_1387 = arith.constant 10000 : i32
    %mul3A_1388 = vector.broadcast %mul3A_1387 : i32 to vector<16xi32>
    %mul3A_1389 = arith.muli %get3A_1386, %mul3A_1388 : vector<16xi32>
    %get3A_1390 = arith.constant 0 : i32
    %get3A_1391 = arith.index_cast %get3A_1390 : i32 to index
    %get3A_1392 = arith.constant 32 : index
    %get3A_1393 = tpu.vector_load %arg5[%get3A_1391, %get3A_1392] {strides = array<i32>} : memref<3x112xi32, #tpu.memory_space<vmem>>, vector<1x16xi32>,
    %get3A_1394 = vector.shape_cast %get3A_1393 : vector<1x16xi32> to vector<16xi32>
    %add3A_1395 = arith.addi %mul3A_1389, %get3A_1394 : vector<16xi32>
    %swap3A_1396 = arith.constant 32 : index
    %swap3A_1397 = tpu.vector_load %arg8[%swap3A_1396] {strides = array<i32>} : memref<112xi32, #tpu.memory_space<vmem>>, vector<16xi32>,
    %swap3A_1398 = vector.shape_cast %swap3A_1397 : vector<16xi32> to vector<16xi32>
    %swap3A_1399 = vector.shape_cast %add3A_1395 : vector<16xi32> to vector<16xi32>
    tpu.vector_store %arg8[%swap3A_1396], %swap3A_1399 {strides = array<i32>} : memref<112xi32, #tpu.memory_space<vmem>>, vector<16xi32>,
    %get3A_1400 = arith.constant 2 : i32
    %get3A_1401 = arith.index_cast %get3A_1400 : i32 to index
    %get3A_1402 = arith.constant 32 : index
    %get3A_1403 = tpu.vector_load %arg5[%get3A_1401, %get3A_1402] {strides = array<i32>} : memref<3x112xi32, #tpu.memory_space<vmem>>, vector<1x16xi32>,
    %get3A_1404 = vector.shape_cast %get3A_1403 : vector<1x16xi32> to vector<16xi32>
    %swap3A_1405 = arith.constant 32 : index
    %swap3A_1406 = tpu.vector_load %arg11[%swap3A_1405] {strides = array<i32>} : memref<112xi32, #tpu.memory_space<vmem>>, vector<16xi32>,
    %swap3A_1407 = vector.shape_cast %swap3A_1406 : vector<16xi32> to vector<16xi32>
    %swap3A_1408 = vector.shape_cast %get3A_1404 : vector<16xi32> to vector<16xi32>
    tpu.vector_store %arg11[%swap3A_1405], %swap3A_1408 {strides = array<i32>} : memref<112xi32, #tpu.memory_space<vmem>>, vector<16xi32>,
    %get3A_1409 = arith.constant 1 : i32
    %get3A_1410 = arith.index_cast %get3A_1409 : i32 to index
    %get3A_1411 = arith.constant 48 : index
    %get3A_1412 = tpu.vector_load %arg5[%get3A_1410, %get3A_1411] {strides = array<i32>} : memref<3x112xi32, #tpu.memory_space<vmem>>, vector<1x16xi32>,
    %get3A_1413 = vector.shape_cast %get3A_1412 : vector<1x16xi32> to vector<16xi32>
    %mul3A_1414 = arith.constant 10000 : i32
    %mul3A_1415 = vector.broadcast %mul3A_1414 : i32 to vector<16xi32>
    %mul3A_1416 = arith.muli %get3A_1413, %mul3A_1415 : vector<16xi32>
    %get3A_1417 = arith.constant 0 : i32
    %get3A_1418 = arith.index_cast %get3A_1417 : i32 to index
    %get3A_1419 = arith.constant 48 : index
    %get3A_1420 = tpu.vector_load %arg5[%get3A_1418, %get3A_1419] {strides = array<i32>} : memref<3x112xi32, #tpu.memory_space<vmem>>, vector<1x16xi32>,
    %get3A_1421 = vector.shape_cast %get3A_1420 : vector<1x16xi32> to vector<16xi32>
    %add3A_1422 = arith.addi %mul3A_1416, %get3A_1421 : vector<16xi32>
    %swap3A_1423 = arith.constant 48 : index
    %swap3A_1424 = tpu.vector_load %arg8[%swap3A_1423] {strides = array<i32>} : memref<112xi32, #tpu.memory_space<vmem>>, vector<16xi32>,
    %swap3A_1425 = vector.shape_cast %swap3A_1424 : vector<16xi32> to vector<16xi32>
    %swap3A_1426 = vector.shape_cast %add3A_1422 : vector<16xi32> to vector<16xi32>
    tpu.vector_store %arg8[%swap3A_1423], %swap3A_1426 {strides = array<i32>} : memref<112xi32, #tpu.memory_space<vmem>>, vector<16xi32>,
    %get3A_1427 = arith.constant 2 : i32
    %get3A_1428 = arith.index_cast %get3A_1427 : i32 to index
    %get3A_1429 = arith.constant 48 : index
    %get3A_1430 = tpu.vector_load %arg5[%get3A_1428, %get3A_1429] {strides = array<i32>} : memref<3x112xi32, #tpu.memory_space<vmem>>, vector<1x16xi32>,
    %get3A_1431 = vector.shape_cast %get3A_1430 : vector<1x16xi32> to vector<16xi32>
    %swap3A_1432 = arith.constant 48 : index
    %swap3A_1433 = tpu.vector_load %arg11[%swap3A_1432] {strides = array<i32>} : memref<112xi32, #tpu.memory_space<vmem>>, vector<16xi32>,
    %swap3A_1434 = vector.shape_cast %swap3A_1433 : vector<16xi32> to vector<16xi32>
    %swap3A_1435 = vector.shape_cast %get3A_1431 : vector<16xi32> to vector<16xi32>
    tpu.vector_store %arg11[%swap3A_1432], %swap3A_1435 {strides = array<i32>} : memref<112xi32, #tpu.memory_space<vmem>>, vector<16xi32>,
    %get3A_1436 = arith.constant 1 : i32
    %get3A_1437 = arith.index_cast %get3A_1436 : i32 to index
    %get3A_1438 = arith.constant 64 : index
    %get3A_1439 = tpu.vector_load %arg5[%get3A_1437, %get3A_1438] {strides = array<i32>} : memref<3x112xi32, #tpu.memory_space<vmem>>, vector<1x16xi32>,
    %get3A_1440 = vector.shape_cast %get3A_1439 : vector<1x16xi32> to vector<16xi32>
    %mul3A_1441 = arith.constant 10000 : i32
    %mul3A_1442 = vector.broadcast %mul3A_1441 : i32 to vector<16xi32>
    %mul3A_1443 = arith.muli %get3A_1440, %mul3A_1442 : vector<16xi32>
    %get3A_1444 = arith.constant 0 : i32
    %get3A_1445 = arith.index_cast %get3A_1444 : i32 to index
    %get3A_1446 = arith.constant 64 : index
    %get3A_1447 = tpu.vector_load %arg5[%get3A_1445, %get3A_1446] {strides = array<i32>} : memref<3x112xi32, #tpu.memory_space<vmem>>, vector<1x16xi32>,
    %get3A_1448 = vector.shape_cast %get3A_1447 : vector<1x16xi32> to vector<16xi32>
    %add3A_1449 = arith.addi %mul3A_1443, %get3A_1448 : vector<16xi32>
    %swap3A_1450 = arith.constant 64 : index
    %swap3A_1451 = tpu.vector_load %arg8[%swap3A_1450] {strides = array<i32>} : memref<112xi32, #tpu.memory_space<vmem>>, vector<16xi32>,
    %swap3A_1452 = vector.shape_cast %swap3A_1451 : vector<16xi32> to vector<16xi32>
    %swap3A_1453 = vector.shape_cast %add3A_1449 : vector<16xi32> to vector<16xi32>
    tpu.vector_store %arg8[%swap3A_1450], %swap3A_1453 {strides = array<i32>} : memref<112xi32, #tpu.memory_space<vmem>>, vector<16xi32>,
    %get3A_1454 = arith.constant 2 : i32
    %get3A_1455 = arith.index_cast %get3A_1454 : i32 to index
    %get3A_1456 = arith.constant 64 : index
    %get3A_1457 = tpu.vector_load %arg5[%get3A_1455, %get3A_1456] {strides = array<i32>} : memref<3x112xi32, #tpu.memory_space<vmem>>, vector<1x16xi32>,
    %get3A_1458 = vector.shape_cast %get3A_1457 : vector<1x16xi32> to vector<16xi32>
    %swap3A_1459 = arith.constant 64 : index
    %swap3A_1460 = tpu.vector_load %arg11[%swap3A_1459] {strides = array<i32>} : memref<112xi32, #tpu.memory_space<vmem>>, vector<16xi32>,
    %swap3A_1461 = vector.shape_cast %swap3A_1460 : vector<16xi32> to vector<16xi32>
    %swap3A_1462 = vector.shape_cast %get3A_1458 : vector<16xi32> to vector<16xi32>
    tpu.vector_store %arg11[%swap3A_1459], %swap3A_1462 {strides = array<i32>} : memref<112xi32, #tpu.memory_space<vmem>>, vector<16xi32>,
    %get3A_1463 = arith.constant 1 : i32
    %get3A_1464 = arith.index_cast %get3A_1463 : i32 to index
    %get3A_1465 = arith.constant 80 : index
    %get3A_1466 = tpu.vector_load %arg5[%get3A_1464, %get3A_1465] {strides = array<i32>} : memref<3x112xi32, #tpu.memory_space<vmem>>, vector<1x16xi32>,
    %get3A_1467 = vector.shape_cast %get3A_1466 : vector<1x16xi32> to vector<16xi32>
    %mul3A_1468 = arith.constant 10000 : i32
    %mul3A_1469 = vector.broadcast %mul3A_1468 : i32 to vector<16xi32>
    %mul3A_1470 = arith.muli %get3A_1467, %mul3A_1469 : vector<16xi32>
    %get3A_1471 = arith.constant 0 : i32
    %get3A_1472 = arith.index_cast %get3A_1471 : i32 to index
    %get3A_1473 = arith.constant 80 : index
    %get3A_1474 = tpu.vector_load %arg5[%get3A_1472, %get3A_1473] {strides = array<i32>} : memref<3x112xi32, #tpu.memory_space<vmem>>, vector<1x16xi32>,
    %get3A_1475 = vector.shape_cast %get3A_1474 : vector<1x16xi32> to vector<16xi32>
    %add3A_1476 = arith.addi %mul3A_1470, %get3A_1475 : vector<16xi32>
    %swap3A_1477 = arith.constant 80 : index
    %swap3A_1478 = tpu.vector_load %arg8[%swap3A_1477] {strides = array<i32>} : memref<112xi32, #tpu.memory_space<vmem>>, vector<16xi32>,
    %swap3A_1479 = vector.shape_cast %swap3A_1478 : vector<16xi32> to vector<16xi32>
    %swap3A_1480 = vector.shape_cast %add3A_1476 : vector<16xi32> to vector<16xi32>
    tpu.vector_store %arg8[%swap3A_1477], %swap3A_1480 {strides = array<i32>} : memref<112xi32, #tpu.memory_space<vmem>>, vector<16xi32>,
    %get3A_1481 = arith.constant 2 : i32
    %get3A_1482 = arith.index_cast %get3A_1481 : i32 to index
    %get3A_1483 = arith.constant 80 : index
    %get3A_1484 = tpu.vector_load %arg5[%get3A_1482, %get3A_1483] {strides = array<i32>} : memref<3x112xi32, #tpu.memory_space<vmem>>, vector<1x16xi32>,
    %get3A_1485 = vector.shape_cast %get3A_1484 : vector<1x16xi32> to vector<16xi32>
    %swap3A_1486 = arith.constant 80 : index
    %swap3A_1487 = tpu.vector_load %arg11[%swap3A_1486] {strides = array<i32>} : memref<112xi32, #tpu.memory_space<vmem>>, vector<16xi32>,
    %swap3A_1488 = vector.shape_cast %swap3A_1487 : vector<16xi32> to vector<16xi32>
    %swap3A_1489 = vector.shape_cast %get3A_1485 : vector<16xi32> to vector<16xi32>
    tpu.vector_store %arg11[%swap3A_1486], %swap3A_1489 {strides = array<i32>} : memref<112xi32, #tpu.memory_space<vmem>>, vector<16xi32>,
    %get3A_1490 = arith.constant 1 : i32
    %get3A_1491 = arith.index_cast %get3A_1490 : i32 to index
    %get3A_1492 = arith.constant 96 : index
    %get3A_1493 = tpu.vector_load %arg5[%get3A_1491, %get3A_1492] {strides = array<i32>} : memref<3x112xi32, #tpu.memory_space<vmem>>, vector<1x16xi32>,
    %get3A_1494 = vector.shape_cast %get3A_1493 : vector<1x16xi32> to vector<16xi32>
    %mul3A_1495 = arith.constant 10000 : i32
    %mul3A_1496 = vector.broadcast %mul3A_1495 : i32 to vector<16xi32>
    %mul3A_1497 = arith.muli %get3A_1494, %mul3A_1496 : vector<16xi32>
    %get3A_1498 = arith.constant 0 : i32
    %get3A_1499 = arith.index_cast %get3A_1498 : i32 to index
    %get3A_1500 = arith.constant 96 : index
    %get3A_1501 = tpu.vector_load %arg5[%get3A_1499, %get3A_1500] {strides = array<i32>} : memref<3x112xi32, #tpu.memory_space<vmem>>, vector<1x16xi32>,
    %get3A_1502 = vector.shape_cast %get3A_1501 : vector<1x16xi32> to vector<16xi32>
    %add3A_1503 = arith.addi %mul3A_1497, %get3A_1502 : vector<16xi32>
    %swap3A_1504 = arith.constant 96 : index
    %swap3A_1505 = tpu.vector_load %arg8[%swap3A_1504] {strides = array<i32>} : memref<112xi32, #tpu.memory_space<vmem>>, vector<16xi32>,
    %swap3A_1506 = vector.shape_cast %swap3A_1505 : vector<16xi32> to vector<16xi32>
    %swap3A_1507 = vector.shape_cast %add3A_1503 : vector<16xi32> to vector<16xi32>
    tpu.vector_store %arg8[%swap3A_1504], %swap3A_1507 {strides = array<i32>} : memref<112xi32, #tpu.memory_space<vmem>>, vector<16xi32>,
    %get3A_1508 = arith.constant 2 : i32
    %get3A_1509 = arith.index_cast %get3A_1508 : i32 to index
    %get3A_1510 = arith.constant 96 : index
    %get3A_1511 = tpu.vector_load %arg5[%get3A_1509, %get3A_1510] {strides = array<i32>} : memref<3x112xi32, #tpu.memory_space<vmem>>, vector<1x16xi32>,
    %get3A_1512 = vector.shape_cast %get3A_1511 : vector<1x16xi32> to vector<16xi32>
    %swap3A_1513 = arith.constant 96 : index
    %swap3A_1514 = tpu.vector_load %arg11[%swap3A_1513] {strides = array<i32>} : memref<112xi32, #tpu.memory_space<vmem>>, vector<16xi32>,
    %swap3A_1515 = vector.shape_cast %swap3A_1514 : vector<16xi32> to vector<16xi32>
    %swap3A_1516 = vector.shape_cast %get3A_1512 : vector<16xi32> to vector<16xi32>
    tpu.vector_store %arg11[%swap3A_1513], %swap3A_1516 {strides = array<i32>} : memref<112xi32, #tpu.memory_space<vmem>>, vector<16xi32>,
    %dma_start3A_1517 = arith.constant 0 : i32
    %dma_start3A_1518 = arith.constant 0 : i32
    %dma_start3A_1519 = tpu.memref_slice %arg2[%dma_start3A_1517, %dma_start3A_1518] : memref<100000x128xf32, #tpu.memory_space<hbm>> -> memref<100000x128xf32, #tpu.memory_space<hbm>>
    tpu.enqueue_indirect_dma source(%dma_start3A_1519 : memref<100000x128xf32, #tpu.memory_space<hbm>>) target(%arg14 : memref<112x128xf32, #tpu.memory_space<vmem>>) offsets(%arg8 : memref<112xi32, #tpu.memory_space<vmem>>) semaphore(%arg21 : memref<!tpu.dma_semaphore, #tpu.memory_space<semaphore_mem>>)
    %dma_start3A_1520 = arith.constant 89 : i32
    %dma_start3A_1521 = arith.constant 0 : i32
    %dma_start3A_1522 = arith.constant 0 : i32
    %dma_start3A_1523 = tpu.memref_slice %arg3[%add3A, %dma_start3A_1520, %dma_start3A_1521, %dma_start3A_1522] : memref<32x90x3x112xi32, #tpu.memory_space<hbm>> -> memref<1x1x3x112xi32, #tpu.memory_space<hbm>>
    %dma_start3A_1524 = tpu.memref_squeeze %dma_start3A_1523 : memref<1x1x3x112xi32, #tpu.memory_space<hbm>> -> memref<3x112xi32, #tpu.memory_space<hbm>>
    %dma_start3A_1525 = arith.constant 0 : i32
    %dma_start3A_1526 = arith.constant 0 : i32
    %dma_start3A_1527 = tpu.memref_slice %arg3[%add3A, %dma_start3A_1520, %dma_start3A_1525, %dma_start3A_1526] : memref<32x90x3x112xi32, #tpu.memory_space<hbm>> -> memref<1x1x3x112xi32, #tpu.memory_space<hbm>>
    %dma_start3A_1528 = tpu.memref_squeeze %dma_start3A_1527 : memref<1x1x3x112xi32, #tpu.memory_space<hbm>> -> memref<3x112xi32, #tpu.memory_space<hbm>>
    tpu.enqueue_dma source(%dma_start3A_1528 : memref<3x112xi32, #tpu.memory_space<hbm>>) target(%arg7 : memref<3x112xi32, #tpu.memory_space<vmem>>) target_semaphore(%arg20 : memref<!tpu.dma_semaphore, #tpu.memory_space<semaphore_mem>>)
    %dma_wait3A_1529 = arith.constant 0 : i32
    %dma_wait3A_1530 = arith.constant 0 : i32
    %dma_wait3A_1531 = tpu.memref_slice %arg2[%dma_wait3A_1529, %dma_wait3A_1530] : memref<100000x128xf32, #tpu.memory_space<hbm>> -> memref<100000x128xf32, #tpu.memory_space<hbm>>
    tpu.wait_indirect_dma semaphore(%arg23 : memref<!tpu.dma_semaphore, #tpu.memory_space<semaphore_mem>>) src(%dma_wait3A_1531 : memref<100000x128xf32, #tpu.memory_space<hbm>>) dst(%arg16 : memref<112x128xf32, #tpu.memory_space<vmem>>)
    %dma_start3A_1532 = arith.constant 0 : i32
    %dma_start3A_1533 = arith.constant 0 : i32
    %dma_start3A_1534 = tpu.memref_slice %arg17[%dma_start3A_1532, %dma_start3A_1533] : memref<10008x128xf32, #tpu.memory_space<vmem_shared>> -> memref<10008x128xf32, #tpu.memory_space<vmem_shared>>
    tpu.enqueue_indirect_dma source(%arg16 : memref<112x128xf32, #tpu.memory_space<vmem>>) target(%dma_start3A_1534 : memref<10008x128xf32, #tpu.memory_space<vmem_shared>>) offsets(%arg13 : memref<112xi32, #tpu.memory_space<vmem>>) semaphore(%arg26 : memref<!tpu.dma_semaphore, #tpu.memory_space<semaphore_mem>>) {add = true}
    %dma_wait3A_1535 = arith.constant 88 : i32
    %dma_wait3A_1536 = arith.constant 0 : i32
    %dma_wait3A_1537 = arith.constant 0 : i32
    %dma_wait3A_1538 = tpu.memref_slice %arg3[%add3A, %dma_wait3A_1535, %dma_wait3A_1536, %dma_wait3A_1537] : memref<32x90x3x112xi32, #tpu.memory_space<hbm>> -> memref<1x1x3x112xi32, #tpu.memory_space<hbm>>
    %dma_wait3A_1539 = tpu.memref_squeeze %dma_wait3A_1538 : memref<1x1x3x112xi32, #tpu.memory_space<hbm>> -> memref<3x112xi32, #tpu.memory_space<hbm>>
    %dma_wait3A_1540 = arith.constant 0 : i32
    %dma_wait3A_1541 = arith.constant 0 : i32
    %dma_wait3A_1542 = tpu.memref_slice %arg3[%add3A, %dma_wait3A_1535, %dma_wait3A_1540, %dma_wait3A_1541] : memref<32x90x3x112xi32, #tpu.memory_space<hbm>> -> memref<1x1x3x112xi32, #tpu.memory_space<hbm>>
    %dma_wait3A_1543 = tpu.memref_squeeze %dma_wait3A_1542 : memref<1x1x3x112xi32, #tpu.memory_space<hbm>> -> memref<3x112xi32, #tpu.memory_space<hbm>>
    tpu.wait_dma2 semaphore(%arg19 : memref<!tpu.dma_semaphore, #tpu.memory_space<semaphore_mem>>) src(%dma_wait3A_1543 : memref<3x112xi32, #tpu.memory_space<hbm>>) dst(%arg6 : memref<3x112xi32, #tpu.memory_space<vmem>>)
    %dma_wait3A_1544 = arith.constant 0 : i32
    %dma_wait3A_1545 = arith.constant 0 : i32
    %dma_wait3A_1546 = tpu.memref_slice %arg17[%dma_wait3A_1544, %dma_wait3A_1545] : memref<10008x128xf32, #tpu.memory_space<vmem_shared>> -> memref<10008x128xf32, #tpu.memory_space<vmem_shared>>
    tpu.wait_indirect_dma semaphore(%arg25 : memref<!tpu.dma_semaphore, #tpu.memory_space<semaphore_mem>>) src(%arg15 : memref<112x128xf32, #tpu.memory_space<vmem>>) dst(%dma_wait3A_1546 : memref<10008x128xf32, #tpu.memory_space<vmem_shared>>)
    %get3A_1547 = arith.constant 1 : i32
    %get3A_1548 = arith.index_cast %get3A_1547 : i32 to index
    %get3A_1549 = arith.constant 0 : index
    %get3A_1550 = tpu.vector_load %arg6[%get3A_1548, %get3A_1549] {strides = array<i32>} : memref<3x112xi32, #tpu.memory_space<vmem>>, vector<1x16xi32>,
    %get3A_1551 = vector.shape_cast %get3A_1550 : vector<1x16xi32> to vector<16xi32>
    %mul3A_1552 = arith.constant 10000 : i32
    %mul3A_1553 = vector.broadcast %mul3A_1552 : i32 to vector<16xi32>
    %mul3A_1554 = arith.muli %get3A_1551, %mul3A_1553 : vector<16xi32>
    %get3A_1555 = arith.constant 0 : i32
    %get3A_1556 = arith.index_cast %get3A_1555 : i32 to index
    %get3A_1557 = arith.constant 0 : index
    %get3A_1558 = tpu.vector_load %arg6[%get3A_1556, %get3A_1557] {strides = array<i32>} : memref<3x112xi32, #tpu.memory_space<vmem>>, vector<1x16xi32>,
    %get3A_1559 = vector.shape_cast %get3A_1558 : vector<1x16xi32> to vector<16xi32>
    %add3A_1560 = arith.addi %mul3A_1554, %get3A_1559 : vector<16xi32>
    %swap3A_1561 = arith.constant 0 : index
    %swap3A_1562 = tpu.vector_load %arg9[%swap3A_1561] {strides = array<i32>} : memref<112xi32, #tpu.memory_space<vmem>>, vector<16xi32>,
    %swap3A_1563 = vector.shape_cast %swap3A_1562 : vector<16xi32> to vector<16xi32>
    %swap3A_1564 = vector.shape_cast %add3A_1560 : vector<16xi32> to vector<16xi32>
    tpu.vector_store %arg9[%swap3A_1561], %swap3A_1564 {strides = array<i32>} : memref<112xi32, #tpu.memory_space<vmem>>, vector<16xi32>,
    %get3A_1565 = arith.constant 2 : i32
    %get3A_1566 = arith.index_cast %get3A_1565 : i32 to index
    %get3A_1567 = arith.constant 0 : index
    %get3A_1568 = tpu.vector_load %arg6[%get3A_1566, %get3A_1567] {strides = array<i32>} : memref<3x112xi32, #tpu.memory_space<vmem>>, vector<1x16xi32>,
    %get3A_1569 = vector.shape_cast %get3A_1568 : vector<1x16xi32> to vector<16xi32>
    %swap3A_1570 = arith.constant 0 : index
    %swap3A_1571 = tpu.vector_load %arg12[%swap3A_1570] {strides = array<i32>} : memref<112xi32, #tpu.memory_space<vmem>>, vector<16xi32>,
    %swap3A_1572 = vector.shape_cast %swap3A_1571 : vector<16xi32> to vector<16xi32>
    %swap3A_1573 = vector.shape_cast %get3A_1569 : vector<16xi32> to vector<16xi32>
    tpu.vector_store %arg12[%swap3A_1570], %swap3A_1573 {strides = array<i32>} : memref<112xi32, #tpu.memory_space<vmem>>, vector<16xi32>,
    %get3A_1574 = arith.constant 1 : i32
    %get3A_1575 = arith.index_cast %get3A_1574 : i32 to index
    %get3A_1576 = arith.constant 16 : index
    %get3A_1577 = tpu.vector_load %arg6[%get3A_1575, %get3A_1576] {strides = array<i32>} : memref<3x112xi32, #tpu.memory_space<vmem>>, vector<1x16xi32>,
    %get3A_1578 = vector.shape_cast %get3A_1577 : vector<1x16xi32> to vector<16xi32>
    %mul3A_1579 = arith.constant 10000 : i32
    %mul3A_1580 = vector.broadcast %mul3A_1579 : i32 to vector<16xi32>
    %mul3A_1581 = arith.muli %get3A_1578, %mul3A_1580 : vector<16xi32>
    %get3A_1582 = arith.constant 0 : i32
    %get3A_1583 = arith.index_cast %get3A_1582 : i32 to index
    %get3A_1584 = arith.constant 16 : index
    %get3A_1585 = tpu.vector_load %arg6[%get3A_1583, %get3A_1584] {strides = array<i32>} : memref<3x112xi32, #tpu.memory_space<vmem>>, vector<1x16xi32>,
    %get3A_1586 = vector.shape_cast %get3A_1585 : vector<1x16xi32> to vector<16xi32>
    %add3A_1587 = arith.addi %mul3A_1581, %get3A_1586 : vector<16xi32>
    %swap3A_1588 = arith.constant 16 : index
    %swap3A_1589 = tpu.vector_load %arg9[%swap3A_1588] {strides = array<i32>} : memref<112xi32, #tpu.memory_space<vmem>>, vector<16xi32>,
    %swap3A_1590 = vector.shape_cast %swap3A_1589 : vector<16xi32> to vector<16xi32>
    %swap3A_1591 = vector.shape_cast %add3A_1587 : vector<16xi32> to vector<16xi32>
    tpu.vector_store %arg9[%swap3A_1588], %swap3A_1591 {strides = array<i32>} : memref<112xi32, #tpu.memory_space<vmem>>, vector<16xi32>,
    %get3A_1592 = arith.constant 2 : i32
    %get3A_1593 = arith.index_cast %get3A_1592 : i32 to index
    %get3A_1594 = arith.constant 16 : index
    %get3A_1595 = tpu.vector_load %arg6[%get3A_1593, %get3A_1594] {strides = array<i32>} : memref<3x112xi32, #tpu.memory_space<vmem>>, vector<1x16xi32>,
    %get3A_1596 = vector.shape_cast %get3A_1595 : vector<1x16xi32> to vector<16xi32>
    %swap3A_1597 = arith.constant 16 : index
    %swap3A_1598 = tpu.vector_load %arg12[%swap3A_1597] {strides = array<i32>} : memref<112xi32, #tpu.memory_space<vmem>>, vector<16xi32>,
    %swap3A_1599 = vector.shape_cast %swap3A_1598 : vector<16xi32> to vector<16xi32>
    %swap3A_1600 = vector.shape_cast %get3A_1596 : vector<16xi32> to vector<16xi32>
    tpu.vector_store %arg12[%swap3A_1597], %swap3A_1600 {strides = array<i32>} : memref<112xi32, #tpu.memory_space<vmem>>, vector<16xi32>,
    %get3A_1601 = arith.constant 1 : i32
    %get3A_1602 = arith.index_cast %get3A_1601 : i32 to index
    %get3A_1603 = arith.constant 32 : index
    %get3A_1604 = tpu.vector_load %arg6[%get3A_1602, %get3A_1603] {strides = array<i32>} : memref<3x112xi32, #tpu.memory_space<vmem>>, vector<1x16xi32>,
    %get3A_1605 = vector.shape_cast %get3A_1604 : vector<1x16xi32> to vector<16xi32>
    %mul3A_1606 = arith.constant 10000 : i32
    %mul3A_1607 = vector.broadcast %mul3A_1606 : i32 to vector<16xi32>
    %mul3A_1608 = arith.muli %get3A_1605, %mul3A_1607 : vector<16xi32>
    %get3A_1609 = arith.constant 0 : i32
    %get3A_1610 = arith.index_cast %get3A_1609 : i32 to index
    %get3A_1611 = arith.constant 32 : index
    %get3A_1612 = tpu.vector_load %arg6[%get3A_1610, %get3A_1611] {strides = array<i32>} : memref<3x112xi32, #tpu.memory_space<vmem>>, vector<1x16xi32>,
    %get3A_1613 = vector.shape_cast %get3A_1612 : vector<1x16xi32> to vector<16xi32>
    %add3A_1614 = arith.addi %mul3A_1608, %get3A_1613 : vector<16xi32>
    %swap3A_1615 = arith.constant 32 : index
    %swap3A_1616 = tpu.vector_load %arg9[%swap3A_1615] {strides = array<i32>} : memref<112xi32, #tpu.memory_space<vmem>>, vector<16xi32>,
    %swap3A_1617 = vector.shape_cast %swap3A_1616 : vector<16xi32> to vector<16xi32>
    %swap3A_1618 = vector.shape_cast %add3A_1614 : vector<16xi32> to vector<16xi32>
    tpu.vector_store %arg9[%swap3A_1615], %swap3A_1618 {strides = array<i32>} : memref<112xi32, #tpu.memory_space<vmem>>, vector<16xi32>,
    %get3A_1619 = arith.constant 2 : i32
    %get3A_1620 = arith.index_cast %get3A_1619 : i32 to index
    %get3A_1621 = arith.constant 32 : index
    %get3A_1622 = tpu.vector_load %arg6[%get3A_1620, %get3A_1621] {strides = array<i32>} : memref<3x112xi32, #tpu.memory_space<vmem>>, vector<1x16xi32>,
    %get3A_1623 = vector.shape_cast %get3A_1622 : vector<1x16xi32> to vector<16xi32>
    %swap3A_1624 = arith.constant 32 : index
    %swap3A_1625 = tpu.vector_load %arg12[%swap3A_1624] {strides = array<i32>} : memref<112xi32, #tpu.memory_space<vmem>>, vector<16xi32>,
    %swap3A_1626 = vector.shape_cast %swap3A_1625 : vector<16xi32> to vector<16xi32>
    %swap3A_1627 = vector.shape_cast %get3A_1623 : vector<16xi32> to vector<16xi32>
    tpu.vector_store %arg12[%swap3A_1624], %swap3A_1627 {strides = array<i32>} : memref<112xi32, #tpu.memory_space<vmem>>, vector<16xi32>,
    %get3A_1628 = arith.constant 1 : i32
    %get3A_1629 = arith.index_cast %get3A_1628 : i32 to index
    %get3A_1630 = arith.constant 48 : index
    %get3A_1631 = tpu.vector_load %arg6[%get3A_1629, %get3A_1630] {strides = array<i32>} : memref<3x112xi32, #tpu.memory_space<vmem>>, vector<1x16xi32>,
    %get3A_1632 = vector.shape_cast %get3A_1631 : vector<1x16xi32> to vector<16xi32>
    %mul3A_1633 = arith.constant 10000 : i32
    %mul3A_1634 = vector.broadcast %mul3A_1633 : i32 to vector<16xi32>
    %mul3A_1635 = arith.muli %get3A_1632, %mul3A_1634 : vector<16xi32>
    %get3A_1636 = arith.constant 0 : i32
    %get3A_1637 = arith.index_cast %get3A_1636 : i32 to index
    %get3A_1638 = arith.constant 48 : index
    %get3A_1639 = tpu.vector_load %arg6[%get3A_1637, %get3A_1638] {strides = array<i32>} : memref<3x112xi32, #tpu.memory_space<vmem>>, vector<1x16xi32>,
    %get3A_1640 = vector.shape_cast %get3A_1639 : vector<1x16xi32> to vector<16xi32>
    %add3A_1641 = arith.addi %mul3A_1635, %get3A_1640 : vector<16xi32>
    %swap3A_1642 = arith.constant 48 : index
    %swap3A_1643 = tpu.vector_load %arg9[%swap3A_1642] {strides = array<i32>} : memref<112xi32, #tpu.memory_space<vmem>>, vector<16xi32>,
    %swap3A_1644 = vector.shape_cast %swap3A_1643 : vector<16xi32> to vector<16xi32>
    %swap3A_1645 = vector.shape_cast %add3A_1641 : vector<16xi32> to vector<16xi32>
    tpu.vector_store %arg9[%swap3A_1642], %swap3A_1645 {strides = array<i32>} : memref<112xi32, #tpu.memory_space<vmem>>, vector<16xi32>,
    %get3A_1646 = arith.constant 2 : i32
    %get3A_1647 = arith.index_cast %get3A_1646 : i32 to index
    %get3A_1648 = arith.constant 48 : index
    %get3A_1649 = tpu.vector_load %arg6[%get3A_1647, %get3A_1648] {strides = array<i32>} : memref<3x112xi32, #tpu.memory_space<vmem>>, vector<1x16xi32>,
    %get3A_1650 = vector.shape_cast %get3A_1649 : vector<1x16xi32> to vector<16xi32>
    %swap3A_1651 = arith.constant 48 : index
    %swap3A_1652 = tpu.vector_load %arg12[%swap3A_1651] {strides = array<i32>} : memref<112xi32, #tpu.memory_space<vmem>>, vector<16xi32>,
    %swap3A_1653 = vector.shape_cast %swap3A_1652 : vector<16xi32> to vector<16xi32>
    %swap3A_1654 = vector.shape_cast %get3A_1650 : vector<16xi32> to vector<16xi32>
    tpu.vector_store %arg12[%swap3A_1651], %swap3A_1654 {strides = array<i32>} : memref<112xi32, #tpu.memory_space<vmem>>, vector<16xi32>,
    %get3A_1655 = arith.constant 1 : i32
    %get3A_1656 = arith.index_cast %get3A_1655 : i32 to index
    %get3A_1657 = arith.constant 64 : index
    %get3A_1658 = tpu.vector_load %arg6[%get3A_1656, %get3A_1657] {strides = array<i32>} : memref<3x112xi32, #tpu.memory_space<vmem>>, vector<1x16xi32>,
    %get3A_1659 = vector.shape_cast %get3A_1658 : vector<1x16xi32> to vector<16xi32>
    %mul3A_1660 = arith.constant 10000 : i32
    %mul3A_1661 = vector.broadcast %mul3A_1660 : i32 to vector<16xi32>
    %mul3A_1662 = arith.muli %get3A_1659, %mul3A_1661 : vector<16xi32>
    %get3A_1663 = arith.constant 0 : i32
    %get3A_1664 = arith.index_cast %get3A_1663 : i32 to index
    %get3A_1665 = arith.constant 64 : index
    %get3A_1666 = tpu.vector_load %arg6[%get3A_1664, %get3A_1665] {strides = array<i32>} : memref<3x112xi32, #tpu.memory_space<vmem>>, vector<1x16xi32>,
    %get3A_1667 = vector.shape_cast %get3A_1666 : vector<1x16xi32> to vector<16xi32>
    %add3A_1668 = arith.addi %mul3A_1662, %get3A_1667 : vector<16xi32>
    %swap3A_1669 = arith.constant 64 : index
    %swap3A_1670 = tpu.vector_load %arg9[%swap3A_1669] {strides = array<i32>} : memref<112xi32, #tpu.memory_space<vmem>>, vector<16xi32>,
    %swap3A_1671 = vector.shape_cast %swap3A_1670 : vector<16xi32> to vector<16xi32>
    %swap3A_1672 = vector.shape_cast %add3A_1668 : vector<16xi32> to vector<16xi32>
    tpu.vector_store %arg9[%swap3A_1669], %swap3A_1672 {strides = array<i32>} : memref<112xi32, #tpu.memory_space<vmem>>, vector<16xi32>,
    %get3A_1673 = arith.constant 2 : i32
    %get3A_1674 = arith.index_cast %get3A_1673 : i32 to index
    %get3A_1675 = arith.constant 64 : index
    %get3A_1676 = tpu.vector_load %arg6[%get3A_1674, %get3A_1675] {strides = array<i32>} : memref<3x112xi32, #tpu.memory_space<vmem>>, vector<1x16xi32>,
    %get3A_1677 = vector.shape_cast %get3A_1676 : vector<1x16xi32> to vector<16xi32>
    %swap3A_1678 = arith.constant 64 : index
    %swap3A_1679 = tpu.vector_load %arg12[%swap3A_1678] {strides = array<i32>} : memref<112xi32, #tpu.memory_space<vmem>>, vector<16xi32>,
    %swap3A_1680 = vector.shape_cast %swap3A_1679 : vector<16xi32> to vector<16xi32>
    %swap3A_1681 = vector.shape_cast %get3A_1677 : vector<16xi32> to vector<16xi32>
    tpu.vector_store %arg12[%swap3A_1678], %swap3A_1681 {strides = array<i32>} : memref<112xi32, #tpu.memory_space<vmem>>, vector<16xi32>,
    %get3A_1682 = arith.constant 1 : i32
    %get3A_1683 = arith.index_cast %get3A_1682 : i32 to index
    %get3A_1684 = arith.constant 80 : index
    %get3A_1685 = tpu.vector_load %arg6[%get3A_1683, %get3A_1684] {strides = array<i32>} : memref<3x112xi32, #tpu.memory_space<vmem>>, vector<1x16xi32>,
    %get3A_1686 = vector.shape_cast %get3A_1685 : vector<1x16xi32> to vector<16xi32>
    %mul3A_1687 = arith.constant 10000 : i32
    %mul3A_1688 = vector.broadcast %mul3A_1687 : i32 to vector<16xi32>
    %mul3A_1689 = arith.muli %get3A_1686, %mul3A_1688 : vector<16xi32>
    %get3A_1690 = arith.constant 0 : i32
    %get3A_1691 = arith.index_cast %get3A_1690 : i32 to index
    %get3A_1692 = arith.constant 80 : index
    %get3A_1693 = tpu.vector_load %arg6[%get3A_1691, %get3A_1692] {strides = array<i32>} : memref<3x112xi32, #tpu.memory_space<vmem>>, vector<1x16xi32>,
    %get3A_1694 = vector.shape_cast %get3A_1693 : vector<1x16xi32> to vector<16xi32>
    %add3A_1695 = arith.addi %mul3A_1689, %get3A_1694 : vector<16xi32>
    %swap3A_1696 = arith.constant 80 : index
    %swap3A_1697 = tpu.vector_load %arg9[%swap3A_1696] {strides = array<i32>} : memref<112xi32, #tpu.memory_space<vmem>>, vector<16xi32>,
    %swap3A_1698 = vector.shape_cast %swap3A_1697 : vector<16xi32> to vector<16xi32>
    %swap3A_1699 = vector.shape_cast %add3A_1695 : vector<16xi32> to vector<16xi32>
    tpu.vector_store %arg9[%swap3A_1696], %swap3A_1699 {strides = array<i32>} : memref<112xi32, #tpu.memory_space<vmem>>, vector<16xi32>,
    %get3A_1700 = arith.constant 2 : i32
    %get3A_1701 = arith.index_cast %get3A_1700 : i32 to index
    %get3A_1702 = arith.constant 80 : index
    %get3A_1703 = tpu.vector_load %arg6[%get3A_1701, %get3A_1702] {strides = array<i32>} : memref<3x112xi32, #tpu.memory_space<vmem>>, vector<1x16xi32>,
    %get3A_1704 = vector.shape_cast %get3A_1703 : vector<1x16xi32> to vector<16xi32>
    %swap3A_1705 = arith.constant 80 : index
    %swap3A_1706 = tpu.vector_load %arg12[%swap3A_1705] {strides = array<i32>} : memref<112xi32, #tpu.memory_space<vmem>>, vector<16xi32>,
    %swap3A_1707 = vector.shape_cast %swap3A_1706 : vector<16xi32> to vector<16xi32>
    %swap3A_1708 = vector.shape_cast %get3A_1704 : vector<16xi32> to vector<16xi32>
    tpu.vector_store %arg12[%swap3A_1705], %swap3A_1708 {strides = array<i32>} : memref<112xi32, #tpu.memory_space<vmem>>, vector<16xi32>,
    %get3A_1709 = arith.constant 1 : i32
    %get3A_1710 = arith.index_cast %get3A_1709 : i32 to index
    %get3A_1711 = arith.constant 96 : index
    %get3A_1712 = tpu.vector_load %arg6[%get3A_1710, %get3A_1711] {strides = array<i32>} : memref<3x112xi32, #tpu.memory_space<vmem>>, vector<1x16xi32>,
    %get3A_1713 = vector.shape_cast %get3A_1712 : vector<1x16xi32> to vector<16xi32>
    %mul3A_1714 = arith.constant 10000 : i32
    %mul3A_1715 = vector.broadcast %mul3A_1714 : i32 to vector<16xi32>
    %mul3A_1716 = arith.muli %get3A_1713, %mul3A_1715 : vector<16xi32>
    %get3A_1717 = arith.constant 0 : i32
    %get3A_1718 = arith.index_cast %get3A_1717 : i32 to index
    %get3A_1719 = arith.constant 96 : index
    %get3A_1720 = tpu.vector_load %arg6[%get3A_1718, %get3A_1719] {strides = array<i32>} : memref<3x112xi32, #tpu.memory_space<vmem>>, vector<1x16xi32>,
    %get3A_1721 = vector.shape_cast %get3A_1720 : vector<1x16xi32> to vector<16xi32>
    %add3A_1722 = arith.addi %mul3A_1716, %get3A_1721 : vector<16xi32>
    %swap3A_1723 = arith.constant 96 : index
    %swap3A_1724 = tpu.vector_load %arg9[%swap3A_1723] {strides = array<i32>} : memref<112xi32, #tpu.memory_space<vmem>>, vector<16xi32>,
    %swap3A_1725 = vector.shape_cast %swap3A_1724 : vector<16xi32> to vector<16xi32>
    %swap3A_1726 = vector.shape_cast %add3A_1722 : vector<16xi32> to vector<16xi32>
    tpu.vector_store %arg9[%swap3A_1723], %swap3A_1726 {strides = array<i32>} : memref<112xi32, #tpu.memory_space<vmem>>, vector<16xi32>,
    %get3A_1727 = arith.constant 2 : i32
    %get3A_1728 = arith.index_cast %get3A_1727 : i32 to index
    %get3A_1729 = arith.constant 96 : index
    %get3A_1730 = tpu.vector_load %arg6[%get3A_1728, %get3A_1729] {strides = array<i32>} : memref<3x112xi32, #tpu.memory_space<vmem>>, vector<1x16xi32>,
    %get3A_1731 = vector.shape_cast %get3A_1730 : vector<1x16xi32> to vector<16xi32>
    %swap3A_1732 = arith.constant 96 : index
    %swap3A_1733 = tpu.vector_load %arg12[%swap3A_1732] {strides = array<i32>} : memref<112xi32, #tpu.memory_space<vmem>>, vector<16xi32>,
    %swap3A_1734 = vector.shape_cast %swap3A_1733 : vector<16xi32> to vector<16xi32>
    %swap3A_1735 = vector.shape_cast %get3A_1731 : vector<16xi32> to vector<16xi32>
    tpu.vector_store %arg12[%swap3A_1732], %swap3A_1735 {strides = array<i32>} : memref<112xi32, #tpu.memory_space<vmem>>, vector<16xi32>,
    %dma_start3A_1736 = arith.constant 0 : i32
    %dma_start3A_1737 = arith.constant 0 : i32
    %dma_start3A_1738 = tpu.memref_slice %arg2[%dma_start3A_1736, %dma_start3A_1737] : memref<100000x128xf32, #tpu.memory_space<hbm>> -> memref<100000x128xf32, #tpu.memory_space<hbm>>
    tpu.enqueue_indirect_dma source(%dma_start3A_1738 : memref<100000x128xf32, #tpu.memory_space<hbm>>) target(%arg15 : memref<112x128xf32, #tpu.memory_space<vmem>>) offsets(%arg9 : memref<112xi32, #tpu.memory_space<vmem>>) semaphore(%arg22 : memref<!tpu.dma_semaphore, #tpu.memory_space<semaphore_mem>>)
    %dma_wait3A_1739 = arith.constant 0 : i32
    %dma_wait3A_1740 = arith.constant 0 : i32
    %dma_wait3A_1741 = tpu.memref_slice %arg2[%dma_wait3A_1739, %dma_wait3A_1740] : memref<100000x128xf32, #tpu.memory_space<hbm>> -> memref<100000x128xf32, #tpu.memory_space<hbm>>
    tpu.wait_indirect_dma semaphore(%arg21 : memref<!tpu.dma_semaphore, #tpu.memory_space<semaphore_mem>>) src(%dma_wait3A_1741 : memref<100000x128xf32, #tpu.memory_space<hbm>>) dst(%arg14 : memref<112x128xf32, #tpu.memory_space<vmem>>)
    %dma_start3A_1742 = arith.constant 0 : i32
    %dma_start3A_1743 = arith.constant 0 : i32
    %dma_start3A_1744 = tpu.memref_slice %arg17[%dma_start3A_1742, %dma_start3A_1743] : memref<10008x128xf32, #tpu.memory_space<vmem_shared>> -> memref<10008x128xf32, #tpu.memory_space<vmem_shared>>
    tpu.enqueue_indirect_dma source(%arg14 : memref<112x128xf32, #tpu.memory_space<vmem>>) target(%dma_start3A_1744 : memref<10008x128xf32, #tpu.memory_space<vmem_shared>>) offsets(%arg11 : memref<112xi32, #tpu.memory_space<vmem>>) semaphore(%arg24 : memref<!tpu.dma_semaphore, #tpu.memory_space<semaphore_mem>>) {add = true}
    %dma_wait3A_1745 = arith.constant 89 : i32
    %dma_wait3A_1746 = arith.constant 0 : i32
    %dma_wait3A_1747 = arith.constant 0 : i32
    %dma_wait3A_1748 = tpu.memref_slice %arg3[%add3A, %dma_wait3A_1745, %dma_wait3A_1746, %dma_wait3A_1747] : memref<32x90x3x112xi32, #tpu.memory_space<hbm>> -> memref<1x1x3x112xi32, #tpu.memory_space<hbm>>
    %dma_wait3A_1749 = tpu.memref_squeeze %dma_wait3A_1748 : memref<1x1x3x112xi32, #tpu.memory_space<hbm>> -> memref<3x112xi32, #tpu.memory_space<hbm>>
    %dma_wait3A_1750 = arith.constant 0 : i32
    %dma_wait3A_1751 = arith.constant 0 : i32
    %dma_wait3A_1752 = tpu.memref_slice %arg3[%add3A, %dma_wait3A_1745, %dma_wait3A_1750, %dma_wait3A_1751] : memref<32x90x3x112xi32, #tpu.memory_space<hbm>> -> memref<1x1x3x112xi32, #tpu.memory_space<hbm>>
    %dma_wait3A_1753 = tpu.memref_squeeze %dma_wait3A_1752 : memref<1x1x3x112xi32, #tpu.memory_space<hbm>> -> memref<3x112xi32, #tpu.memory_space<hbm>>
    tpu.wait_dma2 semaphore(%arg20 : memref<!tpu.dma_semaphore, #tpu.memory_space<semaphore_mem>>) src(%dma_wait3A_1753 : memref<3x112xi32, #tpu.memory_space<hbm>>) dst(%arg7 : memref<3x112xi32, #tpu.memory_space<vmem>>)
    %dma_wait3A_1754 = arith.constant 0 : i32
    %dma_wait3A_1755 = arith.constant 0 : i32
    %dma_wait3A_1756 = tpu.memref_slice %arg17[%dma_wait3A_1754, %dma_wait3A_1755] : memref<10008x128xf32, #tpu.memory_space<vmem_shared>> -> memref<10008x128xf32, #tpu.memory_space<vmem_shared>>
    tpu.wait_indirect_dma semaphore(%arg26 : memref<!tpu.dma_semaphore, #tpu.memory_space<semaphore_mem>>) src(%arg16 : memref<112x128xf32, #tpu.memory_space<vmem>>) dst(%dma_wait3A_1756 : memref<10008x128xf32, #tpu.memory_space<vmem_shared>>)
    %get3A_1757 = arith.constant 1 : i32
    %get3A_1758 = arith.index_cast %get3A_1757 : i32 to index
    %get3A_1759 = arith.constant 0 : index
    %get3A_1760 = tpu.vector_load %arg7[%get3A_1758, %get3A_1759] {strides = array<i32>} : memref<3x112xi32, #tpu.memory_space<vmem>>, vector<1x16xi32>,
    %get3A_1761 = vector.shape_cast %get3A_1760 : vector<1x16xi32> to vector<16xi32>
    %mul3A_1762 = arith.constant 10000 : i32
    %mul3A_1763 = vector.broadcast %mul3A_1762 : i32 to vector<16xi32>
    %mul3A_1764 = arith.muli %get3A_1761, %mul3A_1763 : vector<16xi32>
    %get3A_1765 = arith.constant 0 : i32
    %get3A_1766 = arith.index_cast %get3A_1765 : i32 to index
    %get3A_1767 = arith.constant 0 : index
    %get3A_1768 = tpu.vector_load %arg7[%get3A_1766, %get3A_1767] {strides = array<i32>} : memref<3x112xi32, #tpu.memory_space<vmem>>, vector<1x16xi32>,
    %get3A_1769 = vector.shape_cast %get3A_1768 : vector<1x16xi32> to vector<16xi32>
    %add3A_1770 = arith.addi %mul3A_1764, %get3A_1769 : vector<16xi32>
    %swap3A_1771 = arith.constant 0 : index
    %swap3A_1772 = tpu.vector_load %arg10[%swap3A_1771] {strides = array<i32>} : memref<112xi32, #tpu.memory_space<vmem>>, vector<16xi32>,
    %swap3A_1773 = vector.shape_cast %swap3A_1772 : vector<16xi32> to vector<16xi32>
    %swap3A_1774 = vector.shape_cast %add3A_1770 : vector<16xi32> to vector<16xi32>
    tpu.vector_store %arg10[%swap3A_1771], %swap3A_1774 {strides = array<i32>} : memref<112xi32, #tpu.memory_space<vmem>>, vector<16xi32>,
    %get3A_1775 = arith.constant 2 : i32
    %get3A_1776 = arith.index_cast %get3A_1775 : i32 to index
    %get3A_1777 = arith.constant 0 : index
    %get3A_1778 = tpu.vector_load %arg7[%get3A_1776, %get3A_1777] {strides = array<i32>} : memref<3x112xi32, #tpu.memory_space<vmem>>, vector<1x16xi32>,
    %get3A_1779 = vector.shape_cast %get3A_1778 : vector<1x16xi32> to vector<16xi32>
    %swap3A_1780 = arith.constant 0 : index
    %swap3A_1781 = tpu.vector_load %arg13[%swap3A_1780] {strides = array<i32>} : memref<112xi32, #tpu.memory_space<vmem>>, vector<16xi32>,
    %swap3A_1782 = vector.shape_cast %swap3A_1781 : vector<16xi32> to vector<16xi32>
    %swap3A_1783 = vector.shape_cast %get3A_1779 : vector<16xi32> to vector<16xi32>
    tpu.vector_store %arg13[%swap3A_1780], %swap3A_1783 {strides = array<i32>} : memref<112xi32, #tpu.memory_space<vmem>>, vector<16xi32>,
    %get3A_1784 = arith.constant 1 : i32
    %get3A_1785 = arith.index_cast %get3A_1784 : i32 to index
    %get3A_1786 = arith.constant 16 : index
    %get3A_1787 = tpu.vector_load %arg7[%get3A_1785, %get3A_1786] {strides = array<i32>} : memref<3x112xi32, #tpu.memory_space<vmem>>, vector<1x16xi32>,
    %get3A_1788 = vector.shape_cast %get3A_1787 : vector<1x16xi32> to vector<16xi32>
    %mul3A_1789 = arith.constant 10000 : i32
    %mul3A_1790 = vector.broadcast %mul3A_1789 : i32 to vector<16xi32>
    %mul3A_1791 = arith.muli %get3A_1788, %mul3A_1790 : vector<16xi32>
    %get3A_1792 = arith.constant 0 : i32
    %get3A_1793 = arith.index_cast %get3A_1792 : i32 to index
    %get3A_1794 = arith.constant 16 : index
    %get3A_1795 = tpu.vector_load %arg7[%get3A_1793, %get3A_1794] {strides = array<i32>} : memref<3x112xi32, #tpu.memory_space<vmem>>, vector<1x16xi32>,
    %get3A_1796 = vector.shape_cast %get3A_1795 : vector<1x16xi32> to vector<16xi32>
    %add3A_1797 = arith.addi %mul3A_1791, %get3A_1796 : vector<16xi32>
    %swap3A_1798 = arith.constant 16 : index
    %swap3A_1799 = tpu.vector_load %arg10[%swap3A_1798] {strides = array<i32>} : memref<112xi32, #tpu.memory_space<vmem>>, vector<16xi32>,
    %swap3A_1800 = vector.shape_cast %swap3A_1799 : vector<16xi32> to vector<16xi32>
    %swap3A_1801 = vector.shape_cast %add3A_1797 : vector<16xi32> to vector<16xi32>
    tpu.vector_store %arg10[%swap3A_1798], %swap3A_1801 {strides = array<i32>} : memref<112xi32, #tpu.memory_space<vmem>>, vector<16xi32>,
    %get3A_1802 = arith.constant 2 : i32
    %get3A_1803 = arith.index_cast %get3A_1802 : i32 to index
    %get3A_1804 = arith.constant 16 : index
    %get3A_1805 = tpu.vector_load %arg7[%get3A_1803, %get3A_1804] {strides = array<i32>} : memref<3x112xi32, #tpu.memory_space<vmem>>, vector<1x16xi32>,
    %get3A_1806 = vector.shape_cast %get3A_1805 : vector<1x16xi32> to vector<16xi32>
    %swap3A_1807 = arith.constant 16 : index
    %swap3A_1808 = tpu.vector_load %arg13[%swap3A_1807] {strides = array<i32>} : memref<112xi32, #tpu.memory_space<vmem>>, vector<16xi32>,
    %swap3A_1809 = vector.shape_cast %swap3A_1808 : vector<16xi32> to vector<16xi32>
    %swap3A_1810 = vector.shape_cast %get3A_1806 : vector<16xi32> to vector<16xi32>
    tpu.vector_store %arg13[%swap3A_1807], %swap3A_1810 {strides = array<i32>} : memref<112xi32, #tpu.memory_space<vmem>>, vector<16xi32>,
    %get3A_1811 = arith.constant 1 : i32
    %get3A_1812 = arith.index_cast %get3A_1811 : i32 to index
    %get3A_1813 = arith.constant 32 : index
    %get3A_1814 = tpu.vector_load %arg7[%get3A_1812, %get3A_1813] {strides = array<i32>} : memref<3x112xi32, #tpu.memory_space<vmem>>, vector<1x16xi32>,
    %get3A_1815 = vector.shape_cast %get3A_1814 : vector<1x16xi32> to vector<16xi32>
    %mul3A_1816 = arith.constant 10000 : i32
    %mul3A_1817 = vector.broadcast %mul3A_1816 : i32 to vector<16xi32>
    %mul3A_1818 = arith.muli %get3A_1815, %mul3A_1817 : vector<16xi32>
    %get3A_1819 = arith.constant 0 : i32
    %get3A_1820 = arith.index_cast %get3A_1819 : i32 to index
    %get3A_1821 = arith.constant 32 : index
    %get3A_1822 = tpu.vector_load %arg7[%get3A_1820, %get3A_1821] {strides = array<i32>} : memref<3x112xi32, #tpu.memory_space<vmem>>, vector<1x16xi32>,
    %get3A_1823 = vector.shape_cast %get3A_1822 : vector<1x16xi32> to vector<16xi32>
    %add3A_1824 = arith.addi %mul3A_1818, %get3A_1823 : vector<16xi32>
    %swap3A_1825 = arith.constant 32 : index
    %swap3A_1826 = tpu.vector_load %arg10[%swap3A_1825] {strides = array<i32>} : memref<112xi32, #tpu.memory_space<vmem>>, vector<16xi32>,
    %swap3A_1827 = vector.shape_cast %swap3A_1826 : vector<16xi32> to vector<16xi32>
    %swap3A_1828 = vector.shape_cast %add3A_1824 : vector<16xi32> to vector<16xi32>
    tpu.vector_store %arg10[%swap3A_1825], %swap3A_1828 {strides = array<i32>} : memref<112xi32, #tpu.memory_space<vmem>>, vector<16xi32>,
    %get3A_1829 = arith.constant 2 : i32
    %get3A_1830 = arith.index_cast %get3A_1829 : i32 to index
    %get3A_1831 = arith.constant 32 : index
    %get3A_1832 = tpu.vector_load %arg7[%get3A_1830, %get3A_1831] {strides = array<i32>} : memref<3x112xi32, #tpu.memory_space<vmem>>, vector<1x16xi32>,
    %get3A_1833 = vector.shape_cast %get3A_1832 : vector<1x16xi32> to vector<16xi32>
    %swap3A_1834 = arith.constant 32 : index
    %swap3A_1835 = tpu.vector_load %arg13[%swap3A_1834] {strides = array<i32>} : memref<112xi32, #tpu.memory_space<vmem>>, vector<16xi32>,
    %swap3A_1836 = vector.shape_cast %swap3A_1835 : vector<16xi32> to vector<16xi32>
    %swap3A_1837 = vector.shape_cast %get3A_1833 : vector<16xi32> to vector<16xi32>
    tpu.vector_store %arg13[%swap3A_1834], %swap3A_1837 {strides = array<i32>} : memref<112xi32, #tpu.memory_space<vmem>>, vector<16xi32>,
    %get3A_1838 = arith.constant 1 : i32
    %get3A_1839 = arith.index_cast %get3A_1838 : i32 to index
    %get3A_1840 = arith.constant 48 : index
    %get3A_1841 = tpu.vector_load %arg7[%get3A_1839, %get3A_1840] {strides = array<i32>} : memref<3x112xi32, #tpu.memory_space<vmem>>, vector<1x16xi32>,
    %get3A_1842 = vector.shape_cast %get3A_1841 : vector<1x16xi32> to vector<16xi32>
    %mul3A_1843 = arith.constant 10000 : i32
    %mul3A_1844 = vector.broadcast %mul3A_1843 : i32 to vector<16xi32>
    %mul3A_1845 = arith.muli %get3A_1842, %mul3A_1844 : vector<16xi32>
    %get3A_1846 = arith.constant 0 : i32
    %get3A_1847 = arith.index_cast %get3A_1846 : i32 to index
    %get3A_1848 = arith.constant 48 : index
    %get3A_1849 = tpu.vector_load %arg7[%get3A_1847, %get3A_1848] {strides = array<i32>} : memref<3x112xi32, #tpu.memory_space<vmem>>, vector<1x16xi32>,
    %get3A_1850 = vector.shape_cast %get3A_1849 : vector<1x16xi32> to vector<16xi32>
    %add3A_1851 = arith.addi %mul3A_1845, %get3A_1850 : vector<16xi32>
    %swap3A_1852 = arith.constant 48 : index
    %swap3A_1853 = tpu.vector_load %arg10[%swap3A_1852] {strides = array<i32>} : memref<112xi32, #tpu.memory_space<vmem>>, vector<16xi32>,
    %swap3A_1854 = vector.shape_cast %swap3A_1853 : vector<16xi32> to vector<16xi32>
    %swap3A_1855 = vector.shape_cast %add3A_1851 : vector<16xi32> to vector<16xi32>
    tpu.vector_store %arg10[%swap3A_1852], %swap3A_1855 {strides = array<i32>} : memref<112xi32, #tpu.memory_space<vmem>>, vector<16xi32>,
    %get3A_1856 = arith.constant 2 : i32
    %get3A_1857 = arith.index_cast %get3A_1856 : i32 to index
    %get3A_1858 = arith.constant 48 : index
    %get3A_1859 = tpu.vector_load %arg7[%get3A_1857, %get3A_1858] {strides = array<i32>} : memref<3x112xi32, #tpu.memory_space<vmem>>, vector<1x16xi32>,
    %get3A_1860 = vector.shape_cast %get3A_1859 : vector<1x16xi32> to vector<16xi32>
    %swap3A_1861 = arith.constant 48 : index
    %swap3A_1862 = tpu.vector_load %arg13[%swap3A_1861] {strides = array<i32>} : memref<112xi32, #tpu.memory_space<vmem>>, vector<16xi32>,
    %swap3A_1863 = vector.shape_cast %swap3A_1862 : vector<16xi32> to vector<16xi32>
    %swap3A_1864 = vector.shape_cast %get3A_1860 : vector<16xi32> to vector<16xi32>
    tpu.vector_store %arg13[%swap3A_1861], %swap3A_1864 {strides = array<i32>} : memref<112xi32, #tpu.memory_space<vmem>>, vector<16xi32>,
    %get3A_1865 = arith.constant 1 : i32
    %get3A_1866 = arith.index_cast %get3A_1865 : i32 to index
    %get3A_1867 = arith.constant 64 : index
    %get3A_1868 = tpu.vector_load %arg7[%get3A_1866, %get3A_1867] {strides = array<i32>} : memref<3x112xi32, #tpu.memory_space<vmem>>, vector<1x16xi32>,
    %get3A_1869 = vector.shape_cast %get3A_1868 : vector<1x16xi32> to vector<16xi32>
    %mul3A_1870 = arith.constant 10000 : i32
    %mul3A_1871 = vector.broadcast %mul3A_1870 : i32 to vector<16xi32>
    %mul3A_1872 = arith.muli %get3A_1869, %mul3A_1871 : vector<16xi32>
    %get3A_1873 = arith.constant 0 : i32
    %get3A_1874 = arith.index_cast %get3A_1873 : i32 to index
    %get3A_1875 = arith.constant 64 : index
    %get3A_1876 = tpu.vector_load %arg7[%get3A_1874, %get3A_1875] {strides = array<i32>} : memref<3x112xi32, #tpu.memory_space<vmem>>, vector<1x16xi32>,
    %get3A_1877 = vector.shape_cast %get3A_1876 : vector<1x16xi32> to vector<16xi32>
    %add3A_1878 = arith.addi %mul3A_1872, %get3A_1877 : vector<16xi32>
    %swap3A_1879 = arith.constant 64 : index
    %swap3A_1880 = tpu.vector_load %arg10[%swap3A_1879] {strides = array<i32>} : memref<112xi32, #tpu.memory_space<vmem>>, vector<16xi32>,
    %swap3A_1881 = vector.shape_cast %swap3A_1880 : vector<16xi32> to vector<16xi32>
    %swap3A_1882 = vector.shape_cast %add3A_1878 : vector<16xi32> to vector<16xi32>
    tpu.vector_store %arg10[%swap3A_1879], %swap3A_1882 {strides = array<i32>} : memref<112xi32, #tpu.memory_space<vmem>>, vector<16xi32>,
    %get3A_1883 = arith.constant 2 : i32
    %get3A_1884 = arith.index_cast %get3A_1883 : i32 to index
    %get3A_1885 = arith.constant 64 : index
    %get3A_1886 = tpu.vector_load %arg7[%get3A_1884, %get3A_1885] {strides = array<i32>} : memref<3x112xi32, #tpu.memory_space<vmem>>, vector<1x16xi32>,
    %get3A_1887 = vector.shape_cast %get3A_1886 : vector<1x16xi32> to vector<16xi32>
    %swap3A_1888 = arith.constant 64 : index
    %swap3A_1889 = tpu.vector_load %arg13[%swap3A_1888] {strides = array<i32>} : memref<112xi32, #tpu.memory_space<vmem>>, vector<16xi32>,
    %swap3A_1890 = vector.shape_cast %swap3A_1889 : vector<16xi32> to vector<16xi32>
    %swap3A_1891 = vector.shape_cast %get3A_1887 : vector<16xi32> to vector<16xi32>
    tpu.vector_store %arg13[%swap3A_1888], %swap3A_1891 {strides = array<i32>} : memref<112xi32, #tpu.memory_space<vmem>>, vector<16xi32>,
    %get3A_1892 = arith.constant 1 : i32
    %get3A_1893 = arith.index_cast %get3A_1892 : i32 to index
    %get3A_1894 = arith.constant 80 : index
    %get3A_1895 = tpu.vector_load %arg7[%get3A_1893, %get3A_1894] {strides = array<i32>} : memref<3x112xi32, #tpu.memory_space<vmem>>, vector<1x16xi32>,
    %get3A_1896 = vector.shape_cast %get3A_1895 : vector<1x16xi32> to vector<16xi32>
    %mul3A_1897 = arith.constant 10000 : i32
    %mul3A_1898 = vector.broadcast %mul3A_1897 : i32 to vector<16xi32>
    %mul3A_1899 = arith.muli %get3A_1896, %mul3A_1898 : vector<16xi32>
    %get3A_1900 = arith.constant 0 : i32
    %get3A_1901 = arith.index_cast %get3A_1900 : i32 to index
    %get3A_1902 = arith.constant 80 : index
    %get3A_1903 = tpu.vector_load %arg7[%get3A_1901, %get3A_1902] {strides = array<i32>} : memref<3x112xi32, #tpu.memory_space<vmem>>, vector<1x16xi32>,
    %get3A_1904 = vector.shape_cast %get3A_1903 : vector<1x16xi32> to vector<16xi32>
    %add3A_1905 = arith.addi %mul3A_1899, %get3A_1904 : vector<16xi32>
    %swap3A_1906 = arith.constant 80 : index
    %swap3A_1907 = tpu.vector_load %arg10[%swap3A_1906] {strides = array<i32>} : memref<112xi32, #tpu.memory_space<vmem>>, vector<16xi32>,
    %swap3A_1908 = vector.shape_cast %swap3A_1907 : vector<16xi32> to vector<16xi32>
    %swap3A_1909 = vector.shape_cast %add3A_1905 : vector<16xi32> to vector<16xi32>
    tpu.vector_store %arg10[%swap3A_1906], %swap3A_1909 {strides = array<i32>} : memref<112xi32, #tpu.memory_space<vmem>>, vector<16xi32>,
    %get3A_1910 = arith.constant 2 : i32
    %get3A_1911 = arith.index_cast %get3A_1910 : i32 to index
    %get3A_1912 = arith.constant 80 : index
    %get3A_1913 = tpu.vector_load %arg7[%get3A_1911, %get3A_1912] {strides = array<i32>} : memref<3x112xi32, #tpu.memory_space<vmem>>, vector<1x16xi32>,
    %get3A_1914 = vector.shape_cast %get3A_1913 : vector<1x16xi32> to vector<16xi32>
    %swap3A_1915 = arith.constant 80 : index
    %swap3A_1916 = tpu.vector_load %arg13[%swap3A_1915] {strides = array<i32>} : memref<112xi32, #tpu.memory_space<vmem>>, vector<16xi32>,
    %swap3A_1917 = vector.shape_cast %swap3A_1916 : vector<16xi32> to vector<16xi32>
    %swap3A_1918 = vector.shape_cast %get3A_1914 : vector<16xi32> to vector<16xi32>
    tpu.vector_store %arg13[%swap3A_1915], %swap3A_1918 {strides = array<i32>} : memref<112xi32, #tpu.memory_space<vmem>>, vector<16xi32>,
    %get3A_1919 = arith.constant 1 : i32
    %get3A_1920 = arith.index_cast %get3A_1919 : i32 to index
    %get3A_1921 = arith.constant 96 : index
    %get3A_1922 = tpu.vector_load %arg7[%get3A_1920, %get3A_1921] {strides = array<i32>} : memref<3x112xi32, #tpu.memory_space<vmem>>, vector<1x16xi32>,
    %get3A_1923 = vector.shape_cast %get3A_1922 : vector<1x16xi32> to vector<16xi32>
    %mul3A_1924 = arith.constant 10000 : i32
    %mul3A_1925 = vector.broadcast %mul3A_1924 : i32 to vector<16xi32>
    %mul3A_1926 = arith.muli %get3A_1923, %mul3A_1925 : vector<16xi32>
    %get3A_1927 = arith.constant 0 : i32
    %get3A_1928 = arith.index_cast %get3A_1927 : i32 to index
    %get3A_1929 = arith.constant 96 : index
    %get3A_1930 = tpu.vector_load %arg7[%get3A_1928, %get3A_1929] {strides = array<i32>} : memref<3x112xi32, #tpu.memory_space<vmem>>, vector<1x16xi32>,
    %get3A_1931 = vector.shape_cast %get3A_1930 : vector<1x16xi32> to vector<16xi32>
    %add3A_1932 = arith.addi %mul3A_1926, %get3A_1931 : vector<16xi32>
    %swap3A_1933 = arith.constant 96 : index
    %swap3A_1934 = tpu.vector_load %arg10[%swap3A_1933] {strides = array<i32>} : memref<112xi32, #tpu.memory_space<vmem>>, vector<16xi32>,
    %swap3A_1935 = vector.shape_cast %swap3A_1934 : vector<16xi32> to vector<16xi32>
    %swap3A_1936 = vector.shape_cast %add3A_1932 : vector<16xi32> to vector<16xi32>
    tpu.vector_store %arg10[%swap3A_1933], %swap3A_1936 {strides = array<i32>} : memref<112xi32, #tpu.memory_space<vmem>>, vector<16xi32>,
    %get3A_1937 = arith.constant 2 : i32
    %get3A_1938 = arith.index_cast %get3A_1937 : i32 to index
    %get3A_1939 = arith.constant 96 : index
    %get3A_1940 = tpu.vector_load %arg7[%get3A_1938, %get3A_1939] {strides = array<i32>} : memref<3x112xi32, #tpu.memory_space<vmem>>, vector<1x16xi32>,
    %get3A_1941 = vector.shape_cast %get3A_1940 : vector<1x16xi32> to vector<16xi32>
    %swap3A_1942 = arith.constant 96 : index
    %swap3A_1943 = tpu.vector_load %arg13[%swap3A_1942] {strides = array<i32>} : memref<112xi32, #tpu.memory_space<vmem>>, vector<16xi32>,
    %swap3A_1944 = vector.shape_cast %swap3A_1943 : vector<16xi32> to vector<16xi32>
    %swap3A_1945 = vector.shape_cast %get3A_1941 : vector<16xi32> to vector<16xi32>
    tpu.vector_store %arg13[%swap3A_1942], %swap3A_1945 {strides = array<i32>} : memref<112xi32, #tpu.memory_space<vmem>>, vector<16xi32>,
    %dma_start3A_1946 = arith.constant 0 : i32
    %dma_start3A_1947 = arith.constant 0 : i32
    %dma_start3A_1948 = tpu.memref_slice %arg2[%dma_start3A_1946, %dma_start3A_1947] : memref<100000x128xf32, #tpu.memory_space<hbm>> -> memref<100000x128xf32, #tpu.memory_space<hbm>>
    tpu.enqueue_indirect_dma source(%dma_start3A_1948 : memref<100000x128xf32, #tpu.memory_space<hbm>>) target(%arg16 : memref<112x128xf32, #tpu.memory_space<vmem>>) offsets(%arg10 : memref<112xi32, #tpu.memory_space<vmem>>) semaphore(%arg23 : memref<!tpu.dma_semaphore, #tpu.memory_space<semaphore_mem>>)
    %dma_wait3A_1949 = arith.constant 0 : i32
    %dma_wait3A_1950 = arith.constant 0 : i32
    %dma_wait3A_1951 = tpu.memref_slice %arg2[%dma_wait3A_1949, %dma_wait3A_1950] : memref<100000x128xf32, #tpu.memory_space<hbm>> -> memref<100000x128xf32, #tpu.memory_space<hbm>>
    tpu.wait_indirect_dma semaphore(%arg22 : memref<!tpu.dma_semaphore, #tpu.memory_space<semaphore_mem>>) src(%dma_wait3A_1951 : memref<100000x128xf32, #tpu.memory_space<hbm>>) dst(%arg15 : memref<112x128xf32, #tpu.memory_space<vmem>>)
    %dma_start3A_1952 = arith.constant 0 : i32
    %dma_start3A_1953 = arith.constant 0 : i32
    %dma_start3A_1954 = tpu.memref_slice %arg17[%dma_start3A_1952, %dma_start3A_1953] : memref<10008x128xf32, #tpu.memory_space<vmem_shared>> -> memref<10008x128xf32, #tpu.memory_space<vmem_shared>>
    tpu.enqueue_indirect_dma source(%arg15 : memref<112x128xf32, #tpu.memory_space<vmem>>) target(%dma_start3A_1954 : memref<10008x128xf32, #tpu.memory_space<vmem_shared>>) offsets(%arg12 : memref<112xi32, #tpu.memory_space<vmem>>) semaphore(%arg25 : memref<!tpu.dma_semaphore, #tpu.memory_space<semaphore_mem>>) {add = true}
    %dma_wait3A_1955 = arith.constant 0 : i32
    %dma_wait3A_1956 = arith.constant 0 : i32
    %dma_wait3A_1957 = tpu.memref_slice %arg17[%dma_wait3A_1955, %dma_wait3A_1956] : memref<10008x128xf32, #tpu.memory_space<vmem_shared>> -> memref<10008x128xf32, #tpu.memory_space<vmem_shared>>
    tpu.wait_indirect_dma semaphore(%arg24 : memref<!tpu.dma_semaphore, #tpu.memory_space<semaphore_mem>>) src(%arg14 : memref<112x128xf32, #tpu.memory_space<vmem>>) dst(%dma_wait3A_1957 : memref<10008x128xf32, #tpu.memory_space<vmem_shared>>)
    %dma_wait3A_1958 = arith.constant 0 : i32
    %dma_wait3A_1959 = arith.constant 0 : i32
    %dma_wait3A_1960 = tpu.memref_slice %arg2[%dma_wait3A_1958, %dma_wait3A_1959] : memref<100000x128xf32, #tpu.memory_space<hbm>> -> memref<100000x128xf32, #tpu.memory_space<hbm>>
    tpu.wait_indirect_dma semaphore(%arg23 : memref<!tpu.dma_semaphore, #tpu.memory_space<semaphore_mem>>) src(%dma_wait3A_1960 : memref<100000x128xf32, #tpu.memory_space<hbm>>) dst(%arg16 : memref<112x128xf32, #tpu.memory_space<vmem>>)
    %dma_start3A_1961 = arith.constant 0 : i32
    %dma_start3A_1962 = arith.constant 0 : i32
    %dma_start3A_1963 = tpu.memref_slice %arg17[%dma_start3A_1961, %dma_start3A_1962] : memref<10008x128xf32, #tpu.memory_space<vmem_shared>> -> memref<10008x128xf32, #tpu.memory_space<vmem_shared>>
    tpu.enqueue_indirect_dma source(%arg16 : memref<112x128xf32, #tpu.memory_space<vmem>>) target(%dma_start3A_1963 : memref<10008x128xf32, #tpu.memory_space<vmem_shared>>) offsets(%arg13 : memref<112xi32, #tpu.memory_space<vmem>>) semaphore(%arg26 : memref<!tpu.dma_semaphore, #tpu.memory_space<semaphore_mem>>) {add = true}
    %dma_wait3A_1964 = arith.constant 0 : i32
    %dma_wait3A_1965 = arith.constant 0 : i32
    %dma_wait3A_1966 = tpu.memref_slice %arg17[%dma_wait3A_1964, %dma_wait3A_1965] : memref<10008x128xf32, #tpu.memory_space<vmem_shared>> -> memref<10008x128xf32, #tpu.memory_space<vmem_shared>>
    tpu.wait_indirect_dma semaphore(%arg25 : memref<!tpu.dma_semaphore, #tpu.memory_space<semaphore_mem>>) src(%arg15 : memref<112x128xf32, #tpu.memory_space<vmem>>) dst(%dma_wait3A_1966 : memref<10008x128xf32, #tpu.memory_space<vmem_shared>>)
    %dma_wait3A_1967 = arith.constant 0 : i32
    %dma_wait3A_1968 = arith.constant 0 : i32
    %dma_wait3A_1969 = tpu.memref_slice %arg17[%dma_wait3A_1967, %dma_wait3A_1968] : memref<10008x128xf32, #tpu.memory_space<vmem_shared>> -> memref<10008x128xf32, #tpu.memory_space<vmem_shared>>
    tpu.wait_indirect_dma semaphore(%arg26 : memref<!tpu.dma_semaphore, #tpu.memory_space<semaphore_mem>>) src(%arg16 : memref<112x128xf32, #tpu.memory_space<vmem>>) dst(%dma_wait3A_1969 : memref<10008x128xf32, #tpu.memory_space<vmem_shared>>)
    %barrier3A_1970 = arith.constant 0 : index
    tpu.barrier barrier_id(%barrier3A_1970)
    %mul3A_1971 = arith.constant 624 : i32
    %mul3A_1972 = arith.muli %arg1, %mul3A_1971 : i32
    %mul3A_1973 = arith.constant 10000 : i32
    %mul3A_1974 = arith.muli %arg0, %mul3A_1973 : i32
    %add3A_1975 = arith.addi %mul3A_1974, %mul3A_1972 : i32
    "tpu.region"() ({
      %run_scoped3A_1981 = tpu.sem_alloc : memref<!tpu.dma_semaphore, #tpu.memory_space<semaphore_mem>>
      %dma_start3A_1982 = arith.constant 0 : i32
      %dma_start3A_1983 = tpu.memref_slice %arg4[%add3A_1975, %dma_start3A_1982] : memref<20000x128xf32, #tpu.memory_space<hbm>> -> memref<624x128xf32, #tpu.memory_space<hbm>>
      %dma_start3A_1984 = arith.constant 0 : i32
      %dma_start3A_1985 = tpu.memref_slice %arg17[%mul3A_1972, %dma_start3A_1984] : memref<10008x128xf32, #tpu.memory_space<vmem_shared>> -> memref<624x128xf32, #tpu.memory_space<vmem_shared>>
      tpu.enqueue_dma source(%dma_start3A_1985 : memref<624x128xf32, #tpu.memory_space<vmem_shared>>) target(%dma_start3A_1983 : memref<624x128xf32, #tpu.memory_space<hbm>>) target_semaphore(%run_scoped3A_1981 : memref<!tpu.dma_semaphore, #tpu.memory_space<semaphore_mem>>)
      %dma_wait3A_1986 = arith.constant 0 : i32
      %dma_wait3A_1987 = tpu.memref_slice %arg4[%add3A_1975, %dma_wait3A_1986] : memref<20000x128xf32, #tpu.memory_space<hbm>> -> memref<624x128xf32, #tpu.memory_space<hbm>>
      %dma_wait3A_1988 = arith.constant 0 : i32
      %dma_wait3A_1989 = tpu.memref_slice %arg17[%mul3A_1972, %dma_wait3A_1988] : memref<10008x128xf32, #tpu.memory_space<vmem_shared>> -> memref<624x128xf32, #tpu.memory_space<vmem_shared>>
      tpu.wait_dma2 semaphore(%run_scoped3A_1981 : memref<!tpu.dma_semaphore, #tpu.memory_space<semaphore_mem>>) src(%dma_wait3A_1989 : memref<624x128xf32, #tpu.memory_space<vmem_shared>>) dst(%dma_wait3A_1987 : memref<624x128xf32, #tpu.memory_space<hbm>>)
      tpu.yield
    }) : () -> ()
    %eq3A_1976 = arith.constant 15 : i32
    %eq3A_1977 = arith.cmpi eq, %arg1, %eq3A_1976 : i32
    %convert_element_type3A_1978 = arith.extui %eq3A_1977 : i1 to i32
    %cond3A_1979 = arith.constant 0 : i32
    %cond3A_1980 = arith.cmpi ne, %convert_element_type3A_1978, %cond3A_1979 : i32
    scf.if %cond3A_1980 {
      %mul3A_1981 = arith.constant 10000 : i32
      %mul3A_1982 = arith.muli %arg0, %mul3A_1981 : i32
      %add3A_1983 = arith.constant 9984 : i32
      %add3A_1984 = arith.addi %mul3A_1982, %add3A_1983 : i32
      "tpu.region"() ({
        %run_scoped3A_1985 = tpu.sem_alloc : memref<!tpu.dma_semaphore, #tpu.memory_space<semaphore_mem>>
        %dma_start3A_1986 = arith.constant 0 : i32
        %dma_start3A_1987 = tpu.memref_slice %arg4[%add3A_1984, %dma_start3A_1986] : memref<20000x128xf32, #tpu.memory_space<hbm>> -> memref<16x128xf32, #tpu.memory_space<hbm>>
        %dma_start3A_1988 = arith.constant 9984 : i32
        %dma_start3A_1989 = arith.constant 0 : i32
        %dma_start3A_1990 = tpu.memref_slice %arg17[%dma_start3A_1988, %dma_start3A_1989] : memref<10008x128xf32, #tpu.memory_space<vmem_shared>> -> memref<16x128xf32, #tpu.memory_space<vmem_shared>>
        tpu.enqueue_dma source(%dma_start3A_1990 : memref<16x128xf32, #tpu.memory_space<vmem_shared>>) target(%dma_start3A_1987 : memref<16x128xf32, #tpu.memory_space<hbm>>) target_semaphore(%run_scoped3A_1985 : memref<!tpu.dma_semaphore, #tpu.memory_space<semaphore_mem>>)
        %dma_wait3A_1991 = arith.constant 0 : i32
        %dma_wait3A_1992 = tpu.memref_slice %arg4[%add3A_1984, %dma_wait3A_1991] : memref<20000x128xf32, #tpu.memory_space<hbm>> -> memref<16x128xf32, #tpu.memory_space<hbm>>
        %dma_wait3A_1993 = arith.constant 9984 : i32
        %dma_wait3A_1994 = arith.constant 0 : i32
        %dma_wait3A_1995 = tpu.memref_slice %arg17[%dma_wait3A_1993, %dma_wait3A_1994] : memref<10008x128xf32, #tpu.memory_space<vmem_shared>> -> memref<16x128xf32, #tpu.memory_space<vmem_shared>>
        tpu.wait_dma2 semaphore(%run_scoped3A_1985 : memref<!tpu.dma_semaphore, #tpu.memory_space<semaphore_mem>>) src(%dma_wait3A_1995 : memref<16x128xf32, #tpu.memory_space<vmem_shared>>) dst(%dma_wait3A_1992 : memref<16x128xf32, #tpu.memory_space<hbm>>)
        tpu.yield
      }) : () -> ()
    } else {
    }
    return
  }
}

module attributes {stable_mosaic.version = 14 : i64} {
  func.func @_scale_body(%arg0: i32, %arg1: memref<1000x128xf32, #tpu.memory_space<vmem>>, %arg2: memref<10x128xf32, #tpu.memory_space<vmem>>, %arg3: memref<10x1000x128xf32, #tpu.memory_space<vmem>>) attributes {dimension_semantics = [#tpu.dimension_semantics<arbitrary>], iteration_bounds = array<i64: 10>, scalar_prefetch = 0 : i64, scratch_operands = 0 : i64, tpu.core_type = #tpu.core_type<tc>, window_params = [{transform_indices = @transform_0, window_bounds = array<i64: 1000, 128>}, {pipeline_mode = #tpu.pipeline_mode<synchronous>, transform_indices = @transform_1, window_bounds = array<i64: 10, 128>}, {transform_indices = @transform_2, window_bounds = array<i64: 10, 1000, 128>}]} {
    %get3A = arith.constant 0 : index
    %get3A_0 = arith.constant 0 : index
    %get3A_1 = vector.load %arg1[%get3A, %get3A_0] : memref<1000x128xf32, #tpu.memory_space<vmem>>, vector<1000x128xf32>
    %broadcast_in_dim3A = vector.shape_cast %get3A_1 : vector<1000x128xf32> to vector<1x1000x128xf32>
    %get3A_2 = arith.constant 0 : index
    %get3A_3 = arith.constant 0 : index
    %get3A_4 = vector.load %arg2[%get3A_2, %get3A_3] : memref<10x128xf32, #tpu.memory_space<vmem>>, vector<10x128xf32>
    %broadcast_in_dim3A_5 = vector.shape_cast %get3A_4 : vector<10x128xf32> to vector<10x1x128xf32>
    %mul3A = vector.broadcast %broadcast_in_dim3A : vector<1x1000x128xf32> to vector<10x1000x128xf32>
    %mul3A_6 = vector.broadcast %broadcast_in_dim3A_5 : vector<10x1x128xf32> to vector<10x1000x128xf32>
    %mul3A_7 = arith.mulf %mul3A, %mul3A_6 : vector<10x1000x128xf32>
    %swap3A = arith.constant 0 : index
    %swap3A_8 = arith.constant 0 : index
    %swap3A_9 = arith.constant 0 : index
    %swap3A_10 = vector.load %arg3[%swap3A, %swap3A_8, %swap3A_9] : memref<10x1000x128xf32, #tpu.memory_space<vmem>>, vector<10x1000x128xf32>
    tpu.vector_store %arg3[%swap3A, %swap3A_8, %swap3A_9], %mul3A_7 {strides = array<i32>} : memref<10x1000x128xf32, #tpu.memory_space<vmem>>, vector<10x1000x128xf32>,
    return
  }
  func.func @transform_0(%arg0: i32) -> (i32, i32) {
    %c0_i32 = arith.constant 0 : i32
    %c0_i32_0 = arith.constant 0 : i32
    return %arg0, %c0_i32 : i32, i32
  }
  func.func @transform_1(%arg0: i32) -> (i32, i32) {
    %c0_i32 = arith.constant 0 : i32
    %c0_i32_0 = arith.constant 0 : i32
    %c0_i32_1 = arith.constant 0 : i32
    return %c0_i32, %c0_i32_0 : i32, i32
  }
  func.func @transform_2(%arg0: i32) -> (i32, i32, i32) {
    %c0_i32 = arith.constant 0 : i32
    %c0_i32_0 = arith.constant 0 : i32
    %c0_i32_1 = arith.constant 0 : i32
    return %c0_i32, %arg0, %c0_i32_0 : i32, i32, i32
  }
}

module attributes {stable_mosaic.version = 14 : i64} {
  func.func @_combine_body(%arg0: i32, %arg1: memref<2000x128xf32, #tpu.memory_space<vmem>>, %arg2: memref<2000x128xf32, #tpu.memory_space<vmem>>, %arg3: memref<2000x128xf32, #tpu.memory_space<vmem>>) attributes {dimension_semantics = [#tpu.dimension_semantics<arbitrary>], iteration_bounds = array<i64: 5>, scalar_prefetch = 0 : i64, scratch_operands = 0 : i64, tpu.core_type = #tpu.core_type<tc>, window_params = [{transform_indices = @transform_0, window_bounds = array<i64: 2000, 128>}, {transform_indices = @transform_1, window_bounds = array<i64: 2000, 128>}, {transform_indices = @transform_2, window_bounds = array<i64: 2000, 128>}]} {
    %get3A = arith.constant 0 : index
    %get3A_0 = arith.constant 0 : index
    %get3A_1 = vector.load %arg1[%get3A, %get3A_0] : memref<2000x128xf32, #tpu.memory_space<vmem>>, vector<2000x128xf32>
    %get3A_2 = arith.constant 0 : index
    %get3A_3 = arith.constant 0 : index
    %get3A_4 = vector.load %arg2[%get3A_2, %get3A_3] : memref<2000x128xf32, #tpu.memory_space<vmem>>, vector<2000x128xf32>
    %add3A = arith.addf %get3A_1, %get3A_4 : vector<2000x128xf32>
    %swap3A = arith.constant 0 : index
    %swap3A_5 = arith.constant 0 : index
    %swap3A_6 = vector.load %arg3[%swap3A, %swap3A_5] : memref<2000x128xf32, #tpu.memory_space<vmem>>, vector<2000x128xf32>
    tpu.vector_store %arg3[%swap3A, %swap3A_5], %add3A {strides = array<i32>} : memref<2000x128xf32, #tpu.memory_space<vmem>>, vector<2000x128xf32>,
    return
  }
  func.func @transform_0(%arg0: i32) -> (i32, i32) {
    %c0_i32 = arith.constant 0 : i32
    %c0_i32_0 = arith.constant 0 : i32
    return %arg0, %c0_i32 : i32, i32
  }
  func.func @transform_1(%arg0: i32) -> (i32, i32) {
    %add3A = arith.constant 5 : i32
    %add3A_0 = arith.addi %arg0, %add3A : i32
    %c0_i32 = arith.constant 0 : i32
    %c0_i32_1 = arith.constant 0 : i32
    return %add3A_0, %c0_i32 : i32, i32
  }
  func.func @transform_2(%arg0: i32) -> (i32, i32) {
    %c0_i32 = arith.constant 0 : i32
    %c0_i32_0 = arith.constant 0 : i32
    return %arg0, %c0_i32 : i32, i32
  }
}

</mosaic_0001>

<sc_bundles>
// kernel: kernel.5.cloned.1.call-start
scs
__scs_entry_jumppad:
0x0: {  	(pc) =	sbr.rel $0x88, $3  }
0x1: {  	(tag) =	ssettag $0x0;
	lr =	simm.s32 $0x1  }
0x2: {  	[smem:$0x3F9D] =	sst lr;
	_ =	strace $0xD0000000  }
0x3: {  	_ = 	snop  }
0x4: {  	_ = 	snop  }
0x5: {  	_ = 	snop  }
0x6: {  	_ = 	snop  }
0x7: {  	_ = 	snop  }
__scs_overlays_trampoline_lowered:
0x8: {  	[smem:$0x3FAC] =	sst s0  }
0x9: {  	[smem:$0x3FAD] =	sst s1  }
0xa: {  	[smem:$0x3FAE] =	sst s2  }
0xb: {  	[smem:$0x3FAF] =	sst s3  }
0xc: {  	[smem:$0x3FB0] =	sst s4  }
0xd: {  	[smem:$0x3FB1] =	sst s5  }
0xe: {  	[smem:$0x3FB2] =	sst s6  }
0xf: {  	[smem:$0x3FB3] =	sst s7  }
0x10: {  	[smem:$0x3FB4] =	sst s8  }
0x11: {  	[smem:$0x3FB5] =	sst s9;
	s0 =	simm.s32 @!p0 $0x0  }
0x12: {  	s1 =	sld [smem:$0x3F9B];
	s0 =	simm.s32 @p0 $0x1  }
0x13: {  	[smem:$0x3FB6] =	sst s0;
	s0 =	simm.s32 @!p1 $0x0  }
0x14: {  	s2 =	sld [smem:$0x3F9A];
	s0 =	simm.s32 @p1 $0x1  }
0x15: {  	[smem:$0x3FB7] =	sst s0;
	s0 =	simm.s32 @!p2 $0x0  }
0x16: {  	s3 =	sld [smem:$0x3FDB];
	s0 =	simm.s32 @p2 $0x1  }
0x17: {  	s4 =	simm.s32 $0x1BF5;
	[smem:$0x3FB9] =	sst s0  }
0x18: {  	s0 =	sld [smem:$0x3F9C];
	_ =	swait.ge [sflag:s4], $0x0  }
0x19: {  	s7 =	sld [smem:$0x3F9D]  }
0x1a: {  	s8 =	sadd.s32 $0xFFFFE003, lr  }
0x1b: {  	s9 =	sadd.s32 $0xFFFFFEF7, lr;
	s5 =	simm.s32 $0xFFFFFFFF;
	p2 =	slt.u32 s8, $0xFFFFF086  }
0x1c: {  	p1 =	slt.u32 s9, $0xF7A;
	s5 =	simm.s32 @!p2 $0x0  }
0x1d: {  	s5 =	simm.s32 @p1 $0x1;
	p0 =	seq.s32 s7, s2  }
0x1e: {  	s7 =	smul.u32 @!p0 $0xF7A, s2;
	p2 =	seq.s32 @!p0 s5, $0x0  }
0x1f: {  	s9 =	smul.u32 $0xF7A, s1;
	s8 =	simm.s32 @!p0 $0x1BF5;
	p2 =	por !p2, p0  }
0x20: {  	[sflag:s8] =	ssyncset.s32 @!p0 $0xFFFFF086;
	s6 =	sadd.s32 @!p0 s3, s7;
	s7 =	simm.s32 @!p0 $0x108  }
0x21: {  	s3 =	sadd.s32 s3, s9;
	s6 =	sadd.s32 @!p0 $0x88, s6;
	s7 =	simm.s32 @p2 $0x1082  }
0x22: {  	[simem:s7], [sflag:s8] =	dma.local @!p0 [hbm:s6], $0xF7A  }
0x23: {  	s9 =	sor.u32 $0xD0000000, s2;
	s6 =	simm.s32 $0x108;
	_ =	swait.ge @!p0 [sflag:s8], $0x0  }
0x24: {  	s3 =	sadd.s32 $0x88, s3;
	s6 =	simm.s32 @!p1 $0x1082;
	[sflag:s4] =	ssyncset.s32 $0xFFFFF086  }
0x25: {  	[simem:s6], [sflag:s4] =	dma.local [hbm:s3], $0xF7A  }
0x26: {  	[smem:$0x3F9D] =	sst s1;
	(tag) =	ssettag s2;
	_ =	strace s9  }
0x27: {  	s1 =	sld [smem:$0x3FAD]  }
0x28: {  	s2 =	sld [smem:$0x3FAE]  }
0x29: {  	s4 =	sld [smem:$0x3FB0]  }
0x2a: {  	p0 =	seq.s32 s5, $0x0;
	s5 =	sld [smem:$0x3FB1]  }
0x2b: {  	s6 =	sld [smem:$0x3FB2]  }
0x2c: {  	s7 =	sld [smem:$0x3FB3]  }
0x2d: {  	s3 =	simm.s32 $0x108;
	s8 =	sld [smem:$0x3FB4]  }
0x2e: {  	s3 =	simm.s32 @!p0 $0x1082;
	s9 =	sld [smem:$0x3FB5]  }
0x2f: {  	lr =	sadd.s32 s0, s3;
	s0 =	sld [smem:$0x3FAC]  }
0x30: {  	s3 =	sld [smem:$0x3FAF]  }
0x31: {  	[smem:$0x3FB8] =	sst s10  }
0x32: {  	s10 =	sld [smem:$0x3FB6];
	_ =	sdelay $0x3  }
0x33: {  	p0 =	seq.s32 s10, $0x1;
	s10 =	sld [smem:$0x3FB8];
	_ =	sdelay $0x3  }
0x34: {  	[smem:$0x3FB8] =	sst s10  }
0x35: {  	s10 =	sld [smem:$0x3FB7];
	_ =	sdelay $0x3  }
0x36: {  	p1 =	seq.s32 s10, $0x1;
	s10 =	sld [smem:$0x3FB8];
	_ =	sdelay $0x3  }
0x37: {  	[smem:$0x3FB8] =	sst s10  }
0x38: {  	s10 =	sld [smem:$0x3FB9]  }
0x39: {  	_ = 	snop;
	(pc) =	sbr.ind lr, $3  }
0x3a: {  	_ = 	snop  }
0x3b: {  	_ = 	snop  }
0x3c: {  	p2 =	seq.s32 s10, $0x1;
	s10 =	sld [smem:$0x3FB8]  }
0x3d: {  	_ =	shalt  }
0x3e: {  	_ =	shalt  }
0x3f: {  	_ =	shalt  }
0x40: {  	_ =	shalt  }
0x41: {  	_ =	shalt  }
0x42: {  	_ =	shalt  }
0x43: {  	_ =	shalt  }
0x44: {  	_ =	shalt  }
0x45: {  	_ =	shalt  }
0x46: {  	_ =	shalt  }
0x47: {  	_ =	shalt  }
0x48: {  	_ =	shalt  }
0x49: {  	_ =	shalt  }
0x4a: {  	_ =	shalt  }
0x4b: {  	_ =	shalt  }
0x4c: {  	_ =	shalt  }
0x4d: {  	_ =	shalt  }
0x4e: {  	_ =	shalt  }
0x4f: {  	_ =	shalt  }
0x50: {  	_ =	shalt  }
0x51: {  	_ =	shalt  }
0x52: {  	_ =	shalt  }
0x53: {  	_ =	shalt  }
0x54: {  	_ =	shalt  }
0x55: {  	_ =	shalt  }
0x56: {  	_ =	shalt  }
0x57: {  	_ =	shalt  }
0x58: {  	_ =	shalt  }
0x59: {  	_ =	shalt  }
0x5a: {  	_ =	shalt  }
0x5b: {  	_ =	shalt  }
0x5c: {  	_ =	shalt  }
0x5d: {  	_ =	shalt  }
0x5e: {  	_ =	shalt  }
0x5f: {  	_ =	shalt  }
0x60: {  	_ =	shalt  }
0x61: {  	_ =	shalt  }
0x62: {  	_ =	shalt  }
0x63: {  	_ =	shalt  }
0x64: {  	_ =	shalt  }
0x65: {  	_ =	shalt  }
0x66: {  	_ =	shalt  }
0x67: {  	_ =	shalt  }
0x68: {  	_ =	shalt  }
0x69: {  	_ =	shalt  }
0x6a: {  	_ =	shalt  }
0x6b: {  	_ =	shalt  }
0x6c: {  	_ =	shalt  }
0x6d: {  	_ =	shalt  }
0x6e: {  	_ =	shalt  }
0x6f: {  	_ =	shalt  }
0x70: {  	_ =	shalt  }
0x71: {  	_ =	shalt  }
0x72: {  	_ =	shalt  }
0x73: {  	_ =	shalt  }
0x74: {  	_ =	shalt  }
0x75: {  	_ =	shalt  }
0x76: {  	_ =	shalt  }
0x77: {  	_ =	shalt  }
0x78: {  	_ =	shalt  }
0x79: {  	_ =	shalt  }
0x7a: {  	_ =	shalt  }
0x7b: {  	_ =	shalt  }
0x7c: {  	_ =	shalt  }
0x7d: {  	_ =	shalt  }
0x7e: {  	_ =	shalt  }
0x7f: {  	_ =	shalt  }
0x80: {  	_ =	shalt  }
0x81: {  	_ =	shalt  }
0x82: {  	_ =	shalt  }
0x83: {  	_ =	shalt  }
0x84: {  	_ =	shalt  }
0x85: {  	_ =	shalt  }
0x86: {  	_ =	shalt  }
0x87: {  	_ =	shalt  }
.Lfunc_end0:
.L_simem_size_0:
called_computation_lowered:
.L_overlay_start_0:
0x88: {  	s2 =	sld [smem:$0x3FD9]  }
0x89: {  	s3 =	sld [smem:$0x3FFE];
	_ =	sdelay $0x1  }
0x8a: {  	s1 =	srdreg.scid  }
0x8b: {  	s0 =	sand.u32 $0x1, s1  }
0x8c: {  	s16 =	sshll.u32 s0, $0xA;
	s2 =	sadd.s32 s3, s2  }
0x8d: {  	s2 =	sadd.s32 s2, s16  }
0x8e: {  	[smem:$0x3FC4] =	sst s2  }
0x8f: {  	_ = 	snop  }
0x90: {  	(tm) =	ssettm $0x1  }
0x91: {  	s17 =	sld [smem:$0x3FFB];
	_ =	sdelay $0x3  }
0x92: {  	_ =	strace s17  }
0x93: {  	s2 =	sld [smem:$0x3FFC];
	_ =	sdelay $0x3  }
0x94: {  	_ =	strace s2  }
0x95: {  	s2 =	sld [smem:$0x3FFD];
	_ =	sdelay $0x3  }
0x96: {  	_ =	strace s2  }
0x97: {  	_ =	strace $0x8FFFFFFF  }
0x98: {  	s18 =	sld [smem:$0x3FDB];
	_ =	sdelay $0x1  }
0x99: {  	s19 =	simm.s32 $_scs_section_size  }
0x9a: {  	s4 =	simm.s32 $_size__tile_overlayer_lowered;
	s5 =	simm.s32 $_tile_overlayer_lowered  }
0x9b: {  	s22 =	simm.s32 $0x1BFF;
	s21 =	sshll.u32 s5, $0x1;
	s2 =	sadd.s32 s19, s18  }
0x9c: {  	s6 =	simm.s32 $0x0;
	s20 =	sshll.u32 s4, $0x1;
	s4 =	sadd.s32 s21, s2  }
0x9d: {  	[timem:s6], [sflag:s22] =	dma.local [hbm:s4], s20  }
0x9e: {  	_ =	swait.ge [sflag:s22], s20  }
0x9f: {  	s3 =	ssub.s32 $0x0, s20;
	[sflag:s22] =	ssyncset.done $0x0  }
0xa0: {  	[sflag:s22] =	ssyncadd.s32 s3;
	_ =	sdelay $0x1  }
0xa1: {  	s23 =	simm.s32 $0x1B8B  }
0xa2: {  	_ =	swait.ge [sflag:s23], $0x1  }
0xa3: {  	[sflag:s23] =	ssyncset.done $0x0  }
0xa4: {  	s25 =	simm.s32 $0x1B8E;
	s24 =	sld [smem:$0x3FFE];
	[sflag:s23] =	ssyncadd.s32 $0xFFFFFFFF  }
0xa5: {  	s26 =	simm.s32 $execute0_lowered;
	[smem:$0x3FD2] =	sst s25  }
0xa6: {  	s4 =	sshll.u32 s26, $0x1;
	_ =	strace $0x80000046;
	[dreg:$0x1] =	wrdreg $0xFFFFFFFF  }
0xa7: {  	s28 =	simm.s32 $_size_execute0_lowered;
	s2 =	sadd.s32 s2, s4;
	[dreg:$0x0] =	wrdreg $0x0  }
0xa8: {  	s4 =	sshll.u32 s28, $0x1;
	[dreg:$0x2] =	wrdreg s2  }
0xa9: {  	[dreg:$0x3] =	wrdreg s4  }
0xaa: {  	[dreg:$0x4] =	wrdreg $0xC0  }
0xab: {  	_ =	task [dreg:s6], $0x5FFFF  }
0xac: {  	[dreg:$0x1] =	wrdreg $0xFFFFFFFF  }
0xad: {  	[dreg:$0x0] =	wrdreg $0x60  }
0xae: {  	[dreg:$0x2] =	wrdreg s24  }
0xaf: {  	[dreg:$0x3] =	wrdreg $0xB1000  }
0xb0: {  	[dreg:$0x4] =	wrdreg $0x9  }
0xb1: {  	_ =	task.clear_ibuf [dreg:s6], $0x5FFFF;
	_ =	strace $0x90000046  }
0xb2: {  	s29 =	simm.s32 $0x9;
	_ =	strace $0x80000048  }
0xb3: {  	_ =	swait.ge [sflag:s29], $0x1  }
0xb4: {  	[sflag:s29] =	ssyncadd.s32 $0xFFFFFFFF  }
0xb5: {  	_ =	strace $0x90000048  }
0xb6: {  	_ =	sfence  }
0xb7: {  	s30 =	sld [smem:$0x0];
	_ =	sdelay $0x2  }
0xb8: {  	s31 =	sshll.u32 s1, $0xD;
	s1 =	sshrl.u32 s1, $0x2  }
0xb9: {  	s3 =	sand.u32 $0x4000, s31;
	s1 =	sadd.s32 s1, s30  }
0xba: {  	s0 =	sor.u32 s3, s0;
	s1 =	sshll.u32 s1, $0x11  }
0xbb: {  	s0 =	sor.u32 s1, s0  }
0xbc: {  	s0 =	sadd.s32 $0x8F2B, s0  }
0xbd: {  	[sflag:s0] =	ssyncadd.remote.s32 $0x1  }
0xbe: {  	_ =	sfence.sel $0xFFFF  }
0xbf: {  	[dreg:$0x0] =	wrdreg $0xFFFFFFFF;
	(pc) =	sbr.abs _section_cstart, $3  }
0xc0: {  	[dreg:$0x1] =	wrdreg $0xFFFFFFFF  }
0xc1: {  	_ =	task.clear_ibuf [dreg:s6], $0x2FFFF;
	_ =	strace $0x9FFFFFFF  }
0xc2: {  	(tm) =	ssettm $0x7FFFFFFF  }
0xc3: {  	_ =	shalt  }
tec
execute0_lowered:
.L_overlay_start_1:
0x0: {  	(tag) =	ssettag $0x1  }
0x1: {  	s0 =	rddreg [dreg:$0x0]  }
0x2: {  	s2 =	rddreg [dreg:$0x1]  }
0x3: {  	s1 =	srdreg.scid;
	s12 =	stileid.u32;
	s3 =	simm.s32 $0x0  }
0x4: {  	s28 =	simm.s32 $0x200;
	s29 =	simm.s32 $0x70;
	s30 =	simm.s32 $0x600  }
0x5: {  	s31 =	simm.s32 $0x900;
	s1 =	sand.u32 $0x1, s1;
	s8 =	smul.u32 $0x4E000, s12  }
0x6: {  	s4 =	sshll.u32 s12, $0x1;
	[smem:$0x7FF] =	sst s3;
	s19 =	smul.u32 $0x2700, s12  }
0x7: {  	s6 =	sadd.s32 $0x187400, s0;
	s25 =	smul.u32 $0x16800, s12;
	s14 =	sadd.s32 $0x138000, s2  }
0x8: {  	p0 =	sne.s32 s12, $0xF;
	s12 =	simm.s32 $0x700;
	s4 =	sor.u32 s1, s4  }
0x9: {  	_ =	strace $0x80000047;
	s7 =	ssub.s32 $0x2, s1;
	s23 =	smul.u32 $0x27100, s1  }
0xa: {  	[dreg:$0xd] =	wrdreg s14;
	s14 =	simm.s32 $0x800;
	s5 =	smul.u32 $0xB400, s4  }
0xb: {  	s4 =	sadd.s32 $0xA00, s0;
	s0 =	sadd.s32 $0x1B4400, s0;
	s17 =	sshrl.u32 s8, $0x2  }
0xc: {  	s9 =	sshrl.u32 s7, $0x1;
	s8 =	smul.u32 $0xB400, s1;
	s20 =	sadd.s32 s17, s2  }
0xd: {  	s1 =	smul.u32 $0x138800, s1;
	s22 =	sadd.s32 $0x3800, s20;
	[dreg:$0x12] =	wrdreg s20  }
0xe: {  	s5 =	sshrl.u32 s5, $0x3;
	s10 =	sadd.s32 $0x7000, s20;
	[dreg:$0x8] =	wrdreg s22  }
0xf: {  	s24 =	sadd.s32 $0xA800, s20;
	s11 =	sadd.s32 $0xE000, s20;
	[dreg:$0x9] =	wrdreg s10  }
0x10: {  	s26 =	sadd.s32 $0x11800, s20;
	s1 =	sshrl.u32 s1, $0x3;
	[dreg:$0xa] =	wrdreg s24  }
0x11: {  	s13 =	sadd.s32 s6, s5;
	s5 =	ssub.s32 s7, s9;
	[dreg:$0xb] =	wrdreg s11  }
0x12: {  	[dreg:$0xc] =	wrdreg s26;
	s10 =	sadd.s32 s8, s25;
	s7 =	sadd.s32 s19, s23  }
0x13: {  	s9 =	simm.s32 $0x4;
	s16 =	sadd.s32 $0x40, s13;
	[dreg:$0x4] =	wrdreg s13  }
0x14: {  	s11 =	simm.s32 $0x3;
	s18 =	sadd.s32 $0x80, s13;
	[dreg:$0x5] =	wrdreg s16  }
0x15: {  	s21 =	sadd.s32 $0xC0, s13;
	s15 =	sadd.s32 $0x100, s13;
	[dreg:$0x6] =	wrdreg s18  }
0x16: {  	s17 =	sadd.s32 $0x180, s13;
	s7 =	sadd.s32 s0, s7;
	[dreg:$0x7] =	wrdreg s21  }
0x17: {  	s0 =	sadd.s32 s0, s1;
	s20 =	sadd.s32 $0x1000, s10;
	[dreg:$0xe] =	wrdreg s15  }
0x18: {  	s24 =	sadd.s32 $0x1600, s13;
	s25 =	sadd.s32 $0x1640, s13;
	[dreg:$0x10] =	wrdreg s17  }
0x19: {  	s26 =	smax.u32 s5, $0x1;
	s16 =	sadd.s32 $0x140, s13;
	[dreg:$0x11] =	wrdreg s7  }
0x1a: {  	s18 =	sadd.s32 $0x1200, s10;
	s21 =	sadd.s32 $0xE00, s10;
	[dreg:$0x13] =	wrdreg s24  }
0x1b: {  	s22 =	sshrl.u32 s20, $0x3;
	[dreg:$0x14] =	wrdreg s25;
	s0 =	sadd.s32 $0x27000, s0  }
0x1c: {  	[dreg:$0x16] =	wrdreg s26;
	s26 =	simm.s32 $0xA;
	s7 =	simm.s32 $0x7900  }
0x1d: {  	s10 =	simm.s32 $0x780;
	s13 =	simm.s32 $0x5;
	s17 =	simm.s32 $0x7  }
0x1e: {  	s20 =	simm.s32 $0x2;
	s24 =	simm.s32 $0x9;
	s25 =	simm.s32 $0x0  }
0x1f: {  	[dreg:$0xf] =	wrdreg s16;
	s19 =	sshrl.u32 s18, $0x3;
	s23 =	sshrl.u32 s21, $0x3  }
0x20: {  	s21 =	sadd.s32 s22, s6;
	[dreg:$0x15] =	wrdreg s0;
	s0 =	simm.s32 $0x680  }
0x21: {  	s16 =	simm.s32 $0x1;
	s18 =	simm.s32 $0x6;
	s1 =	sadd.s32 s19, s6  }
0x22: {  	s22 =	sadd.s32 s23, s6;
	s6 =	simm.s32 $0x400;
	s19 =	simm.s32 $0x880  }
0x23: {  	v0 =	vimm.f32 $0.0e+00;
	s23 =	simm.s32 $0x8;
	[dreg:$0x3] =	wrdreg s1;
	s1 =	simm.s32 $0x4100  }
.LBB2_1:
0x24: {  	s5 =	rddreg [dreg:$0x4]  }
0x25: {  	[tilespmem:s3], [sflag:$0xA] =	stream.linear.gather [hbm4b:s5+s3], $0x180, $0x38;
	[tilespmem:$0x1E9C0] =	vst v63  }
0x26: {  	_ =	swait.ge [sflag:s26], $0x180  }
0x27: {  	[sflag:s26] =	ssyncset.done $0x0  }
0x28: {  	s15 =	rddreg [dreg:$0x5];
	[sflag:s26] =	ssyncadd.s32 $0xFFFFFE80  }
0x29: {  	[tilespmem:s28], [sflag:$0xA] =	stream.linear.gather [hbm4b:s15+s3], $0x180, $0x38;
	[tilespmem:$0x1E9C0] =	vst v63  }
0x2a: {  	_ =	swait.ge [sflag:s26], $0x180  }
0x2b: {  	[sflag:s26] =	ssyncset.done $0x0  }
0x2c: {  	[sflag:s26] =	ssyncadd.s32 $0xFFFFFE80  }
0x2d: {  	v1 =	vld [tilespmem:$0x80]  }
0x2e: {  	v2 =	vld [tilespmem:$0x0]  }
0x2f: {  	v3 =	vld [tilespmem:$0x100]  }
0x30: {  	v4 =	vld [tilespmem:$0x90]  }
0x31: {  	v5 =	vld [tilespmem:$0x10]  }
0x32: {  	v6 =	vld [tilespmem:$0x110]  }
0x33: {  	v7 =	vld [tilespmem:$0xA0]  }
0x34: {  	v8 =	vld [tilespmem:$0x20]  }
0x35: {  	v9 =	vld [tilespmem:$0x120]  }
0x36: {  	v10 =	vld [tilespmem:$0xB0]  }
0x37: {  	v11 =	vld [tilespmem:$0x30]  }
0x38: {  	v12 =	vld [tilespmem:$0x130]  }
0x39: {  	v13 =	vld [tilespmem:$0xC0]  }
0x3a: {  	v14 =	vld [tilespmem:$0x40]  }
0x3b: {  	v15 =	vld [tilespmem:$0x140]  }
0x3c: {  	v16 =	vld [tilespmem:$0xD0]  }
0x3d: {  	v17 =	vld [tilespmem:$0x50]  }
0x3e: {  	v18 =	vld [tilespmem:$0x150]  }
0x3f: {  	v19 =	vld [tilespmem:$0xE0]  }
0x40: {  	v42 =	vld [tilespmem:$0x60]  }
0x41: {  	v43 =	vld [tilespmem:$0x280];
	[tilespmem:$0x780] =	vst v3  }
0x42: {  	v45 =	vld [tilespmem:$0x300];
	[tilespmem:$0x790] =	vst v6  }
0x43: {  	v47 =	vld [tilespmem:$0x210];
	[tilespmem:$0x7A0] =	vst v9  }
0x44: {  	v48 =	vld [tilespmem:$0x310];
	[tilespmem:$0x7B0] =	vst v12  }
0x45: {  	v53 =	vld [tilespmem:$0x320];
	v1 =	vmul.u32 $0x2710, v1;
	[tilespmem:$0x7C0] =	vst v15  }
0x46: {  	v56 =	vld [tilespmem:$0x330];
	v3 =	vmul.u32 $0x2710, v7;
	[tilespmem:$0x7D0] =	vst v18  }
0x47: {  	v58 =	vld [tilespmem:$0x340];
	[tilespmem:$0x800] =	vst v45;
	v1 =	vadd.s32 v2, v1;
	v2 =	vmul.u32 $0x2710, v4  }
0x48: {  	v3 =	vadd.s32 v8, v3;
	[tilespmem:$0x600] =	vst v1;
	v1 =	vld [tilespmem:$0x160]  }
0x49: {  	[tilespmem:$0x620] =	vst v3;
	v3 =	vld [tilespmem:$0x290];
	v2 =	vadd.s32 v5, v2  }
0x4a: {  	[tilespmem:$0x610] =	vst v2;
	v2 =	vld [tilespmem:$0x200]  }
0x4b: {  	v62 =	vld [tilespmem:$0x350];
	[tilespmem:$0x810] =	vst v48  }
0x4c: {  	v50 =	vld [tilespmem:$0x2A0];
	[tilespmem:$0x820] =	vst v53  }
0x4d: {  	v51 =	vld [tilespmem:$0x220];
	[tilespmem:$0x830] =	vst v56;
	v5 =	vmul.u32 $0x2710, v43  }
0x4e: {  	v54 =	vld [tilespmem:$0x2B0];
	[tilespmem:$0x840] =	vst v58  }
0x4f: {  	[tilespmem:$0x7E0] =	vst v1;
	v1 =	vadd.s32 v2, v5;
	v2 =	vmul.u32 $0x2710, v3;
	v3 =	vld [tilespmem:$0x2C0]  }
0x50: {  	v55 =	vld [tilespmem:$0x230];
	v44 =	vmul.u32 $0x2710, v10;
	[tilespmem:$0x850] =	vst v62  }
0x51: {  	v46 =	vmul.u32 $0x2710, v13;
	[tilespmem:$0x680] =	vst v1;
	v1 =	vld [tilespmem:$0x240];
	v2 =	vadd.s32 v47, v2  }
0x52: {  	v49 =	vmul.u32 $0x2710, v16;
	v6 =	vadd.s32 v11, v44;
	[tilespmem:$0x690] =	vst v2;
	v2 =	vld [tilespmem:$0x2D0]  }
0x53: {  	v61 =	vld [tilespmem:$0x2E0];
	v52 =	vmul.u32 $0x2710, v19;
	v8 =	vadd.s32 v14, v46;
	[tilespmem:$0x630] =	vst v6  }
0x54: {  	v60 =	vld [tilespmem:$0x250];
	v10 =	vadd.s32 v17, v49;
	[tilespmem:$0x640] =	vst v8;
	v3 =	vmul.u32 $0x2710, v3  }
0x55: {  	v63 =	vld [tilespmem:$0x260];
	v59 =	vmul.u32 $0x2710, v54;
	v4 =	vadd.s32 v42, v52;
	[tilespmem:$0x650] =	vst v10  }
0x56: {  	v57 =	vmul.u32 $0x2710, v50;
	[tilespmem:$0x660] =	vst v4;
	v1 =	vadd.s32 v1, v3  }
0x57: {  	v6 =	vadd.s32 v55, v59;
	v2 =	vmul.u32 $0x2710, v2;
	[tilespmem:$0x6C0] =	vst v1;
	v1 =	vld [tilespmem:$0x360]  }
0x58: {  	[tilespmem:$0x6B0] =	vst v6;
	v5 =	vadd.s32 v51, v57;
	v3 =	vmul.u32 $0x2710, v61  }
0x59: {  	[tilespmem:$0x6A0] =	vst v5;
	v2 =	vadd.s32 v60, v2  }
0x5a: {  	[tilespmem:$0x6D0] =	vst v2;
	v2 =	vadd.s32 v63, v3  }
0x5b: {  	[tilespmem:$0x6E0] =	vst v2  }
0x5c: {  	[tilespmem:$0x860] =	vst v1  }
0x5d: {  	[tilespmem:s31], [sflag:$0x4] =	stream.indirect.gather [hbm4b:s4+s29], $0x80, s30, s29, $0xb8;
	[tilespmem:$0x1E9C0] =	vst v63  }
0x5e: {  	_ = 	snop  }
0x5f: {  	[tilespmem:s1], [sflag:$0x5] =	stream.indirect.gather [hbm4b:s4+s29], $0x80, s0, s29, $0xb8;
	[tilespmem:$0x1E9C0] =	vst v63  }
0x60: {  	s8 =	rddreg [dreg:$0x6]  }
0x61: {  	[tilespmem:s6], [sflag:$0x3] =	stream.linear.gather [hbm4b:s8+s3], $0x180, $0x38;
	[tilespmem:$0x1E9C0] =	vst v63  }
0x62: {  	s15 =	rddreg [dreg:$0x7]  }
0x63: {  	[tilespmem:s3], [sflag:$0x1] =	stream.linear.gather [hbm4b:s15+s3], $0x180, $0x38;
	[tilespmem:$0x1E9C0] =	vst v63  }
0x64: {  	s5 =	simm.s32 $0x0;
	s15 =	simm.s32 $0x200  }
.LBB2_2:
0x65: {  	p1 =	sne.s32 s15, $0xDE00;
	[tilespmem:s5+$0x7970] =	vst v0  }
0x66: {  	[tilespmem:s5+$0x7900] =	vst v0  }
0x67: {  	[tilespmem:s5+$0x7910] =	vst v0  }
.Ltmp0:
0x68: {  	[tilespmem:s5+$0x7920] =	vst v0;
	(pc) =	sbr.rel @p1 .LBB2_2-.Ltmp0, $4  }
0x69: {  	[tilespmem:s5+$0x7930] =	vst v0  }
0x6a: {  	[tilespmem:s5+$0x7940] =	vst v0  }
0x6b: {  	[tilespmem:s5+$0x7950] =	vst v0  }
0x6c: {  	[tilespmem:s5+$0x7960] =	vst v0;
	s5 =	sshra.s32 s15, $0x2;
	s15 =	sadd.s32 $0x200, s15  }
0x6d: {  	[tilespmem:s5+$0x7970] =	vst v0  }
0x6e: {  	[tilespmem:s5+$0x7900] =	vst v0  }
0x6f: {  	[tilespmem:s5+$0x7910] =	vst v0  }
0x70: {  	[tilespmem:s5+$0x7920] =	vst v0  }
0x71: {  	[tilespmem:s5+$0x7930] =	vst v0  }
0x72: {  	[tilespmem:s5+$0x7940] =	vst v0  }
0x73: {  	[tilespmem:s5+$0x7950] =	vst v0  }
0x74: {  	[tilespmem:s5+$0x7960] =	vst v0;
	s8 =	rddreg [dreg:$0x12]  }
0x75: {  	[spmem:s8] =	stream.linear.scatter [tilespmem:s7], [sflag:$0xA], $0x3800, $0x38;
	[tilespmem:$0x1E9C0] =	vst v63  }
0x76: {  	_ =	swait.ge [sflag:s26], $0x3800  }
0x77: {  	[sflag:s26] =	ssyncset.done $0x0  }
0x78: {  	s15 =	rddreg [dreg:$0x8];
	[sflag:s26] =	ssyncadd.s32 $0xFFFFC800  }
0x79: {  	[spmem:s15] =	stream.linear.scatter [tilespmem:s7], [sflag:$0xA], $0x3800, $0x38;
	[tilespmem:$0x1E9C0] =	vst v63  }
0x7a: {  	_ =	swait.ge [sflag:s26], $0x3800  }
0x7b: {  	[sflag:s26] =	ssyncset.done $0x0  }
0x7c: {  	s8 =	rddreg [dreg:$0x9];
	[sflag:s26] =	ssyncadd.s32 $0xFFFFC800  }
0x7d: {  	[spmem:s8] =	stream.linear.scatter [tilespmem:s7], [sflag:$0xA], $0x3800, $0x38;
	[tilespmem:$0x1E9C0] =	vst v63  }
0x7e: {  	_ =	swait.ge [sflag:s26], $0x3800  }
0x7f: {  	[sflag:s26] =	ssyncset.done $0x0  }
0x80: {  	s15 =	rddreg [dreg:$0xa];
	[sflag:s26] =	ssyncadd.s32 $0xFFFFC800  }
0x81: {  	[spmem:s15] =	stream.linear.scatter [tilespmem:s7], [sflag:$0xA], $0x3800, $0x38;
	[tilespmem:$0x1E9C0] =	vst v63  }
0x82: {  	_ =	swait.ge [sflag:s26], $0x3800  }
0x83: {  	[sflag:s26] =	ssyncset.done $0x0  }
0x84: {  	s8 =	rddreg [dreg:$0xb];
	[sflag:s26] =	ssyncadd.s32 $0xFFFFC800  }
0x85: {  	[spmem:s8] =	stream.linear.scatter [tilespmem:s7], [sflag:$0xA], $0x3800, $0x38;
	[tilespmem:$0x1E9C0] =	vst v63  }
0x86: {  	_ =	swait.ge [sflag:s26], $0x3800  }
0x87: {  	[sflag:s26] =	ssyncset.done $0x0  }
0x88: {  	s15 =	rddreg [dreg:$0xc];
	[sflag:s26] =	ssyncadd.s32 $0xFFFFC800  }
0x89: {  	[spmem:s15] =	stream.linear.scatter [tilespmem:s7], [sflag:$0xA], $0x2000, $0x38;
	[tilespmem:$0x1E9C0] =	vst v63  }
0x8a: {  	_ =	swait.ge [sflag:s26], $0x2000  }
0x8b: {  	[sflag:s26] =	ssyncset.done $0x0  }
0x8c: {  	s5 =	simm.s32 @!p0 $0x7900;
	s15 =	rddreg [dreg:$0xd];
	[sflag:s26] =	ssyncadd.s32 $0xFFFFE000  }
0x8d: {  	[spmem:s15] =	stream.linear.scatter @!p0 [tilespmem:s5], [sflag:$0xA], $0x800, $0x38;
	[tilespmem:$0x1E9C0] =	vst v63  }
0x8e: {  	s5 =	simm.s32 @!p0 $0xA  }
0x8f: {  	_ =	swait.ge @!p0 [sflag:s5], $0x800  }
0x90: {  	[sflag:s5] =	ssyncset.done @!p0 $0x0  }
0x91: {  	[sflag:s5] =	ssyncadd.s32 @!p0 $0xFFFFF800  }
0x92: {  	[bflag:$0x0] =	sbarrier.arrive $0xFFFF  }
0x93: {  	_ =	swait.ge [sflag:s9], $0x3800  }
0x94: {  	[sflag:s9] =	ssyncset.done $0x0  }
0x95: {  	[sflag:s9] =	ssyncadd.s32 $0xFFFFC800  }
0x96: {  	[spmem:s2] =	stream.indirect.scatter.add.f32 [tilespmem:s31], [sflag:$0x7], $0x80, s10, s29, $0xb8;
	[tilespmem:$0x1E9C0] =	vst v63  }
0x97: {  	_ =	swait.ge [sflag:s11], $0x180  }
0x98: {  	[sflag:s11] =	ssyncset.done $0x0  }
0x99: {  	[sflag:s11] =	ssyncadd.s32 $0xFFFFFE80  }
0x9a: {  	v1 =	vld [tilespmem:$0x480]  }
0x9b: {  	v2 =	vld [tilespmem:$0x400]  }
0x9c: {  	v3 =	vld [tilespmem:$0x500]  }
0x9d: {  	v4 =	vld [tilespmem:$0x490]  }
0x9e: {  	v5 =	vld [tilespmem:$0x410]  }
0x9f: {  	v6 =	vld [tilespmem:$0x510]  }
0xa0: {  	v7 =	vld [tilespmem:$0x4A0]  }
0xa1: {  	v8 =	vld [tilespmem:$0x420]  }
0xa2: {  	v9 =	vld [tilespmem:$0x520]  }
0xa3: {  	v10 =	vld [tilespmem:$0x4B0]  }
0xa4: {  	v11 =	vld [tilespmem:$0x430]  }
0xa5: {  	v12 =	vld [tilespmem:$0x530];
	v1 =	vmul.u32 $0x2710, v1  }
0xa6: {  	v28 =	vld [tilespmem:$0x4C0]  }
0xa7: {  	v29 =	vld [tilespmem:$0x540];
	[tilespmem:$0x880] =	vst v3;
	v1 =	vadd.s32 v2, v1;
	v2 =	vmul.u32 $0x2710, v4  }
0xa8: {  	v32 =	vld [tilespmem:$0x550];
	v3 =	vmul.u32 $0x2710, v7;
	[tilespmem:$0x890] =	vst v6  }
0xa9: {  	[tilespmem:$0x700] =	vst v1;
	v1 =	vld [tilespmem:$0x440];
	v2 =	vadd.s32 v5, v2  }
0xaa: {  	v3 =	vadd.s32 v8, v3;
	[tilespmem:$0x710] =	vst v2;
	v2 =	vld [tilespmem:$0x4D0]  }
0xab: {  	[tilespmem:$0x720] =	vst v3;
	v3 =	vld [tilespmem:$0x4E0]  }
0xac: {  	v31 =	vld [tilespmem:$0x450];
	[tilespmem:$0x8A0] =	vst v9;
	v4 =	vmul.u32 $0x2710, v28  }
0xad: {  	v33 =	vld [tilespmem:$0x460];
	[tilespmem:$0x8B0] =	vst v12  }
0xae: {  	v30 =	vmul.u32 $0x2710, v10;
	[tilespmem:$0x8C0] =	vst v29;
	v1 =	vadd.s32 v1, v4  }
0xaf: {  	[tilespmem:$0x740] =	vst v1;
	v1 =	vld [tilespmem:$0x560];
	v2 =	vmul.u32 $0x2710, v2  }
0xb0: {  	[tilespmem:$0x8D0] =	vst v32;
	v6 =	vadd.s32 v11, v30;
	v3 =	vmul.u32 $0x2710, v3  }
0xb1: {  	[tilespmem:$0x730] =	vst v6;
	v2 =	vadd.s32 v31, v2  }
0xb2: {  	[tilespmem:$0x750] =	vst v2;
	v2 =	vadd.s32 v33, v3  }
0xb3: {  	[tilespmem:$0x760] =	vst v2  }
0xb4: {  	[tilespmem:$0x8E0] =	vst v1  }
0xb5: {  	[tilespmem:s7], [sflag:$0x6] =	stream.indirect.gather [hbm4b:s4+s29], $0x80, s12, s29, $0xb8;
	[tilespmem:$0x1E9C0] =	vst v63  }
0xb6: {  	s5 =	simm.s32 $0x0;
	s8 =	rddreg [dreg:$0xe]  }
0xb7: {  	[tilespmem:s28], [sflag:$0x2] =	stream.linear.gather [hbm4b:s8+s5], $0x180, $0x38;
	[tilespmem:$0x1E9C0] =	vst v63  }
0xb8: {  	_ =	swait.ge [sflag:s13], $0x3800  }
0xb9: {  	[sflag:s13] =	ssyncset.done $0x0  }
0xba: {  	[sflag:s13] =	ssyncadd.s32 $0xFFFFC800  }
0xbb: {  	[spmem:s2] =	stream.indirect.scatter.add.f32 [tilespmem:s1], [sflag:$0x8], $0x80, s14, s29, $0xb8;
	[tilespmem:$0x1E9C0] =	vst v63  }
0xbc: {  	_ =	swait.ge [sflag:s16], $0x180  }
0xbd: {  	[sflag:s16] =	ssyncset.done $0x0  }
0xbe: {  	[sflag:s16] =	ssyncadd.s32 $0xFFFFFE80  }
0xbf: {  	_ =	swait.ge [sflag:s17], $0x3800  }
0xc0: {  	[sflag:s17] =	ssyncset.done $0x0  }
0xc1: {  	[sflag:s17] =	ssyncadd.s32 $0xFFFFC800  }
0xc2: {  	v1 =	vld [tilespmem:$0x80]  }
0xc3: {  	v2 =	vld [tilespmem:$0x0]  }
0xc4: {  	v3 =	vld [tilespmem:$0x100]  }
0xc5: {  	v34 =	vld [tilespmem:$0x90]  }
0xc6: {  	v35 =	vld [tilespmem:$0x10]  }
0xc7: {  	v36 =	vld [tilespmem:$0x110]  }
0xc8: {  	v37 =	vld [tilespmem:$0xA0]  }
0xc9: {  	v38 =	vld [tilespmem:$0x20]  }
0xca: {  	v39 =	vld [tilespmem:$0x120]  }
0xcb: {  	v40 =	vld [tilespmem:$0xB0]  }
0xcc: {  	v41 =	vld [tilespmem:$0x30]  }
0xcd: {  	v42 =	vld [tilespmem:$0x130];
	v1 =	vmul.u32 $0x2710, v1  }
0xce: {  	v43 =	vld [tilespmem:$0xC0]  }
0xcf: {  	v44 =	vld [tilespmem:$0x140];
	[tilespmem:$0x780] =	vst v3;
	v1 =	vadd.s32 v2, v1;
	v2 =	vmul.u32 $0x2710, v34  }
0xd0: {  	v47 =	vld [tilespmem:$0x150];
	v3 =	vmul.u32 $0x2710, v37;
	[tilespmem:$0x790] =	vst v36  }
0xd1: {  	[tilespmem:$0x600] =	vst v1;
	v1 =	vld [tilespmem:$0x40];
	v2 =	vadd.s32 v35, v2  }
0xd2: {  	v3 =	vadd.s32 v38, v3;
	[tilespmem:$0x610] =	vst v2;
	v2 =	vld [tilespmem:$0xD0]  }
0xd3: {  	[tilespmem:$0x620] =	vst v3;
	v3 =	vld [tilespmem:$0xE0]  }
0xd4: {  	v46 =	vld [tilespmem:$0x50];
	[tilespmem:$0x7A0] =	vst v39;
	v4 =	vmul.u32 $0x2710, v43  }
0xd5: {  	v48 =	vld [tilespmem:$0x60];
	[tilespmem:$0x7B0] =	vst v42  }
0xd6: {  	v45 =	vmul.u32 $0x2710, v40;
	[tilespmem:$0x7C0] =	vst v44;
	v1 =	vadd.s32 v1, v4  }
0xd7: {  	[tilespmem:$0x640] =	vst v1;
	v1 =	vld [tilespmem:$0x160];
	v2 =	vmul.u32 $0x2710, v2  }
0xd8: {  	[tilespmem:$0x7D0] =	vst v47;
	v6 =	vadd.s32 v41, v45;
	v3 =	vmul.u32 $0x2710, v3  }
0xd9: {  	[tilespmem:$0x630] =	vst v6;
	v2 =	vadd.s32 v46, v2  }
0xda: {  	[tilespmem:$0x650] =	vst v2;
	v2 =	vadd.s32 v48, v3  }
0xdb: {  	[tilespmem:$0x660] =	vst v2  }
0xdc: {  	[tilespmem:$0x7E0] =	vst v1  }
0xdd: {  	[tilespmem:s31], [sflag:$0x4] =	stream.indirect.gather [hbm4b:s4+s29], $0x80, s30, s29, $0xb8;
	[tilespmem:$0x1E9C0] =	vst v63  }
0xde: {  	s8 =	rddreg [dreg:$0xf]  }
0xdf: {  	[tilespmem:s6], [sflag:$0x3] =	stream.linear.gather [hbm4b:s8+s5], $0x180, $0x38;
	[tilespmem:$0x1E9C0] =	vst v63  }
0xe0: {  	_ =	swait.ge [sflag:s18], $0x3800  }
0xe1: {  	[sflag:s18] =	ssyncset.done $0x0  }
0xe2: {  	[sflag:s18] =	ssyncadd.s32 $0xFFFFC800  }
0xe3: {  	[spmem:s2] =	stream.indirect.scatter.add.f32 [tilespmem:s7], [sflag:$0x9], $0x80, s19, s29, $0xb8;
	[tilespmem:$0x1E9C0] =	vst v63  }
0xe4: {  	_ =	swait.ge [sflag:s20], $0x180  }
0xe5: {  	[sflag:s20] =	ssyncset.done $0x0  }
0xe6: {  	[sflag:s20] =	ssyncadd.s32 $0xFFFFFE80  }
0xe7: {  	_ =	swait.ge [sflag:s23], $0x3800  }
0xe8: {  	[sflag:s23] =	ssyncset.done $0x0  }
0xe9: {  	[sflag:s23] =	ssyncadd.s32 $0xFFFFC800  }
0xea: {  	v1 =	vld [tilespmem:$0x280]  }
0xeb: {  	v2 =	vld [tilespmem:$0x200]  }
0xec: {  	v3 =	vld [tilespmem:$0x300]  }
0xed: {  	v49 =	vld [tilespmem:$0x290]  }
0xee: {  	v50 =	vld [tilespmem:$0x210]  }
0xef: {  	v51 =	vld [tilespmem:$0x310]  }
0xf0: {  	v52 =	vld [tilespmem:$0x2A0]  }
0xf1: {  	v53 =	vld [tilespmem:$0x220]  }
0xf2: {  	v54 =	vld [tilespmem:$0x320]  }
0xf3: {  	v55 =	vld [tilespmem:$0x2B0]  }
0xf4: {  	v56 =	vld [tilespmem:$0x230]  }
0xf5: {  	v57 =	vld [tilespmem:$0x330];
	v1 =	vmul.u32 $0x2710, v1  }
0xf6: {  	v58 =	vld [tilespmem:$0x2C0]  }
0xf7: {  	v59 =	vld [tilespmem:$0x340];
	[tilespmem:$0x800] =	vst v3;
	v1 =	vadd.s32 v2, v1;
	v2 =	vmul.u32 $0x2710, v49  }
0xf8: {  	v62 =	vld [tilespmem:$0x350];
	v3 =	vmul.u32 $0x2710, v52;
	[tilespmem:$0x810] =	vst v51  }
0xf9: {  	[tilespmem:$0x680] =	vst v1;
	v1 =	vld [tilespmem:$0x240];
	v2 =	vadd.s32 v50, v2  }
0xfa: {  	v3 =	vadd.s32 v53, v3;
	[tilespmem:$0x690] =	vst v2;
	v2 =	vld [tilespmem:$0x2D0]  }
0xfb: {  	[tilespmem:$0x6A0] =	vst v3;
	v3 =	vld [tilespmem:$0x2E0]  }
0xfc: {  	v61 =	vld [tilespmem:$0x250];
	[tilespmem:$0x820] =	vst v54;
	v4 =	vmul.u32 $0x2710, v58  }
0xfd: {  	v63 =	vld [tilespmem:$0x260];
	[tilespmem:$0x830] =	vst v57  }
0xfe: {  	v60 =	vmul.u32 $0x2710, v55;
	[tilespmem:$0x840] =	vst v59;
	v1 =	vadd.s32 v1, v4  }
0xff: {  	[tilespmem:$0x6C0] =	vst v1;
	v1 =	vld [tilespmem:$0x360];
	v2 =	vmul.u32 $0x2710, v2  }
0x100: {  	[tilespmem:$0x850] =	vst v62;
	v6 =	vadd.s32 v56, v60;
	v3 =	vmul.u32 $0x2710, v3  }
0x101: {  	[tilespmem:$0x6B0] =	vst v6;
	v2 =	vadd.s32 v61, v2  }
0x102: {  	[tilespmem:$0x6D0] =	vst v2;
	v2 =	vadd.s32 v63, v3  }
0x103: {  	[tilespmem:$0x6E0] =	vst v2  }
0x104: {  	[tilespmem:$0x860] =	vst v1  }
0x105: {  	[tilespmem:s1], [sflag:$0x5] =	stream.indirect.gather [hbm4b:s4+s29], $0x80, s0, s29, $0xb8;
	[tilespmem:$0x1E9C0] =	vst v63  }
0x106: {  	s8 =	rddreg [dreg:$0x10]  }
0x107: {  	[tilespmem:s5], [sflag:$0x1] =	stream.linear.gather [hbm4b:s8+s5], $0x180, $0x38;
	[tilespmem:$0x1E9C0] =	vst v63  }
.LBB2_4:
0x108: {  	_ =	swait.ge [sflag:s9], $0x3800  }
0x109: {  	[sflag:s9] =	ssyncset.done $0x0  }
0x10a: {  	[sflag:s9] =	ssyncadd.s32 $0xFFFFC800  }
0x10b: {  	[spmem:s2] =	stream.indirect.scatter.add.f32 [tilespmem:s31], [sflag:$0x7], $0x80, s10, s29, $0xb8;
	[tilespmem:$0x1E9C0] =	vst v63  }
0x10c: {  	_ =	swait.ge [sflag:s11], $0x180  }
0x10d: {  	[sflag:s11] =	ssyncset.done $0x0  }
0x10e: {  	[sflag:s11] =	ssyncadd.s32 $0xFFFFFE80  }
0x10f: {  	_ =	swait.ge [sflag:s24], $0x3800  }
0x110: {  	[sflag:s24] =	ssyncset.done $0x0  }
0x111: {  	[sflag:s24] =	ssyncadd.s32 $0xFFFFC800  }
0x112: {  	v1 =	vld [tilespmem:$0x480]  }
0x113: {  	v2 =	vld [tilespmem:$0x400]  }
0x114: {  	v3 =	vld [tilespmem:$0x500]  }
0x115: {  	v4 =	vld [tilespmem:$0x490]  }
0x116: {  	v5 =	vld [tilespmem:$0x410]  }
0x117: {  	v6 =	vld [tilespmem:$0x510]  }
0x118: {  	v7 =	vld [tilespmem:$0x4A0]  }
0x119: {  	v8 =	vld [tilespmem:$0x420]  }
0x11a: {  	v9 =	vld [tilespmem:$0x520]  }
0x11b: {  	v10 =	vld [tilespmem:$0x4B0]  }
0x11c: {  	v11 =	vld [tilespmem:$0x430]  }
0x11d: {  	v12 =	vld [tilespmem:$0x530];
	v1 =	vmul.u32 $0x2710, v1  }
0x11e: {  	v28 =	vld [tilespmem:$0x4C0]  }
0x11f: {  	v29 =	vld [tilespmem:$0x540];
	[tilespmem:$0x880] =	vst v3;
	v1 =	vadd.s32 v2, v1;
	v2 =	vmul.u32 $0x2710, v4  }
0x120: {  	v32 =	vld [tilespmem:$0x550];
	v3 =	vmul.u32 $0x2710, v7;
	[tilespmem:$0x890] =	vst v6  }
0x121: {  	[tilespmem:$0x700] =	vst v1;
	v1 =	vld [tilespmem:$0x440];
	v2 =	vadd.s32 v5, v2  }
0x122: {  	v3 =	vadd.s32 v8, v3;
	[tilespmem:$0x710] =	vst v2;
	v2 =	vld [tilespmem:$0x4D0]  }
0x123: {  	[tilespmem:$0x720] =	vst v3;
	v3 =	vld [tilespmem:$0x4E0]  }
0x124: {  	v31 =	vld [tilespmem:$0x450];
	[tilespmem:$0x8A0] =	vst v9;
	v4 =	vmul.u32 $0x2710, v28  }
0x125: {  	v33 =	vld [tilespmem:$0x460];
	[tilespmem:$0x8B0] =	vst v12  }
0x126: {  	v30 =	vmul.u32 $0x2710, v10;
	[tilespmem:$0x8C0] =	vst v29;
	v1 =	vadd.s32 v1, v4  }
0x127: {  	[tilespmem:$0x740] =	vst v1;
	v1 =	vld [tilespmem:$0x560];
	v2 =	vmul.u32 $0x2710, v2  }
0x128: {  	[tilespmem:$0x8D0] =	vst v32;
	v6 =	vadd.s32 v11, v30;
	v3 =	vmul.u32 $0x2710, v3  }
0x129: {  	[tilespmem:$0x730] =	vst v6;
	v2 =	vadd.s32 v31, v2  }
0x12a: {  	[tilespmem:$0x750] =	vst v2;
	v2 =	vadd.s32 v33, v3  }
0x12b: {  	[tilespmem:$0x760] =	vst v2  }
0x12c: {  	[tilespmem:$0x8E0] =	vst v1  }
0x12d: {  	[tilespmem:s7], [sflag:$0x6] =	stream.indirect.gather [hbm4b:s4+s29], $0x80, s12, s29, $0xb8;
	[tilespmem:$0x1E9C0] =	vst v63  }
0x12e: {  	s15 =	sadd.s32 s5, s22  }
0x12f: {  	[tilespmem:s28], [sflag:$0x2] =	stream.linear.gather [hbm4b:s15+s3], $0x180, $0x38;
	[tilespmem:$0x1E9C0] =	vst v63  }
0x130: {  	_ =	swait.ge [sflag:s13], $0x3800  }
0x131: {  	[sflag:s13] =	ssyncset.done $0x0  }
0x132: {  	[sflag:s13] =	ssyncadd.s32 $0xFFFFC800  }
0x133: {  	[spmem:s2] =	stream.indirect.scatter.add.f32 [tilespmem:s1], [sflag:$0x8], $0x80, s14, s29, $0xb8;
	[tilespmem:$0x1E9C0] =	vst v63  }
0x134: {  	_ =	swait.ge [sflag:s16], $0x180  }
0x135: {  	[sflag:s16] =	ssyncset.done $0x0  }
0x136: {  	[sflag:s16] =	ssyncadd.s32 $0xFFFFFE80  }
0x137: {  	_ =	swait.ge [sflag:s17], $0x3800  }
0x138: {  	[sflag:s17] =	ssyncset.done $0x0  }
0x139: {  	[sflag:s17] =	ssyncadd.s32 $0xFFFFC800  }
0x13a: {  	v1 =	vld [tilespmem:$0x80]  }
0x13b: {  	v2 =	vld [tilespmem:$0x0]  }
0x13c: {  	v3 =	vld [tilespmem:$0x100]  }
0x13d: {  	v34 =	vld [tilespmem:$0x90]  }
0x13e: {  	v35 =	vld [tilespmem:$0x10]  }
0x13f: {  	v36 =	vld [tilespmem:$0x110]  }
0x140: {  	v37 =	vld [tilespmem:$0xA0]  }
0x141: {  	v38 =	vld [tilespmem:$0x20]  }
0x142: {  	v39 =	vld [tilespmem:$0x120]  }
0x143: {  	v40 =	vld [tilespmem:$0xB0]  }
0x144: {  	v41 =	vld [tilespmem:$0x30]  }
0x145: {  	v42 =	vld [tilespmem:$0x130];
	v1 =	vmul.u32 $0x2710, v1  }
0x146: {  	v43 =	vld [tilespmem:$0xC0]  }
0x147: {  	v44 =	vld [tilespmem:$0x140];
	[tilespmem:$0x780] =	vst v3;
	v1 =	vadd.s32 v2, v1;
	v2 =	vmul.u32 $0x2710, v34  }
0x148: {  	v47 =	vld [tilespmem:$0x150];
	v3 =	vmul.u32 $0x2710, v37;
	[tilespmem:$0x790] =	vst v36  }
0x149: {  	[tilespmem:$0x600] =	vst v1;
	v1 =	vld [tilespmem:$0x40];
	v2 =	vadd.s32 v35, v2  }
0x14a: {  	v3 =	vadd.s32 v38, v3;
	[tilespmem:$0x610] =	vst v2;
	v2 =	vld [tilespmem:$0xD0]  }
0x14b: {  	[tilespmem:$0x620] =	vst v3;
	v3 =	vld [tilespmem:$0xE0]  }
0x14c: {  	v46 =	vld [tilespmem:$0x50];
	[tilespmem:$0x7A0] =	vst v39;
	v4 =	vmul.u32 $0x2710, v43  }
0x14d: {  	v48 =	vld [tilespmem:$0x60];
	[tilespmem:$0x7B0] =	vst v42  }
0x14e: {  	v45 =	vmul.u32 $0x2710, v40;
	[tilespmem:$0x7C0] =	vst v44;
	v1 =	vadd.s32 v1, v4  }
0x14f: {  	[tilespmem:$0x640] =	vst v1;
	v1 =	vld [tilespmem:$0x160];
	v2 =	vmul.u32 $0x2710, v2  }
0x150: {  	[tilespmem:$0x7D0] =	vst v47;
	v6 =	vadd.s32 v41, v45;
	v3 =	vmul.u32 $0x2710, v3  }
0x151: {  	[tilespmem:$0x630] =	vst v6;
	v2 =	vadd.s32 v46, v2  }
0x152: {  	[tilespmem:$0x650] =	vst v2;
	v2 =	vadd.s32 v48, v3  }
0x153: {  	[tilespmem:$0x660] =	vst v2  }
0x154: {  	[tilespmem:$0x7E0] =	vst v1  }
0x155: {  	[tilespmem:s31], [sflag:$0x4] =	stream.indirect.gather [hbm4b:s4+s29], $0x80, s30, s29, $0xb8;
	[tilespmem:$0x1E9C0] =	vst v63  }
0x156: {  	s8 =	sadd.s32 s5, s21  }
0x157: {  	[tilespmem:s6], [sflag:$0x3] =	stream.linear.gather [hbm4b:s8+s3], $0x180, $0x38;
	[tilespmem:$0x1E9C0] =	vst v63  }
0x158: {  	_ =	swait.ge [sflag:s18], $0x3800  }
0x159: {  	[sflag:s18] =	ssyncset.done $0x0  }
0x15a: {  	[sflag:s18] =	ssyncadd.s32 $0xFFFFC800  }
0x15b: {  	[spmem:s2] =	stream.indirect.scatter.add.f32 [tilespmem:s7], [sflag:$0x9], $0x80, s19, s29, $0xb8;
	[tilespmem:$0x1E9C0] =	vst v63  }
0x15c: {  	_ =	swait.ge [sflag:s20], $0x180  }
0x15d: {  	[sflag:s20] =	ssyncset.done $0x0  }
0x15e: {  	[sflag:s20] =	ssyncadd.s32 $0xFFFFFE80  }
0x15f: {  	_ =	swait.ge [sflag:s23], $0x3800  }
0x160: {  	[sflag:s23] =	ssyncset.done $0x0  }
0x161: {  	[sflag:s23] =	ssyncadd.s32 $0xFFFFC800  }
0x162: {  	v1 =	vld [tilespmem:$0x280]  }
0x163: {  	v2 =	vld [tilespmem:$0x200]  }
0x164: {  	v3 =	vld [tilespmem:$0x300]  }
0x165: {  	v49 =	vld [tilespmem:$0x290]  }
0x166: {  	v50 =	vld [tilespmem:$0x210]  }
0x167: {  	v51 =	vld [tilespmem:$0x310]  }
0x168: {  	v52 =	vld [tilespmem:$0x2A0]  }
0x169: {  	v53 =	vld [tilespmem:$0x220]  }
0x16a: {  	v54 =	vld [tilespmem:$0x320]  }
0x16b: {  	v55 =	vld [tilespmem:$0x2B0]  }
0x16c: {  	v56 =	vld [tilespmem:$0x230]  }
0x16d: {  	v57 =	vld [tilespmem:$0x330];
	v1 =	vmul.u32 $0x2710, v1  }
0x16e: {  	v58 =	vld [tilespmem:$0x2C0]  }
0x16f: {  	v59 =	vld [tilespmem:$0x340];
	[tilespmem:$0x800] =	vst v3;
	v1 =	vadd.s32 v2, v1;
	v2 =	vmul.u32 $0x2710, v49  }
0x170: {  	v62 =	vld [tilespmem:$0x350];
	v3 =	vmul.u32 $0x2710, v52;
	[tilespmem:$0x810] =	vst v51  }
0x171: {  	[tilespmem:$0x680] =	vst v1;
	v1 =	vld [tilespmem:$0x240];
	v2 =	vadd.s32 v50, v2  }
0x172: {  	v3 =	vadd.s32 v53, v3;
	[tilespmem:$0x690] =	vst v2;
	v2 =	vld [tilespmem:$0x2D0]  }
0x173: {  	[tilespmem:$0x6A0] =	vst v3;
	v3 =	vld [tilespmem:$0x2E0]  }
0x174: {  	v61 =	vld [tilespmem:$0x250];
	[tilespmem:$0x820] =	vst v54;
	v4 =	vmul.u32 $0x2710, v58  }
0x175: {  	v63 =	vld [tilespmem:$0x260];
	[tilespmem:$0x830] =	vst v57  }
0x176: {  	v60 =	vmul.u32 $0x2710, v55;
	[tilespmem:$0x840] =	vst v59;
	v1 =	vadd.s32 v1, v4  }
0x177: {  	[tilespmem:$0x6C0] =	vst v1;
	v1 =	vld [tilespmem:$0x360];
	v2 =	vmul.u32 $0x2710, v2  }
0x178: {  	[tilespmem:$0x850] =	vst v62;
	v6 =	vadd.s32 v56, v60;
	v3 =	vmul.u32 $0x2710, v3  }
0x179: {  	[tilespmem:$0x6B0] =	vst v6;
	v2 =	vadd.s32 v61, v2  }
0x17a: {  	p1 =	sne.s32 s5, $0x1380;
	[tilespmem:$0x6D0] =	vst v2;
	v2 =	vadd.s32 v63, v3  }
.Ltmp1:
0x17b: {  	[tilespmem:$0x6E0] =	vst v2;
	(pc) =	sbr.rel @p1 .LBB2_4-.Ltmp1, $4  }
0x17c: {  	s8 =	rddreg [dreg:$0x3];
	[tilespmem:$0x860] =	vst v1  }
0x17d: {  	[tilespmem:s1], [sflag:$0x5] =	stream.indirect.gather [hbm4b:s4+s29], $0x80, s0, s29, $0xb8;
	[tilespmem:$0x1E9C0] =	vst v63  }
0x17e: {  	s15 =	sadd.s32 s5, s8;
	s5 =	sadd.s32 $0xC0, s5  }
0x17f: {  	[tilespmem:s3], [sflag:$0x1] =	stream.linear.gather [hbm4b:s15+s3], $0x180, $0x38;
	[tilespmem:$0x1E9C0] =	vst v63  }
0x180: {  	_ =	swait.ge [sflag:s9], $0x3800  }
0x181: {  	[sflag:s9] =	ssyncset.done $0x0  }
0x182: {  	[sflag:s9] =	ssyncadd.s32 $0xFFFFC800  }
0x183: {  	[spmem:s2] =	stream.indirect.scatter.add.f32 [tilespmem:s31], [sflag:$0x7], $0x80, s10, s29, $0xb8;
	[tilespmem:$0x1E9C0] =	vst v63  }
0x184: {  	_ =	swait.ge [sflag:s11], $0x180  }
0x185: {  	[sflag:s11] =	ssyncset.done $0x0  }
0x186: {  	[sflag:s11] =	ssyncadd.s32 $0xFFFFFE80  }
0x187: {  	_ =	swait.ge [sflag:s24], $0x3800  }
0x188: {  	[sflag:s24] =	ssyncset.done $0x0  }
0x189: {  	[sflag:s24] =	ssyncadd.s32 $0xFFFFC800  }
0x18a: {  	v1 =	vld [tilespmem:$0x480]  }
0x18b: {  	v2 =	vld [tilespmem:$0x400]  }
0x18c: {  	v3 =	vld [tilespmem:$0x500]  }
0x18d: {  	v4 =	vld [tilespmem:$0x490]  }
0x18e: {  	v5 =	vld [tilespmem:$0x410]  }
0x18f: {  	v6 =	vld [tilespmem:$0x510]  }
0x190: {  	v7 =	vld [tilespmem:$0x4A0]  }
0x191: {  	v8 =	vld [tilespmem:$0x420]  }
0x192: {  	v9 =	vld [tilespmem:$0x520]  }
0x193: {  	v10 =	vld [tilespmem:$0x4B0]  }
0x194: {  	v11 =	vld [tilespmem:$0x430]  }
0x195: {  	v12 =	vld [tilespmem:$0x530];
	v1 =	vmul.u32 $0x2710, v1  }
0x196: {  	v13 =	vld [tilespmem:$0x4C0]  }
0x197: {  	v14 =	vld [tilespmem:$0x540];
	[tilespmem:$0x880] =	vst v3;
	v1 =	vadd.s32 v2, v1;
	v2 =	vmul.u32 $0x2710, v4  }
0x198: {  	v17 =	vld [tilespmem:$0x550];
	v3 =	vmul.u32 $0x2710, v7;
	[tilespmem:$0x890] =	vst v6  }
0x199: {  	[tilespmem:$0x700] =	vst v1;
	v1 =	vld [tilespmem:$0x440];
	v2 =	vadd.s32 v5, v2  }
0x19a: {  	v3 =	vadd.s32 v8, v3;
	[tilespmem:$0x710] =	vst v2;
	v2 =	vld [tilespmem:$0x4D0]  }
0x19b: {  	[tilespmem:$0x720] =	vst v3;
	v3 =	vld [tilespmem:$0x4E0]  }
0x19c: {  	v16 =	vld [tilespmem:$0x450];
	[tilespmem:$0x8A0] =	vst v9;
	v4 =	vmul.u32 $0x2710, v13  }
0x19d: {  	v18 =	vld [tilespmem:$0x460];
	[tilespmem:$0x8B0] =	vst v12  }
0x19e: {  	v15 =	vmul.u32 $0x2710, v10;
	[tilespmem:$0x8C0] =	vst v14;
	v1 =	vadd.s32 v1, v4  }
0x19f: {  	[tilespmem:$0x740] =	vst v1;
	v1 =	vld [tilespmem:$0x560];
	v2 =	vmul.u32 $0x2710, v2  }
0x1a0: {  	[tilespmem:$0x8D0] =	vst v17;
	v6 =	vadd.s32 v11, v15;
	v3 =	vmul.u32 $0x2710, v3  }
0x1a1: {  	[tilespmem:$0x730] =	vst v6;
	v2 =	vadd.s32 v16, v2  }
0x1a2: {  	[tilespmem:$0x750] =	vst v2;
	v2 =	vadd.s32 v18, v3  }
0x1a3: {  	[tilespmem:$0x760] =	vst v2  }
0x1a4: {  	[tilespmem:$0x8E0] =	vst v1  }
0x1a5: {  	[tilespmem:s7], [sflag:$0x6] =	stream.indirect.gather [hbm4b:s4+s29], $0x80, s12, s29, $0xb8;
	[tilespmem:$0x1E9C0] =	vst v63  }
0x1a6: {  	s5 =	rddreg [dreg:$0x13]  }
0x1a7: {  	[tilespmem:s28], [sflag:$0x2] =	stream.linear.gather [hbm4b:s5+s3], $0x180, $0x38;
	[tilespmem:$0x1E9C0] =	vst v63  }
0x1a8: {  	_ =	swait.ge [sflag:s13], $0x3800  }
0x1a9: {  	[sflag:s13] =	ssyncset.done $0x0  }
0x1aa: {  	[sflag:s13] =	ssyncadd.s32 $0xFFFFC800  }
0x1ab: {  	[spmem:s2] =	stream.indirect.scatter.add.f32 [tilespmem:s1], [sflag:$0x8], $0x80, s14, s29, $0xb8;
	[tilespmem:$0x1E9C0] =	vst v63  }
0x1ac: {  	_ =	swait.ge [sflag:s16], $0x180  }
0x1ad: {  	[sflag:s16] =	ssyncset.done $0x0  }
0x1ae: {  	[sflag:s16] =	ssyncadd.s32 $0xFFFFFE80  }
0x1af: {  	_ =	swait.ge [sflag:s17], $0x3800  }
0x1b0: {  	[sflag:s17] =	ssyncset.done $0x0  }
0x1b1: {  	[sflag:s17] =	ssyncadd.s32 $0xFFFFC800  }
0x1b2: {  	v1 =	vld [tilespmem:$0x80]  }
0x1b3: {  	v2 =	vld [tilespmem:$0x0]  }
0x1b4: {  	v3 =	vld [tilespmem:$0x100]  }
0x1b5: {  	v19 =	vld [tilespmem:$0x90]  }
0x1b6: {  	v20 =	vld [tilespmem:$0x10]  }
0x1b7: {  	v21 =	vld [tilespmem:$0x110]  }
0x1b8: {  	v22 =	vld [tilespmem:$0xA0]  }
0x1b9: {  	v23 =	vld [tilespmem:$0x20]  }
0x1ba: {  	v24 =	vld [tilespmem:$0x120]  }
0x1bb: {  	v25 =	vld [tilespmem:$0xB0]  }
0x1bc: {  	v26 =	vld [tilespmem:$0x30]  }
0x1bd: {  	v27 =	vld [tilespmem:$0x130];
	v1 =	vmul.u32 $0x2710, v1  }
0x1be: {  	v28 =	vld [tilespmem:$0xC0]  }
0x1bf: {  	v29 =	vld [tilespmem:$0x140];
	[tilespmem:$0x780] =	vst v3;
	v1 =	vadd.s32 v2, v1;
	v2 =	vmul.u32 $0x2710, v19  }
0x1c0: {  	v32 =	vld [tilespmem:$0x150];
	v3 =	vmul.u32 $0x2710, v22;
	[tilespmem:$0x790] =	vst v21  }
0x1c1: {  	[tilespmem:$0x600] =	vst v1;
	v1 =	vld [tilespmem:$0x40];
	v2 =	vadd.s32 v20, v2  }
0x1c2: {  	v3 =	vadd.s32 v23, v3;
	[tilespmem:$0x610] =	vst v2;
	v2 =	vld [tilespmem:$0xD0]  }
0x1c3: {  	[tilespmem:$0x620] =	vst v3;
	v3 =	vld [tilespmem:$0xE0]  }
0x1c4: {  	v31 =	vld [tilespmem:$0x50];
	[tilespmem:$0x7A0] =	vst v24;
	v4 =	vmul.u32 $0x2710, v28  }
0x1c5: {  	v33 =	vld [tilespmem:$0x60];
	[tilespmem:$0x7B0] =	vst v27  }
0x1c6: {  	v30 =	vmul.u32 $0x2710, v25;
	[tilespmem:$0x7C0] =	vst v29;
	v1 =	vadd.s32 v1, v4  }
0x1c7: {  	[tilespmem:$0x640] =	vst v1;
	v1 =	vld [tilespmem:$0x160];
	v2 =	vmul.u32 $0x2710, v2  }
0x1c8: {  	[tilespmem:$0x7D0] =	vst v32;
	v6 =	vadd.s32 v26, v30;
	v3 =	vmul.u32 $0x2710, v3  }
0x1c9: {  	[tilespmem:$0x630] =	vst v6;
	v2 =	vadd.s32 v31, v2  }
0x1ca: {  	[tilespmem:$0x650] =	vst v2;
	v2 =	vadd.s32 v33, v3  }
0x1cb: {  	[tilespmem:$0x660] =	vst v2  }
0x1cc: {  	[tilespmem:$0x7E0] =	vst v1  }
0x1cd: {  	[tilespmem:s31], [sflag:$0x4] =	stream.indirect.gather [hbm4b:s4+s29], $0x80, s30, s29, $0xb8;
	[tilespmem:$0x1E9C0] =	vst v63  }
0x1ce: {  	s15 =	rddreg [dreg:$0x14]  }
0x1cf: {  	[tilespmem:s6], [sflag:$0x3] =	stream.linear.gather [hbm4b:s15+s3], $0x180, $0x38;
	[tilespmem:$0x1E9C0] =	vst v63  }
0x1d0: {  	_ =	swait.ge [sflag:s18], $0x3800  }
0x1d1: {  	[sflag:s18] =	ssyncset.done $0x0  }
0x1d2: {  	[sflag:s18] =	ssyncadd.s32 $0xFFFFC800  }
0x1d3: {  	[spmem:s2] =	stream.indirect.scatter.add.f32 [tilespmem:s7], [sflag:$0x9], $0x80, s19, s29, $0xb8;
	[tilespmem:$0x1E9C0] =	vst v63  }
0x1d4: {  	_ =	swait.ge [sflag:s20], $0x180  }
0x1d5: {  	[sflag:s20] =	ssyncset.done $0x0  }
0x1d6: {  	[sflag:s20] =	ssyncadd.s32 $0xFFFFFE80  }
0x1d7: {  	_ =	swait.ge [sflag:s23], $0x3800  }
0x1d8: {  	[sflag:s23] =	ssyncset.done $0x0  }
0x1d9: {  	[sflag:s23] =	ssyncadd.s32 $0xFFFFC800  }
0x1da: {  	v1 =	vld [tilespmem:$0x280]  }
0x1db: {  	v2 =	vld [tilespmem:$0x200]  }
0x1dc: {  	v3 =	vld [tilespmem:$0x300]  }
0x1dd: {  	v34 =	vld [tilespmem:$0x290]  }
0x1de: {  	v35 =	vld [tilespmem:$0x210]  }
0x1df: {  	v36 =	vld [tilespmem:$0x310]  }
0x1e0: {  	v37 =	vld [tilespmem:$0x2A0]  }
0x1e1: {  	v38 =	vld [tilespmem:$0x220]  }
0x1e2: {  	v39 =	vld [tilespmem:$0x320]  }
0x1e3: {  	v40 =	vld [tilespmem:$0x2B0]  }
0x1e4: {  	v41 =	vld [tilespmem:$0x230]  }
0x1e5: {  	v42 =	vld [tilespmem:$0x330];
	v1 =	vmul.u32 $0x2710, v1  }
0x1e6: {  	v43 =	vld [tilespmem:$0x2C0]  }
0x1e7: {  	v44 =	vld [tilespmem:$0x340];
	[tilespmem:$0x800] =	vst v3;
	v1 =	vadd.s32 v2, v1;
	v2 =	vmul.u32 $0x2710, v34  }
0x1e8: {  	v47 =	vld [tilespmem:$0x350];
	v3 =	vmul.u32 $0x2710, v37;
	[tilespmem:$0x810] =	vst v36  }
0x1e9: {  	[tilespmem:$0x680] =	vst v1;
	v1 =	vld [tilespmem:$0x240];
	v2 =	vadd.s32 v35, v2  }
0x1ea: {  	v3 =	vadd.s32 v38, v3;
	[tilespmem:$0x690] =	vst v2;
	v2 =	vld [tilespmem:$0x2D0]  }
0x1eb: {  	[tilespmem:$0x6A0] =	vst v3;
	v3 =	vld [tilespmem:$0x2E0]  }
0x1ec: {  	v46 =	vld [tilespmem:$0x250];
	[tilespmem:$0x820] =	vst v39;
	v4 =	vmul.u32 $0x2710, v43  }
0x1ed: {  	v48 =	vld [tilespmem:$0x260];
	[tilespmem:$0x830] =	vst v42  }
0x1ee: {  	v45 =	vmul.u32 $0x2710, v40;
	[tilespmem:$0x840] =	vst v44;
	v1 =	vadd.s32 v1, v4  }
0x1ef: {  	[tilespmem:$0x6C0] =	vst v1;
	v1 =	vld [tilespmem:$0x360];
	v2 =	vmul.u32 $0x2710, v2  }
0x1f0: {  	[tilespmem:$0x850] =	vst v47;
	v6 =	vadd.s32 v41, v45;
	v3 =	vmul.u32 $0x2710, v3  }
0x1f1: {  	[tilespmem:$0x6B0] =	vst v6;
	v2 =	vadd.s32 v46, v2  }
0x1f2: {  	[tilespmem:$0x6D0] =	vst v2;
	v2 =	vadd.s32 v48, v3  }
0x1f3: {  	[tilespmem:$0x6E0] =	vst v2  }
0x1f4: {  	[tilespmem:$0x860] =	vst v1  }
0x1f5: {  	[tilespmem:s1], [sflag:$0x5] =	stream.indirect.gather [hbm4b:s4+s29], $0x80, s0, s29, $0xb8;
	[tilespmem:$0x1E9C0] =	vst v63  }
0x1f6: {  	_ =	swait.ge [sflag:s9], $0x3800  }
0x1f7: {  	[sflag:s9] =	ssyncset.done $0x0  }
0x1f8: {  	[sflag:s9] =	ssyncadd.s32 $0xFFFFC800  }
0x1f9: {  	[spmem:s2] =	stream.indirect.scatter.add.f32 [tilespmem:s31], [sflag:$0x7], $0x80, s10, s29, $0xb8;
	[tilespmem:$0x1E9C0] =	vst v63  }
0x1fa: {  	_ =	swait.ge [sflag:s11], $0x180  }
0x1fb: {  	[sflag:s11] =	ssyncset.done $0x0  }
0x1fc: {  	[sflag:s11] =	ssyncadd.s32 $0xFFFFFE80  }
0x1fd: {  	_ =	swait.ge [sflag:s24], $0x3800  }
0x1fe: {  	[sflag:s24] =	ssyncset.done $0x0  }
0x1ff: {  	[sflag:s24] =	ssyncadd.s32 $0xFFFFC800  }
0x200: {  	v1 =	vld [tilespmem:$0x480]  }
0x201: {  	v2 =	vld [tilespmem:$0x400]  }
0x202: {  	v3 =	vld [tilespmem:$0x500]  }
0x203: {  	v49 =	vld [tilespmem:$0x490]  }
0x204: {  	v50 =	vld [tilespmem:$0x410]  }
0x205: {  	v51 =	vld [tilespmem:$0x510]  }
0x206: {  	v52 =	vld [tilespmem:$0x4A0]  }
0x207: {  	v53 =	vld [tilespmem:$0x420]  }
0x208: {  	v54 =	vld [tilespmem:$0x520]  }
0x209: {  	v55 =	vld [tilespmem:$0x4B0]  }
0x20a: {  	v56 =	vld [tilespmem:$0x430]  }
0x20b: {  	v57 =	vld [tilespmem:$0x530];
	v1 =	vmul.u32 $0x2710, v1  }
0x20c: {  	v58 =	vld [tilespmem:$0x4C0]  }
0x20d: {  	v59 =	vld [tilespmem:$0x540];
	[tilespmem:$0x880] =	vst v3;
	v1 =	vadd.s32 v2, v1;
	v2 =	vmul.u32 $0x2710, v49  }
0x20e: {  	v62 =	vld [tilespmem:$0x550];
	v3 =	vmul.u32 $0x2710, v52;
	[tilespmem:$0x890] =	vst v51  }
0x20f: {  	[tilespmem:$0x700] =	vst v1;
	v1 =	vld [tilespmem:$0x440];
	v2 =	vadd.s32 v50, v2  }
0x210: {  	v3 =	vadd.s32 v53, v3;
	[tilespmem:$0x710] =	vst v2;
	v2 =	vld [tilespmem:$0x4D0]  }
0x211: {  	[tilespmem:$0x720] =	vst v3;
	v3 =	vld [tilespmem:$0x4E0]  }
0x212: {  	v61 =	vld [tilespmem:$0x450];
	[tilespmem:$0x8A0] =	vst v54;
	v4 =	vmul.u32 $0x2710, v58  }
0x213: {  	v63 =	vld [tilespmem:$0x460];
	[tilespmem:$0x8B0] =	vst v57  }
0x214: {  	v60 =	vmul.u32 $0x2710, v55;
	[tilespmem:$0x8C0] =	vst v59;
	v1 =	vadd.s32 v1, v4  }
0x215: {  	[tilespmem:$0x740] =	vst v1;
	v1 =	vld [tilespmem:$0x560];
	v2 =	vmul.u32 $0x2710, v2  }
0x216: {  	[tilespmem:$0x8D0] =	vst v62;
	v6 =	vadd.s32 v56, v60;
	v3 =	vmul.u32 $0x2710, v3  }
0x217: {  	[tilespmem:$0x730] =	vst v6;
	v2 =	vadd.s32 v61, v2  }
0x218: {  	[tilespmem:$0x750] =	vst v2;
	v2 =	vadd.s32 v63, v3  }
0x219: {  	[tilespmem:$0x760] =	vst v2  }
0x21a: {  	[tilespmem:$0x8E0] =	vst v1  }
0x21b: {  	[tilespmem:s7], [sflag:$0x6] =	stream.indirect.gather [hbm4b:s4+s29], $0x80, s12, s29, $0xb8;
	[tilespmem:$0x1E9C0] =	vst v63  }
0x21c: {  	_ =	swait.ge [sflag:s13], $0x3800  }
0x21d: {  	[sflag:s13] =	ssyncset.done $0x0  }
0x21e: {  	[sflag:s13] =	ssyncadd.s32 $0xFFFFC800  }
0x21f: {  	[spmem:s2] =	stream.indirect.scatter.add.f32 [tilespmem:s1], [sflag:$0x8], $0x80, s14, s29, $0xb8;
	[tilespmem:$0x1E9C0] =	vst v63  }
0x220: {  	_ =	swait.ge [sflag:s17], $0x3800  }
0x221: {  	[sflag:s17] =	ssyncset.done $0x0  }
0x222: {  	[sflag:s17] =	ssyncadd.s32 $0xFFFFC800  }
0x223: {  	_ =	swait.ge [sflag:s18], $0x3800  }
0x224: {  	[sflag:s18] =	ssyncset.done $0x0  }
0x225: {  	[sflag:s18] =	ssyncadd.s32 $0xFFFFC800  }
0x226: {  	[spmem:s2] =	stream.indirect.scatter.add.f32 [tilespmem:s7], [sflag:$0x9], $0x80, s19, s29, $0xb8;
	[tilespmem:$0x1E9C0] =	vst v63  }
0x227: {  	_ =	swait.ge [sflag:s23], $0x3800  }
0x228: {  	[sflag:s23] =	ssyncset.done $0x0  }
0x229: {  	[sflag:s23] =	ssyncadd.s32 $0xFFFFC800  }
0x22a: {  	_ =	swait.ge [sflag:s24], $0x3800  }
0x22b: {  	[sflag:s24] =	ssyncset.done $0x0  }
0x22c: {  	[sflag:s24] =	ssyncadd.s32 $0xFFFFC800  }
0x22d: {  	s8 =	stileid.u32;
	[bflag:$0x0] =	sbarrier.arrive $0xFFFF  }
0x22e: {  	s5 =	sshll.u32 s8, $0x6;
	s8 =	rddreg [dreg:$0x12]  }
0x22f: {  	s5 =	sor.u32 $0x1C0A, s5;
	s15 =	sshrl.u32 s8, $0x3;
	s8 =	rddreg [dreg:$0x11]  }
0x230: {  	[hbm:s8], [sflag:s5] =	dma.local [spmem:s15], $0x2700  }
0x231: {  	_ =	swait.ge [sflag:s26], $0x2700  }
0x232: {  	[sflag:s26] =	ssyncset.done $0x0;
	s15 =	rddreg [dreg:$0xd]  }
0x233: {  	s8 =	rddreg [dreg:$0x15];
	[sflag:s26] =	ssyncadd.s32 $0xFFFFD900;
	s15 =	sshrl.u32 @!p0 s15, $0x3  }
0x234: {  	[hbm:s8], [sflag:s5] =	dma.local @!p0 [spmem:s15], $0x100  }
0x235: {  	s5 =	simm.s32 @!p0 $0xA  }
0x236: {  	_ =	swait.ge @!p0 [sflag:s5], $0x100  }
0x237: {  	s25 =	sadd.s32 $0x1, s25;
	s15 =	rddreg [dreg:$0x16]  }
0x238: {  	p1 =	sne.s32 s25, s15  }
.Ltmp2:
0x239: {  	_ = 	snop;
	(pc) =	sbr.rel @p1 .LBB2_1-.Ltmp2, $3  }
0x23a: {  	_ =	sdelay $0x1  }
0x23b: {  	[sflag:s5] =	ssyncset.done @!p0 $0x0  }
0x23c: {  	[sflag:s5] =	ssyncadd.s32 @!p0 $0xFFFFFF00  }
0x23d: {  	_ =	sfence.sel $0x180000  }
0x23e: {  	[bflag:$0x0] =	sbarrier.arrive $0xFFFF  }
0x23f: {  	_ =	strace $0x90000047  }
0x240: {  	s0 =	stileid.u32;
	[bflag:$0x2] =	sbarrier.arrive $0xFFFF  }
0x241: {  	p0 =	sne.s32 s0, $0x0;
	s0 =	rddreg [dreg:$0x2]  }
0x242: {  	s0 =	sadd.s32 @!p0 $0x100000, s0  }
0x243: {  	[sflag:s0] =	ssyncadd.tile.s32 @!p0 $0x1;
	_ =	shalt  }
.Lfunc_end2:
_tile_overlayer_lowered:
.L_overlay_start_2:
0x244: {  	(tag) =	ssettag $0x2  }
0x245: {  	s0 =	rddreg [dreg:$0x0];
	s2 =	stileid.u32  }
0x246: {  	s1 =	rddreg [dreg:$0x1];
	p0 =	sne.s32 s2, $0x0  }
0x247: {  	s3 =	rddreg [dreg:$0x2];
	[bflag:$0x3] =	sbarrier.arrive $0xFFFF;
	s2 =	simm.s32 @!p0 $0x1C0A  }
0x248: {  	[timem:s3], [sflag:s2] =	dma.local @!p0 [hbm:s0], s1  }
0x249: {  	s0 =	simm.s32 @!p0 $0xA  }
0x24a: {  	_ =	swait.ge @!p0 [sflag:s0], s1  }
0x24b: {  	s1 =	ssub.s32 @!p0 $0x0, s1;
	[sflag:s0] =	ssyncset.done @!p0 $0x0  }
0x24c: {  	[sflag:s0] =	ssyncadd.s32 @!p0 s1  }
0x24d: {  	[bflag:$0x3] =	sbarrier.arrive $0xFFFF  }
0x24e: {  	_ =	shalt  }

</sc_bundles>
